<compile_context>
chip_gen: v7x
topology: tpu7x:2x2x1
jax: 0.10.2.dev20260603
libtpu: 0.0.44.dev20260713+nightly
codegen_flags: <defaults>
</compile_context>

<pallas_src>
import functools

import jax
import jax.numpy as jnp
from jax import lax
from jax.experimental import pallas as pl
from jax.experimental.pallas import tpu as pltpu
from jax.experimental.pallas import tpu_sc as plsc

N_NODES = 10000
N_EDGES = 320000
D = 128

NPAD = 10240
EPAD = 327680
TILES = 32
BLOCKS_PER_TILE = EPAD // (TILES * 128)
CHUNK = 16
B0 = 144
B1 = 160 - B0
ROWS_PER_TILE = NPAD // 16


def _segment_sum_sc(table, src2d, dst2d):
    mesh = plsc.VectorSubcoreMesh(core_axis_name="c", subcore_axis_name="s")

    @functools.partial(
        pl.kernel,
        out_type=jax.ShapeDtypeStruct((2, NPAD, D), jnp.float32),
        mesh=mesh,
        scratch_types=[
            pltpu.VMEM((CHUNK, 128), jnp.int32),
            pltpu.VMEM((CHUNK, 128), jnp.int32),
            pltpu.VMEM((128, D), jnp.float32),
            pltpu.VMEM((128, D), jnp.float32),
            pltpu.VMEM_SHARED((NPAD, D), jnp.float32),
            pltpu.SemaphoreType.DMA,
            pltpu.SemaphoreType.DMA,
        ],
    )
    def k(table_h, src_h, dst_h, out_h, sidx, didx, r0, r1, acc, g0, g1):
        rows = (r0, r1)
        gsem = (g0, g1)
        c = lax.axis_index("c")
        s = lax.axis_index("s")

        z16 = jnp.zeros((16,), jnp.float32)

        def zbody(q, carry):
            r0[q >> 3, pl.ds((q & 7) * 16, 16)] = z16
            return carry

        lax.fori_loop(0, 128 * 8, zbody, 0)
        for t in range(ROWS_PER_TILE // 128):
            pltpu.sync_copy(
                r0, acc.at[pl.ds(s * ROWS_PER_TILE + t * 128, 128)])

        plsc.subcore_barrier()

        tile_base = jnp.where(c == 0, s * B0, 16 * B0 + s * B1)
        nchunk = jnp.where(c == 0, B0 // CHUNK, B1 // CHUNK)

        def chunk_body(ci, carry):
            base = tile_base + ci * CHUNK
            pltpu.sync_copy(src_h.at[pl.ds(base, CHUNK)], sidx)
            pltpu.sync_copy(dst_h.at[pl.ds(base, CHUNK)], didx)
            cp = [None, None]
            cp[0] = pltpu.async_copy(table_h.at[sidx.at[0]], rows[0], gsem[0])
            for ib in range(CHUNK):
                b = ib % 2
                if ib + 1 < CHUNK:
                    cp[1 - b] = pltpu.async_copy(table_h.at[sidx.at[ib + 1]],
                                                 rows[1 - b], gsem[1 - b])
                cp[b].wait()
                pltpu.sync_copy(rows[b], acc.at[didx.at[ib]], add=True)
            return carry

        lax.fori_loop(0, nchunk, chunk_body, 0)
        plsc.subcore_barrier()

        pltpu.sync_copy(acc.at[pl.ds(s * ROWS_PER_TILE, ROWS_PER_TILE)],
                        out_h.at[c, pl.ds(s * ROWS_PER_TILE, ROWS_PER_TILE)])

    return k(table, src2d, dst2d)


def _mlp_tc(xin, partials, w1, b1, w2, b2):
    blk = 512

    def body(x_ref, p0_ref, p1_ref, w1_ref, b1_ref, w2_ref, b2_ref, out_ref):
        h = x_ref[...] + p0_ref[...] + p1_ref[...]
        h = jnp.maximum(
            jnp.dot(h, w1_ref[...], preferred_element_type=jnp.float32)
            + b1_ref[...], 0.0)
        h = jnp.maximum(
            jnp.dot(h, w2_ref[...], preferred_element_type=jnp.float32)
            + b2_ref[...], 0.0)
        out_ref[...] = h

    return pl.pallas_call(
        body,
        grid=(NPAD // blk,),
        in_specs=[
            pl.BlockSpec((blk, D), lambda i: (i, 0)),
            pl.BlockSpec((blk, D), lambda i: (i, 0)),
            pl.BlockSpec((blk, D), lambda i: (i, 0)),
            pl.BlockSpec((D, D), lambda i: (0, 0)),
            pl.BlockSpec((1, D), lambda i: (0, 0)),
            pl.BlockSpec((D, D), lambda i: (0, 0)),
            pl.BlockSpec((1, D), lambda i: (0, 0)),
        ],
        out_specs=pl.BlockSpec((blk, D), lambda i: (i, 0)),
        out_shape=jax.ShapeDtypeStruct((NPAD, D), jnp.float32),
    )(xin, partials[0], partials[1], w1, b1.reshape(1, D), w2,
      b2.reshape(1, D))


def kernel(x, edge_index, W1a, b1a, W2a, b2a, W1b, b1b, W2b, b2b):
    src = edge_index[0].astype(jnp.int32)
    dst = edge_index[1].astype(jnp.int32)
    src2d = jnp.concatenate(
        [src, jnp.zeros((EPAD - N_EDGES,), jnp.int32)]).reshape(EPAD // 128, 128)
    dst2d = jnp.concatenate(
        [dst, jnp.full((EPAD - N_EDGES,), N_NODES, jnp.int32)]).reshape(EPAD // 128, 128)
    xpad = jnp.pad(x, ((0, NPAD - N_NODES), (0, 0)))
    p1 = _segment_sum_sc(xpad, src2d, dst2d)
    h1 = _mlp_tc(xpad, p1, W1a, b1a, W2a, b2a)
    p2 = _segment_sum_sc(h1, src2d, dst2d)
    h2 = _mlp_tc(h1, p2, W1b, b1b, W2b, b2b)
    return h2[:N_NODES]

# --- scband reference (transcript-rebuilt; emitter-appended) ---
"""Pipeline reference for scband-graph-net-14285061226552 (READ-ONLY COPY).

The authoritative reference and input builder live on the scoring server;
editing this copy changes nothing except your own understanding.
"""

import jax, jax.numpy as jnp
import numpy as np

N_NODES = 10000
N_EDGES = 320000
D_IN = 128
D_HID = 128
D_OUT = 128


def setup_inputs(seed: int = 0) -> dict:
    key = jax.random.key(seed)
    ks = jax.random.split(key, 12)
    x = jax.random.normal(ks[0], (N_NODES, D_IN), dtype=jnp.float32)
    edge_index = jax.random.randint(ks[1], (2, N_EDGES), 0, N_NODES, dtype=jnp.int64)
    s1 = 1.0 / np.sqrt(D_IN)
    s2 = 1.0 / np.sqrt(D_HID)
    W1a = jax.random.uniform(ks[2], (D_IN, D_HID), jnp.float32, -s1, s1)
    b1a = jax.random.uniform(ks[3], (D_HID,), jnp.float32, -s1, s1)
    W2a = jax.random.uniform(ks[4], (D_HID, D_HID), jnp.float32, -s2, s2)
    b2a = jax.random.uniform(ks[5], (D_HID,), jnp.float32, -s2, s2)
    W1b = jax.random.uniform(ks[6], (D_HID, D_HID), jnp.float32, -s2, s2)
    b1b = jax.random.uniform(ks[7], (D_HID,), jnp.float32, -s2, s2)
    W2b = jax.random.uniform(ks[8], (D_HID, D_OUT), jnp.float32, -s2, s2)
    b2b = jax.random.uniform(ks[9], (D_OUT,), jnp.float32, -s2, s2)
    return {"x": x, "edge_index": edge_index, "W1a": W1a, "b1a": b1a, "W2a": W2a, "b2a": b2a, "W1b": W1b, "b1b": b1b, "W2b": W2b, "b2b": b2b}


def _gin_conv(x, src, dst, W1, b1, W2, b2):
    # GINConv (eps=0, train_eps=False): out = mlp((1+eps)*x + sum_{j->i} x_j)
    msgs = jnp.take(x, src, axis=0)
    agg = jax.ops.segment_sum(msgs, dst, num_segments=x.shape[0])
    h = x + agg
    h = jnp.maximum(h @ W1 + b1, 0.0)
    h = h @ W2 + b2
    return h


def reference(x, edge_index, W1a, b1a, W2a, b2a, W1b, b1b, W2b, b2b):
    src = edge_index[0]
    dst = edge_index[1]
    h = _gin_conv(x, src, dst, W1a, b1a, W2a, b2a)
    h = jnp.maximum(h, 0.0)
    h = _gin_conv(h, src, dst, W1b, b1b, W2b, b2b)
    h = jnp.maximum(h, 0.0)
    return h

if __name__ == "__main__":
    import jax
    _d = setup_inputs()
    print(jax.jit(kernel)(*tuple(_d.values())))

</pallas_src>

<mosaic_0001>
#map = affine_map<(d0, d1) -> (0, 0)>
#map1 = affine_map<(d0, d1) -> (0, 0, 0)>
module attributes {stable_mosaic.version = 14 : i64} {
  func.func @k(%arg0: i32, %arg1: i32, %arg2: memref<10240x128xf32, #tpu.memory_space<hbm>>, %arg3: memref<2560x128xi32, #tpu.memory_space<hbm>>, %arg4: memref<2560x128xi32, #tpu.memory_space<hbm>>, %arg5: memref<2x10240x128xf32, #tpu.memory_space<hbm>>, %arg6: memref<16x128xi32, #tpu.memory_space<vmem>>, %arg7: memref<16x128xi32, #tpu.memory_space<vmem>>, %arg8: memref<128x128xf32, #tpu.memory_space<vmem>>, %arg9: memref<128x128xf32, #tpu.memory_space<vmem>>, %arg10: memref<10240x128xf32, #tpu.memory_space<vmem_shared>>, %arg11: memref<!tpu.dma_semaphore, #tpu.memory_space<semaphore_mem>>, %arg12: memref<!tpu.dma_semaphore, #tpu.memory_space<semaphore_mem>>) attributes {dimension_semantics = [#tpu.dimension_semantics<core_parallel>, #tpu.dimension_semantics<subcore_parallel>], iteration_bounds = array<i64: 2, 16>, scalar_prefetch = 0 : i64, scratch_operands = 7 : i64, tpu.core_type = #tpu.core_type<sc_vector_subcore>, window_params = [{transform_indices = #map}, {transform_indices = #map}, {transform_indices = #map}, {transform_indices = #map1}]} {
    %broadcast_in_dim3A = arith.constant 0.000000e+00 : f32
    %broadcast_in_dim3A_0 = vector.broadcast %broadcast_in_dim3A : f32 to vector<16xf32>
    %scan3A = arith.constant 0 : i32
    %scan3A_1 = arith.constant 0 : i32
    %scan3A_2 = arith.constant 1024 : i32
    %scan3A_3 = arith.addi %scan3A_1, %scan3A_2 : i32
    %scan3A_4 = arith.constant 1 : i32
    scf.for %scan3A_49 = %scan3A_1 to %scan3A_3 step %scan3A_4  : i32 {
      %shift_right_arithmetic3A = arith.constant 3 : i32
      %shift_right_arithmetic3A_50 = arith.shrsi %scan3A_49, %shift_right_arithmetic3A : i32
      %and3A = arith.constant 7 : i32
      %and3A_51 = arith.andi %scan3A_49, %and3A : i32
      %mul3A_52 = arith.constant 16 : i32
      %mul3A_53 = arith.muli %and3A_51, %mul3A_52 : i32
      %swap3A = arith.index_cast %shift_right_arithmetic3A_50 : i32 to index
      %swap3A_54 = arith.index_cast %mul3A_53 : i32 to index
      %swap3A_55 = tpu.vector_load %arg8[%swap3A, %swap3A_54] {strides = array<i32>} : memref<128x128xf32, #tpu.memory_space<vmem>>, vector<1x16xf32>,
      %swap3A_56 = vector.shape_cast %swap3A_55 : vector<1x16xf32> to vector<16xf32>
      %swap3A_57 = vector.shape_cast %broadcast_in_dim3A_0 : vector<16xf32> to vector<1x16xf32>
      tpu.vector_store %arg8[%swap3A, %swap3A_54], %swap3A_57 {strides = array<i32>} : memref<128x128xf32, #tpu.memory_space<vmem>>, vector<1x16xf32>,
    }
    %scan3A_5 = arith.constant 1024 : i32
    %mul3A = arith.constant 640 : i32
    %mul3A_6 = arith.muli %arg1, %mul3A : i32
    %add3A = arith.constant 0 : i32
    %add3A_7 = arith.addi %mul3A_6, %add3A : i32
    "tpu.region"() ({
      %run_scoped3A = tpu.sem_alloc : memref<!tpu.dma_semaphore, #tpu.memory_space<semaphore_mem>>
      %dma_start3A = arith.constant 0 : i32
      %dma_start3A_49 = tpu.memref_slice %arg10[%add3A_7, %dma_start3A] : memref<10240x128xf32, #tpu.memory_space<vmem_shared>> -> memref<128x128xf32, #tpu.memory_space<vmem_shared>>
      %dma_start3A_50 = arith.constant 0 : i32
      %dma_start3A_51 = tpu.memref_slice %arg10[%add3A_7, %dma_start3A_50] : memref<10240x128xf32, #tpu.memory_space<vmem_shared>> -> memref<128x128xf32, #tpu.memory_space<vmem_shared>>
      tpu.enqueue_dma source(%arg8 : memref<128x128xf32, #tpu.memory_space<vmem>>) target(%dma_start3A_51 : memref<128x128xf32, #tpu.memory_space<vmem_shared>>) target_semaphore(%run_scoped3A : memref<!tpu.dma_semaphore, #tpu.memory_space<semaphore_mem>>)
      %dma_wait3A = arith.constant 0 : i32
      %dma_wait3A_52 = tpu.memref_slice %arg10[%add3A_7, %dma_wait3A] : memref<10240x128xf32, #tpu.memory_space<vmem_shared>> -> memref<128x128xf32, #tpu.memory_space<vmem_shared>>
      %dma_wait3A_53 = arith.constant 0 : i32
      %dma_wait3A_54 = tpu.memref_slice %arg10[%add3A_7, %dma_wait3A_53] : memref<10240x128xf32, #tpu.memory_space<vmem_shared>> -> memref<128x128xf32, #tpu.memory_space<vmem_shared>>
      tpu.wait_dma2 semaphore(%run_scoped3A : memref<!tpu.dma_semaphore, #tpu.memory_space<semaphore_mem>>) src(%arg8 : memref<128x128xf32, #tpu.memory_space<vmem>>) dst(%dma_wait3A_54 : memref<128x128xf32, #tpu.memory_space<vmem_shared>>)
      tpu.yield
    }) : () -> ()
    %mul3A_8 = arith.constant 640 : i32
    %mul3A_9 = arith.muli %arg1, %mul3A_8 : i32
    %add3A_10 = arith.constant 128 : i32
    %add3A_11 = arith.addi %mul3A_9, %add3A_10 : i32
    "tpu.region"() ({
      %run_scoped3A = tpu.sem_alloc : memref<!tpu.dma_semaphore, #tpu.memory_space<semaphore_mem>>
      %dma_start3A = arith.constant 0 : i32
      %dma_start3A_49 = tpu.memref_slice %arg10[%add3A_11, %dma_start3A] : memref<10240x128xf32, #tpu.memory_space<vmem_shared>> -> memref<128x128xf32, #tpu.memory_space<vmem_shared>>
      %dma_start3A_50 = arith.constant 0 : i32
      %dma_start3A_51 = tpu.memref_slice %arg10[%add3A_11, %dma_start3A_50] : memref<10240x128xf32, #tpu.memory_space<vmem_shared>> -> memref<128x128xf32, #tpu.memory_space<vmem_shared>>
      tpu.enqueue_dma source(%arg8 : memref<128x128xf32, #tpu.memory_space<vmem>>) target(%dma_start3A_51 : memref<128x128xf32, #tpu.memory_space<vmem_shared>>) target_semaphore(%run_scoped3A : memref<!tpu.dma_semaphore, #tpu.memory_space<semaphore_mem>>)
      %dma_wait3A = arith.constant 0 : i32
      %dma_wait3A_52 = tpu.memref_slice %arg10[%add3A_11, %dma_wait3A] : memref<10240x128xf32, #tpu.memory_space<vmem_shared>> -> memref<128x128xf32, #tpu.memory_space<vmem_shared>>
      %dma_wait3A_53 = arith.constant 0 : i32
      %dma_wait3A_54 = tpu.memref_slice %arg10[%add3A_11, %dma_wait3A_53] : memref<10240x128xf32, #tpu.memory_space<vmem_shared>> -> memref<128x128xf32, #tpu.memory_space<vmem_shared>>
      tpu.wait_dma2 semaphore(%run_scoped3A : memref<!tpu.dma_semaphore, #tpu.memory_space<semaphore_mem>>) src(%arg8 : memref<128x128xf32, #tpu.memory_space<vmem>>) dst(%dma_wait3A_54 : memref<128x128xf32, #tpu.memory_space<vmem_shared>>)
      tpu.yield
    }) : () -> ()
    %mul3A_12 = arith.constant 640 : i32
    %mul3A_13 = arith.muli %arg1, %mul3A_12 : i32
    %add3A_14 = arith.constant 256 : i32
    %add3A_15 = arith.addi %mul3A_13, %add3A_14 : i32
    "tpu.region"() ({
      %run_scoped3A = tpu.sem_alloc : memref<!tpu.dma_semaphore, #tpu.memory_space<semaphore_mem>>
      %dma_start3A = arith.constant 0 : i32
      %dma_start3A_49 = tpu.memref_slice %arg10[%add3A_15, %dma_start3A] : memref<10240x128xf32, #tpu.memory_space<vmem_shared>> -> memref<128x128xf32, #tpu.memory_space<vmem_shared>>
      %dma_start3A_50 = arith.constant 0 : i32
      %dma_start3A_51 = tpu.memref_slice %arg10[%add3A_15, %dma_start3A_50] : memref<10240x128xf32, #tpu.memory_space<vmem_shared>> -> memref<128x128xf32, #tpu.memory_space<vmem_shared>>
      tpu.enqueue_dma source(%arg8 : memref<128x128xf32, #tpu.memory_space<vmem>>) target(%dma_start3A_51 : memref<128x128xf32, #tpu.memory_space<vmem_shared>>) target_semaphore(%run_scoped3A : memref<!tpu.dma_semaphore, #tpu.memory_space<semaphore_mem>>)
      %dma_wait3A = arith.constant 0 : i32
      %dma_wait3A_52 = tpu.memref_slice %arg10[%add3A_15, %dma_wait3A] : memref<10240x128xf32, #tpu.memory_space<vmem_shared>> -> memref<128x128xf32, #tpu.memory_space<vmem_shared>>
      %dma_wait3A_53 = arith.constant 0 : i32
      %dma_wait3A_54 = tpu.memref_slice %arg10[%add3A_15, %dma_wait3A_53] : memref<10240x128xf32, #tpu.memory_space<vmem_shared>> -> memref<128x128xf32, #tpu.memory_space<vmem_shared>>
      tpu.wait_dma2 semaphore(%run_scoped3A : memref<!tpu.dma_semaphore, #tpu.memory_space<semaphore_mem>>) src(%arg8 : memref<128x128xf32, #tpu.memory_space<vmem>>) dst(%dma_wait3A_54 : memref<128x128xf32, #tpu.memory_space<vmem_shared>>)
      tpu.yield
    }) : () -> ()
    %mul3A_16 = arith.constant 640 : i32
    %mul3A_17 = arith.muli %arg1, %mul3A_16 : i32
    %add3A_18 = arith.constant 384 : i32
    %add3A_19 = arith.addi %mul3A_17, %add3A_18 : i32
    "tpu.region"() ({
      %run_scoped3A = tpu.sem_alloc : memref<!tpu.dma_semaphore, #tpu.memory_space<semaphore_mem>>
      %dma_start3A = arith.constant 0 : i32
      %dma_start3A_49 = tpu.memref_slice %arg10[%add3A_19, %dma_start3A] : memref<10240x128xf32, #tpu.memory_space<vmem_shared>> -> memref<128x128xf32, #tpu.memory_space<vmem_shared>>
      %dma_start3A_50 = arith.constant 0 : i32
      %dma_start3A_51 = tpu.memref_slice %arg10[%add3A_19, %dma_start3A_50] : memref<10240x128xf32, #tpu.memory_space<vmem_shared>> -> memref<128x128xf32, #tpu.memory_space<vmem_shared>>
      tpu.enqueue_dma source(%arg8 : memref<128x128xf32, #tpu.memory_space<vmem>>) target(%dma_start3A_51 : memref<128x128xf32, #tpu.memory_space<vmem_shared>>) target_semaphore(%run_scoped3A : memref<!tpu.dma_semaphore, #tpu.memory_space<semaphore_mem>>)
      %dma_wait3A = arith.constant 0 : i32
      %dma_wait3A_52 = tpu.memref_slice %arg10[%add3A_19, %dma_wait3A] : memref<10240x128xf32, #tpu.memory_space<vmem_shared>> -> memref<128x128xf32, #tpu.memory_space<vmem_shared>>
      %dma_wait3A_53 = arith.constant 0 : i32
      %dma_wait3A_54 = tpu.memref_slice %arg10[%add3A_19, %dma_wait3A_53] : memref<10240x128xf32, #tpu.memory_space<vmem_shared>> -> memref<128x128xf32, #tpu.memory_space<vmem_shared>>
      tpu.wait_dma2 semaphore(%run_scoped3A : memref<!tpu.dma_semaphore, #tpu.memory_space<semaphore_mem>>) src(%arg8 : memref<128x128xf32, #tpu.memory_space<vmem>>) dst(%dma_wait3A_54 : memref<128x128xf32, #tpu.memory_space<vmem_shared>>)
      tpu.yield
    }) : () -> ()
    %mul3A_20 = arith.constant 640 : i32
    %mul3A_21 = arith.muli %arg1, %mul3A_20 : i32
    %add3A_22 = arith.constant 512 : i32
    %add3A_23 = arith.addi %mul3A_21, %add3A_22 : i32
    "tpu.region"() ({
      %run_scoped3A = tpu.sem_alloc : memref<!tpu.dma_semaphore, #tpu.memory_space<semaphore_mem>>
      %dma_start3A = arith.constant 0 : i32
      %dma_start3A_49 = tpu.memref_slice %arg10[%add3A_23, %dma_start3A] : memref<10240x128xf32, #tpu.memory_space<vmem_shared>> -> memref<128x128xf32, #tpu.memory_space<vmem_shared>>
      %dma_start3A_50 = arith.constant 0 : i32
      %dma_start3A_51 = tpu.memref_slice %arg10[%add3A_23, %dma_start3A_50] : memref<10240x128xf32, #tpu.memory_space<vmem_shared>> -> memref<128x128xf32, #tpu.memory_space<vmem_shared>>
      tpu.enqueue_dma source(%arg8 : memref<128x128xf32, #tpu.memory_space<vmem>>) target(%dma_start3A_51 : memref<128x128xf32, #tpu.memory_space<vmem_shared>>) target_semaphore(%run_scoped3A : memref<!tpu.dma_semaphore, #tpu.memory_space<semaphore_mem>>)
      %dma_wait3A = arith.constant 0 : i32
      %dma_wait3A_52 = tpu.memref_slice %arg10[%add3A_23, %dma_wait3A] : memref<10240x128xf32, #tpu.memory_space<vmem_shared>> -> memref<128x128xf32, #tpu.memory_space<vmem_shared>>
      %dma_wait3A_53 = arith.constant 0 : i32
      %dma_wait3A_54 = tpu.memref_slice %arg10[%add3A_23, %dma_wait3A_53] : memref<10240x128xf32, #tpu.memory_space<vmem_shared>> -> memref<128x128xf32, #tpu.memory_space<vmem_shared>>
      tpu.wait_dma2 semaphore(%run_scoped3A : memref<!tpu.dma_semaphore, #tpu.memory_space<semaphore_mem>>) src(%arg8 : memref<128x128xf32, #tpu.memory_space<vmem>>) dst(%dma_wait3A_54 : memref<128x128xf32, #tpu.memory_space<vmem_shared>>)
      tpu.yield
    }) : () -> ()
    %barrier3A = arith.constant 0 : index
    tpu.barrier barrier_id(%barrier3A)
    %eq3A = arith.constant 0 : i32
    %eq3A_24 = arith.cmpi eq, %arg0, %eq3A : i32
    %mul3A_25 = arith.constant 144 : i32
    %mul3A_26 = arith.muli %arg1, %mul3A_25 : i32
    %mul3A_27 = arith.constant 16 : i32
    %mul3A_28 = arith.muli %arg1, %mul3A_27 : i32
    %add3A_29 = arith.constant 2304 : i32
    %add3A_30 = arith.addi %add3A_29, %mul3A_28 : i32
    %select_n3A = arith.select %eq3A_24, %mul3A_26, %add3A_30 : i32
    %eq3A_31 = arith.constant 0 : i32
    %eq3A_32 = arith.cmpi eq, %arg0, %eq3A_31 : i32
    %jit3A = arith.constant 9 : i32
    %jit3A_33 = arith.constant 1 : i32
    %select_n3A_34 = arith.select %eq3A_32, %jit3A, %jit3A_33 : i32
    %while3A = arith.constant 0 : i32
    %while3A_35 = arith.constant 0 : i32
    %while3A_36 = arith.subi %select_n3A_34, %while3A_35 : i32
    %while3A_37 = arith.addi %while3A_35, %while3A_36 : i32
    %while3A_38 = arith.constant 1 : i32
    %while3A_39 = arith.divsi %while3A_36, %while3A_38 : i32
    %while3A_40 = arith.muli %while3A_39, %while3A_38 : i32
    %while3A_41 = arith.addi %while3A_35, %while3A_40 : i32
    %while3A_42 = arith.constant 1 : i32
    scf.for %while3A_49 = %while3A_35 to %while3A_41 step %while3A_42  : i32 {
      %mul3A_50 = arith.constant 16 : i32
      %mul3A_51 = arith.muli %while3A_49, %mul3A_50 : i32
      %add3A_52 = arith.addi %select_n3A, %mul3A_51 : i32
      "tpu.region"() ({
        %run_scoped3A_290 = tpu.sem_alloc : memref<!tpu.dma_semaphore, #tpu.memory_space<semaphore_mem>>
        %dma_start3A_291 = arith.constant 0 : i32
        %dma_start3A_292 = tpu.memref_slice %arg3[%add3A_52, %dma_start3A_291] : memref<2560x128xi32, #tpu.memory_space<hbm>> -> memref<16x128xi32, #tpu.memory_space<hbm>>
        %dma_start3A_293 = arith.constant 0 : i32
        %dma_start3A_294 = tpu.memref_slice %arg3[%add3A_52, %dma_start3A_293] : memref<2560x128xi32, #tpu.memory_space<hbm>> -> memref<16x128xi32, #tpu.memory_space<hbm>>
        tpu.enqueue_dma source(%dma_start3A_294 : memref<16x128xi32, #tpu.memory_space<hbm>>) target(%arg6 : memref<16x128xi32, #tpu.memory_space<vmem>>) target_semaphore(%run_scoped3A_290 : memref<!tpu.dma_semaphore, #tpu.memory_space<semaphore_mem>>)
        %dma_wait3A_295 = arith.constant 0 : i32
        %dma_wait3A_296 = tpu.memref_slice %arg3[%add3A_52, %dma_wait3A_295] : memref<2560x128xi32, #tpu.memory_space<hbm>> -> memref<16x128xi32, #tpu.memory_space<hbm>>
        %dma_wait3A_297 = arith.constant 0 : i32
        %dma_wait3A_298 = tpu.memref_slice %arg3[%add3A_52, %dma_wait3A_297] : memref<2560x128xi32, #tpu.memory_space<hbm>> -> memref<16x128xi32, #tpu.memory_space<hbm>>
        tpu.wait_dma2 semaphore(%run_scoped3A_290 : memref<!tpu.dma_semaphore, #tpu.memory_space<semaphore_mem>>) src(%dma_wait3A_298 : memref<16x128xi32, #tpu.memory_space<hbm>>) dst(%arg6 : memref<16x128xi32, #tpu.memory_space<vmem>>)
        tpu.yield
      }) : () -> ()
      "tpu.region"() ({
        %run_scoped3A_290 = tpu.sem_alloc : memref<!tpu.dma_semaphore, #tpu.memory_space<semaphore_mem>>
        %dma_start3A_291 = arith.constant 0 : i32
        %dma_start3A_292 = tpu.memref_slice %arg4[%add3A_52, %dma_start3A_291] : memref<2560x128xi32, #tpu.memory_space<hbm>> -> memref<16x128xi32, #tpu.memory_space<hbm>>
        %dma_start3A_293 = arith.constant 0 : i32
        %dma_start3A_294 = tpu.memref_slice %arg4[%add3A_52, %dma_start3A_293] : memref<2560x128xi32, #tpu.memory_space<hbm>> -> memref<16x128xi32, #tpu.memory_space<hbm>>
        tpu.enqueue_dma source(%dma_start3A_294 : memref<16x128xi32, #tpu.memory_space<hbm>>) target(%arg7 : memref<16x128xi32, #tpu.memory_space<vmem>>) target_semaphore(%run_scoped3A_290 : memref<!tpu.dma_semaphore, #tpu.memory_space<semaphore_mem>>)
        %dma_wait3A_295 = arith.constant 0 : i32
        %dma_wait3A_296 = tpu.memref_slice %arg4[%add3A_52, %dma_wait3A_295] : memref<2560x128xi32, #tpu.memory_space<hbm>> -> memref<16x128xi32, #tpu.memory_space<hbm>>
        %dma_wait3A_297 = arith.constant 0 : i32
        %dma_wait3A_298 = tpu.memref_slice %arg4[%add3A_52, %dma_wait3A_297] : memref<2560x128xi32, #tpu.memory_space<hbm>> -> memref<16x128xi32, #tpu.memory_space<hbm>>
        tpu.wait_dma2 semaphore(%run_scoped3A_290 : memref<!tpu.dma_semaphore, #tpu.memory_space<semaphore_mem>>) src(%dma_wait3A_298 : memref<16x128xi32, #tpu.memory_space<hbm>>) dst(%arg7 : memref<16x128xi32, #tpu.memory_space<vmem>>)
        tpu.yield
      }) : () -> ()
      %dma_start3A = arith.constant 0 : i32
      %dma_start3A_53 = arith.constant 0 : i32
      %dma_start3A_54 = tpu.memref_slice %arg6[%dma_start3A, %dma_start3A_53] : memref<16x128xi32, #tpu.memory_space<vmem>> -> memref<1x128xi32, #tpu.memory_space<vmem>>
      %dma_start3A_55 = tpu.memref_squeeze %dma_start3A_54 : memref<1x128xi32, #tpu.memory_space<vmem>> -> memref<128xi32, #tpu.memory_space<vmem>>
      %dma_start3A_56 = arith.constant 0 : i32
      %dma_start3A_57 = arith.constant 0 : i32
      %dma_start3A_58 = tpu.memref_slice %arg2[%dma_start3A_56, %dma_start3A_57] : memref<10240x128xf32, #tpu.memory_space<hbm>> -> memref<10240x128xf32, #tpu.memory_space<hbm>>
      tpu.enqueue_indirect_dma source(%dma_start3A_58 : memref<10240x128xf32, #tpu.memory_space<hbm>>) target(%arg8 : memref<128x128xf32, #tpu.memory_space<vmem>>) offsets(%dma_start3A_55 : memref<128xi32, #tpu.memory_space<vmem>>) semaphore(%arg11 : memref<!tpu.dma_semaphore, #tpu.memory_space<semaphore_mem>>)
      %dma_start3A_59 = arith.constant 1 : i32
      %dma_start3A_60 = arith.constant 0 : i32
      %dma_start3A_61 = tpu.memref_slice %arg6[%dma_start3A_59, %dma_start3A_60] : memref<16x128xi32, #tpu.memory_space<vmem>> -> memref<1x128xi32, #tpu.memory_space<vmem>>
      %dma_start3A_62 = tpu.memref_squeeze %dma_start3A_61 : memref<1x128xi32, #tpu.memory_space<vmem>> -> memref<128xi32, #tpu.memory_space<vmem>>
      %dma_start3A_63 = arith.constant 0 : i32
      %dma_start3A_64 = arith.constant 0 : i32
      %dma_start3A_65 = tpu.memref_slice %arg2[%dma_start3A_63, %dma_start3A_64] : memref<10240x128xf32, #tpu.memory_space<hbm>> -> memref<10240x128xf32, #tpu.memory_space<hbm>>
      tpu.enqueue_indirect_dma source(%dma_start3A_65 : memref<10240x128xf32, #tpu.memory_space<hbm>>) target(%arg9 : memref<128x128xf32, #tpu.memory_space<vmem>>) offsets(%dma_start3A_62 : memref<128xi32, #tpu.memory_space<vmem>>) semaphore(%arg12 : memref<!tpu.dma_semaphore, #tpu.memory_space<semaphore_mem>>)
      %dma_wait3A = arith.constant 0 : i32
      %dma_wait3A_66 = arith.constant 0 : i32
      %dma_wait3A_67 = tpu.memref_slice %arg6[%dma_wait3A, %dma_wait3A_66] : memref<16x128xi32, #tpu.memory_space<vmem>> -> memref<1x128xi32, #tpu.memory_space<vmem>>
      %dma_wait3A_68 = tpu.memref_squeeze %dma_wait3A_67 : memref<1x128xi32, #tpu.memory_space<vmem>> -> memref<128xi32, #tpu.memory_space<vmem>>
      %dma_wait3A_69 = arith.constant 0 : i32
      %dma_wait3A_70 = arith.constant 0 : i32
      %dma_wait3A_71 = tpu.memref_slice %arg2[%dma_wait3A_69, %dma_wait3A_70] : memref<10240x128xf32, #tpu.memory_space<hbm>> -> memref<10240x128xf32, #tpu.memory_space<hbm>>
      tpu.wait_indirect_dma semaphore(%arg11 : memref<!tpu.dma_semaphore, #tpu.memory_space<semaphore_mem>>) src(%dma_wait3A_71 : memref<10240x128xf32, #tpu.memory_space<hbm>>) dst(%arg8 : memref<128x128xf32, #tpu.memory_space<vmem>>)
      %run_scoped3A = arith.constant 0 : i32
      "tpu.region"() ({
        %run_scoped3A_290 = tpu.sem_alloc : memref<!tpu.dma_semaphore, #tpu.memory_space<semaphore_mem>>
        %dma_start3A_291 = arith.constant 0 : i32
        %dma_start3A_292 = tpu.memref_slice %arg7[%run_scoped3A, %dma_start3A_291] : memref<16x128xi32, #tpu.memory_space<vmem>> -> memref<1x128xi32, #tpu.memory_space<vmem>>
        %dma_start3A_293 = tpu.memref_squeeze %dma_start3A_292 : memref<1x128xi32, #tpu.memory_space<vmem>> -> memref<128xi32, #tpu.memory_space<vmem>>
        %dma_start3A_294 = arith.constant 0 : i32
        %dma_start3A_295 = arith.constant 0 : i32
        %dma_start3A_296 = tpu.memref_slice %arg10[%dma_start3A_294, %dma_start3A_295] : memref<10240x128xf32, #tpu.memory_space<vmem_shared>> -> memref<10240x128xf32, #tpu.memory_space<vmem_shared>>
        tpu.enqueue_indirect_dma source(%arg8 : memref<128x128xf32, #tpu.memory_space<vmem>>) target(%dma_start3A_296 : memref<10240x128xf32, #tpu.memory_space<vmem_shared>>) offsets(%dma_start3A_293 : memref<128xi32, #tpu.memory_space<vmem>>) semaphore(%run_scoped3A_290 : memref<!tpu.dma_semaphore, #tpu.memory_space<semaphore_mem>>) {add = true}
        %dma_wait3A_297 = arith.constant 0 : i32
        %dma_wait3A_298 = tpu.memref_slice %arg7[%run_scoped3A, %dma_wait3A_297] : memref<16x128xi32, #tpu.memory_space<vmem>> -> memref<1x128xi32, #tpu.memory_space<vmem>>
        %dma_wait3A_299 = tpu.memref_squeeze %dma_wait3A_298 : memref<1x128xi32, #tpu.memory_space<vmem>> -> memref<128xi32, #tpu.memory_space<vmem>>
        %dma_wait3A_300 = arith.constant 0 : i32
        %dma_wait3A_301 = arith.constant 0 : i32
        %dma_wait3A_302 = tpu.memref_slice %arg10[%dma_wait3A_300, %dma_wait3A_301] : memref<10240x128xf32, #tpu.memory_space<vmem_shared>> -> memref<10240x128xf32, #tpu.memory_space<vmem_shared>>
        tpu.wait_indirect_dma semaphore(%run_scoped3A_290 : memref<!tpu.dma_semaphore, #tpu.memory_space<semaphore_mem>>) src(%arg8 : memref<128x128xf32, #tpu.memory_space<vmem>>) dst(%dma_wait3A_302 : memref<10240x128xf32, #tpu.memory_space<vmem_shared>>)
        tpu.yield
      }) : () -> ()
      %dma_start3A_72 = arith.constant 2 : i32
      %dma_start3A_73 = arith.constant 0 : i32
      %dma_start3A_74 = tpu.memref_slice %arg6[%dma_start3A_72, %dma_start3A_73] : memref<16x128xi32, #tpu.memory_space<vmem>> -> memref<1x128xi32, #tpu.memory_space<vmem>>
      %dma_start3A_75 = tpu.memref_squeeze %dma_start3A_74 : memref<1x128xi32, #tpu.memory_space<vmem>> -> memref<128xi32, #tpu.memory_space<vmem>>
      %dma_start3A_76 = arith.constant 0 : i32
      %dma_start3A_77 = arith.constant 0 : i32
      %dma_start3A_78 = tpu.memref_slice %arg2[%dma_start3A_76, %dma_start3A_77] : memref<10240x128xf32, #tpu.memory_space<hbm>> -> memref<10240x128xf32, #tpu.memory_space<hbm>>
      tpu.enqueue_indirect_dma source(%dma_start3A_78 : memref<10240x128xf32, #tpu.memory_space<hbm>>) target(%arg8 : memref<128x128xf32, #tpu.memory_space<vmem>>) offsets(%dma_start3A_75 : memref<128xi32, #tpu.memory_space<vmem>>) semaphore(%arg11 : memref<!tpu.dma_semaphore, #tpu.memory_space<semaphore_mem>>)
      %dma_wait3A_79 = arith.constant 1 : i32
      %dma_wait3A_80 = arith.constant 0 : i32
      %dma_wait3A_81 = tpu.memref_slice %arg6[%dma_wait3A_79, %dma_wait3A_80] : memref<16x128xi32, #tpu.memory_space<vmem>> -> memref<1x128xi32, #tpu.memory_space<vmem>>
      %dma_wait3A_82 = tpu.memref_squeeze %dma_wait3A_81 : memref<1x128xi32, #tpu.memory_space<vmem>> -> memref<128xi32, #tpu.memory_space<vmem>>
      %dma_wait3A_83 = arith.constant 0 : i32
      %dma_wait3A_84 = arith.constant 0 : i32
      %dma_wait3A_85 = tpu.memref_slice %arg2[%dma_wait3A_83, %dma_wait3A_84] : memref<10240x128xf32, #tpu.memory_space<hbm>> -> memref<10240x128xf32, #tpu.memory_space<hbm>>
      tpu.wait_indirect_dma semaphore(%arg12 : memref<!tpu.dma_semaphore, #tpu.memory_space<semaphore_mem>>) src(%dma_wait3A_85 : memref<10240x128xf32, #tpu.memory_space<hbm>>) dst(%arg9 : memref<128x128xf32, #tpu.memory_space<vmem>>)
      %run_scoped3A_86 = arith.constant 1 : i32
      "tpu.region"() ({
        %run_scoped3A_290 = tpu.sem_alloc : memref<!tpu.dma_semaphore, #tpu.memory_space<semaphore_mem>>
        %dma_start3A_291 = arith.constant 0 : i32
        %dma_start3A_292 = tpu.memref_slice %arg7[%run_scoped3A_86, %dma_start3A_291] : memref<16x128xi32, #tpu.memory_space<vmem>> -> memref<1x128xi32, #tpu.memory_space<vmem>>
        %dma_start3A_293 = tpu.memref_squeeze %dma_start3A_292 : memref<1x128xi32, #tpu.memory_space<vmem>> -> memref<128xi32, #tpu.memory_space<vmem>>
        %dma_start3A_294 = arith.constant 0 : i32
        %dma_start3A_295 = arith.constant 0 : i32
        %dma_start3A_296 = tpu.memref_slice %arg10[%dma_start3A_294, %dma_start3A_295] : memref<10240x128xf32, #tpu.memory_space<vmem_shared>> -> memref<10240x128xf32, #tpu.memory_space<vmem_shared>>
        tpu.enqueue_indirect_dma source(%arg9 : memref<128x128xf32, #tpu.memory_space<vmem>>) target(%dma_start3A_296 : memref<10240x128xf32, #tpu.memory_space<vmem_shared>>) offsets(%dma_start3A_293 : memref<128xi32, #tpu.memory_space<vmem>>) semaphore(%run_scoped3A_290 : memref<!tpu.dma_semaphore, #tpu.memory_space<semaphore_mem>>) {add = true}
        %dma_wait3A_297 = arith.constant 0 : i32
        %dma_wait3A_298 = tpu.memref_slice %arg7[%run_scoped3A_86, %dma_wait3A_297] : memref<16x128xi32, #tpu.memory_space<vmem>> -> memref<1x128xi32, #tpu.memory_space<vmem>>
        %dma_wait3A_299 = tpu.memref_squeeze %dma_wait3A_298 : memref<1x128xi32, #tpu.memory_space<vmem>> -> memref<128xi32, #tpu.memory_space<vmem>>
        %dma_wait3A_300 = arith.constant 0 : i32
        %dma_wait3A_301 = arith.constant 0 : i32
        %dma_wait3A_302 = tpu.memref_slice %arg10[%dma_wait3A_300, %dma_wait3A_301] : memref<10240x128xf32, #tpu.memory_space<vmem_shared>> -> memref<10240x128xf32, #tpu.memory_space<vmem_shared>>
        tpu.wait_indirect_dma semaphore(%run_scoped3A_290 : memref<!tpu.dma_semaphore, #tpu.memory_space<semaphore_mem>>) src(%arg9 : memref<128x128xf32, #tpu.memory_space<vmem>>) dst(%dma_wait3A_302 : memref<10240x128xf32, #tpu.memory_space<vmem_shared>>)
        tpu.yield
      }) : () -> ()
      %dma_start3A_87 = arith.constant 3 : i32
      %dma_start3A_88 = arith.constant 0 : i32
      %dma_start3A_89 = tpu.memref_slice %arg6[%dma_start3A_87, %dma_start3A_88] : memref<16x128xi32, #tpu.memory_space<vmem>> -> memref<1x128xi32, #tpu.memory_space<vmem>>
      %dma_start3A_90 = tpu.memref_squeeze %dma_start3A_89 : memref<1x128xi32, #tpu.memory_space<vmem>> -> memref<128xi32, #tpu.memory_space<vmem>>
      %dma_start3A_91 = arith.constant 0 : i32
      %dma_start3A_92 = arith.constant 0 : i32
      %dma_start3A_93 = tpu.memref_slice %arg2[%dma_start3A_91, %dma_start3A_92] : memref<10240x128xf32, #tpu.memory_space<hbm>> -> memref<10240x128xf32, #tpu.memory_space<hbm>>
      tpu.enqueue_indirect_dma source(%dma_start3A_93 : memref<10240x128xf32, #tpu.memory_space<hbm>>) target(%arg9 : memref<128x128xf32, #tpu.memory_space<vmem>>) offsets(%dma_start3A_90 : memref<128xi32, #tpu.memory_space<vmem>>) semaphore(%arg12 : memref<!tpu.dma_semaphore, #tpu.memory_space<semaphore_mem>>)
      %dma_wait3A_94 = arith.constant 2 : i32
      %dma_wait3A_95 = arith.constant 0 : i32
      %dma_wait3A_96 = tpu.memref_slice %arg6[%dma_wait3A_94, %dma_wait3A_95] : memref<16x128xi32, #tpu.memory_space<vmem>> -> memref<1x128xi32, #tpu.memory_space<vmem>>
      %dma_wait3A_97 = tpu.memref_squeeze %dma_wait3A_96 : memref<1x128xi32, #tpu.memory_space<vmem>> -> memref<128xi32, #tpu.memory_space<vmem>>
      %dma_wait3A_98 = arith.constant 0 : i32
      %dma_wait3A_99 = arith.constant 0 : i32
      %dma_wait3A_100 = tpu.memref_slice %arg2[%dma_wait3A_98, %dma_wait3A_99] : memref<10240x128xf32, #tpu.memory_space<hbm>> -> memref<10240x128xf32, #tpu.memory_space<hbm>>
      tpu.wait_indirect_dma semaphore(%arg11 : memref<!tpu.dma_semaphore, #tpu.memory_space<semaphore_mem>>) src(%dma_wait3A_100 : memref<10240x128xf32, #tpu.memory_space<hbm>>) dst(%arg8 : memref<128x128xf32, #tpu.memory_space<vmem>>)
      %run_scoped3A_101 = arith.constant 2 : i32
      "tpu.region"() ({
        %run_scoped3A_290 = tpu.sem_alloc : memref<!tpu.dma_semaphore, #tpu.memory_space<semaphore_mem>>
        %dma_start3A_291 = arith.constant 0 : i32
        %dma_start3A_292 = tpu.memref_slice %arg7[%run_scoped3A_101, %dma_start3A_291] : memref<16x128xi32, #tpu.memory_space<vmem>> -> memref<1x128xi32, #tpu.memory_space<vmem>>
        %dma_start3A_293 = tpu.memref_squeeze %dma_start3A_292 : memref<1x128xi32, #tpu.memory_space<vmem>> -> memref<128xi32, #tpu.memory_space<vmem>>
        %dma_start3A_294 = arith.constant 0 : i32
        %dma_start3A_295 = arith.constant 0 : i32
        %dma_start3A_296 = tpu.memref_slice %arg10[%dma_start3A_294, %dma_start3A_295] : memref<10240x128xf32, #tpu.memory_space<vmem_shared>> -> memref<10240x128xf32, #tpu.memory_space<vmem_shared>>
        tpu.enqueue_indirect_dma source(%arg8 : memref<128x128xf32, #tpu.memory_space<vmem>>) target(%dma_start3A_296 : memref<10240x128xf32, #tpu.memory_space<vmem_shared>>) offsets(%dma_start3A_293 : memref<128xi32, #tpu.memory_space<vmem>>) semaphore(%run_scoped3A_290 : memref<!tpu.dma_semaphore, #tpu.memory_space<semaphore_mem>>) {add = true}
        %dma_wait3A_297 = arith.constant 0 : i32
        %dma_wait3A_298 = tpu.memref_slice %arg7[%run_scoped3A_101, %dma_wait3A_297] : memref<16x128xi32, #tpu.memory_space<vmem>> -> memref<1x128xi32, #tpu.memory_space<vmem>>
        %dma_wait3A_299 = tpu.memref_squeeze %dma_wait3A_298 : memref<1x128xi32, #tpu.memory_space<vmem>> -> memref<128xi32, #tpu.memory_space<vmem>>
        %dma_wait3A_300 = arith.constant 0 : i32
        %dma_wait3A_301 = arith.constant 0 : i32
        %dma_wait3A_302 = tpu.memref_slice %arg10[%dma_wait3A_300, %dma_wait3A_301] : memref<10240x128xf32, #tpu.memory_space<vmem_shared>> -> memref<10240x128xf32, #tpu.memory_space<vmem_shared>>
        tpu.wait_indirect_dma semaphore(%run_scoped3A_290 : memref<!tpu.dma_semaphore, #tpu.memory_space<semaphore_mem>>) src(%arg8 : memref<128x128xf32, #tpu.memory_space<vmem>>) dst(%dma_wait3A_302 : memref<10240x128xf32, #tpu.memory_space<vmem_shared>>)
        tpu.yield
      }) : () -> ()
      %dma_start3A_102 = arith.constant 4 : i32
      %dma_start3A_103 = arith.constant 0 : i32
      %dma_start3A_104 = tpu.memref_slice %arg6[%dma_start3A_102, %dma_start3A_103] : memref<16x128xi32, #tpu.memory_space<vmem>> -> memref<1x128xi32, #tpu.memory_space<vmem>>
      %dma_start3A_105 = tpu.memref_squeeze %dma_start3A_104 : memref<1x128xi32, #tpu.memory_space<vmem>> -> memref<128xi32, #tpu.memory_space<vmem>>
      %dma_start3A_106 = arith.constant 0 : i32
      %dma_start3A_107 = arith.constant 0 : i32
      %dma_start3A_108 = tpu.memref_slice %arg2[%dma_start3A_106, %dma_start3A_107] : memref<10240x128xf32, #tpu.memory_space<hbm>> -> memref<10240x128xf32, #tpu.memory_space<hbm>>
      tpu.enqueue_indirect_dma source(%dma_start3A_108 : memref<10240x128xf32, #tpu.memory_space<hbm>>) target(%arg8 : memref<128x128xf32, #tpu.memory_space<vmem>>) offsets(%dma_start3A_105 : memref<128xi32, #tpu.memory_space<vmem>>) semaphore(%arg11 : memref<!tpu.dma_semaphore, #tpu.memory_space<semaphore_mem>>)
      %dma_wait3A_109 = arith.constant 3 : i32
      %dma_wait3A_110 = arith.constant 0 : i32
      %dma_wait3A_111 = tpu.memref_slice %arg6[%dma_wait3A_109, %dma_wait3A_110] : memref<16x128xi32, #tpu.memory_space<vmem>> -> memref<1x128xi32, #tpu.memory_space<vmem>>
      %dma_wait3A_112 = tpu.memref_squeeze %dma_wait3A_111 : memref<1x128xi32, #tpu.memory_space<vmem>> -> memref<128xi32, #tpu.memory_space<vmem>>
      %dma_wait3A_113 = arith.constant 0 : i32
      %dma_wait3A_114 = arith.constant 0 : i32
      %dma_wait3A_115 = tpu.memref_slice %arg2[%dma_wait3A_113, %dma_wait3A_114] : memref<10240x128xf32, #tpu.memory_space<hbm>> -> memref<10240x128xf32, #tpu.memory_space<hbm>>
      tpu.wait_indirect_dma semaphore(%arg12 : memref<!tpu.dma_semaphore, #tpu.memory_space<semaphore_mem>>) src(%dma_wait3A_115 : memref<10240x128xf32, #tpu.memory_space<hbm>>) dst(%arg9 : memref<128x128xf32, #tpu.memory_space<vmem>>)
      %run_scoped3A_116 = arith.constant 3 : i32
      "tpu.region"() ({
        %run_scoped3A_290 = tpu.sem_alloc : memref<!tpu.dma_semaphore, #tpu.memory_space<semaphore_mem>>
        %dma_start3A_291 = arith.constant 0 : i32
        %dma_start3A_292 = tpu.memref_slice %arg7[%run_scoped3A_116, %dma_start3A_291] : memref<16x128xi32, #tpu.memory_space<vmem>> -> memref<1x128xi32, #tpu.memory_space<vmem>>
        %dma_start3A_293 = tpu.memref_squeeze %dma_start3A_292 : memref<1x128xi32, #tpu.memory_space<vmem>> -> memref<128xi32, #tpu.memory_space<vmem>>
        %dma_start3A_294 = arith.constant 0 : i32
        %dma_start3A_295 = arith.constant 0 : i32
        %dma_start3A_296 = tpu.memref_slice %arg10[%dma_start3A_294, %dma_start3A_295] : memref<10240x128xf32, #tpu.memory_space<vmem_shared>> -> memref<10240x128xf32, #tpu.memory_space<vmem_shared>>
        tpu.enqueue_indirect_dma source(%arg9 : memref<128x128xf32, #tpu.memory_space<vmem>>) target(%dma_start3A_296 : memref<10240x128xf32, #tpu.memory_space<vmem_shared>>) offsets(%dma_start3A_293 : memref<128xi32, #tpu.memory_space<vmem>>) semaphore(%run_scoped3A_290 : memref<!tpu.dma_semaphore, #tpu.memory_space<semaphore_mem>>) {add = true}
        %dma_wait3A_297 = arith.constant 0 : i32
        %dma_wait3A_298 = tpu.memref_slice %arg7[%run_scoped3A_116, %dma_wait3A_297] : memref<16x128xi32, #tpu.memory_space<vmem>> -> memref<1x128xi32, #tpu.memory_space<vmem>>
        %dma_wait3A_299 = tpu.memref_squeeze %dma_wait3A_298 : memref<1x128xi32, #tpu.memory_space<vmem>> -> memref<128xi32, #tpu.memory_space<vmem>>
        %dma_wait3A_300 = arith.constant 0 : i32
        %dma_wait3A_301 = arith.constant 0 : i32
        %dma_wait3A_302 = tpu.memref_slice %arg10[%dma_wait3A_300, %dma_wait3A_301] : memref<10240x128xf32, #tpu.memory_space<vmem_shared>> -> memref<10240x128xf32, #tpu.memory_space<vmem_shared>>
        tpu.wait_indirect_dma semaphore(%run_scoped3A_290 : memref<!tpu.dma_semaphore, #tpu.memory_space<semaphore_mem>>) src(%arg9 : memref<128x128xf32, #tpu.memory_space<vmem>>) dst(%dma_wait3A_302 : memref<10240x128xf32, #tpu.memory_space<vmem_shared>>)
        tpu.yield
      }) : () -> ()
      %dma_start3A_117 = arith.constant 5 : i32
      %dma_start3A_118 = arith.constant 0 : i32
      %dma_start3A_119 = tpu.memref_slice %arg6[%dma_start3A_117, %dma_start3A_118] : memref<16x128xi32, #tpu.memory_space<vmem>> -> memref<1x128xi32, #tpu.memory_space<vmem>>
      %dma_start3A_120 = tpu.memref_squeeze %dma_start3A_119 : memref<1x128xi32, #tpu.memory_space<vmem>> -> memref<128xi32, #tpu.memory_space<vmem>>
      %dma_start3A_121 = arith.constant 0 : i32
      %dma_start3A_122 = arith.constant 0 : i32
      %dma_start3A_123 = tpu.memref_slice %arg2[%dma_start3A_121, %dma_start3A_122] : memref<10240x128xf32, #tpu.memory_space<hbm>> -> memref<10240x128xf32, #tpu.memory_space<hbm>>
      tpu.enqueue_indirect_dma source(%dma_start3A_123 : memref<10240x128xf32, #tpu.memory_space<hbm>>) target(%arg9 : memref<128x128xf32, #tpu.memory_space<vmem>>) offsets(%dma_start3A_120 : memref<128xi32, #tpu.memory_space<vmem>>) semaphore(%arg12 : memref<!tpu.dma_semaphore, #tpu.memory_space<semaphore_mem>>)
      %dma_wait3A_124 = arith.constant 4 : i32
      %dma_wait3A_125 = arith.constant 0 : i32
      %dma_wait3A_126 = tpu.memref_slice %arg6[%dma_wait3A_124, %dma_wait3A_125] : memref<16x128xi32, #tpu.memory_space<vmem>> -> memref<1x128xi32, #tpu.memory_space<vmem>>
      %dma_wait3A_127 = tpu.memref_squeeze %dma_wait3A_126 : memref<1x128xi32, #tpu.memory_space<vmem>> -> memref<128xi32, #tpu.memory_space<vmem>>
      %dma_wait3A_128 = arith.constant 0 : i32
      %dma_wait3A_129 = arith.constant 0 : i32
      %dma_wait3A_130 = tpu.memref_slice %arg2[%dma_wait3A_128, %dma_wait3A_129] : memref<10240x128xf32, #tpu.memory_space<hbm>> -> memref<10240x128xf32, #tpu.memory_space<hbm>>
      tpu.wait_indirect_dma semaphore(%arg11 : memref<!tpu.dma_semaphore, #tpu.memory_space<semaphore_mem>>) src(%dma_wait3A_130 : memref<10240x128xf32, #tpu.memory_space<hbm>>) dst(%arg8 : memref<128x128xf32, #tpu.memory_space<vmem>>)
      %run_scoped3A_131 = arith.constant 4 : i32
      "tpu.region"() ({
        %run_scoped3A_290 = tpu.sem_alloc : memref<!tpu.dma_semaphore, #tpu.memory_space<semaphore_mem>>
        %dma_start3A_291 = arith.constant 0 : i32
        %dma_start3A_292 = tpu.memref_slice %arg7[%run_scoped3A_131, %dma_start3A_291] : memref<16x128xi32, #tpu.memory_space<vmem>> -> memref<1x128xi32, #tpu.memory_space<vmem>>
        %dma_start3A_293 = tpu.memref_squeeze %dma_start3A_292 : memref<1x128xi32, #tpu.memory_space<vmem>> -> memref<128xi32, #tpu.memory_space<vmem>>
        %dma_start3A_294 = arith.constant 0 : i32
        %dma_start3A_295 = arith.constant 0 : i32
        %dma_start3A_296 = tpu.memref_slice %arg10[%dma_start3A_294, %dma_start3A_295] : memref<10240x128xf32, #tpu.memory_space<vmem_shared>> -> memref<10240x128xf32, #tpu.memory_space<vmem_shared>>
        tpu.enqueue_indirect_dma source(%arg8 : memref<128x128xf32, #tpu.memory_space<vmem>>) target(%dma_start3A_296 : memref<10240x128xf32, #tpu.memory_space<vmem_shared>>) offsets(%dma_start3A_293 : memref<128xi32, #tpu.memory_space<vmem>>) semaphore(%run_scoped3A_290 : memref<!tpu.dma_semaphore, #tpu.memory_space<semaphore_mem>>) {add = true}
        %dma_wait3A_297 = arith.constant 0 : i32
        %dma_wait3A_298 = tpu.memref_slice %arg7[%run_scoped3A_131, %dma_wait3A_297] : memref<16x128xi32, #tpu.memory_space<vmem>> -> memref<1x128xi32, #tpu.memory_space<vmem>>
        %dma_wait3A_299 = tpu.memref_squeeze %dma_wait3A_298 : memref<1x128xi32, #tpu.memory_space<vmem>> -> memref<128xi32, #tpu.memory_space<vmem>>
        %dma_wait3A_300 = arith.constant 0 : i32
        %dma_wait3A_301 = arith.constant 0 : i32
        %dma_wait3A_302 = tpu.memref_slice %arg10[%dma_wait3A_300, %dma_wait3A_301] : memref<10240x128xf32, #tpu.memory_space<vmem_shared>> -> memref<10240x128xf32, #tpu.memory_space<vmem_shared>>
        tpu.wait_indirect_dma semaphore(%run_scoped3A_290 : memref<!tpu.dma_semaphore, #tpu.memory_space<semaphore_mem>>) src(%arg8 : memref<128x128xf32, #tpu.memory_space<vmem>>) dst(%dma_wait3A_302 : memref<10240x128xf32, #tpu.memory_space<vmem_shared>>)
        tpu.yield
      }) : () -> ()
      %dma_start3A_132 = arith.constant 6 : i32
      %dma_start3A_133 = arith.constant 0 : i32
      %dma_start3A_134 = tpu.memref_slice %arg6[%dma_start3A_132, %dma_start3A_133] : memref<16x128xi32, #tpu.memory_space<vmem>> -> memref<1x128xi32, #tpu.memory_space<vmem>>
      %dma_start3A_135 = tpu.memref_squeeze %dma_start3A_134 : memref<1x128xi32, #tpu.memory_space<vmem>> -> memref<128xi32, #tpu.memory_space<vmem>>
      %dma_start3A_136 = arith.constant 0 : i32
      %dma_start3A_137 = arith.constant 0 : i32
      %dma_start3A_138 = tpu.memref_slice %arg2[%dma_start3A_136, %dma_start3A_137] : memref<10240x128xf32, #tpu.memory_space<hbm>> -> memref<10240x128xf32, #tpu.memory_space<hbm>>
      tpu.enqueue_indirect_dma source(%dma_start3A_138 : memref<10240x128xf32, #tpu.memory_space<hbm>>) target(%arg8 : memref<128x128xf32, #tpu.memory_space<vmem>>) offsets(%dma_start3A_135 : memref<128xi32, #tpu.memory_space<vmem>>) semaphore(%arg11 : memref<!tpu.dma_semaphore, #tpu.memory_space<semaphore_mem>>)
      %dma_wait3A_139 = arith.constant 5 : i32
      %dma_wait3A_140 = arith.constant 0 : i32
      %dma_wait3A_141 = tpu.memref_slice %arg6[%dma_wait3A_139, %dma_wait3A_140] : memref<16x128xi32, #tpu.memory_space<vmem>> -> memref<1x128xi32, #tpu.memory_space<vmem>>
      %dma_wait3A_142 = tpu.memref_squeeze %dma_wait3A_141 : memref<1x128xi32, #tpu.memory_space<vmem>> -> memref<128xi32, #tpu.memory_space<vmem>>
      %dma_wait3A_143 = arith.constant 0 : i32
      %dma_wait3A_144 = arith.constant 0 : i32
      %dma_wait3A_145 = tpu.memref_slice %arg2[%dma_wait3A_143, %dma_wait3A_144] : memref<10240x128xf32, #tpu.memory_space<hbm>> -> memref<10240x128xf32, #tpu.memory_space<hbm>>
      tpu.wait_indirect_dma semaphore(%arg12 : memref<!tpu.dma_semaphore, #tpu.memory_space<semaphore_mem>>) src(%dma_wait3A_145 : memref<10240x128xf32, #tpu.memory_space<hbm>>) dst(%arg9 : memref<128x128xf32, #tpu.memory_space<vmem>>)
      %run_scoped3A_146 = arith.constant 5 : i32
      "tpu.region"() ({
        %run_scoped3A_290 = tpu.sem_alloc : memref<!tpu.dma_semaphore, #tpu.memory_space<semaphore_mem>>
        %dma_start3A_291 = arith.constant 0 : i32
        %dma_start3A_292 = tpu.memref_slice %arg7[%run_scoped3A_146, %dma_start3A_291] : memref<16x128xi32, #tpu.memory_space<vmem>> -> memref<1x128xi32, #tpu.memory_space<vmem>>
        %dma_start3A_293 = tpu.memref_squeeze %dma_start3A_292 : memref<1x128xi32, #tpu.memory_space<vmem>> -> memref<128xi32, #tpu.memory_space<vmem>>
        %dma_start3A_294 = arith.constant 0 : i32
        %dma_start3A_295 = arith.constant 0 : i32
        %dma_start3A_296 = tpu.memref_slice %arg10[%dma_start3A_294, %dma_start3A_295] : memref<10240x128xf32, #tpu.memory_space<vmem_shared>> -> memref<10240x128xf32, #tpu.memory_space<vmem_shared>>
        tpu.enqueue_indirect_dma source(%arg9 : memref<128x128xf32, #tpu.memory_space<vmem>>) target(%dma_start3A_296 : memref<10240x128xf32, #tpu.memory_space<vmem_shared>>) offsets(%dma_start3A_293 : memref<128xi32, #tpu.memory_space<vmem>>) semaphore(%run_scoped3A_290 : memref<!tpu.dma_semaphore, #tpu.memory_space<semaphore_mem>>) {add = true}
        %dma_wait3A_297 = arith.constant 0 : i32
        %dma_wait3A_298 = tpu.memref_slice %arg7[%run_scoped3A_146, %dma_wait3A_297] : memref<16x128xi32, #tpu.memory_space<vmem>> -> memref<1x128xi32, #tpu.memory_space<vmem>>
        %dma_wait3A_299 = tpu.memref_squeeze %dma_wait3A_298 : memref<1x128xi32, #tpu.memory_space<vmem>> -> memref<128xi32, #tpu.memory_space<vmem>>
        %dma_wait3A_300 = arith.constant 0 : i32
        %dma_wait3A_301 = arith.constant 0 : i32
        %dma_wait3A_302 = tpu.memref_slice %arg10[%dma_wait3A_300, %dma_wait3A_301] : memref<10240x128xf32, #tpu.memory_space<vmem_shared>> -> memref<10240x128xf32, #tpu.memory_space<vmem_shared>>
        tpu.wait_indirect_dma semaphore(%run_scoped3A_290 : memref<!tpu.dma_semaphore, #tpu.memory_space<semaphore_mem>>) src(%arg9 : memref<128x128xf32, #tpu.memory_space<vmem>>) dst(%dma_wait3A_302 : memref<10240x128xf32, #tpu.memory_space<vmem_shared>>)
        tpu.yield
      }) : () -> ()
      %dma_start3A_147 = arith.constant 7 : i32
      %dma_start3A_148 = arith.constant 0 : i32
      %dma_start3A_149 = tpu.memref_slice %arg6[%dma_start3A_147, %dma_start3A_148] : memref<16x128xi32, #tpu.memory_space<vmem>> -> memref<1x128xi32, #tpu.memory_space<vmem>>
      %dma_start3A_150 = tpu.memref_squeeze %dma_start3A_149 : memref<1x128xi32, #tpu.memory_space<vmem>> -> memref<128xi32, #tpu.memory_space<vmem>>
      %dma_start3A_151 = arith.constant 0 : i32
      %dma_start3A_152 = arith.constant 0 : i32
      %dma_start3A_153 = tpu.memref_slice %arg2[%dma_start3A_151, %dma_start3A_152] : memref<10240x128xf32, #tpu.memory_space<hbm>> -> memref<10240x128xf32, #tpu.memory_space<hbm>>
      tpu.enqueue_indirect_dma source(%dma_start3A_153 : memref<10240x128xf32, #tpu.memory_space<hbm>>) target(%arg9 : memref<128x128xf32, #tpu.memory_space<vmem>>) offsets(%dma_start3A_150 : memref<128xi32, #tpu.memory_space<vmem>>) semaphore(%arg12 : memref<!tpu.dma_semaphore, #tpu.memory_space<semaphore_mem>>)
      %dma_wait3A_154 = arith.constant 6 : i32
      %dma_wait3A_155 = arith.constant 0 : i32
      %dma_wait3A_156 = tpu.memref_slice %arg6[%dma_wait3A_154, %dma_wait3A_155] : memref<16x128xi32, #tpu.memory_space<vmem>> -> memref<1x128xi32, #tpu.memory_space<vmem>>
      %dma_wait3A_157 = tpu.memref_squeeze %dma_wait3A_156 : memref<1x128xi32, #tpu.memory_space<vmem>> -> memref<128xi32, #tpu.memory_space<vmem>>
      %dma_wait3A_158 = arith.constant 0 : i32
      %dma_wait3A_159 = arith.constant 0 : i32
      %dma_wait3A_160 = tpu.memref_slice %arg2[%dma_wait3A_158, %dma_wait3A_159] : memref<10240x128xf32, #tpu.memory_space<hbm>> -> memref<10240x128xf32, #tpu.memory_space<hbm>>
      tpu.wait_indirect_dma semaphore(%arg11 : memref<!tpu.dma_semaphore, #tpu.memory_space<semaphore_mem>>) src(%dma_wait3A_160 : memref<10240x128xf32, #tpu.memory_space<hbm>>) dst(%arg8 : memref<128x128xf32, #tpu.memory_space<vmem>>)
      %run_scoped3A_161 = arith.constant 6 : i32
      "tpu.region"() ({
        %run_scoped3A_290 = tpu.sem_alloc : memref<!tpu.dma_semaphore, #tpu.memory_space<semaphore_mem>>
        %dma_start3A_291 = arith.constant 0 : i32
        %dma_start3A_292 = tpu.memref_slice %arg7[%run_scoped3A_161, %dma_start3A_291] : memref<16x128xi32, #tpu.memory_space<vmem>> -> memref<1x128xi32, #tpu.memory_space<vmem>>
        %dma_start3A_293 = tpu.memref_squeeze %dma_start3A_292 : memref<1x128xi32, #tpu.memory_space<vmem>> -> memref<128xi32, #tpu.memory_space<vmem>>
        %dma_start3A_294 = arith.constant 0 : i32
        %dma_start3A_295 = arith.constant 0 : i32
        %dma_start3A_296 = tpu.memref_slice %arg10[%dma_start3A_294, %dma_start3A_295] : memref<10240x128xf32, #tpu.memory_space<vmem_shared>> -> memref<10240x128xf32, #tpu.memory_space<vmem_shared>>
        tpu.enqueue_indirect_dma source(%arg8 : memref<128x128xf32, #tpu.memory_space<vmem>>) target(%dma_start3A_296 : memref<10240x128xf32, #tpu.memory_space<vmem_shared>>) offsets(%dma_start3A_293 : memref<128xi32, #tpu.memory_space<vmem>>) semaphore(%run_scoped3A_290 : memref<!tpu.dma_semaphore, #tpu.memory_space<semaphore_mem>>) {add = true}
        %dma_wait3A_297 = arith.constant 0 : i32
        %dma_wait3A_298 = tpu.memref_slice %arg7[%run_scoped3A_161, %dma_wait3A_297] : memref<16x128xi32, #tpu.memory_space<vmem>> -> memref<1x128xi32, #tpu.memory_space<vmem>>
        %dma_wait3A_299 = tpu.memref_squeeze %dma_wait3A_298 : memref<1x128xi32, #tpu.memory_space<vmem>> -> memref<128xi32, #tpu.memory_space<vmem>>
        %dma_wait3A_300 = arith.constant 0 : i32
        %dma_wait3A_301 = arith.constant 0 : i32
        %dma_wait3A_302 = tpu.memref_slice %arg10[%dma_wait3A_300, %dma_wait3A_301] : memref<10240x128xf32, #tpu.memory_space<vmem_shared>> -> memref<10240x128xf32, #tpu.memory_space<vmem_shared>>
        tpu.wait_indirect_dma semaphore(%run_scoped3A_290 : memref<!tpu.dma_semaphore, #tpu.memory_space<semaphore_mem>>) src(%arg8 : memref<128x128xf32, #tpu.memory_space<vmem>>) dst(%dma_wait3A_302 : memref<10240x128xf32, #tpu.memory_space<vmem_shared>>)
        tpu.yield
      }) : () -> ()
      %dma_start3A_162 = arith.constant 8 : i32
      %dma_start3A_163 = arith.constant 0 : i32
      %dma_start3A_164 = tpu.memref_slice %arg6[%dma_start3A_162, %dma_start3A_163] : memref<16x128xi32, #tpu.memory_space<vmem>> -> memref<1x128xi32, #tpu.memory_space<vmem>>
      %dma_start3A_165 = tpu.memref_squeeze %dma_start3A_164 : memref<1x128xi32, #tpu.memory_space<vmem>> -> memref<128xi32, #tpu.memory_space<vmem>>
      %dma_start3A_166 = arith.constant 0 : i32
      %dma_start3A_167 = arith.constant 0 : i32
      %dma_start3A_168 = tpu.memref_slice %arg2[%dma_start3A_166, %dma_start3A_167] : memref<10240x128xf32, #tpu.memory_space<hbm>> -> memref<10240x128xf32, #tpu.memory_space<hbm>>
      tpu.enqueue_indirect_dma source(%dma_start3A_168 : memref<10240x128xf32, #tpu.memory_space<hbm>>) target(%arg8 : memref<128x128xf32, #tpu.memory_space<vmem>>) offsets(%dma_start3A_165 : memref<128xi32, #tpu.memory_space<vmem>>) semaphore(%arg11 : memref<!tpu.dma_semaphore, #tpu.memory_space<semaphore_mem>>)
      %dma_wait3A_169 = arith.constant 7 : i32
      %dma_wait3A_170 = arith.constant 0 : i32
      %dma_wait3A_171 = tpu.memref_slice %arg6[%dma_wait3A_169, %dma_wait3A_170] : memref<16x128xi32, #tpu.memory_space<vmem>> -> memref<1x128xi32, #tpu.memory_space<vmem>>
      %dma_wait3A_172 = tpu.memref_squeeze %dma_wait3A_171 : memref<1x128xi32, #tpu.memory_space<vmem>> -> memref<128xi32, #tpu.memory_space<vmem>>
      %dma_wait3A_173 = arith.constant 0 : i32
      %dma_wait3A_174 = arith.constant 0 : i32
      %dma_wait3A_175 = tpu.memref_slice %arg2[%dma_wait3A_173, %dma_wait3A_174] : memref<10240x128xf32, #tpu.memory_space<hbm>> -> memref<10240x128xf32, #tpu.memory_space<hbm>>
      tpu.wait_indirect_dma semaphore(%arg12 : memref<!tpu.dma_semaphore, #tpu.memory_space<semaphore_mem>>) src(%dma_wait3A_175 : memref<10240x128xf32, #tpu.memory_space<hbm>>) dst(%arg9 : memref<128x128xf32, #tpu.memory_space<vmem>>)
      %run_scoped3A_176 = arith.constant 7 : i32
      "tpu.region"() ({
        %run_scoped3A_290 = tpu.sem_alloc : memref<!tpu.dma_semaphore, #tpu.memory_space<semaphore_mem>>
        %dma_start3A_291 = arith.constant 0 : i32
        %dma_start3A_292 = tpu.memref_slice %arg7[%run_scoped3A_176, %dma_start3A_291] : memref<16x128xi32, #tpu.memory_space<vmem>> -> memref<1x128xi32, #tpu.memory_space<vmem>>
        %dma_start3A_293 = tpu.memref_squeeze %dma_start3A_292 : memref<1x128xi32, #tpu.memory_space<vmem>> -> memref<128xi32, #tpu.memory_space<vmem>>
        %dma_start3A_294 = arith.constant 0 : i32
        %dma_start3A_295 = arith.constant 0 : i32
        %dma_start3A_296 = tpu.memref_slice %arg10[%dma_start3A_294, %dma_start3A_295] : memref<10240x128xf32, #tpu.memory_space<vmem_shared>> -> memref<10240x128xf32, #tpu.memory_space<vmem_shared>>
        tpu.enqueue_indirect_dma source(%arg9 : memref<128x128xf32, #tpu.memory_space<vmem>>) target(%dma_start3A_296 : memref<10240x128xf32, #tpu.memory_space<vmem_shared>>) offsets(%dma_start3A_293 : memref<128xi32, #tpu.memory_space<vmem>>) semaphore(%run_scoped3A_290 : memref<!tpu.dma_semaphore, #tpu.memory_space<semaphore_mem>>) {add = true}
        %dma_wait3A_297 = arith.constant 0 : i32
        %dma_wait3A_298 = tpu.memref_slice %arg7[%run_scoped3A_176, %dma_wait3A_297] : memref<16x128xi32, #tpu.memory_space<vmem>> -> memref<1x128xi32, #tpu.memory_space<vmem>>
        %dma_wait3A_299 = tpu.memref_squeeze %dma_wait3A_298 : memref<1x128xi32, #tpu.memory_space<vmem>> -> memref<128xi32, #tpu.memory_space<vmem>>
        %dma_wait3A_300 = arith.constant 0 : i32
        %dma_wait3A_301 = arith.constant 0 : i32
        %dma_wait3A_302 = tpu.memref_slice %arg10[%dma_wait3A_300, %dma_wait3A_301] : memref<10240x128xf32, #tpu.memory_space<vmem_shared>> -> memref<10240x128xf32, #tpu.memory_space<vmem_shared>>
        tpu.wait_indirect_dma semaphore(%run_scoped3A_290 : memref<!tpu.dma_semaphore, #tpu.memory_space<semaphore_mem>>) src(%arg9 : memref<128x128xf32, #tpu.memory_space<vmem>>) dst(%dma_wait3A_302 : memref<10240x128xf32, #tpu.memory_space<vmem_shared>>)
        tpu.yield
      }) : () -> ()
      %dma_start3A_177 = arith.constant 9 : i32
      %dma_start3A_178 = arith.constant 0 : i32
      %dma_start3A_179 = tpu.memref_slice %arg6[%dma_start3A_177, %dma_start3A_178] : memref<16x128xi32, #tpu.memory_space<vmem>> -> memref<1x128xi32, #tpu.memory_space<vmem>>
      %dma_start3A_180 = tpu.memref_squeeze %dma_start3A_179 : memref<1x128xi32, #tpu.memory_space<vmem>> -> memref<128xi32, #tpu.memory_space<vmem>>
      %dma_start3A_181 = arith.constant 0 : i32
      %dma_start3A_182 = arith.constant 0 : i32
      %dma_start3A_183 = tpu.memref_slice %arg2[%dma_start3A_181, %dma_start3A_182] : memref<10240x128xf32, #tpu.memory_space<hbm>> -> memref<10240x128xf32, #tpu.memory_space<hbm>>
      tpu.enqueue_indirect_dma source(%dma_start3A_183 : memref<10240x128xf32, #tpu.memory_space<hbm>>) target(%arg9 : memref<128x128xf32, #tpu.memory_space<vmem>>) offsets(%dma_start3A_180 : memref<128xi32, #tpu.memory_space<vmem>>) semaphore(%arg12 : memref<!tpu.dma_semaphore, #tpu.memory_space<semaphore_mem>>)
      %dma_wait3A_184 = arith.constant 8 : i32
      %dma_wait3A_185 = arith.constant 0 : i32
      %dma_wait3A_186 = tpu.memref_slice %arg6[%dma_wait3A_184, %dma_wait3A_185] : memref<16x128xi32, #tpu.memory_space<vmem>> -> memref<1x128xi32, #tpu.memory_space<vmem>>
      %dma_wait3A_187 = tpu.memref_squeeze %dma_wait3A_186 : memref<1x128xi32, #tpu.memory_space<vmem>> -> memref<128xi32, #tpu.memory_space<vmem>>
      %dma_wait3A_188 = arith.constant 0 : i32
      %dma_wait3A_189 = arith.constant 0 : i32
      %dma_wait3A_190 = tpu.memref_slice %arg2[%dma_wait3A_188, %dma_wait3A_189] : memref<10240x128xf32, #tpu.memory_space<hbm>> -> memref<10240x128xf32, #tpu.memory_space<hbm>>
      tpu.wait_indirect_dma semaphore(%arg11 : memref<!tpu.dma_semaphore, #tpu.memory_space<semaphore_mem>>) src(%dma_wait3A_190 : memref<10240x128xf32, #tpu.memory_space<hbm>>) dst(%arg8 : memref<128x128xf32, #tpu.memory_space<vmem>>)
      %run_scoped3A_191 = arith.constant 8 : i32
      "tpu.region"() ({
        %run_scoped3A_290 = tpu.sem_alloc : memref<!tpu.dma_semaphore, #tpu.memory_space<semaphore_mem>>
        %dma_start3A_291 = arith.constant 0 : i32
        %dma_start3A_292 = tpu.memref_slice %arg7[%run_scoped3A_191, %dma_start3A_291] : memref<16x128xi32, #tpu.memory_space<vmem>> -> memref<1x128xi32, #tpu.memory_space<vmem>>
        %dma_start3A_293 = tpu.memref_squeeze %dma_start3A_292 : memref<1x128xi32, #tpu.memory_space<vmem>> -> memref<128xi32, #tpu.memory_space<vmem>>
        %dma_start3A_294 = arith.constant 0 : i32
        %dma_start3A_295 = arith.constant 0 : i32
        %dma_start3A_296 = tpu.memref_slice %arg10[%dma_start3A_294, %dma_start3A_295] : memref<10240x128xf32, #tpu.memory_space<vmem_shared>> -> memref<10240x128xf32, #tpu.memory_space<vmem_shared>>
        tpu.enqueue_indirect_dma source(%arg8 : memref<128x128xf32, #tpu.memory_space<vmem>>) target(%dma_start3A_296 : memref<10240x128xf32, #tpu.memory_space<vmem_shared>>) offsets(%dma_start3A_293 : memref<128xi32, #tpu.memory_space<vmem>>) semaphore(%run_scoped3A_290 : memref<!tpu.dma_semaphore, #tpu.memory_space<semaphore_mem>>) {add = true}
        %dma_wait3A_297 = arith.constant 0 : i32
        %dma_wait3A_298 = tpu.memref_slice %arg7[%run_scoped3A_191, %dma_wait3A_297] : memref<16x128xi32, #tpu.memory_space<vmem>> -> memref<1x128xi32, #tpu.memory_space<vmem>>
        %dma_wait3A_299 = tpu.memref_squeeze %dma_wait3A_298 : memref<1x128xi32, #tpu.memory_space<vmem>> -> memref<128xi32, #tpu.memory_space<vmem>>
        %dma_wait3A_300 = arith.constant 0 : i32
        %dma_wait3A_301 = arith.constant 0 : i32
        %dma_wait3A_302 = tpu.memref_slice %arg10[%dma_wait3A_300, %dma_wait3A_301] : memref<10240x128xf32, #tpu.memory_space<vmem_shared>> -> memref<10240x128xf32, #tpu.memory_space<vmem_shared>>
        tpu.wait_indirect_dma semaphore(%run_scoped3A_290 : memref<!tpu.dma_semaphore, #tpu.memory_space<semaphore_mem>>) src(%arg8 : memref<128x128xf32, #tpu.memory_space<vmem>>) dst(%dma_wait3A_302 : memref<10240x128xf32, #tpu.memory_space<vmem_shared>>)
        tpu.yield
      }) : () -> ()
      %dma_start3A_192 = arith.constant 10 : i32
      %dma_start3A_193 = arith.constant 0 : i32
      %dma_start3A_194 = tpu.memref_slice %arg6[%dma_start3A_192, %dma_start3A_193] : memref<16x128xi32, #tpu.memory_space<vmem>> -> memref<1x128xi32, #tpu.memory_space<vmem>>
      %dma_start3A_195 = tpu.memref_squeeze %dma_start3A_194 : memref<1x128xi32, #tpu.memory_space<vmem>> -> memref<128xi32, #tpu.memory_space<vmem>>
      %dma_start3A_196 = arith.constant 0 : i32
      %dma_start3A_197 = arith.constant 0 : i32
      %dma_start3A_198 = tpu.memref_slice %arg2[%dma_start3A_196, %dma_start3A_197] : memref<10240x128xf32, #tpu.memory_space<hbm>> -> memref<10240x128xf32, #tpu.memory_space<hbm>>
      tpu.enqueue_indirect_dma source(%dma_start3A_198 : memref<10240x128xf32, #tpu.memory_space<hbm>>) target(%arg8 : memref<128x128xf32, #tpu.memory_space<vmem>>) offsets(%dma_start3A_195 : memref<128xi32, #tpu.memory_space<vmem>>) semaphore(%arg11 : memref<!tpu.dma_semaphore, #tpu.memory_space<semaphore_mem>>)
      %dma_wait3A_199 = arith.constant 9 : i32
      %dma_wait3A_200 = arith.constant 0 : i32
      %dma_wait3A_201 = tpu.memref_slice %arg6[%dma_wait3A_199, %dma_wait3A_200] : memref<16x128xi32, #tpu.memory_space<vmem>> -> memref<1x128xi32, #tpu.memory_space<vmem>>
      %dma_wait3A_202 = tpu.memref_squeeze %dma_wait3A_201 : memref<1x128xi32, #tpu.memory_space<vmem>> -> memref<128xi32, #tpu.memory_space<vmem>>
      %dma_wait3A_203 = arith.constant 0 : i32
      %dma_wait3A_204 = arith.constant 0 : i32
      %dma_wait3A_205 = tpu.memref_slice %arg2[%dma_wait3A_203, %dma_wait3A_204] : memref<10240x128xf32, #tpu.memory_space<hbm>> -> memref<10240x128xf32, #tpu.memory_space<hbm>>
      tpu.wait_indirect_dma semaphore(%arg12 : memref<!tpu.dma_semaphore, #tpu.memory_space<semaphore_mem>>) src(%dma_wait3A_205 : memref<10240x128xf32, #tpu.memory_space<hbm>>) dst(%arg9 : memref<128x128xf32, #tpu.memory_space<vmem>>)
      %run_scoped3A_206 = arith.constant 9 : i32
      "tpu.region"() ({
        %run_scoped3A_290 = tpu.sem_alloc : memref<!tpu.dma_semaphore, #tpu.memory_space<semaphore_mem>>
        %dma_start3A_291 = arith.constant 0 : i32
        %dma_start3A_292 = tpu.memref_slice %arg7[%run_scoped3A_206, %dma_start3A_291] : memref<16x128xi32, #tpu.memory_space<vmem>> -> memref<1x128xi32, #tpu.memory_space<vmem>>
        %dma_start3A_293 = tpu.memref_squeeze %dma_start3A_292 : memref<1x128xi32, #tpu.memory_space<vmem>> -> memref<128xi32, #tpu.memory_space<vmem>>
        %dma_start3A_294 = arith.constant 0 : i32
        %dma_start3A_295 = arith.constant 0 : i32
        %dma_start3A_296 = tpu.memref_slice %arg10[%dma_start3A_294, %dma_start3A_295] : memref<10240x128xf32, #tpu.memory_space<vmem_shared>> -> memref<10240x128xf32, #tpu.memory_space<vmem_shared>>
        tpu.enqueue_indirect_dma source(%arg9 : memref<128x128xf32, #tpu.memory_space<vmem>>) target(%dma_start3A_296 : memref<10240x128xf32, #tpu.memory_space<vmem_shared>>) offsets(%dma_start3A_293 : memref<128xi32, #tpu.memory_space<vmem>>) semaphore(%run_scoped3A_290 : memref<!tpu.dma_semaphore, #tpu.memory_space<semaphore_mem>>) {add = true}
        %dma_wait3A_297 = arith.constant 0 : i32
        %dma_wait3A_298 = tpu.memref_slice %arg7[%run_scoped3A_206, %dma_wait3A_297] : memref<16x128xi32, #tpu.memory_space<vmem>> -> memref<1x128xi32, #tpu.memory_space<vmem>>
        %dma_wait3A_299 = tpu.memref_squeeze %dma_wait3A_298 : memref<1x128xi32, #tpu.memory_space<vmem>> -> memref<128xi32, #tpu.memory_space<vmem>>
        %dma_wait3A_300 = arith.constant 0 : i32
        %dma_wait3A_301 = arith.constant 0 : i32
        %dma_wait3A_302 = tpu.memref_slice %arg10[%dma_wait3A_300, %dma_wait3A_301] : memref<10240x128xf32, #tpu.memory_space<vmem_shared>> -> memref<10240x128xf32, #tpu.memory_space<vmem_shared>>
        tpu.wait_indirect_dma semaphore(%run_scoped3A_290 : memref<!tpu.dma_semaphore, #tpu.memory_space<semaphore_mem>>) src(%arg9 : memref<128x128xf32, #tpu.memory_space<vmem>>) dst(%dma_wait3A_302 : memref<10240x128xf32, #tpu.memory_space<vmem_shared>>)
        tpu.yield
      }) : () -> ()
      %dma_start3A_207 = arith.constant 11 : i32
      %dma_start3A_208 = arith.constant 0 : i32
      %dma_start3A_209 = tpu.memref_slice %arg6[%dma_start3A_207, %dma_start3A_208] : memref<16x128xi32, #tpu.memory_space<vmem>> -> memref<1x128xi32, #tpu.memory_space<vmem>>
      %dma_start3A_210 = tpu.memref_squeeze %dma_start3A_209 : memref<1x128xi32, #tpu.memory_space<vmem>> -> memref<128xi32, #tpu.memory_space<vmem>>
      %dma_start3A_211 = arith.constant 0 : i32
      %dma_start3A_212 = arith.constant 0 : i32
      %dma_start3A_213 = tpu.memref_slice %arg2[%dma_start3A_211, %dma_start3A_212] : memref<10240x128xf32, #tpu.memory_space<hbm>> -> memref<10240x128xf32, #tpu.memory_space<hbm>>
      tpu.enqueue_indirect_dma source(%dma_start3A_213 : memref<10240x128xf32, #tpu.memory_space<hbm>>) target(%arg9 : memref<128x128xf32, #tpu.memory_space<vmem>>) offsets(%dma_start3A_210 : memref<128xi32, #tpu.memory_space<vmem>>) semaphore(%arg12 : memref<!tpu.dma_semaphore, #tpu.memory_space<semaphore_mem>>)
      %dma_wait3A_214 = arith.constant 10 : i32
      %dma_wait3A_215 = arith.constant 0 : i32
      %dma_wait3A_216 = tpu.memref_slice %arg6[%dma_wait3A_214, %dma_wait3A_215] : memref<16x128xi32, #tpu.memory_space<vmem>> -> memref<1x128xi32, #tpu.memory_space<vmem>>
      %dma_wait3A_217 = tpu.memref_squeeze %dma_wait3A_216 : memref<1x128xi32, #tpu.memory_space<vmem>> -> memref<128xi32, #tpu.memory_space<vmem>>
      %dma_wait3A_218 = arith.constant 0 : i32
      %dma_wait3A_219 = arith.constant 0 : i32
      %dma_wait3A_220 = tpu.memref_slice %arg2[%dma_wait3A_218, %dma_wait3A_219] : memref<10240x128xf32, #tpu.memory_space<hbm>> -> memref<10240x128xf32, #tpu.memory_space<hbm>>
      tpu.wait_indirect_dma semaphore(%arg11 : memref<!tpu.dma_semaphore, #tpu.memory_space<semaphore_mem>>) src(%dma_wait3A_220 : memref<10240x128xf32, #tpu.memory_space<hbm>>) dst(%arg8 : memref<128x128xf32, #tpu.memory_space<vmem>>)
      %run_scoped3A_221 = arith.constant 10 : i32
      "tpu.region"() ({
        %run_scoped3A_290 = tpu.sem_alloc : memref<!tpu.dma_semaphore, #tpu.memory_space<semaphore_mem>>
        %dma_start3A_291 = arith.constant 0 : i32
        %dma_start3A_292 = tpu.memref_slice %arg7[%run_scoped3A_221, %dma_start3A_291] : memref<16x128xi32, #tpu.memory_space<vmem>> -> memref<1x128xi32, #tpu.memory_space<vmem>>
        %dma_start3A_293 = tpu.memref_squeeze %dma_start3A_292 : memref<1x128xi32, #tpu.memory_space<vmem>> -> memref<128xi32, #tpu.memory_space<vmem>>
        %dma_start3A_294 = arith.constant 0 : i32
        %dma_start3A_295 = arith.constant 0 : i32
        %dma_start3A_296 = tpu.memref_slice %arg10[%dma_start3A_294, %dma_start3A_295] : memref<10240x128xf32, #tpu.memory_space<vmem_shared>> -> memref<10240x128xf32, #tpu.memory_space<vmem_shared>>
        tpu.enqueue_indirect_dma source(%arg8 : memref<128x128xf32, #tpu.memory_space<vmem>>) target(%dma_start3A_296 : memref<10240x128xf32, #tpu.memory_space<vmem_shared>>) offsets(%dma_start3A_293 : memref<128xi32, #tpu.memory_space<vmem>>) semaphore(%run_scoped3A_290 : memref<!tpu.dma_semaphore, #tpu.memory_space<semaphore_mem>>) {add = true}
        %dma_wait3A_297 = arith.constant 0 : i32
        %dma_wait3A_298 = tpu.memref_slice %arg7[%run_scoped3A_221, %dma_wait3A_297] : memref<16x128xi32, #tpu.memory_space<vmem>> -> memref<1x128xi32, #tpu.memory_space<vmem>>
        %dma_wait3A_299 = tpu.memref_squeeze %dma_wait3A_298 : memref<1x128xi32, #tpu.memory_space<vmem>> -> memref<128xi32, #tpu.memory_space<vmem>>
        %dma_wait3A_300 = arith.constant 0 : i32
        %dma_wait3A_301 = arith.constant 0 : i32
        %dma_wait3A_302 = tpu.memref_slice %arg10[%dma_wait3A_300, %dma_wait3A_301] : memref<10240x128xf32, #tpu.memory_space<vmem_shared>> -> memref<10240x128xf32, #tpu.memory_space<vmem_shared>>
        tpu.wait_indirect_dma semaphore(%run_scoped3A_290 : memref<!tpu.dma_semaphore, #tpu.memory_space<semaphore_mem>>) src(%arg8 : memref<128x128xf32, #tpu.memory_space<vmem>>) dst(%dma_wait3A_302 : memref<10240x128xf32, #tpu.memory_space<vmem_shared>>)
        tpu.yield
      }) : () -> ()
      %dma_start3A_222 = arith.constant 12 : i32
      %dma_start3A_223 = arith.constant 0 : i32
      %dma_start3A_224 = tpu.memref_slice %arg6[%dma_start3A_222, %dma_start3A_223] : memref<16x128xi32, #tpu.memory_space<vmem>> -> memref<1x128xi32, #tpu.memory_space<vmem>>
      %dma_start3A_225 = tpu.memref_squeeze %dma_start3A_224 : memref<1x128xi32, #tpu.memory_space<vmem>> -> memref<128xi32, #tpu.memory_space<vmem>>
      %dma_start3A_226 = arith.constant 0 : i32
      %dma_start3A_227 = arith.constant 0 : i32
      %dma_start3A_228 = tpu.memref_slice %arg2[%dma_start3A_226, %dma_start3A_227] : memref<10240x128xf32, #tpu.memory_space<hbm>> -> memref<10240x128xf32, #tpu.memory_space<hbm>>
      tpu.enqueue_indirect_dma source(%dma_start3A_228 : memref<10240x128xf32, #tpu.memory_space<hbm>>) target(%arg8 : memref<128x128xf32, #tpu.memory_space<vmem>>) offsets(%dma_start3A_225 : memref<128xi32, #tpu.memory_space<vmem>>) semaphore(%arg11 : memref<!tpu.dma_semaphore, #tpu.memory_space<semaphore_mem>>)
      %dma_wait3A_229 = arith.constant 11 : i32
      %dma_wait3A_230 = arith.constant 0 : i32
      %dma_wait3A_231 = tpu.memref_slice %arg6[%dma_wait3A_229, %dma_wait3A_230] : memref<16x128xi32, #tpu.memory_space<vmem>> -> memref<1x128xi32, #tpu.memory_space<vmem>>
      %dma_wait3A_232 = tpu.memref_squeeze %dma_wait3A_231 : memref<1x128xi32, #tpu.memory_space<vmem>> -> memref<128xi32, #tpu.memory_space<vmem>>
      %dma_wait3A_233 = arith.constant 0 : i32
      %dma_wait3A_234 = arith.constant 0 : i32
      %dma_wait3A_235 = tpu.memref_slice %arg2[%dma_wait3A_233, %dma_wait3A_234] : memref<10240x128xf32, #tpu.memory_space<hbm>> -> memref<10240x128xf32, #tpu.memory_space<hbm>>
      tpu.wait_indirect_dma semaphore(%arg12 : memref<!tpu.dma_semaphore, #tpu.memory_space<semaphore_mem>>) src(%dma_wait3A_235 : memref<10240x128xf32, #tpu.memory_space<hbm>>) dst(%arg9 : memref<128x128xf32, #tpu.memory_space<vmem>>)
      %run_scoped3A_236 = arith.constant 11 : i32
      "tpu.region"() ({
        %run_scoped3A_290 = tpu.sem_alloc : memref<!tpu.dma_semaphore, #tpu.memory_space<semaphore_mem>>
        %dma_start3A_291 = arith.constant 0 : i32
        %dma_start3A_292 = tpu.memref_slice %arg7[%run_scoped3A_236, %dma_start3A_291] : memref<16x128xi32, #tpu.memory_space<vmem>> -> memref<1x128xi32, #tpu.memory_space<vmem>>
        %dma_start3A_293 = tpu.memref_squeeze %dma_start3A_292 : memref<1x128xi32, #tpu.memory_space<vmem>> -> memref<128xi32, #tpu.memory_space<vmem>>
        %dma_start3A_294 = arith.constant 0 : i32
        %dma_start3A_295 = arith.constant 0 : i32
        %dma_start3A_296 = tpu.memref_slice %arg10[%dma_start3A_294, %dma_start3A_295] : memref<10240x128xf32, #tpu.memory_space<vmem_shared>> -> memref<10240x128xf32, #tpu.memory_space<vmem_shared>>
        tpu.enqueue_indirect_dma source(%arg9 : memref<128x128xf32, #tpu.memory_space<vmem>>) target(%dma_start3A_296 : memref<10240x128xf32, #tpu.memory_space<vmem_shared>>) offsets(%dma_start3A_293 : memref<128xi32, #tpu.memory_space<vmem>>) semaphore(%run_scoped3A_290 : memref<!tpu.dma_semaphore, #tpu.memory_space<semaphore_mem>>) {add = true}
        %dma_wait3A_297 = arith.constant 0 : i32
        %dma_wait3A_298 = tpu.memref_slice %arg7[%run_scoped3A_236, %dma_wait3A_297] : memref<16x128xi32, #tpu.memory_space<vmem>> -> memref<1x128xi32, #tpu.memory_space<vmem>>
        %dma_wait3A_299 = tpu.memref_squeeze %dma_wait3A_298 : memref<1x128xi32, #tpu.memory_space<vmem>> -> memref<128xi32, #tpu.memory_space<vmem>>
        %dma_wait3A_300 = arith.constant 0 : i32
        %dma_wait3A_301 = arith.constant 0 : i32
        %dma_wait3A_302 = tpu.memref_slice %arg10[%dma_wait3A_300, %dma_wait3A_301] : memref<10240x128xf32, #tpu.memory_space<vmem_shared>> -> memref<10240x128xf32, #tpu.memory_space<vmem_shared>>
        tpu.wait_indirect_dma semaphore(%run_scoped3A_290 : memref<!tpu.dma_semaphore, #tpu.memory_space<semaphore_mem>>) src(%arg9 : memref<128x128xf32, #tpu.memory_space<vmem>>) dst(%dma_wait3A_302 : memref<10240x128xf32, #tpu.memory_space<vmem_shared>>)
        tpu.yield
      }) : () -> ()
      %dma_start3A_237 = arith.constant 13 : i32
      %dma_start3A_238 = arith.constant 0 : i32
      %dma_start3A_239 = tpu.memref_slice %arg6[%dma_start3A_237, %dma_start3A_238] : memref<16x128xi32, #tpu.memory_space<vmem>> -> memref<1x128xi32, #tpu.memory_space<vmem>>
      %dma_start3A_240 = tpu.memref_squeeze %dma_start3A_239 : memref<1x128xi32, #tpu.memory_space<vmem>> -> memref<128xi32, #tpu.memory_space<vmem>>
      %dma_start3A_241 = arith.constant 0 : i32
      %dma_start3A_242 = arith.constant 0 : i32
      %dma_start3A_243 = tpu.memref_slice %arg2[%dma_start3A_241, %dma_start3A_242] : memref<10240x128xf32, #tpu.memory_space<hbm>> -> memref<10240x128xf32, #tpu.memory_space<hbm>>
      tpu.enqueue_indirect_dma source(%dma_start3A_243 : memref<10240x128xf32, #tpu.memory_space<hbm>>) target(%arg9 : memref<128x128xf32, #tpu.memory_space<vmem>>) offsets(%dma_start3A_240 : memref<128xi32, #tpu.memory_space<vmem>>) semaphore(%arg12 : memref<!tpu.dma_semaphore, #tpu.memory_space<semaphore_mem>>)
      %dma_wait3A_244 = arith.constant 12 : i32
      %dma_wait3A_245 = arith.constant 0 : i32
      %dma_wait3A_246 = tpu.memref_slice %arg6[%dma_wait3A_244, %dma_wait3A_245] : memref<16x128xi32, #tpu.memory_space<vmem>> -> memref<1x128xi32, #tpu.memory_space<vmem>>
      %dma_wait3A_247 = tpu.memref_squeeze %dma_wait3A_246 : memref<1x128xi32, #tpu.memory_space<vmem>> -> memref<128xi32, #tpu.memory_space<vmem>>
      %dma_wait3A_248 = arith.constant 0 : i32
      %dma_wait3A_249 = arith.constant 0 : i32
      %dma_wait3A_250 = tpu.memref_slice %arg2[%dma_wait3A_248, %dma_wait3A_249] : memref<10240x128xf32, #tpu.memory_space<hbm>> -> memref<10240x128xf32, #tpu.memory_space<hbm>>
      tpu.wait_indirect_dma semaphore(%arg11 : memref<!tpu.dma_semaphore, #tpu.memory_space<semaphore_mem>>) src(%dma_wait3A_250 : memref<10240x128xf32, #tpu.memory_space<hbm>>) dst(%arg8 : memref<128x128xf32, #tpu.memory_space<vmem>>)
      %run_scoped3A_251 = arith.constant 12 : i32
      "tpu.region"() ({
        %run_scoped3A_290 = tpu.sem_alloc : memref<!tpu.dma_semaphore, #tpu.memory_space<semaphore_mem>>
        %dma_start3A_291 = arith.constant 0 : i32
        %dma_start3A_292 = tpu.memref_slice %arg7[%run_scoped3A_251, %dma_start3A_291] : memref<16x128xi32, #tpu.memory_space<vmem>> -> memref<1x128xi32, #tpu.memory_space<vmem>>
        %dma_start3A_293 = tpu.memref_squeeze %dma_start3A_292 : memref<1x128xi32, #tpu.memory_space<vmem>> -> memref<128xi32, #tpu.memory_space<vmem>>
        %dma_start3A_294 = arith.constant 0 : i32
        %dma_start3A_295 = arith.constant 0 : i32
        %dma_start3A_296 = tpu.memref_slice %arg10[%dma_start3A_294, %dma_start3A_295] : memref<10240x128xf32, #tpu.memory_space<vmem_shared>> -> memref<10240x128xf32, #tpu.memory_space<vmem_shared>>
        tpu.enqueue_indirect_dma source(%arg8 : memref<128x128xf32, #tpu.memory_space<vmem>>) target(%dma_start3A_296 : memref<10240x128xf32, #tpu.memory_space<vmem_shared>>) offsets(%dma_start3A_293 : memref<128xi32, #tpu.memory_space<vmem>>) semaphore(%run_scoped3A_290 : memref<!tpu.dma_semaphore, #tpu.memory_space<semaphore_mem>>) {add = true}
        %dma_wait3A_297 = arith.constant 0 : i32
        %dma_wait3A_298 = tpu.memref_slice %arg7[%run_scoped3A_251, %dma_wait3A_297] : memref<16x128xi32, #tpu.memory_space<vmem>> -> memref<1x128xi32, #tpu.memory_space<vmem>>
        %dma_wait3A_299 = tpu.memref_squeeze %dma_wait3A_298 : memref<1x128xi32, #tpu.memory_space<vmem>> -> memref<128xi32, #tpu.memory_space<vmem>>
        %dma_wait3A_300 = arith.constant 0 : i32
        %dma_wait3A_301 = arith.constant 0 : i32
        %dma_wait3A_302 = tpu.memref_slice %arg10[%dma_wait3A_300, %dma_wait3A_301] : memref<10240x128xf32, #tpu.memory_space<vmem_shared>> -> memref<10240x128xf32, #tpu.memory_space<vmem_shared>>
        tpu.wait_indirect_dma semaphore(%run_scoped3A_290 : memref<!tpu.dma_semaphore, #tpu.memory_space<semaphore_mem>>) src(%arg8 : memref<128x128xf32, #tpu.memory_space<vmem>>) dst(%dma_wait3A_302 : memref<10240x128xf32, #tpu.memory_space<vmem_shared>>)
        tpu.yield
      }) : () -> ()
      %dma_start3A_252 = arith.constant 14 : i32
      %dma_start3A_253 = arith.constant 0 : i32
      %dma_start3A_254 = tpu.memref_slice %arg6[%dma_start3A_252, %dma_start3A_253] : memref<16x128xi32, #tpu.memory_space<vmem>> -> memref<1x128xi32, #tpu.memory_space<vmem>>
      %dma_start3A_255 = tpu.memref_squeeze %dma_start3A_254 : memref<1x128xi32, #tpu.memory_space<vmem>> -> memref<128xi32, #tpu.memory_space<vmem>>
      %dma_start3A_256 = arith.constant 0 : i32
      %dma_start3A_257 = arith.constant 0 : i32
      %dma_start3A_258 = tpu.memref_slice %arg2[%dma_start3A_256, %dma_start3A_257] : memref<10240x128xf32, #tpu.memory_space<hbm>> -> memref<10240x128xf32, #tpu.memory_space<hbm>>
      tpu.enqueue_indirect_dma source(%dma_start3A_258 : memref<10240x128xf32, #tpu.memory_space<hbm>>) target(%arg8 : memref<128x128xf32, #tpu.memory_space<vmem>>) offsets(%dma_start3A_255 : memref<128xi32, #tpu.memory_space<vmem>>) semaphore(%arg11 : memref<!tpu.dma_semaphore, #tpu.memory_space<semaphore_mem>>)
      %dma_wait3A_259 = arith.constant 13 : i32
      %dma_wait3A_260 = arith.constant 0 : i32
      %dma_wait3A_261 = tpu.memref_slice %arg6[%dma_wait3A_259, %dma_wait3A_260] : memref<16x128xi32, #tpu.memory_space<vmem>> -> memref<1x128xi32, #tpu.memory_space<vmem>>
      %dma_wait3A_262 = tpu.memref_squeeze %dma_wait3A_261 : memref<1x128xi32, #tpu.memory_space<vmem>> -> memref<128xi32, #tpu.memory_space<vmem>>
      %dma_wait3A_263 = arith.constant 0 : i32
      %dma_wait3A_264 = arith.constant 0 : i32
      %dma_wait3A_265 = tpu.memref_slice %arg2[%dma_wait3A_263, %dma_wait3A_264] : memref<10240x128xf32, #tpu.memory_space<hbm>> -> memref<10240x128xf32, #tpu.memory_space<hbm>>
      tpu.wait_indirect_dma semaphore(%arg12 : memref<!tpu.dma_semaphore, #tpu.memory_space<semaphore_mem>>) src(%dma_wait3A_265 : memref<10240x128xf32, #tpu.memory_space<hbm>>) dst(%arg9 : memref<128x128xf32, #tpu.memory_space<vmem>>)
      %run_scoped3A_266 = arith.constant 13 : i32
      "tpu.region"() ({
        %run_scoped3A_290 = tpu.sem_alloc : memref<!tpu.dma_semaphore, #tpu.memory_space<semaphore_mem>>
        %dma_start3A_291 = arith.constant 0 : i32
        %dma_start3A_292 = tpu.memref_slice %arg7[%run_scoped3A_266, %dma_start3A_291] : memref<16x128xi32, #tpu.memory_space<vmem>> -> memref<1x128xi32, #tpu.memory_space<vmem>>
        %dma_start3A_293 = tpu.memref_squeeze %dma_start3A_292 : memref<1x128xi32, #tpu.memory_space<vmem>> -> memref<128xi32, #tpu.memory_space<vmem>>
        %dma_start3A_294 = arith.constant 0 : i32
        %dma_start3A_295 = arith.constant 0 : i32
        %dma_start3A_296 = tpu.memref_slice %arg10[%dma_start3A_294, %dma_start3A_295] : memref<10240x128xf32, #tpu.memory_space<vmem_shared>> -> memref<10240x128xf32, #tpu.memory_space<vmem_shared>>
        tpu.enqueue_indirect_dma source(%arg9 : memref<128x128xf32, #tpu.memory_space<vmem>>) target(%dma_start3A_296 : memref<10240x128xf32, #tpu.memory_space<vmem_shared>>) offsets(%dma_start3A_293 : memref<128xi32, #tpu.memory_space<vmem>>) semaphore(%run_scoped3A_290 : memref<!tpu.dma_semaphore, #tpu.memory_space<semaphore_mem>>) {add = true}
        %dma_wait3A_297 = arith.constant 0 : i32
        %dma_wait3A_298 = tpu.memref_slice %arg7[%run_scoped3A_266, %dma_wait3A_297] : memref<16x128xi32, #tpu.memory_space<vmem>> -> memref<1x128xi32, #tpu.memory_space<vmem>>
        %dma_wait3A_299 = tpu.memref_squeeze %dma_wait3A_298 : memref<1x128xi32, #tpu.memory_space<vmem>> -> memref<128xi32, #tpu.memory_space<vmem>>
        %dma_wait3A_300 = arith.constant 0 : i32
        %dma_wait3A_301 = arith.constant 0 : i32
        %dma_wait3A_302 = tpu.memref_slice %arg10[%dma_wait3A_300, %dma_wait3A_301] : memref<10240x128xf32, #tpu.memory_space<vmem_shared>> -> memref<10240x128xf32, #tpu.memory_space<vmem_shared>>
        tpu.wait_indirect_dma semaphore(%run_scoped3A_290 : memref<!tpu.dma_semaphore, #tpu.memory_space<semaphore_mem>>) src(%arg9 : memref<128x128xf32, #tpu.memory_space<vmem>>) dst(%dma_wait3A_302 : memref<10240x128xf32, #tpu.memory_space<vmem_shared>>)
        tpu.yield
      }) : () -> ()
      %dma_start3A_267 = arith.constant 15 : i32
      %dma_start3A_268 = arith.constant 0 : i32
      %dma_start3A_269 = tpu.memref_slice %arg6[%dma_start3A_267, %dma_start3A_268] : memref<16x128xi32, #tpu.memory_space<vmem>> -> memref<1x128xi32, #tpu.memory_space<vmem>>
      %dma_start3A_270 = tpu.memref_squeeze %dma_start3A_269 : memref<1x128xi32, #tpu.memory_space<vmem>> -> memref<128xi32, #tpu.memory_space<vmem>>
      %dma_start3A_271 = arith.constant 0 : i32
      %dma_start3A_272 = arith.constant 0 : i32
      %dma_start3A_273 = tpu.memref_slice %arg2[%dma_start3A_271, %dma_start3A_272] : memref<10240x128xf32, #tpu.memory_space<hbm>> -> memref<10240x128xf32, #tpu.memory_space<hbm>>
      tpu.enqueue_indirect_dma source(%dma_start3A_273 : memref<10240x128xf32, #tpu.memory_space<hbm>>) target(%arg9 : memref<128x128xf32, #tpu.memory_space<vmem>>) offsets(%dma_start3A_270 : memref<128xi32, #tpu.memory_space<vmem>>) semaphore(%arg12 : memref<!tpu.dma_semaphore, #tpu.memory_space<semaphore_mem>>)
      %dma_wait3A_274 = arith.constant 14 : i32
      %dma_wait3A_275 = arith.constant 0 : i32
      %dma_wait3A_276 = tpu.memref_slice %arg6[%dma_wait3A_274, %dma_wait3A_275] : memref<16x128xi32, #tpu.memory_space<vmem>> -> memref<1x128xi32, #tpu.memory_space<vmem>>
      %dma_wait3A_277 = tpu.memref_squeeze %dma_wait3A_276 : memref<1x128xi32, #tpu.memory_space<vmem>> -> memref<128xi32, #tpu.memory_space<vmem>>
      %dma_wait3A_278 = arith.constant 0 : i32
      %dma_wait3A_279 = arith.constant 0 : i32
      %dma_wait3A_280 = tpu.memref_slice %arg2[%dma_wait3A_278, %dma_wait3A_279] : memref<10240x128xf32, #tpu.memory_space<hbm>> -> memref<10240x128xf32, #tpu.memory_space<hbm>>
      tpu.wait_indirect_dma semaphore(%arg11 : memref<!tpu.dma_semaphore, #tpu.memory_space<semaphore_mem>>) src(%dma_wait3A_280 : memref<10240x128xf32, #tpu.memory_space<hbm>>) dst(%arg8 : memref<128x128xf32, #tpu.memory_space<vmem>>)
      %run_scoped3A_281 = arith.constant 14 : i32
      "tpu.region"() ({
        %run_scoped3A_290 = tpu.sem_alloc : memref<!tpu.dma_semaphore, #tpu.memory_space<semaphore_mem>>
        %dma_start3A_291 = arith.constant 0 : i32
        %dma_start3A_292 = tpu.memref_slice %arg7[%run_scoped3A_281, %dma_start3A_291] : memref<16x128xi32, #tpu.memory_space<vmem>> -> memref<1x128xi32, #tpu.memory_space<vmem>>
        %dma_start3A_293 = tpu.memref_squeeze %dma_start3A_292 : memref<1x128xi32, #tpu.memory_space<vmem>> -> memref<128xi32, #tpu.memory_space<vmem>>
        %dma_start3A_294 = arith.constant 0 : i32
        %dma_start3A_295 = arith.constant 0 : i32
        %dma_start3A_296 = tpu.memref_slice %arg10[%dma_start3A_294, %dma_start3A_295] : memref<10240x128xf32, #tpu.memory_space<vmem_shared>> -> memref<10240x128xf32, #tpu.memory_space<vmem_shared>>
        tpu.enqueue_indirect_dma source(%arg8 : memref<128x128xf32, #tpu.memory_space<vmem>>) target(%dma_start3A_296 : memref<10240x128xf32, #tpu.memory_space<vmem_shared>>) offsets(%dma_start3A_293 : memref<128xi32, #tpu.memory_space<vmem>>) semaphore(%run_scoped3A_290 : memref<!tpu.dma_semaphore, #tpu.memory_space<semaphore_mem>>) {add = true}
        %dma_wait3A_297 = arith.constant 0 : i32
        %dma_wait3A_298 = tpu.memref_slice %arg7[%run_scoped3A_281, %dma_wait3A_297] : memref<16x128xi32, #tpu.memory_space<vmem>> -> memref<1x128xi32, #tpu.memory_space<vmem>>
        %dma_wait3A_299 = tpu.memref_squeeze %dma_wait3A_298 : memref<1x128xi32, #tpu.memory_space<vmem>> -> memref<128xi32, #tpu.memory_space<vmem>>
        %dma_wait3A_300 = arith.constant 0 : i32
        %dma_wait3A_301 = arith.constant 0 : i32
        %dma_wait3A_302 = tpu.memref_slice %arg10[%dma_wait3A_300, %dma_wait3A_301] : memref<10240x128xf32, #tpu.memory_space<vmem_shared>> -> memref<10240x128xf32, #tpu.memory_space<vmem_shared>>
        tpu.wait_indirect_dma semaphore(%run_scoped3A_290 : memref<!tpu.dma_semaphore, #tpu.memory_space<semaphore_mem>>) src(%arg8 : memref<128x128xf32, #tpu.memory_space<vmem>>) dst(%dma_wait3A_302 : memref<10240x128xf32, #tpu.memory_space<vmem_shared>>)
        tpu.yield
      }) : () -> ()
      %dma_wait3A_282 = arith.constant 15 : i32
      %dma_wait3A_283 = arith.constant 0 : i32
      %dma_wait3A_284 = tpu.memref_slice %arg6[%dma_wait3A_282, %dma_wait3A_283] : memref<16x128xi32, #tpu.memory_space<vmem>> -> memref<1x128xi32, #tpu.memory_space<vmem>>
      %dma_wait3A_285 = tpu.memref_squeeze %dma_wait3A_284 : memref<1x128xi32, #tpu.memory_space<vmem>> -> memref<128xi32, #tpu.memory_space<vmem>>
      %dma_wait3A_286 = arith.constant 0 : i32
      %dma_wait3A_287 = arith.constant 0 : i32
      %dma_wait3A_288 = tpu.memref_slice %arg2[%dma_wait3A_286, %dma_wait3A_287] : memref<10240x128xf32, #tpu.memory_space<hbm>> -> memref<10240x128xf32, #tpu.memory_space<hbm>>
      tpu.wait_indirect_dma semaphore(%arg12 : memref<!tpu.dma_semaphore, #tpu.memory_space<semaphore_mem>>) src(%dma_wait3A_288 : memref<10240x128xf32, #tpu.memory_space<hbm>>) dst(%arg9 : memref<128x128xf32, #tpu.memory_space<vmem>>)
      %run_scoped3A_289 = arith.constant 15 : i32
      "tpu.region"() ({
        %run_scoped3A_290 = tpu.sem_alloc : memref<!tpu.dma_semaphore, #tpu.memory_space<semaphore_mem>>
        %dma_start3A_291 = arith.constant 0 : i32
        %dma_start3A_292 = tpu.memref_slice %arg7[%run_scoped3A_289, %dma_start3A_291] : memref<16x128xi32, #tpu.memory_space<vmem>> -> memref<1x128xi32, #tpu.memory_space<vmem>>
        %dma_start3A_293 = tpu.memref_squeeze %dma_start3A_292 : memref<1x128xi32, #tpu.memory_space<vmem>> -> memref<128xi32, #tpu.memory_space<vmem>>
        %dma_start3A_294 = arith.constant 0 : i32
        %dma_start3A_295 = arith.constant 0 : i32
        %dma_start3A_296 = tpu.memref_slice %arg10[%dma_start3A_294, %dma_start3A_295] : memref<10240x128xf32, #tpu.memory_space<vmem_shared>> -> memref<10240x128xf32, #tpu.memory_space<vmem_shared>>
        tpu.enqueue_indirect_dma source(%arg9 : memref<128x128xf32, #tpu.memory_space<vmem>>) target(%dma_start3A_296 : memref<10240x128xf32, #tpu.memory_space<vmem_shared>>) offsets(%dma_start3A_293 : memref<128xi32, #tpu.memory_space<vmem>>) semaphore(%run_scoped3A_290 : memref<!tpu.dma_semaphore, #tpu.memory_space<semaphore_mem>>) {add = true}
        %dma_wait3A_297 = arith.constant 0 : i32
        %dma_wait3A_298 = tpu.memref_slice %arg7[%run_scoped3A_289, %dma_wait3A_297] : memref<16x128xi32, #tpu.memory_space<vmem>> -> memref<1x128xi32, #tpu.memory_space<vmem>>
        %dma_wait3A_299 = tpu.memref_squeeze %dma_wait3A_298 : memref<1x128xi32, #tpu.memory_space<vmem>> -> memref<128xi32, #tpu.memory_space<vmem>>
        %dma_wait3A_300 = arith.constant 0 : i32
        %dma_wait3A_301 = arith.constant 0 : i32
        %dma_wait3A_302 = tpu.memref_slice %arg10[%dma_wait3A_300, %dma_wait3A_301] : memref<10240x128xf32, #tpu.memory_space<vmem_shared>> -> memref<10240x128xf32, #tpu.memory_space<vmem_shared>>
        tpu.wait_indirect_dma semaphore(%run_scoped3A_290 : memref<!tpu.dma_semaphore, #tpu.memory_space<semaphore_mem>>) src(%arg9 : memref<128x128xf32, #tpu.memory_space<vmem>>) dst(%dma_wait3A_302 : memref<10240x128xf32, #tpu.memory_space<vmem_shared>>)
        tpu.yield
      }) : () -> ()
    }
    %while3A_43 = arith.constant 1 : i32
    scf.for %while3A_49 = %while3A_41 to %while3A_37 step %while3A_43  : i32 {
      %mul3A_50 = arith.constant 16 : i32
      %mul3A_51 = arith.muli %while3A_49, %mul3A_50 : i32
      %add3A_52 = arith.addi %select_n3A, %mul3A_51 : i32
      "tpu.region"() ({
        %run_scoped3A_290 = tpu.sem_alloc : memref<!tpu.dma_semaphore, #tpu.memory_space<semaphore_mem>>
        %dma_start3A_291 = arith.constant 0 : i32
        %dma_start3A_292 = tpu.memref_slice %arg3[%add3A_52, %dma_start3A_291] : memref<2560x128xi32, #tpu.memory_space<hbm>> -> memref<16x128xi32, #tpu.memory_space<hbm>>
        %dma_start3A_293 = arith.constant 0 : i32
        %dma_start3A_294 = tpu.memref_slice %arg3[%add3A_52, %dma_start3A_293] : memref<2560x128xi32, #tpu.memory_space<hbm>> -> memref<16x128xi32, #tpu.memory_space<hbm>>
        tpu.enqueue_dma source(%dma_start3A_294 : memref<16x128xi32, #tpu.memory_space<hbm>>) target(%arg6 : memref<16x128xi32, #tpu.memory_space<vmem>>) target_semaphore(%run_scoped3A_290 : memref<!tpu.dma_semaphore, #tpu.memory_space<semaphore_mem>>)
        %dma_wait3A_295 = arith.constant 0 : i32
        %dma_wait3A_296 = tpu.memref_slice %arg3[%add3A_52, %dma_wait3A_295] : memref<2560x128xi32, #tpu.memory_space<hbm>> -> memref<16x128xi32, #tpu.memory_space<hbm>>
        %dma_wait3A_297 = arith.constant 0 : i32
        %dma_wait3A_298 = tpu.memref_slice %arg3[%add3A_52, %dma_wait3A_297] : memref<2560x128xi32, #tpu.memory_space<hbm>> -> memref<16x128xi32, #tpu.memory_space<hbm>>
        tpu.wait_dma2 semaphore(%run_scoped3A_290 : memref<!tpu.dma_semaphore, #tpu.memory_space<semaphore_mem>>) src(%dma_wait3A_298 : memref<16x128xi32, #tpu.memory_space<hbm>>) dst(%arg6 : memref<16x128xi32, #tpu.memory_space<vmem>>)
        tpu.yield
      }) : () -> ()
      "tpu.region"() ({
        %run_scoped3A_290 = tpu.sem_alloc : memref<!tpu.dma_semaphore, #tpu.memory_space<semaphore_mem>>
        %dma_start3A_291 = arith.constant 0 : i32
        %dma_start3A_292 = tpu.memref_slice %arg4[%add3A_52, %dma_start3A_291] : memref<2560x128xi32, #tpu.memory_space<hbm>> -> memref<16x128xi32, #tpu.memory_space<hbm>>
        %dma_start3A_293 = arith.constant 0 : i32
        %dma_start3A_294 = tpu.memref_slice %arg4[%add3A_52, %dma_start3A_293] : memref<2560x128xi32, #tpu.memory_space<hbm>> -> memref<16x128xi32, #tpu.memory_space<hbm>>
        tpu.enqueue_dma source(%dma_start3A_294 : memref<16x128xi32, #tpu.memory_space<hbm>>) target(%arg7 : memref<16x128xi32, #tpu.memory_space<vmem>>) target_semaphore(%run_scoped3A_290 : memref<!tpu.dma_semaphore, #tpu.memory_space<semaphore_mem>>)
        %dma_wait3A_295 = arith.constant 0 : i32
        %dma_wait3A_296 = tpu.memref_slice %arg4[%add3A_52, %dma_wait3A_295] : memref<2560x128xi32, #tpu.memory_space<hbm>> -> memref<16x128xi32, #tpu.memory_space<hbm>>
        %dma_wait3A_297 = arith.constant 0 : i32
        %dma_wait3A_298 = tpu.memref_slice %arg4[%add3A_52, %dma_wait3A_297] : memref<2560x128xi32, #tpu.memory_space<hbm>> -> memref<16x128xi32, #tpu.memory_space<hbm>>
        tpu.wait_dma2 semaphore(%run_scoped3A_290 : memref<!tpu.dma_semaphore, #tpu.memory_space<semaphore_mem>>) src(%dma_wait3A_298 : memref<16x128xi32, #tpu.memory_space<hbm>>) dst(%arg7 : memref<16x128xi32, #tpu.memory_space<vmem>>)
        tpu.yield
      }) : () -> ()
      %dma_start3A = arith.constant 0 : i32
      %dma_start3A_53 = arith.constant 0 : i32
      %dma_start3A_54 = tpu.memref_slice %arg6[%dma_start3A, %dma_start3A_53] : memref<16x128xi32, #tpu.memory_space<vmem>> -> memref<1x128xi32, #tpu.memory_space<vmem>>
      %dma_start3A_55 = tpu.memref_squeeze %dma_start3A_54 : memref<1x128xi32, #tpu.memory_space<vmem>> -> memref<128xi32, #tpu.memory_space<vmem>>
      %dma_start3A_56 = arith.constant 0 : i32
      %dma_start3A_57 = arith.constant 0 : i32
      %dma_start3A_58 = tpu.memref_slice %arg2[%dma_start3A_56, %dma_start3A_57] : memref<10240x128xf32, #tpu.memory_space<hbm>> -> memref<10240x128xf32, #tpu.memory_space<hbm>>
      tpu.enqueue_indirect_dma source(%dma_start3A_58 : memref<10240x128xf32, #tpu.memory_space<hbm>>) target(%arg8 : memref<128x128xf32, #tpu.memory_space<vmem>>) offsets(%dma_start3A_55 : memref<128xi32, #tpu.memory_space<vmem>>) semaphore(%arg11 : memref<!tpu.dma_semaphore, #tpu.memory_space<semaphore_mem>>)
      %dma_start3A_59 = arith.constant 1 : i32
      %dma_start3A_60 = arith.constant 0 : i32
      %dma_start3A_61 = tpu.memref_slice %arg6[%dma_start3A_59, %dma_start3A_60] : memref<16x128xi32, #tpu.memory_space<vmem>> -> memref<1x128xi32, #tpu.memory_space<vmem>>
      %dma_start3A_62 = tpu.memref_squeeze %dma_start3A_61 : memref<1x128xi32, #tpu.memory_space<vmem>> -> memref<128xi32, #tpu.memory_space<vmem>>
      %dma_start3A_63 = arith.constant 0 : i32
      %dma_start3A_64 = arith.constant 0 : i32
      %dma_start3A_65 = tpu.memref_slice %arg2[%dma_start3A_63, %dma_start3A_64] : memref<10240x128xf32, #tpu.memory_space<hbm>> -> memref<10240x128xf32, #tpu.memory_space<hbm>>
      tpu.enqueue_indirect_dma source(%dma_start3A_65 : memref<10240x128xf32, #tpu.memory_space<hbm>>) target(%arg9 : memref<128x128xf32, #tpu.memory_space<vmem>>) offsets(%dma_start3A_62 : memref<128xi32, #tpu.memory_space<vmem>>) semaphore(%arg12 : memref<!tpu.dma_semaphore, #tpu.memory_space<semaphore_mem>>)
      %dma_wait3A = arith.constant 0 : i32
      %dma_wait3A_66 = arith.constant 0 : i32
      %dma_wait3A_67 = tpu.memref_slice %arg6[%dma_wait3A, %dma_wait3A_66] : memref<16x128xi32, #tpu.memory_space<vmem>> -> memref<1x128xi32, #tpu.memory_space<vmem>>
      %dma_wait3A_68 = tpu.memref_squeeze %dma_wait3A_67 : memref<1x128xi32, #tpu.memory_space<vmem>> -> memref<128xi32, #tpu.memory_space<vmem>>
      %dma_wait3A_69 = arith.constant 0 : i32
      %dma_wait3A_70 = arith.constant 0 : i32
      %dma_wait3A_71 = tpu.memref_slice %arg2[%dma_wait3A_69, %dma_wait3A_70] : memref<10240x128xf32, #tpu.memory_space<hbm>> -> memref<10240x128xf32, #tpu.memory_space<hbm>>
      tpu.wait_indirect_dma semaphore(%arg11 : memref<!tpu.dma_semaphore, #tpu.memory_space<semaphore_mem>>) src(%dma_wait3A_71 : memref<10240x128xf32, #tpu.memory_space<hbm>>) dst(%arg8 : memref<128x128xf32, #tpu.memory_space<vmem>>)
      %run_scoped3A = arith.constant 0 : i32
      "tpu.region"() ({
        %run_scoped3A_290 = tpu.sem_alloc : memref<!tpu.dma_semaphore, #tpu.memory_space<semaphore_mem>>
        %dma_start3A_291 = arith.constant 0 : i32
        %dma_start3A_292 = tpu.memref_slice %arg7[%run_scoped3A, %dma_start3A_291] : memref<16x128xi32, #tpu.memory_space<vmem>> -> memref<1x128xi32, #tpu.memory_space<vmem>>
        %dma_start3A_293 = tpu.memref_squeeze %dma_start3A_292 : memref<1x128xi32, #tpu.memory_space<vmem>> -> memref<128xi32, #tpu.memory_space<vmem>>
        %dma_start3A_294 = arith.constant 0 : i32
        %dma_start3A_295 = arith.constant 0 : i32
        %dma_start3A_296 = tpu.memref_slice %arg10[%dma_start3A_294, %dma_start3A_295] : memref<10240x128xf32, #tpu.memory_space<vmem_shared>> -> memref<10240x128xf32, #tpu.memory_space<vmem_shared>>
        tpu.enqueue_indirect_dma source(%arg8 : memref<128x128xf32, #tpu.memory_space<vmem>>) target(%dma_start3A_296 : memref<10240x128xf32, #tpu.memory_space<vmem_shared>>) offsets(%dma_start3A_293 : memref<128xi32, #tpu.memory_space<vmem>>) semaphore(%run_scoped3A_290 : memref<!tpu.dma_semaphore, #tpu.memory_space<semaphore_mem>>) {add = true}
        %dma_wait3A_297 = arith.constant 0 : i32
        %dma_wait3A_298 = tpu.memref_slice %arg7[%run_scoped3A, %dma_wait3A_297] : memref<16x128xi32, #tpu.memory_space<vmem>> -> memref<1x128xi32, #tpu.memory_space<vmem>>
        %dma_wait3A_299 = tpu.memref_squeeze %dma_wait3A_298 : memref<1x128xi32, #tpu.memory_space<vmem>> -> memref<128xi32, #tpu.memory_space<vmem>>
        %dma_wait3A_300 = arith.constant 0 : i32
        %dma_wait3A_301 = arith.constant 0 : i32
        %dma_wait3A_302 = tpu.memref_slice %arg10[%dma_wait3A_300, %dma_wait3A_301] : memref<10240x128xf32, #tpu.memory_space<vmem_shared>> -> memref<10240x128xf32, #tpu.memory_space<vmem_shared>>
        tpu.wait_indirect_dma semaphore(%run_scoped3A_290 : memref<!tpu.dma_semaphore, #tpu.memory_space<semaphore_mem>>) src(%arg8 : memref<128x128xf32, #tpu.memory_space<vmem>>) dst(%dma_wait3A_302 : memref<10240x128xf32, #tpu.memory_space<vmem_shared>>)
        tpu.yield
      }) : () -> ()
      %dma_start3A_72 = arith.constant 2 : i32
      %dma_start3A_73 = arith.constant 0 : i32
      %dma_start3A_74 = tpu.memref_slice %arg6[%dma_start3A_72, %dma_start3A_73] : memref<16x128xi32, #tpu.memory_space<vmem>> -> memref<1x128xi32, #tpu.memory_space<vmem>>
      %dma_start3A_75 = tpu.memref_squeeze %dma_start3A_74 : memref<1x128xi32, #tpu.memory_space<vmem>> -> memref<128xi32, #tpu.memory_space<vmem>>
      %dma_start3A_76 = arith.constant 0 : i32
      %dma_start3A_77 = arith.constant 0 : i32
      %dma_start3A_78 = tpu.memref_slice %arg2[%dma_start3A_76, %dma_start3A_77] : memref<10240x128xf32, #tpu.memory_space<hbm>> -> memref<10240x128xf32, #tpu.memory_space<hbm>>
      tpu.enqueue_indirect_dma source(%dma_start3A_78 : memref<10240x128xf32, #tpu.memory_space<hbm>>) target(%arg8 : memref<128x128xf32, #tpu.memory_space<vmem>>) offsets(%dma_start3A_75 : memref<128xi32, #tpu.memory_space<vmem>>) semaphore(%arg11 : memref<!tpu.dma_semaphore, #tpu.memory_space<semaphore_mem>>)
      %dma_wait3A_79 = arith.constant 1 : i32
      %dma_wait3A_80 = arith.constant 0 : i32
      %dma_wait3A_81 = tpu.memref_slice %arg6[%dma_wait3A_79, %dma_wait3A_80] : memref<16x128xi32, #tpu.memory_space<vmem>> -> memref<1x128xi32, #tpu.memory_space<vmem>>
      %dma_wait3A_82 = tpu.memref_squeeze %dma_wait3A_81 : memref<1x128xi32, #tpu.memory_space<vmem>> -> memref<128xi32, #tpu.memory_space<vmem>>
      %dma_wait3A_83 = arith.constant 0 : i32
      %dma_wait3A_84 = arith.constant 0 : i32
      %dma_wait3A_85 = tpu.memref_slice %arg2[%dma_wait3A_83, %dma_wait3A_84] : memref<10240x128xf32, #tpu.memory_space<hbm>> -> memref<10240x128xf32, #tpu.memory_space<hbm>>
      tpu.wait_indirect_dma semaphore(%arg12 : memref<!tpu.dma_semaphore, #tpu.memory_space<semaphore_mem>>) src(%dma_wait3A_85 : memref<10240x128xf32, #tpu.memory_space<hbm>>) dst(%arg9 : memref<128x128xf32, #tpu.memory_space<vmem>>)
      %run_scoped3A_86 = arith.constant 1 : i32
      "tpu.region"() ({
        %run_scoped3A_290 = tpu.sem_alloc : memref<!tpu.dma_semaphore, #tpu.memory_space<semaphore_mem>>
        %dma_start3A_291 = arith.constant 0 : i32
        %dma_start3A_292 = tpu.memref_slice %arg7[%run_scoped3A_86, %dma_start3A_291] : memref<16x128xi32, #tpu.memory_space<vmem>> -> memref<1x128xi32, #tpu.memory_space<vmem>>
        %dma_start3A_293 = tpu.memref_squeeze %dma_start3A_292 : memref<1x128xi32, #tpu.memory_space<vmem>> -> memref<128xi32, #tpu.memory_space<vmem>>
        %dma_start3A_294 = arith.constant 0 : i32
        %dma_start3A_295 = arith.constant 0 : i32
        %dma_start3A_296 = tpu.memref_slice %arg10[%dma_start3A_294, %dma_start3A_295] : memref<10240x128xf32, #tpu.memory_space<vmem_shared>> -> memref<10240x128xf32, #tpu.memory_space<vmem_shared>>
        tpu.enqueue_indirect_dma source(%arg9 : memref<128x128xf32, #tpu.memory_space<vmem>>) target(%dma_start3A_296 : memref<10240x128xf32, #tpu.memory_space<vmem_shared>>) offsets(%dma_start3A_293 : memref<128xi32, #tpu.memory_space<vmem>>) semaphore(%run_scoped3A_290 : memref<!tpu.dma_semaphore, #tpu.memory_space<semaphore_mem>>) {add = true}
        %dma_wait3A_297 = arith.constant 0 : i32
        %dma_wait3A_298 = tpu.memref_slice %arg7[%run_scoped3A_86, %dma_wait3A_297] : memref<16x128xi32, #tpu.memory_space<vmem>> -> memref<1x128xi32, #tpu.memory_space<vmem>>
        %dma_wait3A_299 = tpu.memref_squeeze %dma_wait3A_298 : memref<1x128xi32, #tpu.memory_space<vmem>> -> memref<128xi32, #tpu.memory_space<vmem>>
        %dma_wait3A_300 = arith.constant 0 : i32
        %dma_wait3A_301 = arith.constant 0 : i32
        %dma_wait3A_302 = tpu.memref_slice %arg10[%dma_wait3A_300, %dma_wait3A_301] : memref<10240x128xf32, #tpu.memory_space<vmem_shared>> -> memref<10240x128xf32, #tpu.memory_space<vmem_shared>>
        tpu.wait_indirect_dma semaphore(%run_scoped3A_290 : memref<!tpu.dma_semaphore, #tpu.memory_space<semaphore_mem>>) src(%arg9 : memref<128x128xf32, #tpu.memory_space<vmem>>) dst(%dma_wait3A_302 : memref<10240x128xf32, #tpu.memory_space<vmem_shared>>)
        tpu.yield
      }) : () -> ()
      %dma_start3A_87 = arith.constant 3 : i32
      %dma_start3A_88 = arith.constant 0 : i32
      %dma_start3A_89 = tpu.memref_slice %arg6[%dma_start3A_87, %dma_start3A_88] : memref<16x128xi32, #tpu.memory_space<vmem>> -> memref<1x128xi32, #tpu.memory_space<vmem>>
      %dma_start3A_90 = tpu.memref_squeeze %dma_start3A_89 : memref<1x128xi32, #tpu.memory_space<vmem>> -> memref<128xi32, #tpu.memory_space<vmem>>
      %dma_start3A_91 = arith.constant 0 : i32
      %dma_start3A_92 = arith.constant 0 : i32
      %dma_start3A_93 = tpu.memref_slice %arg2[%dma_start3A_91, %dma_start3A_92] : memref<10240x128xf32, #tpu.memory_space<hbm>> -> memref<10240x128xf32, #tpu.memory_space<hbm>>
      tpu.enqueue_indirect_dma source(%dma_start3A_93 : memref<10240x128xf32, #tpu.memory_space<hbm>>) target(%arg9 : memref<128x128xf32, #tpu.memory_space<vmem>>) offsets(%dma_start3A_90 : memref<128xi32, #tpu.memory_space<vmem>>) semaphore(%arg12 : memref<!tpu.dma_semaphore, #tpu.memory_space<semaphore_mem>>)
      %dma_wait3A_94 = arith.constant 2 : i32
      %dma_wait3A_95 = arith.constant 0 : i32
      %dma_wait3A_96 = tpu.memref_slice %arg6[%dma_wait3A_94, %dma_wait3A_95] : memref<16x128xi32, #tpu.memory_space<vmem>> -> memref<1x128xi32, #tpu.memory_space<vmem>>
      %dma_wait3A_97 = tpu.memref_squeeze %dma_wait3A_96 : memref<1x128xi32, #tpu.memory_space<vmem>> -> memref<128xi32, #tpu.memory_space<vmem>>
      %dma_wait3A_98 = arith.constant 0 : i32
      %dma_wait3A_99 = arith.constant 0 : i32
      %dma_wait3A_100 = tpu.memref_slice %arg2[%dma_wait3A_98, %dma_wait3A_99] : memref<10240x128xf32, #tpu.memory_space<hbm>> -> memref<10240x128xf32, #tpu.memory_space<hbm>>
      tpu.wait_indirect_dma semaphore(%arg11 : memref<!tpu.dma_semaphore, #tpu.memory_space<semaphore_mem>>) src(%dma_wait3A_100 : memref<10240x128xf32, #tpu.memory_space<hbm>>) dst(%arg8 : memref<128x128xf32, #tpu.memory_space<vmem>>)
      %run_scoped3A_101 = arith.constant 2 : i32
      "tpu.region"() ({
        %run_scoped3A_290 = tpu.sem_alloc : memref<!tpu.dma_semaphore, #tpu.memory_space<semaphore_mem>>
        %dma_start3A_291 = arith.constant 0 : i32
        %dma_start3A_292 = tpu.memref_slice %arg7[%run_scoped3A_101, %dma_start3A_291] : memref<16x128xi32, #tpu.memory_space<vmem>> -> memref<1x128xi32, #tpu.memory_space<vmem>>
        %dma_start3A_293 = tpu.memref_squeeze %dma_start3A_292 : memref<1x128xi32, #tpu.memory_space<vmem>> -> memref<128xi32, #tpu.memory_space<vmem>>
        %dma_start3A_294 = arith.constant 0 : i32
        %dma_start3A_295 = arith.constant 0 : i32
        %dma_start3A_296 = tpu.memref_slice %arg10[%dma_start3A_294, %dma_start3A_295] : memref<10240x128xf32, #tpu.memory_space<vmem_shared>> -> memref<10240x128xf32, #tpu.memory_space<vmem_shared>>
        tpu.enqueue_indirect_dma source(%arg8 : memref<128x128xf32, #tpu.memory_space<vmem>>) target(%dma_start3A_296 : memref<10240x128xf32, #tpu.memory_space<vmem_shared>>) offsets(%dma_start3A_293 : memref<128xi32, #tpu.memory_space<vmem>>) semaphore(%run_scoped3A_290 : memref<!tpu.dma_semaphore, #tpu.memory_space<semaphore_mem>>) {add = true}
        %dma_wait3A_297 = arith.constant 0 : i32
        %dma_wait3A_298 = tpu.memref_slice %arg7[%run_scoped3A_101, %dma_wait3A_297] : memref<16x128xi32, #tpu.memory_space<vmem>> -> memref<1x128xi32, #tpu.memory_space<vmem>>
        %dma_wait3A_299 = tpu.memref_squeeze %dma_wait3A_298 : memref<1x128xi32, #tpu.memory_space<vmem>> -> memref<128xi32, #tpu.memory_space<vmem>>
        %dma_wait3A_300 = arith.constant 0 : i32
        %dma_wait3A_301 = arith.constant 0 : i32
        %dma_wait3A_302 = tpu.memref_slice %arg10[%dma_wait3A_300, %dma_wait3A_301] : memref<10240x128xf32, #tpu.memory_space<vmem_shared>> -> memref<10240x128xf32, #tpu.memory_space<vmem_shared>>
        tpu.wait_indirect_dma semaphore(%run_scoped3A_290 : memref<!tpu.dma_semaphore, #tpu.memory_space<semaphore_mem>>) src(%arg8 : memref<128x128xf32, #tpu.memory_space<vmem>>) dst(%dma_wait3A_302 : memref<10240x128xf32, #tpu.memory_space<vmem_shared>>)
        tpu.yield
      }) : () -> ()
      %dma_start3A_102 = arith.constant 4 : i32
      %dma_start3A_103 = arith.constant 0 : i32
      %dma_start3A_104 = tpu.memref_slice %arg6[%dma_start3A_102, %dma_start3A_103] : memref<16x128xi32, #tpu.memory_space<vmem>> -> memref<1x128xi32, #tpu.memory_space<vmem>>
      %dma_start3A_105 = tpu.memref_squeeze %dma_start3A_104 : memref<1x128xi32, #tpu.memory_space<vmem>> -> memref<128xi32, #tpu.memory_space<vmem>>
      %dma_start3A_106 = arith.constant 0 : i32
      %dma_start3A_107 = arith.constant 0 : i32
      %dma_start3A_108 = tpu.memref_slice %arg2[%dma_start3A_106, %dma_start3A_107] : memref<10240x128xf32, #tpu.memory_space<hbm>> -> memref<10240x128xf32, #tpu.memory_space<hbm>>
      tpu.enqueue_indirect_dma source(%dma_start3A_108 : memref<10240x128xf32, #tpu.memory_space<hbm>>) target(%arg8 : memref<128x128xf32, #tpu.memory_space<vmem>>) offsets(%dma_start3A_105 : memref<128xi32, #tpu.memory_space<vmem>>) semaphore(%arg11 : memref<!tpu.dma_semaphore, #tpu.memory_space<semaphore_mem>>)
      %dma_wait3A_109 = arith.constant 3 : i32
      %dma_wait3A_110 = arith.constant 0 : i32
      %dma_wait3A_111 = tpu.memref_slice %arg6[%dma_wait3A_109, %dma_wait3A_110] : memref<16x128xi32, #tpu.memory_space<vmem>> -> memref<1x128xi32, #tpu.memory_space<vmem>>
      %dma_wait3A_112 = tpu.memref_squeeze %dma_wait3A_111 : memref<1x128xi32, #tpu.memory_space<vmem>> -> memref<128xi32, #tpu.memory_space<vmem>>
      %dma_wait3A_113 = arith.constant 0 : i32
      %dma_wait3A_114 = arith.constant 0 : i32
      %dma_wait3A_115 = tpu.memref_slice %arg2[%dma_wait3A_113, %dma_wait3A_114] : memref<10240x128xf32, #tpu.memory_space<hbm>> -> memref<10240x128xf32, #tpu.memory_space<hbm>>
      tpu.wait_indirect_dma semaphore(%arg12 : memref<!tpu.dma_semaphore, #tpu.memory_space<semaphore_mem>>) src(%dma_wait3A_115 : memref<10240x128xf32, #tpu.memory_space<hbm>>) dst(%arg9 : memref<128x128xf32, #tpu.memory_space<vmem>>)
      %run_scoped3A_116 = arith.constant 3 : i32
      "tpu.region"() ({
        %run_scoped3A_290 = tpu.sem_alloc : memref<!tpu.dma_semaphore, #tpu.memory_space<semaphore_mem>>
        %dma_start3A_291 = arith.constant 0 : i32
        %dma_start3A_292 = tpu.memref_slice %arg7[%run_scoped3A_116, %dma_start3A_291] : memref<16x128xi32, #tpu.memory_space<vmem>> -> memref<1x128xi32, #tpu.memory_space<vmem>>
        %dma_start3A_293 = tpu.memref_squeeze %dma_start3A_292 : memref<1x128xi32, #tpu.memory_space<vmem>> -> memref<128xi32, #tpu.memory_space<vmem>>
        %dma_start3A_294 = arith.constant 0 : i32
        %dma_start3A_295 = arith.constant 0 : i32
        %dma_start3A_296 = tpu.memref_slice %arg10[%dma_start3A_294, %dma_start3A_295] : memref<10240x128xf32, #tpu.memory_space<vmem_shared>> -> memref<10240x128xf32, #tpu.memory_space<vmem_shared>>
        tpu.enqueue_indirect_dma source(%arg9 : memref<128x128xf32, #tpu.memory_space<vmem>>) target(%dma_start3A_296 : memref<10240x128xf32, #tpu.memory_space<vmem_shared>>) offsets(%dma_start3A_293 : memref<128xi32, #tpu.memory_space<vmem>>) semaphore(%run_scoped3A_290 : memref<!tpu.dma_semaphore, #tpu.memory_space<semaphore_mem>>) {add = true}
        %dma_wait3A_297 = arith.constant 0 : i32
        %dma_wait3A_298 = tpu.memref_slice %arg7[%run_scoped3A_116, %dma_wait3A_297] : memref<16x128xi32, #tpu.memory_space<vmem>> -> memref<1x128xi32, #tpu.memory_space<vmem>>
        %dma_wait3A_299 = tpu.memref_squeeze %dma_wait3A_298 : memref<1x128xi32, #tpu.memory_space<vmem>> -> memref<128xi32, #tpu.memory_space<vmem>>
        %dma_wait3A_300 = arith.constant 0 : i32
        %dma_wait3A_301 = arith.constant 0 : i32
        %dma_wait3A_302 = tpu.memref_slice %arg10[%dma_wait3A_300, %dma_wait3A_301] : memref<10240x128xf32, #tpu.memory_space<vmem_shared>> -> memref<10240x128xf32, #tpu.memory_space<vmem_shared>>
        tpu.wait_indirect_dma semaphore(%run_scoped3A_290 : memref<!tpu.dma_semaphore, #tpu.memory_space<semaphore_mem>>) src(%arg9 : memref<128x128xf32, #tpu.memory_space<vmem>>) dst(%dma_wait3A_302 : memref<10240x128xf32, #tpu.memory_space<vmem_shared>>)
        tpu.yield
      }) : () -> ()
      %dma_start3A_117 = arith.constant 5 : i32
      %dma_start3A_118 = arith.constant 0 : i32
      %dma_start3A_119 = tpu.memref_slice %arg6[%dma_start3A_117, %dma_start3A_118] : memref<16x128xi32, #tpu.memory_space<vmem>> -> memref<1x128xi32, #tpu.memory_space<vmem>>
      %dma_start3A_120 = tpu.memref_squeeze %dma_start3A_119 : memref<1x128xi32, #tpu.memory_space<vmem>> -> memref<128xi32, #tpu.memory_space<vmem>>
      %dma_start3A_121 = arith.constant 0 : i32
      %dma_start3A_122 = arith.constant 0 : i32
      %dma_start3A_123 = tpu.memref_slice %arg2[%dma_start3A_121, %dma_start3A_122] : memref<10240x128xf32, #tpu.memory_space<hbm>> -> memref<10240x128xf32, #tpu.memory_space<hbm>>
      tpu.enqueue_indirect_dma source(%dma_start3A_123 : memref<10240x128xf32, #tpu.memory_space<hbm>>) target(%arg9 : memref<128x128xf32, #tpu.memory_space<vmem>>) offsets(%dma_start3A_120 : memref<128xi32, #tpu.memory_space<vmem>>) semaphore(%arg12 : memref<!tpu.dma_semaphore, #tpu.memory_space<semaphore_mem>>)
      %dma_wait3A_124 = arith.constant 4 : i32
      %dma_wait3A_125 = arith.constant 0 : i32
      %dma_wait3A_126 = tpu.memref_slice %arg6[%dma_wait3A_124, %dma_wait3A_125] : memref<16x128xi32, #tpu.memory_space<vmem>> -> memref<1x128xi32, #tpu.memory_space<vmem>>
      %dma_wait3A_127 = tpu.memref_squeeze %dma_wait3A_126 : memref<1x128xi32, #tpu.memory_space<vmem>> -> memref<128xi32, #tpu.memory_space<vmem>>
      %dma_wait3A_128 = arith.constant 0 : i32
      %dma_wait3A_129 = arith.constant 0 : i32
      %dma_wait3A_130 = tpu.memref_slice %arg2[%dma_wait3A_128, %dma_wait3A_129] : memref<10240x128xf32, #tpu.memory_space<hbm>> -> memref<10240x128xf32, #tpu.memory_space<hbm>>
      tpu.wait_indirect_dma semaphore(%arg11 : memref<!tpu.dma_semaphore, #tpu.memory_space<semaphore_mem>>) src(%dma_wait3A_130 : memref<10240x128xf32, #tpu.memory_space<hbm>>) dst(%arg8 : memref<128x128xf32, #tpu.memory_space<vmem>>)
      %run_scoped3A_131 = arith.constant 4 : i32
      "tpu.region"() ({
        %run_scoped3A_290 = tpu.sem_alloc : memref<!tpu.dma_semaphore, #tpu.memory_space<semaphore_mem>>
        %dma_start3A_291 = arith.constant 0 : i32
        %dma_start3A_292 = tpu.memref_slice %arg7[%run_scoped3A_131, %dma_start3A_291] : memref<16x128xi32, #tpu.memory_space<vmem>> -> memref<1x128xi32, #tpu.memory_space<vmem>>
        %dma_start3A_293 = tpu.memref_squeeze %dma_start3A_292 : memref<1x128xi32, #tpu.memory_space<vmem>> -> memref<128xi32, #tpu.memory_space<vmem>>
        %dma_start3A_294 = arith.constant 0 : i32
        %dma_start3A_295 = arith.constant 0 : i32
        %dma_start3A_296 = tpu.memref_slice %arg10[%dma_start3A_294, %dma_start3A_295] : memref<10240x128xf32, #tpu.memory_space<vmem_shared>> -> memref<10240x128xf32, #tpu.memory_space<vmem_shared>>
        tpu.enqueue_indirect_dma source(%arg8 : memref<128x128xf32, #tpu.memory_space<vmem>>) target(%dma_start3A_296 : memref<10240x128xf32, #tpu.memory_space<vmem_shared>>) offsets(%dma_start3A_293 : memref<128xi32, #tpu.memory_space<vmem>>) semaphore(%run_scoped3A_290 : memref<!tpu.dma_semaphore, #tpu.memory_space<semaphore_mem>>) {add = true}
        %dma_wait3A_297 = arith.constant 0 : i32
        %dma_wait3A_298 = tpu.memref_slice %arg7[%run_scoped3A_131, %dma_wait3A_297] : memref<16x128xi32, #tpu.memory_space<vmem>> -> memref<1x128xi32, #tpu.memory_space<vmem>>
        %dma_wait3A_299 = tpu.memref_squeeze %dma_wait3A_298 : memref<1x128xi32, #tpu.memory_space<vmem>> -> memref<128xi32, #tpu.memory_space<vmem>>
        %dma_wait3A_300 = arith.constant 0 : i32
        %dma_wait3A_301 = arith.constant 0 : i32
        %dma_wait3A_302 = tpu.memref_slice %arg10[%dma_wait3A_300, %dma_wait3A_301] : memref<10240x128xf32, #tpu.memory_space<vmem_shared>> -> memref<10240x128xf32, #tpu.memory_space<vmem_shared>>
        tpu.wait_indirect_dma semaphore(%run_scoped3A_290 : memref<!tpu.dma_semaphore, #tpu.memory_space<semaphore_mem>>) src(%arg8 : memref<128x128xf32, #tpu.memory_space<vmem>>) dst(%dma_wait3A_302 : memref<10240x128xf32, #tpu.memory_space<vmem_shared>>)
        tpu.yield
      }) : () -> ()
      %dma_start3A_132 = arith.constant 6 : i32
      %dma_start3A_133 = arith.constant 0 : i32
      %dma_start3A_134 = tpu.memref_slice %arg6[%dma_start3A_132, %dma_start3A_133] : memref<16x128xi32, #tpu.memory_space<vmem>> -> memref<1x128xi32, #tpu.memory_space<vmem>>
      %dma_start3A_135 = tpu.memref_squeeze %dma_start3A_134 : memref<1x128xi32, #tpu.memory_space<vmem>> -> memref<128xi32, #tpu.memory_space<vmem>>
      %dma_start3A_136 = arith.constant 0 : i32
      %dma_start3A_137 = arith.constant 0 : i32
      %dma_start3A_138 = tpu.memref_slice %arg2[%dma_start3A_136, %dma_start3A_137] : memref<10240x128xf32, #tpu.memory_space<hbm>> -> memref<10240x128xf32, #tpu.memory_space<hbm>>
      tpu.enqueue_indirect_dma source(%dma_start3A_138 : memref<10240x128xf32, #tpu.memory_space<hbm>>) target(%arg8 : memref<128x128xf32, #tpu.memory_space<vmem>>) offsets(%dma_start3A_135 : memref<128xi32, #tpu.memory_space<vmem>>) semaphore(%arg11 : memref<!tpu.dma_semaphore, #tpu.memory_space<semaphore_mem>>)
      %dma_wait3A_139 = arith.constant 5 : i32
      %dma_wait3A_140 = arith.constant 0 : i32
      %dma_wait3A_141 = tpu.memref_slice %arg6[%dma_wait3A_139, %dma_wait3A_140] : memref<16x128xi32, #tpu.memory_space<vmem>> -> memref<1x128xi32, #tpu.memory_space<vmem>>
      %dma_wait3A_142 = tpu.memref_squeeze %dma_wait3A_141 : memref<1x128xi32, #tpu.memory_space<vmem>> -> memref<128xi32, #tpu.memory_space<vmem>>
      %dma_wait3A_143 = arith.constant 0 : i32
      %dma_wait3A_144 = arith.constant 0 : i32
      %dma_wait3A_145 = tpu.memref_slice %arg2[%dma_wait3A_143, %dma_wait3A_144] : memref<10240x128xf32, #tpu.memory_space<hbm>> -> memref<10240x128xf32, #tpu.memory_space<hbm>>
      tpu.wait_indirect_dma semaphore(%arg12 : memref<!tpu.dma_semaphore, #tpu.memory_space<semaphore_mem>>) src(%dma_wait3A_145 : memref<10240x128xf32, #tpu.memory_space<hbm>>) dst(%arg9 : memref<128x128xf32, #tpu.memory_space<vmem>>)
      %run_scoped3A_146 = arith.constant 5 : i32
      "tpu.region"() ({
        %run_scoped3A_290 = tpu.sem_alloc : memref<!tpu.dma_semaphore, #tpu.memory_space<semaphore_mem>>
        %dma_start3A_291 = arith.constant 0 : i32
        %dma_start3A_292 = tpu.memref_slice %arg7[%run_scoped3A_146, %dma_start3A_291] : memref<16x128xi32, #tpu.memory_space<vmem>> -> memref<1x128xi32, #tpu.memory_space<vmem>>
        %dma_start3A_293 = tpu.memref_squeeze %dma_start3A_292 : memref<1x128xi32, #tpu.memory_space<vmem>> -> memref<128xi32, #tpu.memory_space<vmem>>
        %dma_start3A_294 = arith.constant 0 : i32
        %dma_start3A_295 = arith.constant 0 : i32
        %dma_start3A_296 = tpu.memref_slice %arg10[%dma_start3A_294, %dma_start3A_295] : memref<10240x128xf32, #tpu.memory_space<vmem_shared>> -> memref<10240x128xf32, #tpu.memory_space<vmem_shared>>
        tpu.enqueue_indirect_dma source(%arg9 : memref<128x128xf32, #tpu.memory_space<vmem>>) target(%dma_start3A_296 : memref<10240x128xf32, #tpu.memory_space<vmem_shared>>) offsets(%dma_start3A_293 : memref<128xi32, #tpu.memory_space<vmem>>) semaphore(%run_scoped3A_290 : memref<!tpu.dma_semaphore, #tpu.memory_space<semaphore_mem>>) {add = true}
        %dma_wait3A_297 = arith.constant 0 : i32
        %dma_wait3A_298 = tpu.memref_slice %arg7[%run_scoped3A_146, %dma_wait3A_297] : memref<16x128xi32, #tpu.memory_space<vmem>> -> memref<1x128xi32, #tpu.memory_space<vmem>>
        %dma_wait3A_299 = tpu.memref_squeeze %dma_wait3A_298 : memref<1x128xi32, #tpu.memory_space<vmem>> -> memref<128xi32, #tpu.memory_space<vmem>>
        %dma_wait3A_300 = arith.constant 0 : i32
        %dma_wait3A_301 = arith.constant 0 : i32
        %dma_wait3A_302 = tpu.memref_slice %arg10[%dma_wait3A_300, %dma_wait3A_301] : memref<10240x128xf32, #tpu.memory_space<vmem_shared>> -> memref<10240x128xf32, #tpu.memory_space<vmem_shared>>
        tpu.wait_indirect_dma semaphore(%run_scoped3A_290 : memref<!tpu.dma_semaphore, #tpu.memory_space<semaphore_mem>>) src(%arg9 : memref<128x128xf32, #tpu.memory_space<vmem>>) dst(%dma_wait3A_302 : memref<10240x128xf32, #tpu.memory_space<vmem_shared>>)
        tpu.yield
      }) : () -> ()
      %dma_start3A_147 = arith.constant 7 : i32
      %dma_start3A_148 = arith.constant 0 : i32
      %dma_start3A_149 = tpu.memref_slice %arg6[%dma_start3A_147, %dma_start3A_148] : memref<16x128xi32, #tpu.memory_space<vmem>> -> memref<1x128xi32, #tpu.memory_space<vmem>>
      %dma_start3A_150 = tpu.memref_squeeze %dma_start3A_149 : memref<1x128xi32, #tpu.memory_space<vmem>> -> memref<128xi32, #tpu.memory_space<vmem>>
      %dma_start3A_151 = arith.constant 0 : i32
      %dma_start3A_152 = arith.constant 0 : i32
      %dma_start3A_153 = tpu.memref_slice %arg2[%dma_start3A_151, %dma_start3A_152] : memref<10240x128xf32, #tpu.memory_space<hbm>> -> memref<10240x128xf32, #tpu.memory_space<hbm>>
      tpu.enqueue_indirect_dma source(%dma_start3A_153 : memref<10240x128xf32, #tpu.memory_space<hbm>>) target(%arg9 : memref<128x128xf32, #tpu.memory_space<vmem>>) offsets(%dma_start3A_150 : memref<128xi32, #tpu.memory_space<vmem>>) semaphore(%arg12 : memref<!tpu.dma_semaphore, #tpu.memory_space<semaphore_mem>>)
      %dma_wait3A_154 = arith.constant 6 : i32
      %dma_wait3A_155 = arith.constant 0 : i32
      %dma_wait3A_156 = tpu.memref_slice %arg6[%dma_wait3A_154, %dma_wait3A_155] : memref<16x128xi32, #tpu.memory_space<vmem>> -> memref<1x128xi32, #tpu.memory_space<vmem>>
      %dma_wait3A_157 = tpu.memref_squeeze %dma_wait3A_156 : memref<1x128xi32, #tpu.memory_space<vmem>> -> memref<128xi32, #tpu.memory_space<vmem>>
      %dma_wait3A_158 = arith.constant 0 : i32
      %dma_wait3A_159 = arith.constant 0 : i32
      %dma_wait3A_160 = tpu.memref_slice %arg2[%dma_wait3A_158, %dma_wait3A_159] : memref<10240x128xf32, #tpu.memory_space<hbm>> -> memref<10240x128xf32, #tpu.memory_space<hbm>>
      tpu.wait_indirect_dma semaphore(%arg11 : memref<!tpu.dma_semaphore, #tpu.memory_space<semaphore_mem>>) src(%dma_wait3A_160 : memref<10240x128xf32, #tpu.memory_space<hbm>>) dst(%arg8 : memref<128x128xf32, #tpu.memory_space<vmem>>)
      %run_scoped3A_161 = arith.constant 6 : i32
      "tpu.region"() ({
        %run_scoped3A_290 = tpu.sem_alloc : memref<!tpu.dma_semaphore, #tpu.memory_space<semaphore_mem>>
        %dma_start3A_291 = arith.constant 0 : i32
        %dma_start3A_292 = tpu.memref_slice %arg7[%run_scoped3A_161, %dma_start3A_291] : memref<16x128xi32, #tpu.memory_space<vmem>> -> memref<1x128xi32, #tpu.memory_space<vmem>>
        %dma_start3A_293 = tpu.memref_squeeze %dma_start3A_292 : memref<1x128xi32, #tpu.memory_space<vmem>> -> memref<128xi32, #tpu.memory_space<vmem>>
        %dma_start3A_294 = arith.constant 0 : i32
        %dma_start3A_295 = arith.constant 0 : i32
        %dma_start3A_296 = tpu.memref_slice %arg10[%dma_start3A_294, %dma_start3A_295] : memref<10240x128xf32, #tpu.memory_space<vmem_shared>> -> memref<10240x128xf32, #tpu.memory_space<vmem_shared>>
        tpu.enqueue_indirect_dma source(%arg8 : memref<128x128xf32, #tpu.memory_space<vmem>>) target(%dma_start3A_296 : memref<10240x128xf32, #tpu.memory_space<vmem_shared>>) offsets(%dma_start3A_293 : memref<128xi32, #tpu.memory_space<vmem>>) semaphore(%run_scoped3A_290 : memref<!tpu.dma_semaphore, #tpu.memory_space<semaphore_mem>>) {add = true}
        %dma_wait3A_297 = arith.constant 0 : i32
        %dma_wait3A_298 = tpu.memref_slice %arg7[%run_scoped3A_161, %dma_wait3A_297] : memref<16x128xi32, #tpu.memory_space<vmem>> -> memref<1x128xi32, #tpu.memory_space<vmem>>
        %dma_wait3A_299 = tpu.memref_squeeze %dma_wait3A_298 : memref<1x128xi32, #tpu.memory_space<vmem>> -> memref<128xi32, #tpu.memory_space<vmem>>
        %dma_wait3A_300 = arith.constant 0 : i32
        %dma_wait3A_301 = arith.constant 0 : i32
        %dma_wait3A_302 = tpu.memref_slice %arg10[%dma_wait3A_300, %dma_wait3A_301] : memref<10240x128xf32, #tpu.memory_space<vmem_shared>> -> memref<10240x128xf32, #tpu.memory_space<vmem_shared>>
        tpu.wait_indirect_dma semaphore(%run_scoped3A_290 : memref<!tpu.dma_semaphore, #tpu.memory_space<semaphore_mem>>) src(%arg8 : memref<128x128xf32, #tpu.memory_space<vmem>>) dst(%dma_wait3A_302 : memref<10240x128xf32, #tpu.memory_space<vmem_shared>>)
        tpu.yield
      }) : () -> ()
      %dma_start3A_162 = arith.constant 8 : i32
      %dma_start3A_163 = arith.constant 0 : i32
      %dma_start3A_164 = tpu.memref_slice %arg6[%dma_start3A_162, %dma_start3A_163] : memref<16x128xi32, #tpu.memory_space<vmem>> -> memref<1x128xi32, #tpu.memory_space<vmem>>
      %dma_start3A_165 = tpu.memref_squeeze %dma_start3A_164 : memref<1x128xi32, #tpu.memory_space<vmem>> -> memref<128xi32, #tpu.memory_space<vmem>>
      %dma_start3A_166 = arith.constant 0 : i32
      %dma_start3A_167 = arith.constant 0 : i32
      %dma_start3A_168 = tpu.memref_slice %arg2[%dma_start3A_166, %dma_start3A_167] : memref<10240x128xf32, #tpu.memory_space<hbm>> -> memref<10240x128xf32, #tpu.memory_space<hbm>>
      tpu.enqueue_indirect_dma source(%dma_start3A_168 : memref<10240x128xf32, #tpu.memory_space<hbm>>) target(%arg8 : memref<128x128xf32, #tpu.memory_space<vmem>>) offsets(%dma_start3A_165 : memref<128xi32, #tpu.memory_space<vmem>>) semaphore(%arg11 : memref<!tpu.dma_semaphore, #tpu.memory_space<semaphore_mem>>)
      %dma_wait3A_169 = arith.constant 7 : i32
      %dma_wait3A_170 = arith.constant 0 : i32
      %dma_wait3A_171 = tpu.memref_slice %arg6[%dma_wait3A_169, %dma_wait3A_170] : memref<16x128xi32, #tpu.memory_space<vmem>> -> memref<1x128xi32, #tpu.memory_space<vmem>>
      %dma_wait3A_172 = tpu.memref_squeeze %dma_wait3A_171 : memref<1x128xi32, #tpu.memory_space<vmem>> -> memref<128xi32, #tpu.memory_space<vmem>>
      %dma_wait3A_173 = arith.constant 0 : i32
      %dma_wait3A_174 = arith.constant 0 : i32
      %dma_wait3A_175 = tpu.memref_slice %arg2[%dma_wait3A_173, %dma_wait3A_174] : memref<10240x128xf32, #tpu.memory_space<hbm>> -> memref<10240x128xf32, #tpu.memory_space<hbm>>
      tpu.wait_indirect_dma semaphore(%arg12 : memref<!tpu.dma_semaphore, #tpu.memory_space<semaphore_mem>>) src(%dma_wait3A_175 : memref<10240x128xf32, #tpu.memory_space<hbm>>) dst(%arg9 : memref<128x128xf32, #tpu.memory_space<vmem>>)
      %run_scoped3A_176 = arith.constant 7 : i32
      "tpu.region"() ({
        %run_scoped3A_290 = tpu.sem_alloc : memref<!tpu.dma_semaphore, #tpu.memory_space<semaphore_mem>>
        %dma_start3A_291 = arith.constant 0 : i32
        %dma_start3A_292 = tpu.memref_slice %arg7[%run_scoped3A_176, %dma_start3A_291] : memref<16x128xi32, #tpu.memory_space<vmem>> -> memref<1x128xi32, #tpu.memory_space<vmem>>
        %dma_start3A_293 = tpu.memref_squeeze %dma_start3A_292 : memref<1x128xi32, #tpu.memory_space<vmem>> -> memref<128xi32, #tpu.memory_space<vmem>>
        %dma_start3A_294 = arith.constant 0 : i32
        %dma_start3A_295 = arith.constant 0 : i32
        %dma_start3A_296 = tpu.memref_slice %arg10[%dma_start3A_294, %dma_start3A_295] : memref<10240x128xf32, #tpu.memory_space<vmem_shared>> -> memref<10240x128xf32, #tpu.memory_space<vmem_shared>>
        tpu.enqueue_indirect_dma source(%arg9 : memref<128x128xf32, #tpu.memory_space<vmem>>) target(%dma_start3A_296 : memref<10240x128xf32, #tpu.memory_space<vmem_shared>>) offsets(%dma_start3A_293 : memref<128xi32, #tpu.memory_space<vmem>>) semaphore(%run_scoped3A_290 : memref<!tpu.dma_semaphore, #tpu.memory_space<semaphore_mem>>) {add = true}
        %dma_wait3A_297 = arith.constant 0 : i32
        %dma_wait3A_298 = tpu.memref_slice %arg7[%run_scoped3A_176, %dma_wait3A_297] : memref<16x128xi32, #tpu.memory_space<vmem>> -> memref<1x128xi32, #tpu.memory_space<vmem>>
        %dma_wait3A_299 = tpu.memref_squeeze %dma_wait3A_298 : memref<1x128xi32, #tpu.memory_space<vmem>> -> memref<128xi32, #tpu.memory_space<vmem>>
        %dma_wait3A_300 = arith.constant 0 : i32
        %dma_wait3A_301 = arith.constant 0 : i32
        %dma_wait3A_302 = tpu.memref_slice %arg10[%dma_wait3A_300, %dma_wait3A_301] : memref<10240x128xf32, #tpu.memory_space<vmem_shared>> -> memref<10240x128xf32, #tpu.memory_space<vmem_shared>>
        tpu.wait_indirect_dma semaphore(%run_scoped3A_290 : memref<!tpu.dma_semaphore, #tpu.memory_space<semaphore_mem>>) src(%arg9 : memref<128x128xf32, #tpu.memory_space<vmem>>) dst(%dma_wait3A_302 : memref<10240x128xf32, #tpu.memory_space<vmem_shared>>)
        tpu.yield
      }) : () -> ()
      %dma_start3A_177 = arith.constant 9 : i32
      %dma_start3A_178 = arith.constant 0 : i32
      %dma_start3A_179 = tpu.memref_slice %arg6[%dma_start3A_177, %dma_start3A_178] : memref<16x128xi32, #tpu.memory_space<vmem>> -> memref<1x128xi32, #tpu.memory_space<vmem>>
      %dma_start3A_180 = tpu.memref_squeeze %dma_start3A_179 : memref<1x128xi32, #tpu.memory_space<vmem>> -> memref<128xi32, #tpu.memory_space<vmem>>
      %dma_start3A_181 = arith.constant 0 : i32
      %dma_start3A_182 = arith.constant 0 : i32
      %dma_start3A_183 = tpu.memref_slice %arg2[%dma_start3A_181, %dma_start3A_182] : memref<10240x128xf32, #tpu.memory_space<hbm>> -> memref<10240x128xf32, #tpu.memory_space<hbm>>
      tpu.enqueue_indirect_dma source(%dma_start3A_183 : memref<10240x128xf32, #tpu.memory_space<hbm>>) target(%arg9 : memref<128x128xf32, #tpu.memory_space<vmem>>) offsets(%dma_start3A_180 : memref<128xi32, #tpu.memory_space<vmem>>) semaphore(%arg12 : memref<!tpu.dma_semaphore, #tpu.memory_space<semaphore_mem>>)
      %dma_wait3A_184 = arith.constant 8 : i32
      %dma_wait3A_185 = arith.constant 0 : i32
      %dma_wait3A_186 = tpu.memref_slice %arg6[%dma_wait3A_184, %dma_wait3A_185] : memref<16x128xi32, #tpu.memory_space<vmem>> -> memref<1x128xi32, #tpu.memory_space<vmem>>
      %dma_wait3A_187 = tpu.memref_squeeze %dma_wait3A_186 : memref<1x128xi32, #tpu.memory_space<vmem>> -> memref<128xi32, #tpu.memory_space<vmem>>
      %dma_wait3A_188 = arith.constant 0 : i32
      %dma_wait3A_189 = arith.constant 0 : i32
      %dma_wait3A_190 = tpu.memref_slice %arg2[%dma_wait3A_188, %dma_wait3A_189] : memref<10240x128xf32, #tpu.memory_space<hbm>> -> memref<10240x128xf32, #tpu.memory_space<hbm>>
      tpu.wait_indirect_dma semaphore(%arg11 : memref<!tpu.dma_semaphore, #tpu.memory_space<semaphore_mem>>) src(%dma_wait3A_190 : memref<10240x128xf32, #tpu.memory_space<hbm>>) dst(%arg8 : memref<128x128xf32, #tpu.memory_space<vmem>>)
      %run_scoped3A_191 = arith.constant 8 : i32
      "tpu.region"() ({
        %run_scoped3A_290 = tpu.sem_alloc : memref<!tpu.dma_semaphore, #tpu.memory_space<semaphore_mem>>
        %dma_start3A_291 = arith.constant 0 : i32
        %dma_start3A_292 = tpu.memref_slice %arg7[%run_scoped3A_191, %dma_start3A_291] : memref<16x128xi32, #tpu.memory_space<vmem>> -> memref<1x128xi32, #tpu.memory_space<vmem>>
        %dma_start3A_293 = tpu.memref_squeeze %dma_start3A_292 : memref<1x128xi32, #tpu.memory_space<vmem>> -> memref<128xi32, #tpu.memory_space<vmem>>
        %dma_start3A_294 = arith.constant 0 : i32
        %dma_start3A_295 = arith.constant 0 : i32
        %dma_start3A_296 = tpu.memref_slice %arg10[%dma_start3A_294, %dma_start3A_295] : memref<10240x128xf32, #tpu.memory_space<vmem_shared>> -> memref<10240x128xf32, #tpu.memory_space<vmem_shared>>
        tpu.enqueue_indirect_dma source(%arg8 : memref<128x128xf32, #tpu.memory_space<vmem>>) target(%dma_start3A_296 : memref<10240x128xf32, #tpu.memory_space<vmem_shared>>) offsets(%dma_start3A_293 : memref<128xi32, #tpu.memory_space<vmem>>) semaphore(%run_scoped3A_290 : memref<!tpu.dma_semaphore, #tpu.memory_space<semaphore_mem>>) {add = true}
        %dma_wait3A_297 = arith.constant 0 : i32
        %dma_wait3A_298 = tpu.memref_slice %arg7[%run_scoped3A_191, %dma_wait3A_297] : memref<16x128xi32, #tpu.memory_space<vmem>> -> memref<1x128xi32, #tpu.memory_space<vmem>>
        %dma_wait3A_299 = tpu.memref_squeeze %dma_wait3A_298 : memref<1x128xi32, #tpu.memory_space<vmem>> -> memref<128xi32, #tpu.memory_space<vmem>>
        %dma_wait3A_300 = arith.constant 0 : i32
        %dma_wait3A_301 = arith.constant 0 : i32
        %dma_wait3A_302 = tpu.memref_slice %arg10[%dma_wait3A_300, %dma_wait3A_301] : memref<10240x128xf32, #tpu.memory_space<vmem_shared>> -> memref<10240x128xf32, #tpu.memory_space<vmem_shared>>
        tpu.wait_indirect_dma semaphore(%run_scoped3A_290 : memref<!tpu.dma_semaphore, #tpu.memory_space<semaphore_mem>>) src(%arg8 : memref<128x128xf32, #tpu.memory_space<vmem>>) dst(%dma_wait3A_302 : memref<10240x128xf32, #tpu.memory_space<vmem_shared>>)
        tpu.yield
      }) : () -> ()
      %dma_start3A_192 = arith.constant 10 : i32
      %dma_start3A_193 = arith.constant 0 : i32
      %dma_start3A_194 = tpu.memref_slice %arg6[%dma_start3A_192, %dma_start3A_193] : memref<16x128xi32, #tpu.memory_space<vmem>> -> memref<1x128xi32, #tpu.memory_space<vmem>>
      %dma_start3A_195 = tpu.memref_squeeze %dma_start3A_194 : memref<1x128xi32, #tpu.memory_space<vmem>> -> memref<128xi32, #tpu.memory_space<vmem>>
      %dma_start3A_196 = arith.constant 0 : i32
      %dma_start3A_197 = arith.constant 0 : i32
      %dma_start3A_198 = tpu.memref_slice %arg2[%dma_start3A_196, %dma_start3A_197] : memref<10240x128xf32, #tpu.memory_space<hbm>> -> memref<10240x128xf32, #tpu.memory_space<hbm>>
      tpu.enqueue_indirect_dma source(%dma_start3A_198 : memref<10240x128xf32, #tpu.memory_space<hbm>>) target(%arg8 : memref<128x128xf32, #tpu.memory_space<vmem>>) offsets(%dma_start3A_195 : memref<128xi32, #tpu.memory_space<vmem>>) semaphore(%arg11 : memref<!tpu.dma_semaphore, #tpu.memory_space<semaphore_mem>>)
      %dma_wait3A_199 = arith.constant 9 : i32
      %dma_wait3A_200 = arith.constant 0 : i32
      %dma_wait3A_201 = tpu.memref_slice %arg6[%dma_wait3A_199, %dma_wait3A_200] : memref<16x128xi32, #tpu.memory_space<vmem>> -> memref<1x128xi32, #tpu.memory_space<vmem>>
      %dma_wait3A_202 = tpu.memref_squeeze %dma_wait3A_201 : memref<1x128xi32, #tpu.memory_space<vmem>> -> memref<128xi32, #tpu.memory_space<vmem>>
      %dma_wait3A_203 = arith.constant 0 : i32
      %dma_wait3A_204 = arith.constant 0 : i32
      %dma_wait3A_205 = tpu.memref_slice %arg2[%dma_wait3A_203, %dma_wait3A_204] : memref<10240x128xf32, #tpu.memory_space<hbm>> -> memref<10240x128xf32, #tpu.memory_space<hbm>>
      tpu.wait_indirect_dma semaphore(%arg12 : memref<!tpu.dma_semaphore, #tpu.memory_space<semaphore_mem>>) src(%dma_wait3A_205 : memref<10240x128xf32, #tpu.memory_space<hbm>>) dst(%arg9 : memref<128x128xf32, #tpu.memory_space<vmem>>)
      %run_scoped3A_206 = arith.constant 9 : i32
      "tpu.region"() ({
        %run_scoped3A_290 = tpu.sem_alloc : memref<!tpu.dma_semaphore, #tpu.memory_space<semaphore_mem>>
        %dma_start3A_291 = arith.constant 0 : i32
        %dma_start3A_292 = tpu.memref_slice %arg7[%run_scoped3A_206, %dma_start3A_291] : memref<16x128xi32, #tpu.memory_space<vmem>> -> memref<1x128xi32, #tpu.memory_space<vmem>>
        %dma_start3A_293 = tpu.memref_squeeze %dma_start3A_292 : memref<1x128xi32, #tpu.memory_space<vmem>> -> memref<128xi32, #tpu.memory_space<vmem>>
        %dma_start3A_294 = arith.constant 0 : i32
        %dma_start3A_295 = arith.constant 0 : i32
        %dma_start3A_296 = tpu.memref_slice %arg10[%dma_start3A_294, %dma_start3A_295] : memref<10240x128xf32, #tpu.memory_space<vmem_shared>> -> memref<10240x128xf32, #tpu.memory_space<vmem_shared>>
        tpu.enqueue_indirect_dma source(%arg9 : memref<128x128xf32, #tpu.memory_space<vmem>>) target(%dma_start3A_296 : memref<10240x128xf32, #tpu.memory_space<vmem_shared>>) offsets(%dma_start3A_293 : memref<128xi32, #tpu.memory_space<vmem>>) semaphore(%run_scoped3A_290 : memref<!tpu.dma_semaphore, #tpu.memory_space<semaphore_mem>>) {add = true}
        %dma_wait3A_297 = arith.constant 0 : i32
        %dma_wait3A_298 = tpu.memref_slice %arg7[%run_scoped3A_206, %dma_wait3A_297] : memref<16x128xi32, #tpu.memory_space<vmem>> -> memref<1x128xi32, #tpu.memory_space<vmem>>
        %dma_wait3A_299 = tpu.memref_squeeze %dma_wait3A_298 : memref<1x128xi32, #tpu.memory_space<vmem>> -> memref<128xi32, #tpu.memory_space<vmem>>
        %dma_wait3A_300 = arith.constant 0 : i32
        %dma_wait3A_301 = arith.constant 0 : i32
        %dma_wait3A_302 = tpu.memref_slice %arg10[%dma_wait3A_300, %dma_wait3A_301] : memref<10240x128xf32, #tpu.memory_space<vmem_shared>> -> memref<10240x128xf32, #tpu.memory_space<vmem_shared>>
        tpu.wait_indirect_dma semaphore(%run_scoped3A_290 : memref<!tpu.dma_semaphore, #tpu.memory_space<semaphore_mem>>) src(%arg9 : memref<128x128xf32, #tpu.memory_space<vmem>>) dst(%dma_wait3A_302 : memref<10240x128xf32, #tpu.memory_space<vmem_shared>>)
        tpu.yield
      }) : () -> ()
      %dma_start3A_207 = arith.constant 11 : i32
      %dma_start3A_208 = arith.constant 0 : i32
      %dma_start3A_209 = tpu.memref_slice %arg6[%dma_start3A_207, %dma_start3A_208] : memref<16x128xi32, #tpu.memory_space<vmem>> -> memref<1x128xi32, #tpu.memory_space<vmem>>
      %dma_start3A_210 = tpu.memref_squeeze %dma_start3A_209 : memref<1x128xi32, #tpu.memory_space<vmem>> -> memref<128xi32, #tpu.memory_space<vmem>>
      %dma_start3A_211 = arith.constant 0 : i32
      %dma_start3A_212 = arith.constant 0 : i32
      %dma_start3A_213 = tpu.memref_slice %arg2[%dma_start3A_211, %dma_start3A_212] : memref<10240x128xf32, #tpu.memory_space<hbm>> -> memref<10240x128xf32, #tpu.memory_space<hbm>>
      tpu.enqueue_indirect_dma source(%dma_start3A_213 : memref<10240x128xf32, #tpu.memory_space<hbm>>) target(%arg9 : memref<128x128xf32, #tpu.memory_space<vmem>>) offsets(%dma_start3A_210 : memref<128xi32, #tpu.memory_space<vmem>>) semaphore(%arg12 : memref<!tpu.dma_semaphore, #tpu.memory_space<semaphore_mem>>)
      %dma_wait3A_214 = arith.constant 10 : i32
      %dma_wait3A_215 = arith.constant 0 : i32
      %dma_wait3A_216 = tpu.memref_slice %arg6[%dma_wait3A_214, %dma_wait3A_215] : memref<16x128xi32, #tpu.memory_space<vmem>> -> memref<1x128xi32, #tpu.memory_space<vmem>>
      %dma_wait3A_217 = tpu.memref_squeeze %dma_wait3A_216 : memref<1x128xi32, #tpu.memory_space<vmem>> -> memref<128xi32, #tpu.memory_space<vmem>>
      %dma_wait3A_218 = arith.constant 0 : i32
      %dma_wait3A_219 = arith.constant 0 : i32
      %dma_wait3A_220 = tpu.memref_slice %arg2[%dma_wait3A_218, %dma_wait3A_219] : memref<10240x128xf32, #tpu.memory_space<hbm>> -> memref<10240x128xf32, #tpu.memory_space<hbm>>
      tpu.wait_indirect_dma semaphore(%arg11 : memref<!tpu.dma_semaphore, #tpu.memory_space<semaphore_mem>>) src(%dma_wait3A_220 : memref<10240x128xf32, #tpu.memory_space<hbm>>) dst(%arg8 : memref<128x128xf32, #tpu.memory_space<vmem>>)
      %run_scoped3A_221 = arith.constant 10 : i32
      "tpu.region"() ({
        %run_scoped3A_290 = tpu.sem_alloc : memref<!tpu.dma_semaphore, #tpu.memory_space<semaphore_mem>>
        %dma_start3A_291 = arith.constant 0 : i32
        %dma_start3A_292 = tpu.memref_slice %arg7[%run_scoped3A_221, %dma_start3A_291] : memref<16x128xi32, #tpu.memory_space<vmem>> -> memref<1x128xi32, #tpu.memory_space<vmem>>
        %dma_start3A_293 = tpu.memref_squeeze %dma_start3A_292 : memref<1x128xi32, #tpu.memory_space<vmem>> -> memref<128xi32, #tpu.memory_space<vmem>>
        %dma_start3A_294 = arith.constant 0 : i32
        %dma_start3A_295 = arith.constant 0 : i32
        %dma_start3A_296 = tpu.memref_slice %arg10[%dma_start3A_294, %dma_start3A_295] : memref<10240x128xf32, #tpu.memory_space<vmem_shared>> -> memref<10240x128xf32, #tpu.memory_space<vmem_shared>>
        tpu.enqueue_indirect_dma source(%arg8 : memref<128x128xf32, #tpu.memory_space<vmem>>) target(%dma_start3A_296 : memref<10240x128xf32, #tpu.memory_space<vmem_shared>>) offsets(%dma_start3A_293 : memref<128xi32, #tpu.memory_space<vmem>>) semaphore(%run_scoped3A_290 : memref<!tpu.dma_semaphore, #tpu.memory_space<semaphore_mem>>) {add = true}
        %dma_wait3A_297 = arith.constant 0 : i32
        %dma_wait3A_298 = tpu.memref_slice %arg7[%run_scoped3A_221, %dma_wait3A_297] : memref<16x128xi32, #tpu.memory_space<vmem>> -> memref<1x128xi32, #tpu.memory_space<vmem>>
        %dma_wait3A_299 = tpu.memref_squeeze %dma_wait3A_298 : memref<1x128xi32, #tpu.memory_space<vmem>> -> memref<128xi32, #tpu.memory_space<vmem>>
        %dma_wait3A_300 = arith.constant 0 : i32
        %dma_wait3A_301 = arith.constant 0 : i32
        %dma_wait3A_302 = tpu.memref_slice %arg10[%dma_wait3A_300, %dma_wait3A_301] : memref<10240x128xf32, #tpu.memory_space<vmem_shared>> -> memref<10240x128xf32, #tpu.memory_space<vmem_shared>>
        tpu.wait_indirect_dma semaphore(%run_scoped3A_290 : memref<!tpu.dma_semaphore, #tpu.memory_space<semaphore_mem>>) src(%arg8 : memref<128x128xf32, #tpu.memory_space<vmem>>) dst(%dma_wait3A_302 : memref<10240x128xf32, #tpu.memory_space<vmem_shared>>)
        tpu.yield
      }) : () -> ()
      %dma_start3A_222 = arith.constant 12 : i32
      %dma_start3A_223 = arith.constant 0 : i32
      %dma_start3A_224 = tpu.memref_slice %arg6[%dma_start3A_222, %dma_start3A_223] : memref<16x128xi32, #tpu.memory_space<vmem>> -> memref<1x128xi32, #tpu.memory_space<vmem>>
      %dma_start3A_225 = tpu.memref_squeeze %dma_start3A_224 : memref<1x128xi32, #tpu.memory_space<vmem>> -> memref<128xi32, #tpu.memory_space<vmem>>
      %dma_start3A_226 = arith.constant 0 : i32
      %dma_start3A_227 = arith.constant 0 : i32
      %dma_start3A_228 = tpu.memref_slice %arg2[%dma_start3A_226, %dma_start3A_227] : memref<10240x128xf32, #tpu.memory_space<hbm>> -> memref<10240x128xf32, #tpu.memory_space<hbm>>
      tpu.enqueue_indirect_dma source(%dma_start3A_228 : memref<10240x128xf32, #tpu.memory_space<hbm>>) target(%arg8 : memref<128x128xf32, #tpu.memory_space<vmem>>) offsets(%dma_start3A_225 : memref<128xi32, #tpu.memory_space<vmem>>) semaphore(%arg11 : memref<!tpu.dma_semaphore, #tpu.memory_space<semaphore_mem>>)
      %dma_wait3A_229 = arith.constant 11 : i32
      %dma_wait3A_230 = arith.constant 0 : i32
      %dma_wait3A_231 = tpu.memref_slice %arg6[%dma_wait3A_229, %dma_wait3A_230] : memref<16x128xi32, #tpu.memory_space<vmem>> -> memref<1x128xi32, #tpu.memory_space<vmem>>
      %dma_wait3A_232 = tpu.memref_squeeze %dma_wait3A_231 : memref<1x128xi32, #tpu.memory_space<vmem>> -> memref<128xi32, #tpu.memory_space<vmem>>
      %dma_wait3A_233 = arith.constant 0 : i32
      %dma_wait3A_234 = arith.constant 0 : i32
      %dma_wait3A_235 = tpu.memref_slice %arg2[%dma_wait3A_233, %dma_wait3A_234] : memref<10240x128xf32, #tpu.memory_space<hbm>> -> memref<10240x128xf32, #tpu.memory_space<hbm>>
      tpu.wait_indirect_dma semaphore(%arg12 : memref<!tpu.dma_semaphore, #tpu.memory_space<semaphore_mem>>) src(%dma_wait3A_235 : memref<10240x128xf32, #tpu.memory_space<hbm>>) dst(%arg9 : memref<128x128xf32, #tpu.memory_space<vmem>>)
      %run_scoped3A_236 = arith.constant 11 : i32
      "tpu.region"() ({
        %run_scoped3A_290 = tpu.sem_alloc : memref<!tpu.dma_semaphore, #tpu.memory_space<semaphore_mem>>
        %dma_start3A_291 = arith.constant 0 : i32
        %dma_start3A_292 = tpu.memref_slice %arg7[%run_scoped3A_236, %dma_start3A_291] : memref<16x128xi32, #tpu.memory_space<vmem>> -> memref<1x128xi32, #tpu.memory_space<vmem>>
        %dma_start3A_293 = tpu.memref_squeeze %dma_start3A_292 : memref<1x128xi32, #tpu.memory_space<vmem>> -> memref<128xi32, #tpu.memory_space<vmem>>
        %dma_start3A_294 = arith.constant 0 : i32
        %dma_start3A_295 = arith.constant 0 : i32
        %dma_start3A_296 = tpu.memref_slice %arg10[%dma_start3A_294, %dma_start3A_295] : memref<10240x128xf32, #tpu.memory_space<vmem_shared>> -> memref<10240x128xf32, #tpu.memory_space<vmem_shared>>
        tpu.enqueue_indirect_dma source(%arg9 : memref<128x128xf32, #tpu.memory_space<vmem>>) target(%dma_start3A_296 : memref<10240x128xf32, #tpu.memory_space<vmem_shared>>) offsets(%dma_start3A_293 : memref<128xi32, #tpu.memory_space<vmem>>) semaphore(%run_scoped3A_290 : memref<!tpu.dma_semaphore, #tpu.memory_space<semaphore_mem>>) {add = true}
        %dma_wait3A_297 = arith.constant 0 : i32
        %dma_wait3A_298 = tpu.memref_slice %arg7[%run_scoped3A_236, %dma_wait3A_297] : memref<16x128xi32, #tpu.memory_space<vmem>> -> memref<1x128xi32, #tpu.memory_space<vmem>>
        %dma_wait3A_299 = tpu.memref_squeeze %dma_wait3A_298 : memref<1x128xi32, #tpu.memory_space<vmem>> -> memref<128xi32, #tpu.memory_space<vmem>>
        %dma_wait3A_300 = arith.constant 0 : i32
        %dma_wait3A_301 = arith.constant 0 : i32
        %dma_wait3A_302 = tpu.memref_slice %arg10[%dma_wait3A_300, %dma_wait3A_301] : memref<10240x128xf32, #tpu.memory_space<vmem_shared>> -> memref<10240x128xf32, #tpu.memory_space<vmem_shared>>
        tpu.wait_indirect_dma semaphore(%run_scoped3A_290 : memref<!tpu.dma_semaphore, #tpu.memory_space<semaphore_mem>>) src(%arg9 : memref<128x128xf32, #tpu.memory_space<vmem>>) dst(%dma_wait3A_302 : memref<10240x128xf32, #tpu.memory_space<vmem_shared>>)
        tpu.yield
      }) : () -> ()
      %dma_start3A_237 = arith.constant 13 : i32
      %dma_start3A_238 = arith.constant 0 : i32
      %dma_start3A_239 = tpu.memref_slice %arg6[%dma_start3A_237, %dma_start3A_238] : memref<16x128xi32, #tpu.memory_space<vmem>> -> memref<1x128xi32, #tpu.memory_space<vmem>>
      %dma_start3A_240 = tpu.memref_squeeze %dma_start3A_239 : memref<1x128xi32, #tpu.memory_space<vmem>> -> memref<128xi32, #tpu.memory_space<vmem>>
      %dma_start3A_241 = arith.constant 0 : i32
      %dma_start3A_242 = arith.constant 0 : i32
      %dma_start3A_243 = tpu.memref_slice %arg2[%dma_start3A_241, %dma_start3A_242] : memref<10240x128xf32, #tpu.memory_space<hbm>> -> memref<10240x128xf32, #tpu.memory_space<hbm>>
      tpu.enqueue_indirect_dma source(%dma_start3A_243 : memref<10240x128xf32, #tpu.memory_space<hbm>>) target(%arg9 : memref<128x128xf32, #tpu.memory_space<vmem>>) offsets(%dma_start3A_240 : memref<128xi32, #tpu.memory_space<vmem>>) semaphore(%arg12 : memref<!tpu.dma_semaphore, #tpu.memory_space<semaphore_mem>>)
      %dma_wait3A_244 = arith.constant 12 : i32
      %dma_wait3A_245 = arith.constant 0 : i32
      %dma_wait3A_246 = tpu.memref_slice %arg6[%dma_wait3A_244, %dma_wait3A_245] : memref<16x128xi32, #tpu.memory_space<vmem>> -> memref<1x128xi32, #tpu.memory_space<vmem>>
      %dma_wait3A_247 = tpu.memref_squeeze %dma_wait3A_246 : memref<1x128xi32, #tpu.memory_space<vmem>> -> memref<128xi32, #tpu.memory_space<vmem>>
      %dma_wait3A_248 = arith.constant 0 : i32
      %dma_wait3A_249 = arith.constant 0 : i32
      %dma_wait3A_250 = tpu.memref_slice %arg2[%dma_wait3A_248, %dma_wait3A_249] : memref<10240x128xf32, #tpu.memory_space<hbm>> -> memref<10240x128xf32, #tpu.memory_space<hbm>>
      tpu.wait_indirect_dma semaphore(%arg11 : memref<!tpu.dma_semaphore, #tpu.memory_space<semaphore_mem>>) src(%dma_wait3A_250 : memref<10240x128xf32, #tpu.memory_space<hbm>>) dst(%arg8 : memref<128x128xf32, #tpu.memory_space<vmem>>)
      %run_scoped3A_251 = arith.constant 12 : i32
      "tpu.region"() ({
        %run_scoped3A_290 = tpu.sem_alloc : memref<!tpu.dma_semaphore, #tpu.memory_space<semaphore_mem>>
        %dma_start3A_291 = arith.constant 0 : i32
        %dma_start3A_292 = tpu.memref_slice %arg7[%run_scoped3A_251, %dma_start3A_291] : memref<16x128xi32, #tpu.memory_space<vmem>> -> memref<1x128xi32, #tpu.memory_space<vmem>>
        %dma_start3A_293 = tpu.memref_squeeze %dma_start3A_292 : memref<1x128xi32, #tpu.memory_space<vmem>> -> memref<128xi32, #tpu.memory_space<vmem>>
        %dma_start3A_294 = arith.constant 0 : i32
        %dma_start3A_295 = arith.constant 0 : i32
        %dma_start3A_296 = tpu.memref_slice %arg10[%dma_start3A_294, %dma_start3A_295] : memref<10240x128xf32, #tpu.memory_space<vmem_shared>> -> memref<10240x128xf32, #tpu.memory_space<vmem_shared>>
        tpu.enqueue_indirect_dma source(%arg8 : memref<128x128xf32, #tpu.memory_space<vmem>>) target(%dma_start3A_296 : memref<10240x128xf32, #tpu.memory_space<vmem_shared>>) offsets(%dma_start3A_293 : memref<128xi32, #tpu.memory_space<vmem>>) semaphore(%run_scoped3A_290 : memref<!tpu.dma_semaphore, #tpu.memory_space<semaphore_mem>>) {add = true}
        %dma_wait3A_297 = arith.constant 0 : i32
        %dma_wait3A_298 = tpu.memref_slice %arg7[%run_scoped3A_251, %dma_wait3A_297] : memref<16x128xi32, #tpu.memory_space<vmem>> -> memref<1x128xi32, #tpu.memory_space<vmem>>
        %dma_wait3A_299 = tpu.memref_squeeze %dma_wait3A_298 : memref<1x128xi32, #tpu.memory_space<vmem>> -> memref<128xi32, #tpu.memory_space<vmem>>
        %dma_wait3A_300 = arith.constant 0 : i32
        %dma_wait3A_301 = arith.constant 0 : i32
        %dma_wait3A_302 = tpu.memref_slice %arg10[%dma_wait3A_300, %dma_wait3A_301] : memref<10240x128xf32, #tpu.memory_space<vmem_shared>> -> memref<10240x128xf32, #tpu.memory_space<vmem_shared>>
        tpu.wait_indirect_dma semaphore(%run_scoped3A_290 : memref<!tpu.dma_semaphore, #tpu.memory_space<semaphore_mem>>) src(%arg8 : memref<128x128xf32, #tpu.memory_space<vmem>>) dst(%dma_wait3A_302 : memref<10240x128xf32, #tpu.memory_space<vmem_shared>>)
        tpu.yield
      }) : () -> ()
      %dma_start3A_252 = arith.constant 14 : i32
      %dma_start3A_253 = arith.constant 0 : i32
      %dma_start3A_254 = tpu.memref_slice %arg6[%dma_start3A_252, %dma_start3A_253] : memref<16x128xi32, #tpu.memory_space<vmem>> -> memref<1x128xi32, #tpu.memory_space<vmem>>
      %dma_start3A_255 = tpu.memref_squeeze %dma_start3A_254 : memref<1x128xi32, #tpu.memory_space<vmem>> -> memref<128xi32, #tpu.memory_space<vmem>>
      %dma_start3A_256 = arith.constant 0 : i32
      %dma_start3A_257 = arith.constant 0 : i32
      %dma_start3A_258 = tpu.memref_slice %arg2[%dma_start3A_256, %dma_start3A_257] : memref<10240x128xf32, #tpu.memory_space<hbm>> -> memref<10240x128xf32, #tpu.memory_space<hbm>>
      tpu.enqueue_indirect_dma source(%dma_start3A_258 : memref<10240x128xf32, #tpu.memory_space<hbm>>) target(%arg8 : memref<128x128xf32, #tpu.memory_space<vmem>>) offsets(%dma_start3A_255 : memref<128xi32, #tpu.memory_space<vmem>>) semaphore(%arg11 : memref<!tpu.dma_semaphore, #tpu.memory_space<semaphore_mem>>)
      %dma_wait3A_259 = arith.constant 13 : i32
      %dma_wait3A_260 = arith.constant 0 : i32
      %dma_wait3A_261 = tpu.memref_slice %arg6[%dma_wait3A_259, %dma_wait3A_260] : memref<16x128xi32, #tpu.memory_space<vmem>> -> memref<1x128xi32, #tpu.memory_space<vmem>>
      %dma_wait3A_262 = tpu.memref_squeeze %dma_wait3A_261 : memref<1x128xi32, #tpu.memory_space<vmem>> -> memref<128xi32, #tpu.memory_space<vmem>>
      %dma_wait3A_263 = arith.constant 0 : i32
      %dma_wait3A_264 = arith.constant 0 : i32
      %dma_wait3A_265 = tpu.memref_slice %arg2[%dma_wait3A_263, %dma_wait3A_264] : memref<10240x128xf32, #tpu.memory_space<hbm>> -> memref<10240x128xf32, #tpu.memory_space<hbm>>
      tpu.wait_indirect_dma semaphore(%arg12 : memref<!tpu.dma_semaphore, #tpu.memory_space<semaphore_mem>>) src(%dma_wait3A_265 : memref<10240x128xf32, #tpu.memory_space<hbm>>) dst(%arg9 : memref<128x128xf32, #tpu.memory_space<vmem>>)
      %run_scoped3A_266 = arith.constant 13 : i32
      "tpu.region"() ({
        %run_scoped3A_290 = tpu.sem_alloc : memref<!tpu.dma_semaphore, #tpu.memory_space<semaphore_mem>>
        %dma_start3A_291 = arith.constant 0 : i32
        %dma_start3A_292 = tpu.memref_slice %arg7[%run_scoped3A_266, %dma_start3A_291] : memref<16x128xi32, #tpu.memory_space<vmem>> -> memref<1x128xi32, #tpu.memory_space<vmem>>
        %dma_start3A_293 = tpu.memref_squeeze %dma_start3A_292 : memref<1x128xi32, #tpu.memory_space<vmem>> -> memref<128xi32, #tpu.memory_space<vmem>>
        %dma_start3A_294 = arith.constant 0 : i32
        %dma_start3A_295 = arith.constant 0 : i32
        %dma_start3A_296 = tpu.memref_slice %arg10[%dma_start3A_294, %dma_start3A_295] : memref<10240x128xf32, #tpu.memory_space<vmem_shared>> -> memref<10240x128xf32, #tpu.memory_space<vmem_shared>>
        tpu.enqueue_indirect_dma source(%arg9 : memref<128x128xf32, #tpu.memory_space<vmem>>) target(%dma_start3A_296 : memref<10240x128xf32, #tpu.memory_space<vmem_shared>>) offsets(%dma_start3A_293 : memref<128xi32, #tpu.memory_space<vmem>>) semaphore(%run_scoped3A_290 : memref<!tpu.dma_semaphore, #tpu.memory_space<semaphore_mem>>) {add = true}
        %dma_wait3A_297 = arith.constant 0 : i32
        %dma_wait3A_298 = tpu.memref_slice %arg7[%run_scoped3A_266, %dma_wait3A_297] : memref<16x128xi32, #tpu.memory_space<vmem>> -> memref<1x128xi32, #tpu.memory_space<vmem>>
        %dma_wait3A_299 = tpu.memref_squeeze %dma_wait3A_298 : memref<1x128xi32, #tpu.memory_space<vmem>> -> memref<128xi32, #tpu.memory_space<vmem>>
        %dma_wait3A_300 = arith.constant 0 : i32
        %dma_wait3A_301 = arith.constant 0 : i32
        %dma_wait3A_302 = tpu.memref_slice %arg10[%dma_wait3A_300, %dma_wait3A_301] : memref<10240x128xf32, #tpu.memory_space<vmem_shared>> -> memref<10240x128xf32, #tpu.memory_space<vmem_shared>>
        tpu.wait_indirect_dma semaphore(%run_scoped3A_290 : memref<!tpu.dma_semaphore, #tpu.memory_space<semaphore_mem>>) src(%arg9 : memref<128x128xf32, #tpu.memory_space<vmem>>) dst(%dma_wait3A_302 : memref<10240x128xf32, #tpu.memory_space<vmem_shared>>)
        tpu.yield
      }) : () -> ()
      %dma_start3A_267 = arith.constant 15 : i32
      %dma_start3A_268 = arith.constant 0 : i32
      %dma_start3A_269 = tpu.memref_slice %arg6[%dma_start3A_267, %dma_start3A_268] : memref<16x128xi32, #tpu.memory_space<vmem>> -> memref<1x128xi32, #tpu.memory_space<vmem>>
      %dma_start3A_270 = tpu.memref_squeeze %dma_start3A_269 : memref<1x128xi32, #tpu.memory_space<vmem>> -> memref<128xi32, #tpu.memory_space<vmem>>
      %dma_start3A_271 = arith.constant 0 : i32
      %dma_start3A_272 = arith.constant 0 : i32
      %dma_start3A_273 = tpu.memref_slice %arg2[%dma_start3A_271, %dma_start3A_272] : memref<10240x128xf32, #tpu.memory_space<hbm>> -> memref<10240x128xf32, #tpu.memory_space<hbm>>
      tpu.enqueue_indirect_dma source(%dma_start3A_273 : memref<10240x128xf32, #tpu.memory_space<hbm>>) target(%arg9 : memref<128x128xf32, #tpu.memory_space<vmem>>) offsets(%dma_start3A_270 : memref<128xi32, #tpu.memory_space<vmem>>) semaphore(%arg12 : memref<!tpu.dma_semaphore, #tpu.memory_space<semaphore_mem>>)
      %dma_wait3A_274 = arith.constant 14 : i32
      %dma_wait3A_275 = arith.constant 0 : i32
      %dma_wait3A_276 = tpu.memref_slice %arg6[%dma_wait3A_274, %dma_wait3A_275] : memref<16x128xi32, #tpu.memory_space<vmem>> -> memref<1x128xi32, #tpu.memory_space<vmem>>
      %dma_wait3A_277 = tpu.memref_squeeze %dma_wait3A_276 : memref<1x128xi32, #tpu.memory_space<vmem>> -> memref<128xi32, #tpu.memory_space<vmem>>
      %dma_wait3A_278 = arith.constant 0 : i32
      %dma_wait3A_279 = arith.constant 0 : i32
      %dma_wait3A_280 = tpu.memref_slice %arg2[%dma_wait3A_278, %dma_wait3A_279] : memref<10240x128xf32, #tpu.memory_space<hbm>> -> memref<10240x128xf32, #tpu.memory_space<hbm>>
      tpu.wait_indirect_dma semaphore(%arg11 : memref<!tpu.dma_semaphore, #tpu.memory_space<semaphore_mem>>) src(%dma_wait3A_280 : memref<10240x128xf32, #tpu.memory_space<hbm>>) dst(%arg8 : memref<128x128xf32, #tpu.memory_space<vmem>>)
      %run_scoped3A_281 = arith.constant 14 : i32
      "tpu.region"() ({
        %run_scoped3A_290 = tpu.sem_alloc : memref<!tpu.dma_semaphore, #tpu.memory_space<semaphore_mem>>
        %dma_start3A_291 = arith.constant 0 : i32
        %dma_start3A_292 = tpu.memref_slice %arg7[%run_scoped3A_281, %dma_start3A_291] : memref<16x128xi32, #tpu.memory_space<vmem>> -> memref<1x128xi32, #tpu.memory_space<vmem>>
        %dma_start3A_293 = tpu.memref_squeeze %dma_start3A_292 : memref<1x128xi32, #tpu.memory_space<vmem>> -> memref<128xi32, #tpu.memory_space<vmem>>
        %dma_start3A_294 = arith.constant 0 : i32
        %dma_start3A_295 = arith.constant 0 : i32
        %dma_start3A_296 = tpu.memref_slice %arg10[%dma_start3A_294, %dma_start3A_295] : memref<10240x128xf32, #tpu.memory_space<vmem_shared>> -> memref<10240x128xf32, #tpu.memory_space<vmem_shared>>
        tpu.enqueue_indirect_dma source(%arg8 : memref<128x128xf32, #tpu.memory_space<vmem>>) target(%dma_start3A_296 : memref<10240x128xf32, #tpu.memory_space<vmem_shared>>) offsets(%dma_start3A_293 : memref<128xi32, #tpu.memory_space<vmem>>) semaphore(%run_scoped3A_290 : memref<!tpu.dma_semaphore, #tpu.memory_space<semaphore_mem>>) {add = true}
        %dma_wait3A_297 = arith.constant 0 : i32
        %dma_wait3A_298 = tpu.memref_slice %arg7[%run_scoped3A_281, %dma_wait3A_297] : memref<16x128xi32, #tpu.memory_space<vmem>> -> memref<1x128xi32, #tpu.memory_space<vmem>>
        %dma_wait3A_299 = tpu.memref_squeeze %dma_wait3A_298 : memref<1x128xi32, #tpu.memory_space<vmem>> -> memref<128xi32, #tpu.memory_space<vmem>>
        %dma_wait3A_300 = arith.constant 0 : i32
        %dma_wait3A_301 = arith.constant 0 : i32
        %dma_wait3A_302 = tpu.memref_slice %arg10[%dma_wait3A_300, %dma_wait3A_301] : memref<10240x128xf32, #tpu.memory_space<vmem_shared>> -> memref<10240x128xf32, #tpu.memory_space<vmem_shared>>
        tpu.wait_indirect_dma semaphore(%run_scoped3A_290 : memref<!tpu.dma_semaphore, #tpu.memory_space<semaphore_mem>>) src(%arg8 : memref<128x128xf32, #tpu.memory_space<vmem>>) dst(%dma_wait3A_302 : memref<10240x128xf32, #tpu.memory_space<vmem_shared>>)
        tpu.yield
      }) : () -> ()
      %dma_wait3A_282 = arith.constant 15 : i32
      %dma_wait3A_283 = arith.constant 0 : i32
      %dma_wait3A_284 = tpu.memref_slice %arg6[%dma_wait3A_282, %dma_wait3A_283] : memref<16x128xi32, #tpu.memory_space<vmem>> -> memref<1x128xi32, #tpu.memory_space<vmem>>
      %dma_wait3A_285 = tpu.memref_squeeze %dma_wait3A_284 : memref<1x128xi32, #tpu.memory_space<vmem>> -> memref<128xi32, #tpu.memory_space<vmem>>
      %dma_wait3A_286 = arith.constant 0 : i32
      %dma_wait3A_287 = arith.constant 0 : i32
      %dma_wait3A_288 = tpu.memref_slice %arg2[%dma_wait3A_286, %dma_wait3A_287] : memref<10240x128xf32, #tpu.memory_space<hbm>> -> memref<10240x128xf32, #tpu.memory_space<hbm>>
      tpu.wait_indirect_dma semaphore(%arg12 : memref<!tpu.dma_semaphore, #tpu.memory_space<semaphore_mem>>) src(%dma_wait3A_288 : memref<10240x128xf32, #tpu.memory_space<hbm>>) dst(%arg9 : memref<128x128xf32, #tpu.memory_space<vmem>>)
      %run_scoped3A_289 = arith.constant 15 : i32
      "tpu.region"() ({
        %run_scoped3A_290 = tpu.sem_alloc : memref<!tpu.dma_semaphore, #tpu.memory_space<semaphore_mem>>
        %dma_start3A_291 = arith.constant 0 : i32
        %dma_start3A_292 = tpu.memref_slice %arg7[%run_scoped3A_289, %dma_start3A_291] : memref<16x128xi32, #tpu.memory_space<vmem>> -> memref<1x128xi32, #tpu.memory_space<vmem>>
        %dma_start3A_293 = tpu.memref_squeeze %dma_start3A_292 : memref<1x128xi32, #tpu.memory_space<vmem>> -> memref<128xi32, #tpu.memory_space<vmem>>
        %dma_start3A_294 = arith.constant 0 : i32
        %dma_start3A_295 = arith.constant 0 : i32
        %dma_start3A_296 = tpu.memref_slice %arg10[%dma_start3A_294, %dma_start3A_295] : memref<10240x128xf32, #tpu.memory_space<vmem_shared>> -> memref<10240x128xf32, #tpu.memory_space<vmem_shared>>
        tpu.enqueue_indirect_dma source(%arg9 : memref<128x128xf32, #tpu.memory_space<vmem>>) target(%dma_start3A_296 : memref<10240x128xf32, #tpu.memory_space<vmem_shared>>) offsets(%dma_start3A_293 : memref<128xi32, #tpu.memory_space<vmem>>) semaphore(%run_scoped3A_290 : memref<!tpu.dma_semaphore, #tpu.memory_space<semaphore_mem>>) {add = true}
        %dma_wait3A_297 = arith.constant 0 : i32
        %dma_wait3A_298 = tpu.memref_slice %arg7[%run_scoped3A_289, %dma_wait3A_297] : memref<16x128xi32, #tpu.memory_space<vmem>> -> memref<1x128xi32, #tpu.memory_space<vmem>>
        %dma_wait3A_299 = tpu.memref_squeeze %dma_wait3A_298 : memref<1x128xi32, #tpu.memory_space<vmem>> -> memref<128xi32, #tpu.memory_space<vmem>>
        %dma_wait3A_300 = arith.constant 0 : i32
        %dma_wait3A_301 = arith.constant 0 : i32
        %dma_wait3A_302 = tpu.memref_slice %arg10[%dma_wait3A_300, %dma_wait3A_301] : memref<10240x128xf32, #tpu.memory_space<vmem_shared>> -> memref<10240x128xf32, #tpu.memory_space<vmem_shared>>
        tpu.wait_indirect_dma semaphore(%run_scoped3A_290 : memref<!tpu.dma_semaphore, #tpu.memory_space<semaphore_mem>>) src(%arg9 : memref<128x128xf32, #tpu.memory_space<vmem>>) dst(%dma_wait3A_302 : memref<10240x128xf32, #tpu.memory_space<vmem_shared>>)
        tpu.yield
      }) : () -> ()
    }
    %barrier3A_44 = arith.constant 0 : index
    tpu.barrier barrier_id(%barrier3A_44)
    %mul3A_45 = arith.constant 640 : i32
    %mul3A_46 = arith.muli %arg1, %mul3A_45 : i32
    %mul3A_47 = arith.constant 640 : i32
    %mul3A_48 = arith.muli %arg1, %mul3A_47 : i32
    "tpu.region"() ({
      %run_scoped3A = tpu.sem_alloc : memref<!tpu.dma_semaphore, #tpu.memory_space<semaphore_mem>>
      %dma_start3A = arith.constant 0 : i32
      %dma_start3A_49 = tpu.memref_slice %arg5[%arg0, %mul3A_48, %dma_start3A] : memref<2x10240x128xf32, #tpu.memory_space<hbm>> -> memref<1x640x128xf32, #tpu.memory_space<hbm>>
      %dma_start3A_50 = tpu.memref_squeeze %dma_start3A_49 : memref<1x640x128xf32, #tpu.memory_space<hbm>> -> memref<640x128xf32, #tpu.memory_space<hbm>>
      %dma_start3A_51 = arith.constant 0 : i32
      %dma_start3A_52 = tpu.memref_slice %arg10[%mul3A_46, %dma_start3A_51] : memref<10240x128xf32, #tpu.memory_space<vmem_shared>> -> memref<640x128xf32, #tpu.memory_space<vmem_shared>>
      tpu.enqueue_dma source(%dma_start3A_52 : memref<640x128xf32, #tpu.memory_space<vmem_shared>>) target(%dma_start3A_50 : memref<640x128xf32, #tpu.memory_space<hbm>>) target_semaphore(%run_scoped3A : memref<!tpu.dma_semaphore, #tpu.memory_space<semaphore_mem>>)
      %dma_wait3A = arith.constant 0 : i32
      %dma_wait3A_53 = tpu.memref_slice %arg5[%arg0, %mul3A_48, %dma_wait3A] : memref<2x10240x128xf32, #tpu.memory_space<hbm>> -> memref<1x640x128xf32, #tpu.memory_space<hbm>>
      %dma_wait3A_54 = tpu.memref_squeeze %dma_wait3A_53 : memref<1x640x128xf32, #tpu.memory_space<hbm>> -> memref<640x128xf32, #tpu.memory_space<hbm>>
      %dma_wait3A_55 = arith.constant 0 : i32
      %dma_wait3A_56 = tpu.memref_slice %arg10[%mul3A_46, %dma_wait3A_55] : memref<10240x128xf32, #tpu.memory_space<vmem_shared>> -> memref<640x128xf32, #tpu.memory_space<vmem_shared>>
      tpu.wait_dma2 semaphore(%run_scoped3A : memref<!tpu.dma_semaphore, #tpu.memory_space<semaphore_mem>>) src(%dma_wait3A_56 : memref<640x128xf32, #tpu.memory_space<vmem_shared>>) dst(%dma_wait3A_54 : memref<640x128xf32, #tpu.memory_space<hbm>>)
      tpu.yield
    }) : () -> ()
    return
  }
}

#map = affine_map<(d0, d1) -> (0, 0)>
#map1 = affine_map<(d0, d1) -> (0, 0, 0)>
module attributes {stable_mosaic.version = 14 : i64} {
  func.func @k(%arg0: i32, %arg1: i32, %arg2: memref<10240x128xf32, #tpu.memory_space<hbm>>, %arg3: memref<2560x128xi32, #tpu.memory_space<hbm>>, %arg4: memref<2560x128xi32, #tpu.memory_space<hbm>>, %arg5: memref<2x10240x128xf32, #tpu.memory_space<hbm>>, %arg6: memref<16x128xi32, #tpu.memory_space<vmem>>, %arg7: memref<16x128xi32, #tpu.memory_space<vmem>>, %arg8: memref<128x128xf32, #tpu.memory_space<vmem>>, %arg9: memref<128x128xf32, #tpu.memory_space<vmem>>, %arg10: memref<10240x128xf32, #tpu.memory_space<vmem_shared>>, %arg11: memref<!tpu.dma_semaphore, #tpu.memory_space<semaphore_mem>>, %arg12: memref<!tpu.dma_semaphore, #tpu.memory_space<semaphore_mem>>) attributes {dimension_semantics = [#tpu.dimension_semantics<core_parallel>, #tpu.dimension_semantics<subcore_parallel>], iteration_bounds = array<i64: 2, 16>, scalar_prefetch = 0 : i64, scratch_operands = 7 : i64, tpu.core_type = #tpu.core_type<sc_vector_subcore>, window_params = [{transform_indices = #map}, {transform_indices = #map}, {transform_indices = #map}, {transform_indices = #map1}]} {
    %broadcast_in_dim3A = arith.constant 0.000000e+00 : f32
    %broadcast_in_dim3A_0 = vector.broadcast %broadcast_in_dim3A : f32 to vector<16xf32>
    %scan3A = arith.constant 0 : i32
    %scan3A_1 = arith.constant 0 : i32
    %scan3A_2 = arith.constant 1024 : i32
    %scan3A_3 = arith.addi %scan3A_1, %scan3A_2 : i32
    %scan3A_4 = arith.constant 1 : i32
    scf.for %scan3A_49 = %scan3A_1 to %scan3A_3 step %scan3A_4  : i32 {
      %shift_right_arithmetic3A = arith.constant 3 : i32
      %shift_right_arithmetic3A_50 = arith.shrsi %scan3A_49, %shift_right_arithmetic3A : i32
      %and3A = arith.constant 7 : i32
      %and3A_51 = arith.andi %scan3A_49, %and3A : i32
      %mul3A_52 = arith.constant 16 : i32
      %mul3A_53 = arith.muli %and3A_51, %mul3A_52 : i32
      %swap3A = arith.index_cast %shift_right_arithmetic3A_50 : i32 to index
      %swap3A_54 = arith.index_cast %mul3A_53 : i32 to index
      %swap3A_55 = tpu.vector_load %arg8[%swap3A, %swap3A_54] {strides = array<i32>} : memref<128x128xf32, #tpu.memory_space<vmem>>, vector<1x16xf32>,
      %swap3A_56 = vector.shape_cast %swap3A_55 : vector<1x16xf32> to vector<16xf32>
      %swap3A_57 = vector.shape_cast %broadcast_in_dim3A_0 : vector<16xf32> to vector<1x16xf32>
      tpu.vector_store %arg8[%swap3A, %swap3A_54], %swap3A_57 {strides = array<i32>} : memref<128x128xf32, #tpu.memory_space<vmem>>, vector<1x16xf32>,
    }
    %scan3A_5 = arith.constant 1024 : i32
    %mul3A = arith.constant 640 : i32
    %mul3A_6 = arith.muli %arg1, %mul3A : i32
    %add3A = arith.constant 0 : i32
    %add3A_7 = arith.addi %mul3A_6, %add3A : i32
    "tpu.region"() ({
      %run_scoped3A = tpu.sem_alloc : memref<!tpu.dma_semaphore, #tpu.memory_space<semaphore_mem>>
      %dma_start3A = arith.constant 0 : i32
      %dma_start3A_49 = tpu.memref_slice %arg10[%add3A_7, %dma_start3A] : memref<10240x128xf32, #tpu.memory_space<vmem_shared>> -> memref<128x128xf32, #tpu.memory_space<vmem_shared>>
      %dma_start3A_50 = arith.constant 0 : i32
      %dma_start3A_51 = tpu.memref_slice %arg10[%add3A_7, %dma_start3A_50] : memref<10240x128xf32, #tpu.memory_space<vmem_shared>> -> memref<128x128xf32, #tpu.memory_space<vmem_shared>>
      tpu.enqueue_dma source(%arg8 : memref<128x128xf32, #tpu.memory_space<vmem>>) target(%dma_start3A_51 : memref<128x128xf32, #tpu.memory_space<vmem_shared>>) target_semaphore(%run_scoped3A : memref<!tpu.dma_semaphore, #tpu.memory_space<semaphore_mem>>)
      %dma_wait3A = arith.constant 0 : i32
      %dma_wait3A_52 = tpu.memref_slice %arg10[%add3A_7, %dma_wait3A] : memref<10240x128xf32, #tpu.memory_space<vmem_shared>> -> memref<128x128xf32, #tpu.memory_space<vmem_shared>>
      %dma_wait3A_53 = arith.constant 0 : i32
      %dma_wait3A_54 = tpu.memref_slice %arg10[%add3A_7, %dma_wait3A_53] : memref<10240x128xf32, #tpu.memory_space<vmem_shared>> -> memref<128x128xf32, #tpu.memory_space<vmem_shared>>
      tpu.wait_dma2 semaphore(%run_scoped3A : memref<!tpu.dma_semaphore, #tpu.memory_space<semaphore_mem>>) src(%arg8 : memref<128x128xf32, #tpu.memory_space<vmem>>) dst(%dma_wait3A_54 : memref<128x128xf32, #tpu.memory_space<vmem_shared>>)
      tpu.yield
    }) : () -> ()
    %mul3A_8 = arith.constant 640 : i32
    %mul3A_9 = arith.muli %arg1, %mul3A_8 : i32
    %add3A_10 = arith.constant 128 : i32
    %add3A_11 = arith.addi %mul3A_9, %add3A_10 : i32
    "tpu.region"() ({
      %run_scoped3A = tpu.sem_alloc : memref<!tpu.dma_semaphore, #tpu.memory_space<semaphore_mem>>
      %dma_start3A = arith.constant 0 : i32
      %dma_start3A_49 = tpu.memref_slice %arg10[%add3A_11, %dma_start3A] : memref<10240x128xf32, #tpu.memory_space<vmem_shared>> -> memref<128x128xf32, #tpu.memory_space<vmem_shared>>
      %dma_start3A_50 = arith.constant 0 : i32
      %dma_start3A_51 = tpu.memref_slice %arg10[%add3A_11, %dma_start3A_50] : memref<10240x128xf32, #tpu.memory_space<vmem_shared>> -> memref<128x128xf32, #tpu.memory_space<vmem_shared>>
      tpu.enqueue_dma source(%arg8 : memref<128x128xf32, #tpu.memory_space<vmem>>) target(%dma_start3A_51 : memref<128x128xf32, #tpu.memory_space<vmem_shared>>) target_semaphore(%run_scoped3A : memref<!tpu.dma_semaphore, #tpu.memory_space<semaphore_mem>>)
      %dma_wait3A = arith.constant 0 : i32
      %dma_wait3A_52 = tpu.memref_slice %arg10[%add3A_11, %dma_wait3A] : memref<10240x128xf32, #tpu.memory_space<vmem_shared>> -> memref<128x128xf32, #tpu.memory_space<vmem_shared>>
      %dma_wait3A_53 = arith.constant 0 : i32
      %dma_wait3A_54 = tpu.memref_slice %arg10[%add3A_11, %dma_wait3A_53] : memref<10240x128xf32, #tpu.memory_space<vmem_shared>> -> memref<128x128xf32, #tpu.memory_space<vmem_shared>>
      tpu.wait_dma2 semaphore(%run_scoped3A : memref<!tpu.dma_semaphore, #tpu.memory_space<semaphore_mem>>) src(%arg8 : memref<128x128xf32, #tpu.memory_space<vmem>>) dst(%dma_wait3A_54 : memref<128x128xf32, #tpu.memory_space<vmem_shared>>)
      tpu.yield
    }) : () -> ()
    %mul3A_12 = arith.constant 640 : i32
    %mul3A_13 = arith.muli %arg1, %mul3A_12 : i32
    %add3A_14 = arith.constant 256 : i32
    %add3A_15 = arith.addi %mul3A_13, %add3A_14 : i32
    "tpu.region"() ({
      %run_scoped3A = tpu.sem_alloc : memref<!tpu.dma_semaphore, #tpu.memory_space<semaphore_mem>>
      %dma_start3A = arith.constant 0 : i32
      %dma_start3A_49 = tpu.memref_slice %arg10[%add3A_15, %dma_start3A] : memref<10240x128xf32, #tpu.memory_space<vmem_shared>> -> memref<128x128xf32, #tpu.memory_space<vmem_shared>>
      %dma_start3A_50 = arith.constant 0 : i32
      %dma_start3A_51 = tpu.memref_slice %arg10[%add3A_15, %dma_start3A_50] : memref<10240x128xf32, #tpu.memory_space<vmem_shared>> -> memref<128x128xf32, #tpu.memory_space<vmem_shared>>
      tpu.enqueue_dma source(%arg8 : memref<128x128xf32, #tpu.memory_space<vmem>>) target(%dma_start3A_51 : memref<128x128xf32, #tpu.memory_space<vmem_shared>>) target_semaphore(%run_scoped3A : memref<!tpu.dma_semaphore, #tpu.memory_space<semaphore_mem>>)
      %dma_wait3A = arith.constant 0 : i32
      %dma_wait3A_52 = tpu.memref_slice %arg10[%add3A_15, %dma_wait3A] : memref<10240x128xf32, #tpu.memory_space<vmem_shared>> -> memref<128x128xf32, #tpu.memory_space<vmem_shared>>
      %dma_wait3A_53 = arith.constant 0 : i32
      %dma_wait3A_54 = tpu.memref_slice %arg10[%add3A_15, %dma_wait3A_53] : memref<10240x128xf32, #tpu.memory_space<vmem_shared>> -> memref<128x128xf32, #tpu.memory_space<vmem_shared>>
      tpu.wait_dma2 semaphore(%run_scoped3A : memref<!tpu.dma_semaphore, #tpu.memory_space<semaphore_mem>>) src(%arg8 : memref<128x128xf32, #tpu.memory_space<vmem>>) dst(%dma_wait3A_54 : memref<128x128xf32, #tpu.memory_space<vmem_shared>>)
      tpu.yield
    }) : () -> ()
    %mul3A_16 = arith.constant 640 : i32
    %mul3A_17 = arith.muli %arg1, %mul3A_16 : i32
    %add3A_18 = arith.constant 384 : i32
    %add3A_19 = arith.addi %mul3A_17, %add3A_18 : i32
    "tpu.region"() ({
      %run_scoped3A = tpu.sem_alloc : memref<!tpu.dma_semaphore, #tpu.memory_space<semaphore_mem>>
      %dma_start3A = arith.constant 0 : i32
      %dma_start3A_49 = tpu.memref_slice %arg10[%add3A_19, %dma_start3A] : memref<10240x128xf32, #tpu.memory_space<vmem_shared>> -> memref<128x128xf32, #tpu.memory_space<vmem_shared>>
      %dma_start3A_50 = arith.constant 0 : i32
      %dma_start3A_51 = tpu.memref_slice %arg10[%add3A_19, %dma_start3A_50] : memref<10240x128xf32, #tpu.memory_space<vmem_shared>> -> memref<128x128xf32, #tpu.memory_space<vmem_shared>>
      tpu.enqueue_dma source(%arg8 : memref<128x128xf32, #tpu.memory_space<vmem>>) target(%dma_start3A_51 : memref<128x128xf32, #tpu.memory_space<vmem_shared>>) target_semaphore(%run_scoped3A : memref<!tpu.dma_semaphore, #tpu.memory_space<semaphore_mem>>)
      %dma_wait3A = arith.constant 0 : i32
      %dma_wait3A_52 = tpu.memref_slice %arg10[%add3A_19, %dma_wait3A] : memref<10240x128xf32, #tpu.memory_space<vmem_shared>> -> memref<128x128xf32, #tpu.memory_space<vmem_shared>>
      %dma_wait3A_53 = arith.constant 0 : i32
      %dma_wait3A_54 = tpu.memref_slice %arg10[%add3A_19, %dma_wait3A_53] : memref<10240x128xf32, #tpu.memory_space<vmem_shared>> -> memref<128x128xf32, #tpu.memory_space<vmem_shared>>
      tpu.wait_dma2 semaphore(%run_scoped3A : memref<!tpu.dma_semaphore, #tpu.memory_space<semaphore_mem>>) src(%arg8 : memref<128x128xf32, #tpu.memory_space<vmem>>) dst(%dma_wait3A_54 : memref<128x128xf32, #tpu.memory_space<vmem_shared>>)
      tpu.yield
    }) : () -> ()
    %mul3A_20 = arith.constant 640 : i32
    %mul3A_21 = arith.muli %arg1, %mul3A_20 : i32
    %add3A_22 = arith.constant 512 : i32
    %add3A_23 = arith.addi %mul3A_21, %add3A_22 : i32
    "tpu.region"() ({
      %run_scoped3A = tpu.sem_alloc : memref<!tpu.dma_semaphore, #tpu.memory_space<semaphore_mem>>
      %dma_start3A = arith.constant 0 : i32
      %dma_start3A_49 = tpu.memref_slice %arg10[%add3A_23, %dma_start3A] : memref<10240x128xf32, #tpu.memory_space<vmem_shared>> -> memref<128x128xf32, #tpu.memory_space<vmem_shared>>
      %dma_start3A_50 = arith.constant 0 : i32
      %dma_start3A_51 = tpu.memref_slice %arg10[%add3A_23, %dma_start3A_50] : memref<10240x128xf32, #tpu.memory_space<vmem_shared>> -> memref<128x128xf32, #tpu.memory_space<vmem_shared>>
      tpu.enqueue_dma source(%arg8 : memref<128x128xf32, #tpu.memory_space<vmem>>) target(%dma_start3A_51 : memref<128x128xf32, #tpu.memory_space<vmem_shared>>) target_semaphore(%run_scoped3A : memref<!tpu.dma_semaphore, #tpu.memory_space<semaphore_mem>>)
      %dma_wait3A = arith.constant 0 : i32
      %dma_wait3A_52 = tpu.memref_slice %arg10[%add3A_23, %dma_wait3A] : memref<10240x128xf32, #tpu.memory_space<vmem_shared>> -> memref<128x128xf32, #tpu.memory_space<vmem_shared>>
      %dma_wait3A_53 = arith.constant 0 : i32
      %dma_wait3A_54 = tpu.memref_slice %arg10[%add3A_23, %dma_wait3A_53] : memref<10240x128xf32, #tpu.memory_space<vmem_shared>> -> memref<128x128xf32, #tpu.memory_space<vmem_shared>>
      tpu.wait_dma2 semaphore(%run_scoped3A : memref<!tpu.dma_semaphore, #tpu.memory_space<semaphore_mem>>) src(%arg8 : memref<128x128xf32, #tpu.memory_space<vmem>>) dst(%dma_wait3A_54 : memref<128x128xf32, #tpu.memory_space<vmem_shared>>)
      tpu.yield
    }) : () -> ()
    %barrier3A = arith.constant 0 : index
    tpu.barrier barrier_id(%barrier3A)
    %eq3A = arith.constant 0 : i32
    %eq3A_24 = arith.cmpi eq, %arg0, %eq3A : i32
    %mul3A_25 = arith.constant 144 : i32
    %mul3A_26 = arith.muli %arg1, %mul3A_25 : i32
    %mul3A_27 = arith.constant 16 : i32
    %mul3A_28 = arith.muli %arg1, %mul3A_27 : i32
    %add3A_29 = arith.constant 2304 : i32
    %add3A_30 = arith.addi %add3A_29, %mul3A_28 : i32
    %select_n3A = arith.select %eq3A_24, %mul3A_26, %add3A_30 : i32
    %eq3A_31 = arith.constant 0 : i32
    %eq3A_32 = arith.cmpi eq, %arg0, %eq3A_31 : i32
    %jit3A = arith.constant 9 : i32
    %jit3A_33 = arith.constant 1 : i32
    %select_n3A_34 = arith.select %eq3A_32, %jit3A, %jit3A_33 : i32
    %while3A = arith.constant 0 : i32
    %while3A_35 = arith.constant 0 : i32
    %while3A_36 = arith.subi %select_n3A_34, %while3A_35 : i32
    %while3A_37 = arith.addi %while3A_35, %while3A_36 : i32
    %while3A_38 = arith.constant 1 : i32
    %while3A_39 = arith.divsi %while3A_36, %while3A_38 : i32
    %while3A_40 = arith.muli %while3A_39, %while3A_38 : i32
    %while3A_41 = arith.addi %while3A_35, %while3A_40 : i32
    %while3A_42 = arith.constant 1 : i32
    scf.for %while3A_49 = %while3A_35 to %while3A_41 step %while3A_42  : i32 {
      %mul3A_50 = arith.constant 16 : i32
      %mul3A_51 = arith.muli %while3A_49, %mul3A_50 : i32
      %add3A_52 = arith.addi %select_n3A, %mul3A_51 : i32
      "tpu.region"() ({
        %run_scoped3A_290 = tpu.sem_alloc : memref<!tpu.dma_semaphore, #tpu.memory_space<semaphore_mem>>
        %dma_start3A_291 = arith.constant 0 : i32
        %dma_start3A_292 = tpu.memref_slice %arg3[%add3A_52, %dma_start3A_291] : memref<2560x128xi32, #tpu.memory_space<hbm>> -> memref<16x128xi32, #tpu.memory_space<hbm>>
        %dma_start3A_293 = arith.constant 0 : i32
        %dma_start3A_294 = tpu.memref_slice %arg3[%add3A_52, %dma_start3A_293] : memref<2560x128xi32, #tpu.memory_space<hbm>> -> memref<16x128xi32, #tpu.memory_space<hbm>>
        tpu.enqueue_dma source(%dma_start3A_294 : memref<16x128xi32, #tpu.memory_space<hbm>>) target(%arg6 : memref<16x128xi32, #tpu.memory_space<vmem>>) target_semaphore(%run_scoped3A_290 : memref<!tpu.dma_semaphore, #tpu.memory_space<semaphore_mem>>)
        %dma_wait3A_295 = arith.constant 0 : i32
        %dma_wait3A_296 = tpu.memref_slice %arg3[%add3A_52, %dma_wait3A_295] : memref<2560x128xi32, #tpu.memory_space<hbm>> -> memref<16x128xi32, #tpu.memory_space<hbm>>
        %dma_wait3A_297 = arith.constant 0 : i32
        %dma_wait3A_298 = tpu.memref_slice %arg3[%add3A_52, %dma_wait3A_297] : memref<2560x128xi32, #tpu.memory_space<hbm>> -> memref<16x128xi32, #tpu.memory_space<hbm>>
        tpu.wait_dma2 semaphore(%run_scoped3A_290 : memref<!tpu.dma_semaphore, #tpu.memory_space<semaphore_mem>>) src(%dma_wait3A_298 : memref<16x128xi32, #tpu.memory_space<hbm>>) dst(%arg6 : memref<16x128xi32, #tpu.memory_space<vmem>>)
        tpu.yield
      }) : () -> ()
      "tpu.region"() ({
        %run_scoped3A_290 = tpu.sem_alloc : memref<!tpu.dma_semaphore, #tpu.memory_space<semaphore_mem>>
        %dma_start3A_291 = arith.constant 0 : i32
        %dma_start3A_292 = tpu.memref_slice %arg4[%add3A_52, %dma_start3A_291] : memref<2560x128xi32, #tpu.memory_space<hbm>> -> memref<16x128xi32, #tpu.memory_space<hbm>>
        %dma_start3A_293 = arith.constant 0 : i32
        %dma_start3A_294 = tpu.memref_slice %arg4[%add3A_52, %dma_start3A_293] : memref<2560x128xi32, #tpu.memory_space<hbm>> -> memref<16x128xi32, #tpu.memory_space<hbm>>
        tpu.enqueue_dma source(%dma_start3A_294 : memref<16x128xi32, #tpu.memory_space<hbm>>) target(%arg7 : memref<16x128xi32, #tpu.memory_space<vmem>>) target_semaphore(%run_scoped3A_290 : memref<!tpu.dma_semaphore, #tpu.memory_space<semaphore_mem>>)
        %dma_wait3A_295 = arith.constant 0 : i32
        %dma_wait3A_296 = tpu.memref_slice %arg4[%add3A_52, %dma_wait3A_295] : memref<2560x128xi32, #tpu.memory_space<hbm>> -> memref<16x128xi32, #tpu.memory_space<hbm>>
        %dma_wait3A_297 = arith.constant 0 : i32
        %dma_wait3A_298 = tpu.memref_slice %arg4[%add3A_52, %dma_wait3A_297] : memref<2560x128xi32, #tpu.memory_space<hbm>> -> memref<16x128xi32, #tpu.memory_space<hbm>>
        tpu.wait_dma2 semaphore(%run_scoped3A_290 : memref<!tpu.dma_semaphore, #tpu.memory_space<semaphore_mem>>) src(%dma_wait3A_298 : memref<16x128xi32, #tpu.memory_space<hbm>>) dst(%arg7 : memref<16x128xi32, #tpu.memory_space<vmem>>)
        tpu.yield
      }) : () -> ()
      %dma_start3A = arith.constant 0 : i32
      %dma_start3A_53 = arith.constant 0 : i32
      %dma_start3A_54 = tpu.memref_slice %arg6[%dma_start3A, %dma_start3A_53] : memref<16x128xi32, #tpu.memory_space<vmem>> -> memref<1x128xi32, #tpu.memory_space<vmem>>
      %dma_start3A_55 = tpu.memref_squeeze %dma_start3A_54 : memref<1x128xi32, #tpu.memory_space<vmem>> -> memref<128xi32, #tpu.memory_space<vmem>>
      %dma_start3A_56 = arith.constant 0 : i32
      %dma_start3A_57 = arith.constant 0 : i32
      %dma_start3A_58 = tpu.memref_slice %arg2[%dma_start3A_56, %dma_start3A_57] : memref<10240x128xf32, #tpu.memory_space<hbm>> -> memref<10240x128xf32, #tpu.memory_space<hbm>>
      tpu.enqueue_indirect_dma source(%dma_start3A_58 : memref<10240x128xf32, #tpu.memory_space<hbm>>) target(%arg8 : memref<128x128xf32, #tpu.memory_space<vmem>>) offsets(%dma_start3A_55 : memref<128xi32, #tpu.memory_space<vmem>>) semaphore(%arg11 : memref<!tpu.dma_semaphore, #tpu.memory_space<semaphore_mem>>)
      %dma_start3A_59 = arith.constant 1 : i32
      %dma_start3A_60 = arith.constant 0 : i32
      %dma_start3A_61 = tpu.memref_slice %arg6[%dma_start3A_59, %dma_start3A_60] : memref<16x128xi32, #tpu.memory_space<vmem>> -> memref<1x128xi32, #tpu.memory_space<vmem>>
      %dma_start3A_62 = tpu.memref_squeeze %dma_start3A_61 : memref<1x128xi32, #tpu.memory_space<vmem>> -> memref<128xi32, #tpu.memory_space<vmem>>
      %dma_start3A_63 = arith.constant 0 : i32
      %dma_start3A_64 = arith.constant 0 : i32
      %dma_start3A_65 = tpu.memref_slice %arg2[%dma_start3A_63, %dma_start3A_64] : memref<10240x128xf32, #tpu.memory_space<hbm>> -> memref<10240x128xf32, #tpu.memory_space<hbm>>
      tpu.enqueue_indirect_dma source(%dma_start3A_65 : memref<10240x128xf32, #tpu.memory_space<hbm>>) target(%arg9 : memref<128x128xf32, #tpu.memory_space<vmem>>) offsets(%dma_start3A_62 : memref<128xi32, #tpu.memory_space<vmem>>) semaphore(%arg12 : memref<!tpu.dma_semaphore, #tpu.memory_space<semaphore_mem>>)
      %dma_wait3A = arith.constant 0 : i32
      %dma_wait3A_66 = arith.constant 0 : i32
      %dma_wait3A_67 = tpu.memref_slice %arg6[%dma_wait3A, %dma_wait3A_66] : memref<16x128xi32, #tpu.memory_space<vmem>> -> memref<1x128xi32, #tpu.memory_space<vmem>>
      %dma_wait3A_68 = tpu.memref_squeeze %dma_wait3A_67 : memref<1x128xi32, #tpu.memory_space<vmem>> -> memref<128xi32, #tpu.memory_space<vmem>>
      %dma_wait3A_69 = arith.constant 0 : i32
      %dma_wait3A_70 = arith.constant 0 : i32
      %dma_wait3A_71 = tpu.memref_slice %arg2[%dma_wait3A_69, %dma_wait3A_70] : memref<10240x128xf32, #tpu.memory_space<hbm>> -> memref<10240x128xf32, #tpu.memory_space<hbm>>
      tpu.wait_indirect_dma semaphore(%arg11 : memref<!tpu.dma_semaphore, #tpu.memory_space<semaphore_mem>>) src(%dma_wait3A_71 : memref<10240x128xf32, #tpu.memory_space<hbm>>) dst(%arg8 : memref<128x128xf32, #tpu.memory_space<vmem>>)
      %run_scoped3A = arith.constant 0 : i32
      "tpu.region"() ({
        %run_scoped3A_290 = tpu.sem_alloc : memref<!tpu.dma_semaphore, #tpu.memory_space<semaphore_mem>>
        %dma_start3A_291 = arith.constant 0 : i32
        %dma_start3A_292 = tpu.memref_slice %arg7[%run_scoped3A, %dma_start3A_291] : memref<16x128xi32, #tpu.memory_space<vmem>> -> memref<1x128xi32, #tpu.memory_space<vmem>>
        %dma_start3A_293 = tpu.memref_squeeze %dma_start3A_292 : memref<1x128xi32, #tpu.memory_space<vmem>> -> memref<128xi32, #tpu.memory_space<vmem>>
        %dma_start3A_294 = arith.constant 0 : i32
        %dma_start3A_295 = arith.constant 0 : i32
        %dma_start3A_296 = tpu.memref_slice %arg10[%dma_start3A_294, %dma_start3A_295] : memref<10240x128xf32, #tpu.memory_space<vmem_shared>> -> memref<10240x128xf32, #tpu.memory_space<vmem_shared>>
        tpu.enqueue_indirect_dma source(%arg8 : memref<128x128xf32, #tpu.memory_space<vmem>>) target(%dma_start3A_296 : memref<10240x128xf32, #tpu.memory_space<vmem_shared>>) offsets(%dma_start3A_293 : memref<128xi32, #tpu.memory_space<vmem>>) semaphore(%run_scoped3A_290 : memref<!tpu.dma_semaphore, #tpu.memory_space<semaphore_mem>>) {add = true}
        %dma_wait3A_297 = arith.constant 0 : i32
        %dma_wait3A_298 = tpu.memref_slice %arg7[%run_scoped3A, %dma_wait3A_297] : memref<16x128xi32, #tpu.memory_space<vmem>> -> memref<1x128xi32, #tpu.memory_space<vmem>>
        %dma_wait3A_299 = tpu.memref_squeeze %dma_wait3A_298 : memref<1x128xi32, #tpu.memory_space<vmem>> -> memref<128xi32, #tpu.memory_space<vmem>>
        %dma_wait3A_300 = arith.constant 0 : i32
        %dma_wait3A_301 = arith.constant 0 : i32
        %dma_wait3A_302 = tpu.memref_slice %arg10[%dma_wait3A_300, %dma_wait3A_301] : memref<10240x128xf32, #tpu.memory_space<vmem_shared>> -> memref<10240x128xf32, #tpu.memory_space<vmem_shared>>
        tpu.wait_indirect_dma semaphore(%run_scoped3A_290 : memref<!tpu.dma_semaphore, #tpu.memory_space<semaphore_mem>>) src(%arg8 : memref<128x128xf32, #tpu.memory_space<vmem>>) dst(%dma_wait3A_302 : memref<10240x128xf32, #tpu.memory_space<vmem_shared>>)
        tpu.yield
      }) : () -> ()
      %dma_start3A_72 = arith.constant 2 : i32
      %dma_start3A_73 = arith.constant 0 : i32
      %dma_start3A_74 = tpu.memref_slice %arg6[%dma_start3A_72, %dma_start3A_73] : memref<16x128xi32, #tpu.memory_space<vmem>> -> memref<1x128xi32, #tpu.memory_space<vmem>>
      %dma_start3A_75 = tpu.memref_squeeze %dma_start3A_74 : memref<1x128xi32, #tpu.memory_space<vmem>> -> memref<128xi32, #tpu.memory_space<vmem>>
      %dma_start3A_76 = arith.constant 0 : i32
      %dma_start3A_77 = arith.constant 0 : i32
      %dma_start3A_78 = tpu.memref_slice %arg2[%dma_start3A_76, %dma_start3A_77] : memref<10240x128xf32, #tpu.memory_space<hbm>> -> memref<10240x128xf32, #tpu.memory_space<hbm>>
      tpu.enqueue_indirect_dma source(%dma_start3A_78 : memref<10240x128xf32, #tpu.memory_space<hbm>>) target(%arg8 : memref<128x128xf32, #tpu.memory_space<vmem>>) offsets(%dma_start3A_75 : memref<128xi32, #tpu.memory_space<vmem>>) semaphore(%arg11 : memref<!tpu.dma_semaphore, #tpu.memory_space<semaphore_mem>>)
      %dma_wait3A_79 = arith.constant 1 : i32
      %dma_wait3A_80 = arith.constant 0 : i32
      %dma_wait3A_81 = tpu.memref_slice %arg6[%dma_wait3A_79, %dma_wait3A_80] : memref<16x128xi32, #tpu.memory_space<vmem>> -> memref<1x128xi32, #tpu.memory_space<vmem>>
      %dma_wait3A_82 = tpu.memref_squeeze %dma_wait3A_81 : memref<1x128xi32, #tpu.memory_space<vmem>> -> memref<128xi32, #tpu.memory_space<vmem>>
      %dma_wait3A_83 = arith.constant 0 : i32
      %dma_wait3A_84 = arith.constant 0 : i32
      %dma_wait3A_85 = tpu.memref_slice %arg2[%dma_wait3A_83, %dma_wait3A_84] : memref<10240x128xf32, #tpu.memory_space<hbm>> -> memref<10240x128xf32, #tpu.memory_space<hbm>>
      tpu.wait_indirect_dma semaphore(%arg12 : memref<!tpu.dma_semaphore, #tpu.memory_space<semaphore_mem>>) src(%dma_wait3A_85 : memref<10240x128xf32, #tpu.memory_space<hbm>>) dst(%arg9 : memref<128x128xf32, #tpu.memory_space<vmem>>)
      %run_scoped3A_86 = arith.constant 1 : i32
      "tpu.region"() ({
        %run_scoped3A_290 = tpu.sem_alloc : memref<!tpu.dma_semaphore, #tpu.memory_space<semaphore_mem>>
        %dma_start3A_291 = arith.constant 0 : i32
        %dma_start3A_292 = tpu.memref_slice %arg7[%run_scoped3A_86, %dma_start3A_291] : memref<16x128xi32, #tpu.memory_space<vmem>> -> memref<1x128xi32, #tpu.memory_space<vmem>>
        %dma_start3A_293 = tpu.memref_squeeze %dma_start3A_292 : memref<1x128xi32, #tpu.memory_space<vmem>> -> memref<128xi32, #tpu.memory_space<vmem>>
        %dma_start3A_294 = arith.constant 0 : i32
        %dma_start3A_295 = arith.constant 0 : i32
        %dma_start3A_296 = tpu.memref_slice %arg10[%dma_start3A_294, %dma_start3A_295] : memref<10240x128xf32, #tpu.memory_space<vmem_shared>> -> memref<10240x128xf32, #tpu.memory_space<vmem_shared>>
        tpu.enqueue_indirect_dma source(%arg9 : memref<128x128xf32, #tpu.memory_space<vmem>>) target(%dma_start3A_296 : memref<10240x128xf32, #tpu.memory_space<vmem_shared>>) offsets(%dma_start3A_293 : memref<128xi32, #tpu.memory_space<vmem>>) semaphore(%run_scoped3A_290 : memref<!tpu.dma_semaphore, #tpu.memory_space<semaphore_mem>>) {add = true}
        %dma_wait3A_297 = arith.constant 0 : i32
        %dma_wait3A_298 = tpu.memref_slice %arg7[%run_scoped3A_86, %dma_wait3A_297] : memref<16x128xi32, #tpu.memory_space<vmem>> -> memref<1x128xi32, #tpu.memory_space<vmem>>
        %dma_wait3A_299 = tpu.memref_squeeze %dma_wait3A_298 : memref<1x128xi32, #tpu.memory_space<vmem>> -> memref<128xi32, #tpu.memory_space<vmem>>
        %dma_wait3A_300 = arith.constant 0 : i32
        %dma_wait3A_301 = arith.constant 0 : i32
        %dma_wait3A_302 = tpu.memref_slice %arg10[%dma_wait3A_300, %dma_wait3A_301] : memref<10240x128xf32, #tpu.memory_space<vmem_shared>> -> memref<10240x128xf32, #tpu.memory_space<vmem_shared>>
        tpu.wait_indirect_dma semaphore(%run_scoped3A_290 : memref<!tpu.dma_semaphore, #tpu.memory_space<semaphore_mem>>) src(%arg9 : memref<128x128xf32, #tpu.memory_space<vmem>>) dst(%dma_wait3A_302 : memref<10240x128xf32, #tpu.memory_space<vmem_shared>>)
        tpu.yield
      }) : () -> ()
      %dma_start3A_87 = arith.constant 3 : i32
      %dma_start3A_88 = arith.constant 0 : i32
      %dma_start3A_89 = tpu.memref_slice %arg6[%dma_start3A_87, %dma_start3A_88] : memref<16x128xi32, #tpu.memory_space<vmem>> -> memref<1x128xi32, #tpu.memory_space<vmem>>
      %dma_start3A_90 = tpu.memref_squeeze %dma_start3A_89 : memref<1x128xi32, #tpu.memory_space<vmem>> -> memref<128xi32, #tpu.memory_space<vmem>>
      %dma_start3A_91 = arith.constant 0 : i32
      %dma_start3A_92 = arith.constant 0 : i32
      %dma_start3A_93 = tpu.memref_slice %arg2[%dma_start3A_91, %dma_start3A_92] : memref<10240x128xf32, #tpu.memory_space<hbm>> -> memref<10240x128xf32, #tpu.memory_space<hbm>>
      tpu.enqueue_indirect_dma source(%dma_start3A_93 : memref<10240x128xf32, #tpu.memory_space<hbm>>) target(%arg9 : memref<128x128xf32, #tpu.memory_space<vmem>>) offsets(%dma_start3A_90 : memref<128xi32, #tpu.memory_space<vmem>>) semaphore(%arg12 : memref<!tpu.dma_semaphore, #tpu.memory_space<semaphore_mem>>)
      %dma_wait3A_94 = arith.constant 2 : i32
      %dma_wait3A_95 = arith.constant 0 : i32
      %dma_wait3A_96 = tpu.memref_slice %arg6[%dma_wait3A_94, %dma_wait3A_95] : memref<16x128xi32, #tpu.memory_space<vmem>> -> memref<1x128xi32, #tpu.memory_space<vmem>>
      %dma_wait3A_97 = tpu.memref_squeeze %dma_wait3A_96 : memref<1x128xi32, #tpu.memory_space<vmem>> -> memref<128xi32, #tpu.memory_space<vmem>>
      %dma_wait3A_98 = arith.constant 0 : i32
      %dma_wait3A_99 = arith.constant 0 : i32
      %dma_wait3A_100 = tpu.memref_slice %arg2[%dma_wait3A_98, %dma_wait3A_99] : memref<10240x128xf32, #tpu.memory_space<hbm>> -> memref<10240x128xf32, #tpu.memory_space<hbm>>
      tpu.wait_indirect_dma semaphore(%arg11 : memref<!tpu.dma_semaphore, #tpu.memory_space<semaphore_mem>>) src(%dma_wait3A_100 : memref<10240x128xf32, #tpu.memory_space<hbm>>) dst(%arg8 : memref<128x128xf32, #tpu.memory_space<vmem>>)
      %run_scoped3A_101 = arith.constant 2 : i32
      "tpu.region"() ({
        %run_scoped3A_290 = tpu.sem_alloc : memref<!tpu.dma_semaphore, #tpu.memory_space<semaphore_mem>>
        %dma_start3A_291 = arith.constant 0 : i32
        %dma_start3A_292 = tpu.memref_slice %arg7[%run_scoped3A_101, %dma_start3A_291] : memref<16x128xi32, #tpu.memory_space<vmem>> -> memref<1x128xi32, #tpu.memory_space<vmem>>
        %dma_start3A_293 = tpu.memref_squeeze %dma_start3A_292 : memref<1x128xi32, #tpu.memory_space<vmem>> -> memref<128xi32, #tpu.memory_space<vmem>>
        %dma_start3A_294 = arith.constant 0 : i32
        %dma_start3A_295 = arith.constant 0 : i32
        %dma_start3A_296 = tpu.memref_slice %arg10[%dma_start3A_294, %dma_start3A_295] : memref<10240x128xf32, #tpu.memory_space<vmem_shared>> -> memref<10240x128xf32, #tpu.memory_space<vmem_shared>>
        tpu.enqueue_indirect_dma source(%arg8 : memref<128x128xf32, #tpu.memory_space<vmem>>) target(%dma_start3A_296 : memref<10240x128xf32, #tpu.memory_space<vmem_shared>>) offsets(%dma_start3A_293 : memref<128xi32, #tpu.memory_space<vmem>>) semaphore(%run_scoped3A_290 : memref<!tpu.dma_semaphore, #tpu.memory_space<semaphore_mem>>) {add = true}
        %dma_wait3A_297 = arith.constant 0 : i32
        %dma_wait3A_298 = tpu.memref_slice %arg7[%run_scoped3A_101, %dma_wait3A_297] : memref<16x128xi32, #tpu.memory_space<vmem>> -> memref<1x128xi32, #tpu.memory_space<vmem>>
        %dma_wait3A_299 = tpu.memref_squeeze %dma_wait3A_298 : memref<1x128xi32, #tpu.memory_space<vmem>> -> memref<128xi32, #tpu.memory_space<vmem>>
        %dma_wait3A_300 = arith.constant 0 : i32
        %dma_wait3A_301 = arith.constant 0 : i32
        %dma_wait3A_302 = tpu.memref_slice %arg10[%dma_wait3A_300, %dma_wait3A_301] : memref<10240x128xf32, #tpu.memory_space<vmem_shared>> -> memref<10240x128xf32, #tpu.memory_space<vmem_shared>>
        tpu.wait_indirect_dma semaphore(%run_scoped3A_290 : memref<!tpu.dma_semaphore, #tpu.memory_space<semaphore_mem>>) src(%arg8 : memref<128x128xf32, #tpu.memory_space<vmem>>) dst(%dma_wait3A_302 : memref<10240x128xf32, #tpu.memory_space<vmem_shared>>)
        tpu.yield
      }) : () -> ()
      %dma_start3A_102 = arith.constant 4 : i32
      %dma_start3A_103 = arith.constant 0 : i32
      %dma_start3A_104 = tpu.memref_slice %arg6[%dma_start3A_102, %dma_start3A_103] : memref<16x128xi32, #tpu.memory_space<vmem>> -> memref<1x128xi32, #tpu.memory_space<vmem>>
      %dma_start3A_105 = tpu.memref_squeeze %dma_start3A_104 : memref<1x128xi32, #tpu.memory_space<vmem>> -> memref<128xi32, #tpu.memory_space<vmem>>
      %dma_start3A_106 = arith.constant 0 : i32
      %dma_start3A_107 = arith.constant 0 : i32
      %dma_start3A_108 = tpu.memref_slice %arg2[%dma_start3A_106, %dma_start3A_107] : memref<10240x128xf32, #tpu.memory_space<hbm>> -> memref<10240x128xf32, #tpu.memory_space<hbm>>
      tpu.enqueue_indirect_dma source(%dma_start3A_108 : memref<10240x128xf32, #tpu.memory_space<hbm>>) target(%arg8 : memref<128x128xf32, #tpu.memory_space<vmem>>) offsets(%dma_start3A_105 : memref<128xi32, #tpu.memory_space<vmem>>) semaphore(%arg11 : memref<!tpu.dma_semaphore, #tpu.memory_space<semaphore_mem>>)
      %dma_wait3A_109 = arith.constant 3 : i32
      %dma_wait3A_110 = arith.constant 0 : i32
      %dma_wait3A_111 = tpu.memref_slice %arg6[%dma_wait3A_109, %dma_wait3A_110] : memref<16x128xi32, #tpu.memory_space<vmem>> -> memref<1x128xi32, #tpu.memory_space<vmem>>
      %dma_wait3A_112 = tpu.memref_squeeze %dma_wait3A_111 : memref<1x128xi32, #tpu.memory_space<vmem>> -> memref<128xi32, #tpu.memory_space<vmem>>
      %dma_wait3A_113 = arith.constant 0 : i32
      %dma_wait3A_114 = arith.constant 0 : i32
      %dma_wait3A_115 = tpu.memref_slice %arg2[%dma_wait3A_113, %dma_wait3A_114] : memref<10240x128xf32, #tpu.memory_space<hbm>> -> memref<10240x128xf32, #tpu.memory_space<hbm>>
      tpu.wait_indirect_dma semaphore(%arg12 : memref<!tpu.dma_semaphore, #tpu.memory_space<semaphore_mem>>) src(%dma_wait3A_115 : memref<10240x128xf32, #tpu.memory_space<hbm>>) dst(%arg9 : memref<128x128xf32, #tpu.memory_space<vmem>>)
      %run_scoped3A_116 = arith.constant 3 : i32
      "tpu.region"() ({
        %run_scoped3A_290 = tpu.sem_alloc : memref<!tpu.dma_semaphore, #tpu.memory_space<semaphore_mem>>
        %dma_start3A_291 = arith.constant 0 : i32
        %dma_start3A_292 = tpu.memref_slice %arg7[%run_scoped3A_116, %dma_start3A_291] : memref<16x128xi32, #tpu.memory_space<vmem>> -> memref<1x128xi32, #tpu.memory_space<vmem>>
        %dma_start3A_293 = tpu.memref_squeeze %dma_start3A_292 : memref<1x128xi32, #tpu.memory_space<vmem>> -> memref<128xi32, #tpu.memory_space<vmem>>
        %dma_start3A_294 = arith.constant 0 : i32
        %dma_start3A_295 = arith.constant 0 : i32
        %dma_start3A_296 = tpu.memref_slice %arg10[%dma_start3A_294, %dma_start3A_295] : memref<10240x128xf32, #tpu.memory_space<vmem_shared>> -> memref<10240x128xf32, #tpu.memory_space<vmem_shared>>
        tpu.enqueue_indirect_dma source(%arg9 : memref<128x128xf32, #tpu.memory_space<vmem>>) target(%dma_start3A_296 : memref<10240x128xf32, #tpu.memory_space<vmem_shared>>) offsets(%dma_start3A_293 : memref<128xi32, #tpu.memory_space<vmem>>) semaphore(%run_scoped3A_290 : memref<!tpu.dma_semaphore, #tpu.memory_space<semaphore_mem>>) {add = true}
        %dma_wait3A_297 = arith.constant 0 : i32
        %dma_wait3A_298 = tpu.memref_slice %arg7[%run_scoped3A_116, %dma_wait3A_297] : memref<16x128xi32, #tpu.memory_space<vmem>> -> memref<1x128xi32, #tpu.memory_space<vmem>>
        %dma_wait3A_299 = tpu.memref_squeeze %dma_wait3A_298 : memref<1x128xi32, #tpu.memory_space<vmem>> -> memref<128xi32, #tpu.memory_space<vmem>>
        %dma_wait3A_300 = arith.constant 0 : i32
        %dma_wait3A_301 = arith.constant 0 : i32
        %dma_wait3A_302 = tpu.memref_slice %arg10[%dma_wait3A_300, %dma_wait3A_301] : memref<10240x128xf32, #tpu.memory_space<vmem_shared>> -> memref<10240x128xf32, #tpu.memory_space<vmem_shared>>
        tpu.wait_indirect_dma semaphore(%run_scoped3A_290 : memref<!tpu.dma_semaphore, #tpu.memory_space<semaphore_mem>>) src(%arg9 : memref<128x128xf32, #tpu.memory_space<vmem>>) dst(%dma_wait3A_302 : memref<10240x128xf32, #tpu.memory_space<vmem_shared>>)
        tpu.yield
      }) : () -> ()
      %dma_start3A_117 = arith.constant 5 : i32
      %dma_start3A_118 = arith.constant 0 : i32
      %dma_start3A_119 = tpu.memref_slice %arg6[%dma_start3A_117, %dma_start3A_118] : memref<16x128xi32, #tpu.memory_space<vmem>> -> memref<1x128xi32, #tpu.memory_space<vmem>>
      %dma_start3A_120 = tpu.memref_squeeze %dma_start3A_119 : memref<1x128xi32, #tpu.memory_space<vmem>> -> memref<128xi32, #tpu.memory_space<vmem>>
      %dma_start3A_121 = arith.constant 0 : i32
      %dma_start3A_122 = arith.constant 0 : i32
      %dma_start3A_123 = tpu.memref_slice %arg2[%dma_start3A_121, %dma_start3A_122] : memref<10240x128xf32, #tpu.memory_space<hbm>> -> memref<10240x128xf32, #tpu.memory_space<hbm>>
      tpu.enqueue_indirect_dma source(%dma_start3A_123 : memref<10240x128xf32, #tpu.memory_space<hbm>>) target(%arg9 : memref<128x128xf32, #tpu.memory_space<vmem>>) offsets(%dma_start3A_120 : memref<128xi32, #tpu.memory_space<vmem>>) semaphore(%arg12 : memref<!tpu.dma_semaphore, #tpu.memory_space<semaphore_mem>>)
      %dma_wait3A_124 = arith.constant 4 : i32
      %dma_wait3A_125 = arith.constant 0 : i32
      %dma_wait3A_126 = tpu.memref_slice %arg6[%dma_wait3A_124, %dma_wait3A_125] : memref<16x128xi32, #tpu.memory_space<vmem>> -> memref<1x128xi32, #tpu.memory_space<vmem>>
      %dma_wait3A_127 = tpu.memref_squeeze %dma_wait3A_126 : memref<1x128xi32, #tpu.memory_space<vmem>> -> memref<128xi32, #tpu.memory_space<vmem>>
      %dma_wait3A_128 = arith.constant 0 : i32
      %dma_wait3A_129 = arith.constant 0 : i32
      %dma_wait3A_130 = tpu.memref_slice %arg2[%dma_wait3A_128, %dma_wait3A_129] : memref<10240x128xf32, #tpu.memory_space<hbm>> -> memref<10240x128xf32, #tpu.memory_space<hbm>>
      tpu.wait_indirect_dma semaphore(%arg11 : memref<!tpu.dma_semaphore, #tpu.memory_space<semaphore_mem>>) src(%dma_wait3A_130 : memref<10240x128xf32, #tpu.memory_space<hbm>>) dst(%arg8 : memref<128x128xf32, #tpu.memory_space<vmem>>)
      %run_scoped3A_131 = arith.constant 4 : i32
      "tpu.region"() ({
        %run_scoped3A_290 = tpu.sem_alloc : memref<!tpu.dma_semaphore, #tpu.memory_space<semaphore_mem>>
        %dma_start3A_291 = arith.constant 0 : i32
        %dma_start3A_292 = tpu.memref_slice %arg7[%run_scoped3A_131, %dma_start3A_291] : memref<16x128xi32, #tpu.memory_space<vmem>> -> memref<1x128xi32, #tpu.memory_space<vmem>>
        %dma_start3A_293 = tpu.memref_squeeze %dma_start3A_292 : memref<1x128xi32, #tpu.memory_space<vmem>> -> memref<128xi32, #tpu.memory_space<vmem>>
        %dma_start3A_294 = arith.constant 0 : i32
        %dma_start3A_295 = arith.constant 0 : i32
        %dma_start3A_296 = tpu.memref_slice %arg10[%dma_start3A_294, %dma_start3A_295] : memref<10240x128xf32, #tpu.memory_space<vmem_shared>> -> memref<10240x128xf32, #tpu.memory_space<vmem_shared>>
        tpu.enqueue_indirect_dma source(%arg8 : memref<128x128xf32, #tpu.memory_space<vmem>>) target(%dma_start3A_296 : memref<10240x128xf32, #tpu.memory_space<vmem_shared>>) offsets(%dma_start3A_293 : memref<128xi32, #tpu.memory_space<vmem>>) semaphore(%run_scoped3A_290 : memref<!tpu.dma_semaphore, #tpu.memory_space<semaphore_mem>>) {add = true}
        %dma_wait3A_297 = arith.constant 0 : i32
        %dma_wait3A_298 = tpu.memref_slice %arg7[%run_scoped3A_131, %dma_wait3A_297] : memref<16x128xi32, #tpu.memory_space<vmem>> -> memref<1x128xi32, #tpu.memory_space<vmem>>
        %dma_wait3A_299 = tpu.memref_squeeze %dma_wait3A_298 : memref<1x128xi32, #tpu.memory_space<vmem>> -> memref<128xi32, #tpu.memory_space<vmem>>
        %dma_wait3A_300 = arith.constant 0 : i32
        %dma_wait3A_301 = arith.constant 0 : i32
        %dma_wait3A_302 = tpu.memref_slice %arg10[%dma_wait3A_300, %dma_wait3A_301] : memref<10240x128xf32, #tpu.memory_space<vmem_shared>> -> memref<10240x128xf32, #tpu.memory_space<vmem_shared>>
        tpu.wait_indirect_dma semaphore(%run_scoped3A_290 : memref<!tpu.dma_semaphore, #tpu.memory_space<semaphore_mem>>) src(%arg8 : memref<128x128xf32, #tpu.memory_space<vmem>>) dst(%dma_wait3A_302 : memref<10240x128xf32, #tpu.memory_space<vmem_shared>>)
        tpu.yield
      }) : () -> ()
      %dma_start3A_132 = arith.constant 6 : i32
      %dma_start3A_133 = arith.constant 0 : i32
      %dma_start3A_134 = tpu.memref_slice %arg6[%dma_start3A_132, %dma_start3A_133] : memref<16x128xi32, #tpu.memory_space<vmem>> -> memref<1x128xi32, #tpu.memory_space<vmem>>
      %dma_start3A_135 = tpu.memref_squeeze %dma_start3A_134 : memref<1x128xi32, #tpu.memory_space<vmem>> -> memref<128xi32, #tpu.memory_space<vmem>>
      %dma_start3A_136 = arith.constant 0 : i32
      %dma_start3A_137 = arith.constant 0 : i32
      %dma_start3A_138 = tpu.memref_slice %arg2[%dma_start3A_136, %dma_start3A_137] : memref<10240x128xf32, #tpu.memory_space<hbm>> -> memref<10240x128xf32, #tpu.memory_space<hbm>>
      tpu.enqueue_indirect_dma source(%dma_start3A_138 : memref<10240x128xf32, #tpu.memory_space<hbm>>) target(%arg8 : memref<128x128xf32, #tpu.memory_space<vmem>>) offsets(%dma_start3A_135 : memref<128xi32, #tpu.memory_space<vmem>>) semaphore(%arg11 : memref<!tpu.dma_semaphore, #tpu.memory_space<semaphore_mem>>)
      %dma_wait3A_139 = arith.constant 5 : i32
      %dma_wait3A_140 = arith.constant 0 : i32
      %dma_wait3A_141 = tpu.memref_slice %arg6[%dma_wait3A_139, %dma_wait3A_140] : memref<16x128xi32, #tpu.memory_space<vmem>> -> memref<1x128xi32, #tpu.memory_space<vmem>>
      %dma_wait3A_142 = tpu.memref_squeeze %dma_wait3A_141 : memref<1x128xi32, #tpu.memory_space<vmem>> -> memref<128xi32, #tpu.memory_space<vmem>>
      %dma_wait3A_143 = arith.constant 0 : i32
      %dma_wait3A_144 = arith.constant 0 : i32
      %dma_wait3A_145 = tpu.memref_slice %arg2[%dma_wait3A_143, %dma_wait3A_144] : memref<10240x128xf32, #tpu.memory_space<hbm>> -> memref<10240x128xf32, #tpu.memory_space<hbm>>
      tpu.wait_indirect_dma semaphore(%arg12 : memref<!tpu.dma_semaphore, #tpu.memory_space<semaphore_mem>>) src(%dma_wait3A_145 : memref<10240x128xf32, #tpu.memory_space<hbm>>) dst(%arg9 : memref<128x128xf32, #tpu.memory_space<vmem>>)
      %run_scoped3A_146 = arith.constant 5 : i32
      "tpu.region"() ({
        %run_scoped3A_290 = tpu.sem_alloc : memref<!tpu.dma_semaphore, #tpu.memory_space<semaphore_mem>>
        %dma_start3A_291 = arith.constant 0 : i32
        %dma_start3A_292 = tpu.memref_slice %arg7[%run_scoped3A_146, %dma_start3A_291] : memref<16x128xi32, #tpu.memory_space<vmem>> -> memref<1x128xi32, #tpu.memory_space<vmem>>
        %dma_start3A_293 = tpu.memref_squeeze %dma_start3A_292 : memref<1x128xi32, #tpu.memory_space<vmem>> -> memref<128xi32, #tpu.memory_space<vmem>>
        %dma_start3A_294 = arith.constant 0 : i32
        %dma_start3A_295 = arith.constant 0 : i32
        %dma_start3A_296 = tpu.memref_slice %arg10[%dma_start3A_294, %dma_start3A_295] : memref<10240x128xf32, #tpu.memory_space<vmem_shared>> -> memref<10240x128xf32, #tpu.memory_space<vmem_shared>>
        tpu.enqueue_indirect_dma source(%arg9 : memref<128x128xf32, #tpu.memory_space<vmem>>) target(%dma_start3A_296 : memref<10240x128xf32, #tpu.memory_space<vmem_shared>>) offsets(%dma_start3A_293 : memref<128xi32, #tpu.memory_space<vmem>>) semaphore(%run_scoped3A_290 : memref<!tpu.dma_semaphore, #tpu.memory_space<semaphore_mem>>) {add = true}
        %dma_wait3A_297 = arith.constant 0 : i32
        %dma_wait3A_298 = tpu.memref_slice %arg7[%run_scoped3A_146, %dma_wait3A_297] : memref<16x128xi32, #tpu.memory_space<vmem>> -> memref<1x128xi32, #tpu.memory_space<vmem>>
        %dma_wait3A_299 = tpu.memref_squeeze %dma_wait3A_298 : memref<1x128xi32, #tpu.memory_space<vmem>> -> memref<128xi32, #tpu.memory_space<vmem>>
        %dma_wait3A_300 = arith.constant 0 : i32
        %dma_wait3A_301 = arith.constant 0 : i32
        %dma_wait3A_302 = tpu.memref_slice %arg10[%dma_wait3A_300, %dma_wait3A_301] : memref<10240x128xf32, #tpu.memory_space<vmem_shared>> -> memref<10240x128xf32, #tpu.memory_space<vmem_shared>>
        tpu.wait_indirect_dma semaphore(%run_scoped3A_290 : memref<!tpu.dma_semaphore, #tpu.memory_space<semaphore_mem>>) src(%arg9 : memref<128x128xf32, #tpu.memory_space<vmem>>) dst(%dma_wait3A_302 : memref<10240x128xf32, #tpu.memory_space<vmem_shared>>)
        tpu.yield
      }) : () -> ()
      %dma_start3A_147 = arith.constant 7 : i32
      %dma_start3A_148 = arith.constant 0 : i32
      %dma_start3A_149 = tpu.memref_slice %arg6[%dma_start3A_147, %dma_start3A_148] : memref<16x128xi32, #tpu.memory_space<vmem>> -> memref<1x128xi32, #tpu.memory_space<vmem>>
      %dma_start3A_150 = tpu.memref_squeeze %dma_start3A_149 : memref<1x128xi32, #tpu.memory_space<vmem>> -> memref<128xi32, #tpu.memory_space<vmem>>
      %dma_start3A_151 = arith.constant 0 : i32
      %dma_start3A_152 = arith.constant 0 : i32
      %dma_start3A_153 = tpu.memref_slice %arg2[%dma_start3A_151, %dma_start3A_152] : memref<10240x128xf32, #tpu.memory_space<hbm>> -> memref<10240x128xf32, #tpu.memory_space<hbm>>
      tpu.enqueue_indirect_dma source(%dma_start3A_153 : memref<10240x128xf32, #tpu.memory_space<hbm>>) target(%arg9 : memref<128x128xf32, #tpu.memory_space<vmem>>) offsets(%dma_start3A_150 : memref<128xi32, #tpu.memory_space<vmem>>) semaphore(%arg12 : memref<!tpu.dma_semaphore, #tpu.memory_space<semaphore_mem>>)
      %dma_wait3A_154 = arith.constant 6 : i32
      %dma_wait3A_155 = arith.constant 0 : i32
      %dma_wait3A_156 = tpu.memref_slice %arg6[%dma_wait3A_154, %dma_wait3A_155] : memref<16x128xi32, #tpu.memory_space<vmem>> -> memref<1x128xi32, #tpu.memory_space<vmem>>
      %dma_wait3A_157 = tpu.memref_squeeze %dma_wait3A_156 : memref<1x128xi32, #tpu.memory_space<vmem>> -> memref<128xi32, #tpu.memory_space<vmem>>
      %dma_wait3A_158 = arith.constant 0 : i32
      %dma_wait3A_159 = arith.constant 0 : i32
      %dma_wait3A_160 = tpu.memref_slice %arg2[%dma_wait3A_158, %dma_wait3A_159] : memref<10240x128xf32, #tpu.memory_space<hbm>> -> memref<10240x128xf32, #tpu.memory_space<hbm>>
      tpu.wait_indirect_dma semaphore(%arg11 : memref<!tpu.dma_semaphore, #tpu.memory_space<semaphore_mem>>) src(%dma_wait3A_160 : memref<10240x128xf32, #tpu.memory_space<hbm>>) dst(%arg8 : memref<128x128xf32, #tpu.memory_space<vmem>>)
      %run_scoped3A_161 = arith.constant 6 : i32
      "tpu.region"() ({
        %run_scoped3A_290 = tpu.sem_alloc : memref<!tpu.dma_semaphore, #tpu.memory_space<semaphore_mem>>
        %dma_start3A_291 = arith.constant 0 : i32
        %dma_start3A_292 = tpu.memref_slice %arg7[%run_scoped3A_161, %dma_start3A_291] : memref<16x128xi32, #tpu.memory_space<vmem>> -> memref<1x128xi32, #tpu.memory_space<vmem>>
        %dma_start3A_293 = tpu.memref_squeeze %dma_start3A_292 : memref<1x128xi32, #tpu.memory_space<vmem>> -> memref<128xi32, #tpu.memory_space<vmem>>
        %dma_start3A_294 = arith.constant 0 : i32
        %dma_start3A_295 = arith.constant 0 : i32
        %dma_start3A_296 = tpu.memref_slice %arg10[%dma_start3A_294, %dma_start3A_295] : memref<10240x128xf32, #tpu.memory_space<vmem_shared>> -> memref<10240x128xf32, #tpu.memory_space<vmem_shared>>
        tpu.enqueue_indirect_dma source(%arg8 : memref<128x128xf32, #tpu.memory_space<vmem>>) target(%dma_start3A_296 : memref<10240x128xf32, #tpu.memory_space<vmem_shared>>) offsets(%dma_start3A_293 : memref<128xi32, #tpu.memory_space<vmem>>) semaphore(%run_scoped3A_290 : memref<!tpu.dma_semaphore, #tpu.memory_space<semaphore_mem>>) {add = true}
        %dma_wait3A_297 = arith.constant 0 : i32
        %dma_wait3A_298 = tpu.memref_slice %arg7[%run_scoped3A_161, %dma_wait3A_297] : memref<16x128xi32, #tpu.memory_space<vmem>> -> memref<1x128xi32, #tpu.memory_space<vmem>>
        %dma_wait3A_299 = tpu.memref_squeeze %dma_wait3A_298 : memref<1x128xi32, #tpu.memory_space<vmem>> -> memref<128xi32, #tpu.memory_space<vmem>>
        %dma_wait3A_300 = arith.constant 0 : i32
        %dma_wait3A_301 = arith.constant 0 : i32
        %dma_wait3A_302 = tpu.memref_slice %arg10[%dma_wait3A_300, %dma_wait3A_301] : memref<10240x128xf32, #tpu.memory_space<vmem_shared>> -> memref<10240x128xf32, #tpu.memory_space<vmem_shared>>
        tpu.wait_indirect_dma semaphore(%run_scoped3A_290 : memref<!tpu.dma_semaphore, #tpu.memory_space<semaphore_mem>>) src(%arg8 : memref<128x128xf32, #tpu.memory_space<vmem>>) dst(%dma_wait3A_302 : memref<10240x128xf32, #tpu.memory_space<vmem_shared>>)
        tpu.yield
      }) : () -> ()
      %dma_start3A_162 = arith.constant 8 : i32
      %dma_start3A_163 = arith.constant 0 : i32
      %dma_start3A_164 = tpu.memref_slice %arg6[%dma_start3A_162, %dma_start3A_163] : memref<16x128xi32, #tpu.memory_space<vmem>> -> memref<1x128xi32, #tpu.memory_space<vmem>>
      %dma_start3A_165 = tpu.memref_squeeze %dma_start3A_164 : memref<1x128xi32, #tpu.memory_space<vmem>> -> memref<128xi32, #tpu.memory_space<vmem>>
      %dma_start3A_166 = arith.constant 0 : i32
      %dma_start3A_167 = arith.constant 0 : i32
      %dma_start3A_168 = tpu.memref_slice %arg2[%dma_start3A_166, %dma_start3A_167] : memref<10240x128xf32, #tpu.memory_space<hbm>> -> memref<10240x128xf32, #tpu.memory_space<hbm>>
      tpu.enqueue_indirect_dma source(%dma_start3A_168 : memref<10240x128xf32, #tpu.memory_space<hbm>>) target(%arg8 : memref<128x128xf32, #tpu.memory_space<vmem>>) offsets(%dma_start3A_165 : memref<128xi32, #tpu.memory_space<vmem>>) semaphore(%arg11 : memref<!tpu.dma_semaphore, #tpu.memory_space<semaphore_mem>>)
      %dma_wait3A_169 = arith.constant 7 : i32
      %dma_wait3A_170 = arith.constant 0 : i32
      %dma_wait3A_171 = tpu.memref_slice %arg6[%dma_wait3A_169, %dma_wait3A_170] : memref<16x128xi32, #tpu.memory_space<vmem>> -> memref<1x128xi32, #tpu.memory_space<vmem>>
      %dma_wait3A_172 = tpu.memref_squeeze %dma_wait3A_171 : memref<1x128xi32, #tpu.memory_space<vmem>> -> memref<128xi32, #tpu.memory_space<vmem>>
      %dma_wait3A_173 = arith.constant 0 : i32
      %dma_wait3A_174 = arith.constant 0 : i32
      %dma_wait3A_175 = tpu.memref_slice %arg2[%dma_wait3A_173, %dma_wait3A_174] : memref<10240x128xf32, #tpu.memory_space<hbm>> -> memref<10240x128xf32, #tpu.memory_space<hbm>>
      tpu.wait_indirect_dma semaphore(%arg12 : memref<!tpu.dma_semaphore, #tpu.memory_space<semaphore_mem>>) src(%dma_wait3A_175 : memref<10240x128xf32, #tpu.memory_space<hbm>>) dst(%arg9 : memref<128x128xf32, #tpu.memory_space<vmem>>)
      %run_scoped3A_176 = arith.constant 7 : i32
      "tpu.region"() ({
        %run_scoped3A_290 = tpu.sem_alloc : memref<!tpu.dma_semaphore, #tpu.memory_space<semaphore_mem>>
        %dma_start3A_291 = arith.constant 0 : i32
        %dma_start3A_292 = tpu.memref_slice %arg7[%run_scoped3A_176, %dma_start3A_291] : memref<16x128xi32, #tpu.memory_space<vmem>> -> memref<1x128xi32, #tpu.memory_space<vmem>>
        %dma_start3A_293 = tpu.memref_squeeze %dma_start3A_292 : memref<1x128xi32, #tpu.memory_space<vmem>> -> memref<128xi32, #tpu.memory_space<vmem>>
        %dma_start3A_294 = arith.constant 0 : i32
        %dma_start3A_295 = arith.constant 0 : i32
        %dma_start3A_296 = tpu.memref_slice %arg10[%dma_start3A_294, %dma_start3A_295] : memref<10240x128xf32, #tpu.memory_space<vmem_shared>> -> memref<10240x128xf32, #tpu.memory_space<vmem_shared>>
        tpu.enqueue_indirect_dma source(%arg9 : memref<128x128xf32, #tpu.memory_space<vmem>>) target(%dma_start3A_296 : memref<10240x128xf32, #tpu.memory_space<vmem_shared>>) offsets(%dma_start3A_293 : memref<128xi32, #tpu.memory_space<vmem>>) semaphore(%run_scoped3A_290 : memref<!tpu.dma_semaphore, #tpu.memory_space<semaphore_mem>>) {add = true}
        %dma_wait3A_297 = arith.constant 0 : i32
        %dma_wait3A_298 = tpu.memref_slice %arg7[%run_scoped3A_176, %dma_wait3A_297] : memref<16x128xi32, #tpu.memory_space<vmem>> -> memref<1x128xi32, #tpu.memory_space<vmem>>
        %dma_wait3A_299 = tpu.memref_squeeze %dma_wait3A_298 : memref<1x128xi32, #tpu.memory_space<vmem>> -> memref<128xi32, #tpu.memory_space<vmem>>
        %dma_wait3A_300 = arith.constant 0 : i32
        %dma_wait3A_301 = arith.constant 0 : i32
        %dma_wait3A_302 = tpu.memref_slice %arg10[%dma_wait3A_300, %dma_wait3A_301] : memref<10240x128xf32, #tpu.memory_space<vmem_shared>> -> memref<10240x128xf32, #tpu.memory_space<vmem_shared>>
        tpu.wait_indirect_dma semaphore(%run_scoped3A_290 : memref<!tpu.dma_semaphore, #tpu.memory_space<semaphore_mem>>) src(%arg9 : memref<128x128xf32, #tpu.memory_space<vmem>>) dst(%dma_wait3A_302 : memref<10240x128xf32, #tpu.memory_space<vmem_shared>>)
        tpu.yield
      }) : () -> ()
      %dma_start3A_177 = arith.constant 9 : i32
      %dma_start3A_178 = arith.constant 0 : i32
      %dma_start3A_179 = tpu.memref_slice %arg6[%dma_start3A_177, %dma_start3A_178] : memref<16x128xi32, #tpu.memory_space<vmem>> -> memref<1x128xi32, #tpu.memory_space<vmem>>
      %dma_start3A_180 = tpu.memref_squeeze %dma_start3A_179 : memref<1x128xi32, #tpu.memory_space<vmem>> -> memref<128xi32, #tpu.memory_space<vmem>>
      %dma_start3A_181 = arith.constant 0 : i32
      %dma_start3A_182 = arith.constant 0 : i32
      %dma_start3A_183 = tpu.memref_slice %arg2[%dma_start3A_181, %dma_start3A_182] : memref<10240x128xf32, #tpu.memory_space<hbm>> -> memref<10240x128xf32, #tpu.memory_space<hbm>>
      tpu.enqueue_indirect_dma source(%dma_start3A_183 : memref<10240x128xf32, #tpu.memory_space<hbm>>) target(%arg9 : memref<128x128xf32, #tpu.memory_space<vmem>>) offsets(%dma_start3A_180 : memref<128xi32, #tpu.memory_space<vmem>>) semaphore(%arg12 : memref<!tpu.dma_semaphore, #tpu.memory_space<semaphore_mem>>)
      %dma_wait3A_184 = arith.constant 8 : i32
      %dma_wait3A_185 = arith.constant 0 : i32
      %dma_wait3A_186 = tpu.memref_slice %arg6[%dma_wait3A_184, %dma_wait3A_185] : memref<16x128xi32, #tpu.memory_space<vmem>> -> memref<1x128xi32, #tpu.memory_space<vmem>>
      %dma_wait3A_187 = tpu.memref_squeeze %dma_wait3A_186 : memref<1x128xi32, #tpu.memory_space<vmem>> -> memref<128xi32, #tpu.memory_space<vmem>>
      %dma_wait3A_188 = arith.constant 0 : i32
      %dma_wait3A_189 = arith.constant 0 : i32
      %dma_wait3A_190 = tpu.memref_slice %arg2[%dma_wait3A_188, %dma_wait3A_189] : memref<10240x128xf32, #tpu.memory_space<hbm>> -> memref<10240x128xf32, #tpu.memory_space<hbm>>
      tpu.wait_indirect_dma semaphore(%arg11 : memref<!tpu.dma_semaphore, #tpu.memory_space<semaphore_mem>>) src(%dma_wait3A_190 : memref<10240x128xf32, #tpu.memory_space<hbm>>) dst(%arg8 : memref<128x128xf32, #tpu.memory_space<vmem>>)
      %run_scoped3A_191 = arith.constant 8 : i32
      "tpu.region"() ({
        %run_scoped3A_290 = tpu.sem_alloc : memref<!tpu.dma_semaphore, #tpu.memory_space<semaphore_mem>>
        %dma_start3A_291 = arith.constant 0 : i32
        %dma_start3A_292 = tpu.memref_slice %arg7[%run_scoped3A_191, %dma_start3A_291] : memref<16x128xi32, #tpu.memory_space<vmem>> -> memref<1x128xi32, #tpu.memory_space<vmem>>
        %dma_start3A_293 = tpu.memref_squeeze %dma_start3A_292 : memref<1x128xi32, #tpu.memory_space<vmem>> -> memref<128xi32, #tpu.memory_space<vmem>>
        %dma_start3A_294 = arith.constant 0 : i32
        %dma_start3A_295 = arith.constant 0 : i32
        %dma_start3A_296 = tpu.memref_slice %arg10[%dma_start3A_294, %dma_start3A_295] : memref<10240x128xf32, #tpu.memory_space<vmem_shared>> -> memref<10240x128xf32, #tpu.memory_space<vmem_shared>>
        tpu.enqueue_indirect_dma source(%arg8 : memref<128x128xf32, #tpu.memory_space<vmem>>) target(%dma_start3A_296 : memref<10240x128xf32, #tpu.memory_space<vmem_shared>>) offsets(%dma_start3A_293 : memref<128xi32, #tpu.memory_space<vmem>>) semaphore(%run_scoped3A_290 : memref<!tpu.dma_semaphore, #tpu.memory_space<semaphore_mem>>) {add = true}
        %dma_wait3A_297 = arith.constant 0 : i32
        %dma_wait3A_298 = tpu.memref_slice %arg7[%run_scoped3A_191, %dma_wait3A_297] : memref<16x128xi32, #tpu.memory_space<vmem>> -> memref<1x128xi32, #tpu.memory_space<vmem>>
        %dma_wait3A_299 = tpu.memref_squeeze %dma_wait3A_298 : memref<1x128xi32, #tpu.memory_space<vmem>> -> memref<128xi32, #tpu.memory_space<vmem>>
        %dma_wait3A_300 = arith.constant 0 : i32
        %dma_wait3A_301 = arith.constant 0 : i32
        %dma_wait3A_302 = tpu.memref_slice %arg10[%dma_wait3A_300, %dma_wait3A_301] : memref<10240x128xf32, #tpu.memory_space<vmem_shared>> -> memref<10240x128xf32, #tpu.memory_space<vmem_shared>>
        tpu.wait_indirect_dma semaphore(%run_scoped3A_290 : memref<!tpu.dma_semaphore, #tpu.memory_space<semaphore_mem>>) src(%arg8 : memref<128x128xf32, #tpu.memory_space<vmem>>) dst(%dma_wait3A_302 : memref<10240x128xf32, #tpu.memory_space<vmem_shared>>)
        tpu.yield
      }) : () -> ()
      %dma_start3A_192 = arith.constant 10 : i32
      %dma_start3A_193 = arith.constant 0 : i32
      %dma_start3A_194 = tpu.memref_slice %arg6[%dma_start3A_192, %dma_start3A_193] : memref<16x128xi32, #tpu.memory_space<vmem>> -> memref<1x128xi32, #tpu.memory_space<vmem>>
      %dma_start3A_195 = tpu.memref_squeeze %dma_start3A_194 : memref<1x128xi32, #tpu.memory_space<vmem>> -> memref<128xi32, #tpu.memory_space<vmem>>
      %dma_start3A_196 = arith.constant 0 : i32
      %dma_start3A_197 = arith.constant 0 : i32
      %dma_start3A_198 = tpu.memref_slice %arg2[%dma_start3A_196, %dma_start3A_197] : memref<10240x128xf32, #tpu.memory_space<hbm>> -> memref<10240x128xf32, #tpu.memory_space<hbm>>
      tpu.enqueue_indirect_dma source(%dma_start3A_198 : memref<10240x128xf32, #tpu.memory_space<hbm>>) target(%arg8 : memref<128x128xf32, #tpu.memory_space<vmem>>) offsets(%dma_start3A_195 : memref<128xi32, #tpu.memory_space<vmem>>) semaphore(%arg11 : memref<!tpu.dma_semaphore, #tpu.memory_space<semaphore_mem>>)
      %dma_wait3A_199 = arith.constant 9 : i32
      %dma_wait3A_200 = arith.constant 0 : i32
      %dma_wait3A_201 = tpu.memref_slice %arg6[%dma_wait3A_199, %dma_wait3A_200] : memref<16x128xi32, #tpu.memory_space<vmem>> -> memref<1x128xi32, #tpu.memory_space<vmem>>
      %dma_wait3A_202 = tpu.memref_squeeze %dma_wait3A_201 : memref<1x128xi32, #tpu.memory_space<vmem>> -> memref<128xi32, #tpu.memory_space<vmem>>
      %dma_wait3A_203 = arith.constant 0 : i32
      %dma_wait3A_204 = arith.constant 0 : i32
      %dma_wait3A_205 = tpu.memref_slice %arg2[%dma_wait3A_203, %dma_wait3A_204] : memref<10240x128xf32, #tpu.memory_space<hbm>> -> memref<10240x128xf32, #tpu.memory_space<hbm>>
      tpu.wait_indirect_dma semaphore(%arg12 : memref<!tpu.dma_semaphore, #tpu.memory_space<semaphore_mem>>) src(%dma_wait3A_205 : memref<10240x128xf32, #tpu.memory_space<hbm>>) dst(%arg9 : memref<128x128xf32, #tpu.memory_space<vmem>>)
      %run_scoped3A_206 = arith.constant 9 : i32
      "tpu.region"() ({
        %run_scoped3A_290 = tpu.sem_alloc : memref<!tpu.dma_semaphore, #tpu.memory_space<semaphore_mem>>
        %dma_start3A_291 = arith.constant 0 : i32
        %dma_start3A_292 = tpu.memref_slice %arg7[%run_scoped3A_206, %dma_start3A_291] : memref<16x128xi32, #tpu.memory_space<vmem>> -> memref<1x128xi32, #tpu.memory_space<vmem>>
        %dma_start3A_293 = tpu.memref_squeeze %dma_start3A_292 : memref<1x128xi32, #tpu.memory_space<vmem>> -> memref<128xi32, #tpu.memory_space<vmem>>
        %dma_start3A_294 = arith.constant 0 : i32
        %dma_start3A_295 = arith.constant 0 : i32
        %dma_start3A_296 = tpu.memref_slice %arg10[%dma_start3A_294, %dma_start3A_295] : memref<10240x128xf32, #tpu.memory_space<vmem_shared>> -> memref<10240x128xf32, #tpu.memory_space<vmem_shared>>
        tpu.enqueue_indirect_dma source(%arg9 : memref<128x128xf32, #tpu.memory_space<vmem>>) target(%dma_start3A_296 : memref<10240x128xf32, #tpu.memory_space<vmem_shared>>) offsets(%dma_start3A_293 : memref<128xi32, #tpu.memory_space<vmem>>) semaphore(%run_scoped3A_290 : memref<!tpu.dma_semaphore, #tpu.memory_space<semaphore_mem>>) {add = true}
        %dma_wait3A_297 = arith.constant 0 : i32
        %dma_wait3A_298 = tpu.memref_slice %arg7[%run_scoped3A_206, %dma_wait3A_297] : memref<16x128xi32, #tpu.memory_space<vmem>> -> memref<1x128xi32, #tpu.memory_space<vmem>>
        %dma_wait3A_299 = tpu.memref_squeeze %dma_wait3A_298 : memref<1x128xi32, #tpu.memory_space<vmem>> -> memref<128xi32, #tpu.memory_space<vmem>>
        %dma_wait3A_300 = arith.constant 0 : i32
        %dma_wait3A_301 = arith.constant 0 : i32
        %dma_wait3A_302 = tpu.memref_slice %arg10[%dma_wait3A_300, %dma_wait3A_301] : memref<10240x128xf32, #tpu.memory_space<vmem_shared>> -> memref<10240x128xf32, #tpu.memory_space<vmem_shared>>
        tpu.wait_indirect_dma semaphore(%run_scoped3A_290 : memref<!tpu.dma_semaphore, #tpu.memory_space<semaphore_mem>>) src(%arg9 : memref<128x128xf32, #tpu.memory_space<vmem>>) dst(%dma_wait3A_302 : memref<10240x128xf32, #tpu.memory_space<vmem_shared>>)
        tpu.yield
      }) : () -> ()
      %dma_start3A_207 = arith.constant 11 : i32
      %dma_start3A_208 = arith.constant 0 : i32
      %dma_start3A_209 = tpu.memref_slice %arg6[%dma_start3A_207, %dma_start3A_208] : memref<16x128xi32, #tpu.memory_space<vmem>> -> memref<1x128xi32, #tpu.memory_space<vmem>>
      %dma_start3A_210 = tpu.memref_squeeze %dma_start3A_209 : memref<1x128xi32, #tpu.memory_space<vmem>> -> memref<128xi32, #tpu.memory_space<vmem>>
      %dma_start3A_211 = arith.constant 0 : i32
      %dma_start3A_212 = arith.constant 0 : i32
      %dma_start3A_213 = tpu.memref_slice %arg2[%dma_start3A_211, %dma_start3A_212] : memref<10240x128xf32, #tpu.memory_space<hbm>> -> memref<10240x128xf32, #tpu.memory_space<hbm>>
      tpu.enqueue_indirect_dma source(%dma_start3A_213 : memref<10240x128xf32, #tpu.memory_space<hbm>>) target(%arg9 : memref<128x128xf32, #tpu.memory_space<vmem>>) offsets(%dma_start3A_210 : memref<128xi32, #tpu.memory_space<vmem>>) semaphore(%arg12 : memref<!tpu.dma_semaphore, #tpu.memory_space<semaphore_mem>>)
      %dma_wait3A_214 = arith.constant 10 : i32
      %dma_wait3A_215 = arith.constant 0 : i32
      %dma_wait3A_216 = tpu.memref_slice %arg6[%dma_wait3A_214, %dma_wait3A_215] : memref<16x128xi32, #tpu.memory_space<vmem>> -> memref<1x128xi32, #tpu.memory_space<vmem>>
      %dma_wait3A_217 = tpu.memref_squeeze %dma_wait3A_216 : memref<1x128xi32, #tpu.memory_space<vmem>> -> memref<128xi32, #tpu.memory_space<vmem>>
      %dma_wait3A_218 = arith.constant 0 : i32
      %dma_wait3A_219 = arith.constant 0 : i32
      %dma_wait3A_220 = tpu.memref_slice %arg2[%dma_wait3A_218, %dma_wait3A_219] : memref<10240x128xf32, #tpu.memory_space<hbm>> -> memref<10240x128xf32, #tpu.memory_space<hbm>>
      tpu.wait_indirect_dma semaphore(%arg11 : memref<!tpu.dma_semaphore, #tpu.memory_space<semaphore_mem>>) src(%dma_wait3A_220 : memref<10240x128xf32, #tpu.memory_space<hbm>>) dst(%arg8 : memref<128x128xf32, #tpu.memory_space<vmem>>)
      %run_scoped3A_221 = arith.constant 10 : i32
      "tpu.region"() ({
        %run_scoped3A_290 = tpu.sem_alloc : memref<!tpu.dma_semaphore, #tpu.memory_space<semaphore_mem>>
        %dma_start3A_291 = arith.constant 0 : i32
        %dma_start3A_292 = tpu.memref_slice %arg7[%run_scoped3A_221, %dma_start3A_291] : memref<16x128xi32, #tpu.memory_space<vmem>> -> memref<1x128xi32, #tpu.memory_space<vmem>>
        %dma_start3A_293 = tpu.memref_squeeze %dma_start3A_292 : memref<1x128xi32, #tpu.memory_space<vmem>> -> memref<128xi32, #tpu.memory_space<vmem>>
        %dma_start3A_294 = arith.constant 0 : i32
        %dma_start3A_295 = arith.constant 0 : i32
        %dma_start3A_296 = tpu.memref_slice %arg10[%dma_start3A_294, %dma_start3A_295] : memref<10240x128xf32, #tpu.memory_space<vmem_shared>> -> memref<10240x128xf32, #tpu.memory_space<vmem_shared>>
        tpu.enqueue_indirect_dma source(%arg8 : memref<128x128xf32, #tpu.memory_space<vmem>>) target(%dma_start3A_296 : memref<10240x128xf32, #tpu.memory_space<vmem_shared>>) offsets(%dma_start3A_293 : memref<128xi32, #tpu.memory_space<vmem>>) semaphore(%run_scoped3A_290 : memref<!tpu.dma_semaphore, #tpu.memory_space<semaphore_mem>>) {add = true}
        %dma_wait3A_297 = arith.constant 0 : i32
        %dma_wait3A_298 = tpu.memref_slice %arg7[%run_scoped3A_221, %dma_wait3A_297] : memref<16x128xi32, #tpu.memory_space<vmem>> -> memref<1x128xi32, #tpu.memory_space<vmem>>
        %dma_wait3A_299 = tpu.memref_squeeze %dma_wait3A_298 : memref<1x128xi32, #tpu.memory_space<vmem>> -> memref<128xi32, #tpu.memory_space<vmem>>
        %dma_wait3A_300 = arith.constant 0 : i32
        %dma_wait3A_301 = arith.constant 0 : i32
        %dma_wait3A_302 = tpu.memref_slice %arg10[%dma_wait3A_300, %dma_wait3A_301] : memref<10240x128xf32, #tpu.memory_space<vmem_shared>> -> memref<10240x128xf32, #tpu.memory_space<vmem_shared>>
        tpu.wait_indirect_dma semaphore(%run_scoped3A_290 : memref<!tpu.dma_semaphore, #tpu.memory_space<semaphore_mem>>) src(%arg8 : memref<128x128xf32, #tpu.memory_space<vmem>>) dst(%dma_wait3A_302 : memref<10240x128xf32, #tpu.memory_space<vmem_shared>>)
        tpu.yield
      }) : () -> ()
      %dma_start3A_222 = arith.constant 12 : i32
      %dma_start3A_223 = arith.constant 0 : i32
      %dma_start3A_224 = tpu.memref_slice %arg6[%dma_start3A_222, %dma_start3A_223] : memref<16x128xi32, #tpu.memory_space<vmem>> -> memref<1x128xi32, #tpu.memory_space<vmem>>
      %dma_start3A_225 = tpu.memref_squeeze %dma_start3A_224 : memref<1x128xi32, #tpu.memory_space<vmem>> -> memref<128xi32, #tpu.memory_space<vmem>>
      %dma_start3A_226 = arith.constant 0 : i32
      %dma_start3A_227 = arith.constant 0 : i32
      %dma_start3A_228 = tpu.memref_slice %arg2[%dma_start3A_226, %dma_start3A_227] : memref<10240x128xf32, #tpu.memory_space<hbm>> -> memref<10240x128xf32, #tpu.memory_space<hbm>>
      tpu.enqueue_indirect_dma source(%dma_start3A_228 : memref<10240x128xf32, #tpu.memory_space<hbm>>) target(%arg8 : memref<128x128xf32, #tpu.memory_space<vmem>>) offsets(%dma_start3A_225 : memref<128xi32, #tpu.memory_space<vmem>>) semaphore(%arg11 : memref<!tpu.dma_semaphore, #tpu.memory_space<semaphore_mem>>)
      %dma_wait3A_229 = arith.constant 11 : i32
      %dma_wait3A_230 = arith.constant 0 : i32
      %dma_wait3A_231 = tpu.memref_slice %arg6[%dma_wait3A_229, %dma_wait3A_230] : memref<16x128xi32, #tpu.memory_space<vmem>> -> memref<1x128xi32, #tpu.memory_space<vmem>>
      %dma_wait3A_232 = tpu.memref_squeeze %dma_wait3A_231 : memref<1x128xi32, #tpu.memory_space<vmem>> -> memref<128xi32, #tpu.memory_space<vmem>>
      %dma_wait3A_233 = arith.constant 0 : i32
      %dma_wait3A_234 = arith.constant 0 : i32
      %dma_wait3A_235 = tpu.memref_slice %arg2[%dma_wait3A_233, %dma_wait3A_234] : memref<10240x128xf32, #tpu.memory_space<hbm>> -> memref<10240x128xf32, #tpu.memory_space<hbm>>
      tpu.wait_indirect_dma semaphore(%arg12 : memref<!tpu.dma_semaphore, #tpu.memory_space<semaphore_mem>>) src(%dma_wait3A_235 : memref<10240x128xf32, #tpu.memory_space<hbm>>) dst(%arg9 : memref<128x128xf32, #tpu.memory_space<vmem>>)
      %run_scoped3A_236 = arith.constant 11 : i32
      "tpu.region"() ({
        %run_scoped3A_290 = tpu.sem_alloc : memref<!tpu.dma_semaphore, #tpu.memory_space<semaphore_mem>>
        %dma_start3A_291 = arith.constant 0 : i32
        %dma_start3A_292 = tpu.memref_slice %arg7[%run_scoped3A_236, %dma_start3A_291] : memref<16x128xi32, #tpu.memory_space<vmem>> -> memref<1x128xi32, #tpu.memory_space<vmem>>
        %dma_start3A_293 = tpu.memref_squeeze %dma_start3A_292 : memref<1x128xi32, #tpu.memory_space<vmem>> -> memref<128xi32, #tpu.memory_space<vmem>>
        %dma_start3A_294 = arith.constant 0 : i32
        %dma_start3A_295 = arith.constant 0 : i32
        %dma_start3A_296 = tpu.memref_slice %arg10[%dma_start3A_294, %dma_start3A_295] : memref<10240x128xf32, #tpu.memory_space<vmem_shared>> -> memref<10240x128xf32, #tpu.memory_space<vmem_shared>>
        tpu.enqueue_indirect_dma source(%arg9 : memref<128x128xf32, #tpu.memory_space<vmem>>) target(%dma_start3A_296 : memref<10240x128xf32, #tpu.memory_space<vmem_shared>>) offsets(%dma_start3A_293 : memref<128xi32, #tpu.memory_space<vmem>>) semaphore(%run_scoped3A_290 : memref<!tpu.dma_semaphore, #tpu.memory_space<semaphore_mem>>) {add = true}
        %dma_wait3A_297 = arith.constant 0 : i32
        %dma_wait3A_298 = tpu.memref_slice %arg7[%run_scoped3A_236, %dma_wait3A_297] : memref<16x128xi32, #tpu.memory_space<vmem>> -> memref<1x128xi32, #tpu.memory_space<vmem>>
        %dma_wait3A_299 = tpu.memref_squeeze %dma_wait3A_298 : memref<1x128xi32, #tpu.memory_space<vmem>> -> memref<128xi32, #tpu.memory_space<vmem>>
        %dma_wait3A_300 = arith.constant 0 : i32
        %dma_wait3A_301 = arith.constant 0 : i32
        %dma_wait3A_302 = tpu.memref_slice %arg10[%dma_wait3A_300, %dma_wait3A_301] : memref<10240x128xf32, #tpu.memory_space<vmem_shared>> -> memref<10240x128xf32, #tpu.memory_space<vmem_shared>>
        tpu.wait_indirect_dma semaphore(%run_scoped3A_290 : memref<!tpu.dma_semaphore, #tpu.memory_space<semaphore_mem>>) src(%arg9 : memref<128x128xf32, #tpu.memory_space<vmem>>) dst(%dma_wait3A_302 : memref<10240x128xf32, #tpu.memory_space<vmem_shared>>)
        tpu.yield
      }) : () -> ()
      %dma_start3A_237 = arith.constant 13 : i32
      %dma_start3A_238 = arith.constant 0 : i32
      %dma_start3A_239 = tpu.memref_slice %arg6[%dma_start3A_237, %dma_start3A_238] : memref<16x128xi32, #tpu.memory_space<vmem>> -> memref<1x128xi32, #tpu.memory_space<vmem>>
      %dma_start3A_240 = tpu.memref_squeeze %dma_start3A_239 : memref<1x128xi32, #tpu.memory_space<vmem>> -> memref<128xi32, #tpu.memory_space<vmem>>
      %dma_start3A_241 = arith.constant 0 : i32
      %dma_start3A_242 = arith.constant 0 : i32
      %dma_start3A_243 = tpu.memref_slice %arg2[%dma_start3A_241, %dma_start3A_242] : memref<10240x128xf32, #tpu.memory_space<hbm>> -> memref<10240x128xf32, #tpu.memory_space<hbm>>
      tpu.enqueue_indirect_dma source(%dma_start3A_243 : memref<10240x128xf32, #tpu.memory_space<hbm>>) target(%arg9 : memref<128x128xf32, #tpu.memory_space<vmem>>) offsets(%dma_start3A_240 : memref<128xi32, #tpu.memory_space<vmem>>) semaphore(%arg12 : memref<!tpu.dma_semaphore, #tpu.memory_space<semaphore_mem>>)
      %dma_wait3A_244 = arith.constant 12 : i32
      %dma_wait3A_245 = arith.constant 0 : i32
      %dma_wait3A_246 = tpu.memref_slice %arg6[%dma_wait3A_244, %dma_wait3A_245] : memref<16x128xi32, #tpu.memory_space<vmem>> -> memref<1x128xi32, #tpu.memory_space<vmem>>
      %dma_wait3A_247 = tpu.memref_squeeze %dma_wait3A_246 : memref<1x128xi32, #tpu.memory_space<vmem>> -> memref<128xi32, #tpu.memory_space<vmem>>
      %dma_wait3A_248 = arith.constant 0 : i32
      %dma_wait3A_249 = arith.constant 0 : i32
      %dma_wait3A_250 = tpu.memref_slice %arg2[%dma_wait3A_248, %dma_wait3A_249] : memref<10240x128xf32, #tpu.memory_space<hbm>> -> memref<10240x128xf32, #tpu.memory_space<hbm>>
      tpu.wait_indirect_dma semaphore(%arg11 : memref<!tpu.dma_semaphore, #tpu.memory_space<semaphore_mem>>) src(%dma_wait3A_250 : memref<10240x128xf32, #tpu.memory_space<hbm>>) dst(%arg8 : memref<128x128xf32, #tpu.memory_space<vmem>>)
      %run_scoped3A_251 = arith.constant 12 : i32
      "tpu.region"() ({
        %run_scoped3A_290 = tpu.sem_alloc : memref<!tpu.dma_semaphore, #tpu.memory_space<semaphore_mem>>
        %dma_start3A_291 = arith.constant 0 : i32
        %dma_start3A_292 = tpu.memref_slice %arg7[%run_scoped3A_251, %dma_start3A_291] : memref<16x128xi32, #tpu.memory_space<vmem>> -> memref<1x128xi32, #tpu.memory_space<vmem>>
        %dma_start3A_293 = tpu.memref_squeeze %dma_start3A_292 : memref<1x128xi32, #tpu.memory_space<vmem>> -> memref<128xi32, #tpu.memory_space<vmem>>
        %dma_start3A_294 = arith.constant 0 : i32
        %dma_start3A_295 = arith.constant 0 : i32
        %dma_start3A_296 = tpu.memref_slice %arg10[%dma_start3A_294, %dma_start3A_295] : memref<10240x128xf32, #tpu.memory_space<vmem_shared>> -> memref<10240x128xf32, #tpu.memory_space<vmem_shared>>
        tpu.enqueue_indirect_dma source(%arg8 : memref<128x128xf32, #tpu.memory_space<vmem>>) target(%dma_start3A_296 : memref<10240x128xf32, #tpu.memory_space<vmem_shared>>) offsets(%dma_start3A_293 : memref<128xi32, #tpu.memory_space<vmem>>) semaphore(%run_scoped3A_290 : memref<!tpu.dma_semaphore, #tpu.memory_space<semaphore_mem>>) {add = true}
        %dma_wait3A_297 = arith.constant 0 : i32
        %dma_wait3A_298 = tpu.memref_slice %arg7[%run_scoped3A_251, %dma_wait3A_297] : memref<16x128xi32, #tpu.memory_space<vmem>> -> memref<1x128xi32, #tpu.memory_space<vmem>>
        %dma_wait3A_299 = tpu.memref_squeeze %dma_wait3A_298 : memref<1x128xi32, #tpu.memory_space<vmem>> -> memref<128xi32, #tpu.memory_space<vmem>>
        %dma_wait3A_300 = arith.constant 0 : i32
        %dma_wait3A_301 = arith.constant 0 : i32
        %dma_wait3A_302 = tpu.memref_slice %arg10[%dma_wait3A_300, %dma_wait3A_301] : memref<10240x128xf32, #tpu.memory_space<vmem_shared>> -> memref<10240x128xf32, #tpu.memory_space<vmem_shared>>
        tpu.wait_indirect_dma semaphore(%run_scoped3A_290 : memref<!tpu.dma_semaphore, #tpu.memory_space<semaphore_mem>>) src(%arg8 : memref<128x128xf32, #tpu.memory_space<vmem>>) dst(%dma_wait3A_302 : memref<10240x128xf32, #tpu.memory_space<vmem_shared>>)
        tpu.yield
      }) : () -> ()
      %dma_start3A_252 = arith.constant 14 : i32
      %dma_start3A_253 = arith.constant 0 : i32
      %dma_start3A_254 = tpu.memref_slice %arg6[%dma_start3A_252, %dma_start3A_253] : memref<16x128xi32, #tpu.memory_space<vmem>> -> memref<1x128xi32, #tpu.memory_space<vmem>>
      %dma_start3A_255 = tpu.memref_squeeze %dma_start3A_254 : memref<1x128xi32, #tpu.memory_space<vmem>> -> memref<128xi32, #tpu.memory_space<vmem>>
      %dma_start3A_256 = arith.constant 0 : i32
      %dma_start3A_257 = arith.constant 0 : i32
      %dma_start3A_258 = tpu.memref_slice %arg2[%dma_start3A_256, %dma_start3A_257] : memref<10240x128xf32, #tpu.memory_space<hbm>> -> memref<10240x128xf32, #tpu.memory_space<hbm>>
      tpu.enqueue_indirect_dma source(%dma_start3A_258 : memref<10240x128xf32, #tpu.memory_space<hbm>>) target(%arg8 : memref<128x128xf32, #tpu.memory_space<vmem>>) offsets(%dma_start3A_255 : memref<128xi32, #tpu.memory_space<vmem>>) semaphore(%arg11 : memref<!tpu.dma_semaphore, #tpu.memory_space<semaphore_mem>>)
      %dma_wait3A_259 = arith.constant 13 : i32
      %dma_wait3A_260 = arith.constant 0 : i32
      %dma_wait3A_261 = tpu.memref_slice %arg6[%dma_wait3A_259, %dma_wait3A_260] : memref<16x128xi32, #tpu.memory_space<vmem>> -> memref<1x128xi32, #tpu.memory_space<vmem>>
      %dma_wait3A_262 = tpu.memref_squeeze %dma_wait3A_261 : memref<1x128xi32, #tpu.memory_space<vmem>> -> memref<128xi32, #tpu.memory_space<vmem>>
      %dma_wait3A_263 = arith.constant 0 : i32
      %dma_wait3A_264 = arith.constant 0 : i32
      %dma_wait3A_265 = tpu.memref_slice %arg2[%dma_wait3A_263, %dma_wait3A_264] : memref<10240x128xf32, #tpu.memory_space<hbm>> -> memref<10240x128xf32, #tpu.memory_space<hbm>>
      tpu.wait_indirect_dma semaphore(%arg12 : memref<!tpu.dma_semaphore, #tpu.memory_space<semaphore_mem>>) src(%dma_wait3A_265 : memref<10240x128xf32, #tpu.memory_space<hbm>>) dst(%arg9 : memref<128x128xf32, #tpu.memory_space<vmem>>)
      %run_scoped3A_266 = arith.constant 13 : i32
      "tpu.region"() ({
        %run_scoped3A_290 = tpu.sem_alloc : memref<!tpu.dma_semaphore, #tpu.memory_space<semaphore_mem>>
        %dma_start3A_291 = arith.constant 0 : i32
        %dma_start3A_292 = tpu.memref_slice %arg7[%run_scoped3A_266, %dma_start3A_291] : memref<16x128xi32, #tpu.memory_space<vmem>> -> memref<1x128xi32, #tpu.memory_space<vmem>>
        %dma_start3A_293 = tpu.memref_squeeze %dma_start3A_292 : memref<1x128xi32, #tpu.memory_space<vmem>> -> memref<128xi32, #tpu.memory_space<vmem>>
        %dma_start3A_294 = arith.constant 0 : i32
        %dma_start3A_295 = arith.constant 0 : i32
        %dma_start3A_296 = tpu.memref_slice %arg10[%dma_start3A_294, %dma_start3A_295] : memref<10240x128xf32, #tpu.memory_space<vmem_shared>> -> memref<10240x128xf32, #tpu.memory_space<vmem_shared>>
        tpu.enqueue_indirect_dma source(%arg9 : memref<128x128xf32, #tpu.memory_space<vmem>>) target(%dma_start3A_296 : memref<10240x128xf32, #tpu.memory_space<vmem_shared>>) offsets(%dma_start3A_293 : memref<128xi32, #tpu.memory_space<vmem>>) semaphore(%run_scoped3A_290 : memref<!tpu.dma_semaphore, #tpu.memory_space<semaphore_mem>>) {add = true}
        %dma_wait3A_297 = arith.constant 0 : i32
        %dma_wait3A_298 = tpu.memref_slice %arg7[%run_scoped3A_266, %dma_wait3A_297] : memref<16x128xi32, #tpu.memory_space<vmem>> -> memref<1x128xi32, #tpu.memory_space<vmem>>
        %dma_wait3A_299 = tpu.memref_squeeze %dma_wait3A_298 : memref<1x128xi32, #tpu.memory_space<vmem>> -> memref<128xi32, #tpu.memory_space<vmem>>
        %dma_wait3A_300 = arith.constant 0 : i32
        %dma_wait3A_301 = arith.constant 0 : i32
        %dma_wait3A_302 = tpu.memref_slice %arg10[%dma_wait3A_300, %dma_wait3A_301] : memref<10240x128xf32, #tpu.memory_space<vmem_shared>> -> memref<10240x128xf32, #tpu.memory_space<vmem_shared>>
        tpu.wait_indirect_dma semaphore(%run_scoped3A_290 : memref<!tpu.dma_semaphore, #tpu.memory_space<semaphore_mem>>) src(%arg9 : memref<128x128xf32, #tpu.memory_space<vmem>>) dst(%dma_wait3A_302 : memref<10240x128xf32, #tpu.memory_space<vmem_shared>>)
        tpu.yield
      }) : () -> ()
      %dma_start3A_267 = arith.constant 15 : i32
      %dma_start3A_268 = arith.constant 0 : i32
      %dma_start3A_269 = tpu.memref_slice %arg6[%dma_start3A_267, %dma_start3A_268] : memref<16x128xi32, #tpu.memory_space<vmem>> -> memref<1x128xi32, #tpu.memory_space<vmem>>
      %dma_start3A_270 = tpu.memref_squeeze %dma_start3A_269 : memref<1x128xi32, #tpu.memory_space<vmem>> -> memref<128xi32, #tpu.memory_space<vmem>>
      %dma_start3A_271 = arith.constant 0 : i32
      %dma_start3A_272 = arith.constant 0 : i32
      %dma_start3A_273 = tpu.memref_slice %arg2[%dma_start3A_271, %dma_start3A_272] : memref<10240x128xf32, #tpu.memory_space<hbm>> -> memref<10240x128xf32, #tpu.memory_space<hbm>>
      tpu.enqueue_indirect_dma source(%dma_start3A_273 : memref<10240x128xf32, #tpu.memory_space<hbm>>) target(%arg9 : memref<128x128xf32, #tpu.memory_space<vmem>>) offsets(%dma_start3A_270 : memref<128xi32, #tpu.memory_space<vmem>>) semaphore(%arg12 : memref<!tpu.dma_semaphore, #tpu.memory_space<semaphore_mem>>)
      %dma_wait3A_274 = arith.constant 14 : i32
      %dma_wait3A_275 = arith.constant 0 : i32
      %dma_wait3A_276 = tpu.memref_slice %arg6[%dma_wait3A_274, %dma_wait3A_275] : memref<16x128xi32, #tpu.memory_space<vmem>> -> memref<1x128xi32, #tpu.memory_space<vmem>>
      %dma_wait3A_277 = tpu.memref_squeeze %dma_wait3A_276 : memref<1x128xi32, #tpu.memory_space<vmem>> -> memref<128xi32, #tpu.memory_space<vmem>>
      %dma_wait3A_278 = arith.constant 0 : i32
      %dma_wait3A_279 = arith.constant 0 : i32
      %dma_wait3A_280 = tpu.memref_slice %arg2[%dma_wait3A_278, %dma_wait3A_279] : memref<10240x128xf32, #tpu.memory_space<hbm>> -> memref<10240x128xf32, #tpu.memory_space<hbm>>
      tpu.wait_indirect_dma semaphore(%arg11 : memref<!tpu.dma_semaphore, #tpu.memory_space<semaphore_mem>>) src(%dma_wait3A_280 : memref<10240x128xf32, #tpu.memory_space<hbm>>) dst(%arg8 : memref<128x128xf32, #tpu.memory_space<vmem>>)
      %run_scoped3A_281 = arith.constant 14 : i32
      "tpu.region"() ({
        %run_scoped3A_290 = tpu.sem_alloc : memref<!tpu.dma_semaphore, #tpu.memory_space<semaphore_mem>>
        %dma_start3A_291 = arith.constant 0 : i32
        %dma_start3A_292 = tpu.memref_slice %arg7[%run_scoped3A_281, %dma_start3A_291] : memref<16x128xi32, #tpu.memory_space<vmem>> -> memref<1x128xi32, #tpu.memory_space<vmem>>
        %dma_start3A_293 = tpu.memref_squeeze %dma_start3A_292 : memref<1x128xi32, #tpu.memory_space<vmem>> -> memref<128xi32, #tpu.memory_space<vmem>>
        %dma_start3A_294 = arith.constant 0 : i32
        %dma_start3A_295 = arith.constant 0 : i32
        %dma_start3A_296 = tpu.memref_slice %arg10[%dma_start3A_294, %dma_start3A_295] : memref<10240x128xf32, #tpu.memory_space<vmem_shared>> -> memref<10240x128xf32, #tpu.memory_space<vmem_shared>>
        tpu.enqueue_indirect_dma source(%arg8 : memref<128x128xf32, #tpu.memory_space<vmem>>) target(%dma_start3A_296 : memref<10240x128xf32, #tpu.memory_space<vmem_shared>>) offsets(%dma_start3A_293 : memref<128xi32, #tpu.memory_space<vmem>>) semaphore(%run_scoped3A_290 : memref<!tpu.dma_semaphore, #tpu.memory_space<semaphore_mem>>) {add = true}
        %dma_wait3A_297 = arith.constant 0 : i32
        %dma_wait3A_298 = tpu.memref_slice %arg7[%run_scoped3A_281, %dma_wait3A_297] : memref<16x128xi32, #tpu.memory_space<vmem>> -> memref<1x128xi32, #tpu.memory_space<vmem>>
        %dma_wait3A_299 = tpu.memref_squeeze %dma_wait3A_298 : memref<1x128xi32, #tpu.memory_space<vmem>> -> memref<128xi32, #tpu.memory_space<vmem>>
        %dma_wait3A_300 = arith.constant 0 : i32
        %dma_wait3A_301 = arith.constant 0 : i32
        %dma_wait3A_302 = tpu.memref_slice %arg10[%dma_wait3A_300, %dma_wait3A_301] : memref<10240x128xf32, #tpu.memory_space<vmem_shared>> -> memref<10240x128xf32, #tpu.memory_space<vmem_shared>>
        tpu.wait_indirect_dma semaphore(%run_scoped3A_290 : memref<!tpu.dma_semaphore, #tpu.memory_space<semaphore_mem>>) src(%arg8 : memref<128x128xf32, #tpu.memory_space<vmem>>) dst(%dma_wait3A_302 : memref<10240x128xf32, #tpu.memory_space<vmem_shared>>)
        tpu.yield
      }) : () -> ()
      %dma_wait3A_282 = arith.constant 15 : i32
      %dma_wait3A_283 = arith.constant 0 : i32
      %dma_wait3A_284 = tpu.memref_slice %arg6[%dma_wait3A_282, %dma_wait3A_283] : memref<16x128xi32, #tpu.memory_space<vmem>> -> memref<1x128xi32, #tpu.memory_space<vmem>>
      %dma_wait3A_285 = tpu.memref_squeeze %dma_wait3A_284 : memref<1x128xi32, #tpu.memory_space<vmem>> -> memref<128xi32, #tpu.memory_space<vmem>>
      %dma_wait3A_286 = arith.constant 0 : i32
      %dma_wait3A_287 = arith.constant 0 : i32
      %dma_wait3A_288 = tpu.memref_slice %arg2[%dma_wait3A_286, %dma_wait3A_287] : memref<10240x128xf32, #tpu.memory_space<hbm>> -> memref<10240x128xf32, #tpu.memory_space<hbm>>
      tpu.wait_indirect_dma semaphore(%arg12 : memref<!tpu.dma_semaphore, #tpu.memory_space<semaphore_mem>>) src(%dma_wait3A_288 : memref<10240x128xf32, #tpu.memory_space<hbm>>) dst(%arg9 : memref<128x128xf32, #tpu.memory_space<vmem>>)
      %run_scoped3A_289 = arith.constant 15 : i32
      "tpu.region"() ({
        %run_scoped3A_290 = tpu.sem_alloc : memref<!tpu.dma_semaphore, #tpu.memory_space<semaphore_mem>>
        %dma_start3A_291 = arith.constant 0 : i32
        %dma_start3A_292 = tpu.memref_slice %arg7[%run_scoped3A_289, %dma_start3A_291] : memref<16x128xi32, #tpu.memory_space<vmem>> -> memref<1x128xi32, #tpu.memory_space<vmem>>
        %dma_start3A_293 = tpu.memref_squeeze %dma_start3A_292 : memref<1x128xi32, #tpu.memory_space<vmem>> -> memref<128xi32, #tpu.memory_space<vmem>>
        %dma_start3A_294 = arith.constant 0 : i32
        %dma_start3A_295 = arith.constant 0 : i32
        %dma_start3A_296 = tpu.memref_slice %arg10[%dma_start3A_294, %dma_start3A_295] : memref<10240x128xf32, #tpu.memory_space<vmem_shared>> -> memref<10240x128xf32, #tpu.memory_space<vmem_shared>>
        tpu.enqueue_indirect_dma source(%arg9 : memref<128x128xf32, #tpu.memory_space<vmem>>) target(%dma_start3A_296 : memref<10240x128xf32, #tpu.memory_space<vmem_shared>>) offsets(%dma_start3A_293 : memref<128xi32, #tpu.memory_space<vmem>>) semaphore(%run_scoped3A_290 : memref<!tpu.dma_semaphore, #tpu.memory_space<semaphore_mem>>) {add = true}
        %dma_wait3A_297 = arith.constant 0 : i32
        %dma_wait3A_298 = tpu.memref_slice %arg7[%run_scoped3A_289, %dma_wait3A_297] : memref<16x128xi32, #tpu.memory_space<vmem>> -> memref<1x128xi32, #tpu.memory_space<vmem>>
        %dma_wait3A_299 = tpu.memref_squeeze %dma_wait3A_298 : memref<1x128xi32, #tpu.memory_space<vmem>> -> memref<128xi32, #tpu.memory_space<vmem>>
        %dma_wait3A_300 = arith.constant 0 : i32
        %dma_wait3A_301 = arith.constant 0 : i32
        %dma_wait3A_302 = tpu.memref_slice %arg10[%dma_wait3A_300, %dma_wait3A_301] : memref<10240x128xf32, #tpu.memory_space<vmem_shared>> -> memref<10240x128xf32, #tpu.memory_space<vmem_shared>>
        tpu.wait_indirect_dma semaphore(%run_scoped3A_290 : memref<!tpu.dma_semaphore, #tpu.memory_space<semaphore_mem>>) src(%arg9 : memref<128x128xf32, #tpu.memory_space<vmem>>) dst(%dma_wait3A_302 : memref<10240x128xf32, #tpu.memory_space<vmem_shared>>)
        tpu.yield
      }) : () -> ()
    }
    %while3A_43 = arith.constant 1 : i32
    scf.for %while3A_49 = %while3A_41 to %while3A_37 step %while3A_43  : i32 {
      %mul3A_50 = arith.constant 16 : i32
      %mul3A_51 = arith.muli %while3A_49, %mul3A_50 : i32
      %add3A_52 = arith.addi %select_n3A, %mul3A_51 : i32
      "tpu.region"() ({
        %run_scoped3A_290 = tpu.sem_alloc : memref<!tpu.dma_semaphore, #tpu.memory_space<semaphore_mem>>
        %dma_start3A_291 = arith.constant 0 : i32
        %dma_start3A_292 = tpu.memref_slice %arg3[%add3A_52, %dma_start3A_291] : memref<2560x128xi32, #tpu.memory_space<hbm>> -> memref<16x128xi32, #tpu.memory_space<hbm>>
        %dma_start3A_293 = arith.constant 0 : i32
        %dma_start3A_294 = tpu.memref_slice %arg3[%add3A_52, %dma_start3A_293] : memref<2560x128xi32, #tpu.memory_space<hbm>> -> memref<16x128xi32, #tpu.memory_space<hbm>>
        tpu.enqueue_dma source(%dma_start3A_294 : memref<16x128xi32, #tpu.memory_space<hbm>>) target(%arg6 : memref<16x128xi32, #tpu.memory_space<vmem>>) target_semaphore(%run_scoped3A_290 : memref<!tpu.dma_semaphore, #tpu.memory_space<semaphore_mem>>)
        %dma_wait3A_295 = arith.constant 0 : i32
        %dma_wait3A_296 = tpu.memref_slice %arg3[%add3A_52, %dma_wait3A_295] : memref<2560x128xi32, #tpu.memory_space<hbm>> -> memref<16x128xi32, #tpu.memory_space<hbm>>
        %dma_wait3A_297 = arith.constant 0 : i32
        %dma_wait3A_298 = tpu.memref_slice %arg3[%add3A_52, %dma_wait3A_297] : memref<2560x128xi32, #tpu.memory_space<hbm>> -> memref<16x128xi32, #tpu.memory_space<hbm>>
        tpu.wait_dma2 semaphore(%run_scoped3A_290 : memref<!tpu.dma_semaphore, #tpu.memory_space<semaphore_mem>>) src(%dma_wait3A_298 : memref<16x128xi32, #tpu.memory_space<hbm>>) dst(%arg6 : memref<16x128xi32, #tpu.memory_space<vmem>>)
        tpu.yield
      }) : () -> ()
      "tpu.region"() ({
        %run_scoped3A_290 = tpu.sem_alloc : memref<!tpu.dma_semaphore, #tpu.memory_space<semaphore_mem>>
        %dma_start3A_291 = arith.constant 0 : i32
        %dma_start3A_292 = tpu.memref_slice %arg4[%add3A_52, %dma_start3A_291] : memref<2560x128xi32, #tpu.memory_space<hbm>> -> memref<16x128xi32, #tpu.memory_space<hbm>>
        %dma_start3A_293 = arith.constant 0 : i32
        %dma_start3A_294 = tpu.memref_slice %arg4[%add3A_52, %dma_start3A_293] : memref<2560x128xi32, #tpu.memory_space<hbm>> -> memref<16x128xi32, #tpu.memory_space<hbm>>
        tpu.enqueue_dma source(%dma_start3A_294 : memref<16x128xi32, #tpu.memory_space<hbm>>) target(%arg7 : memref<16x128xi32, #tpu.memory_space<vmem>>) target_semaphore(%run_scoped3A_290 : memref<!tpu.dma_semaphore, #tpu.memory_space<semaphore_mem>>)
        %dma_wait3A_295 = arith.constant 0 : i32
        %dma_wait3A_296 = tpu.memref_slice %arg4[%add3A_52, %dma_wait3A_295] : memref<2560x128xi32, #tpu.memory_space<hbm>> -> memref<16x128xi32, #tpu.memory_space<hbm>>
        %dma_wait3A_297 = arith.constant 0 : i32
        %dma_wait3A_298 = tpu.memref_slice %arg4[%add3A_52, %dma_wait3A_297] : memref<2560x128xi32, #tpu.memory_space<hbm>> -> memref<16x128xi32, #tpu.memory_space<hbm>>
        tpu.wait_dma2 semaphore(%run_scoped3A_290 : memref<!tpu.dma_semaphore, #tpu.memory_space<semaphore_mem>>) src(%dma_wait3A_298 : memref<16x128xi32, #tpu.memory_space<hbm>>) dst(%arg7 : memref<16x128xi32, #tpu.memory_space<vmem>>)
        tpu.yield
      }) : () -> ()
      %dma_start3A = arith.constant 0 : i32
      %dma_start3A_53 = arith.constant 0 : i32
      %dma_start3A_54 = tpu.memref_slice %arg6[%dma_start3A, %dma_start3A_53] : memref<16x128xi32, #tpu.memory_space<vmem>> -> memref<1x128xi32, #tpu.memory_space<vmem>>
      %dma_start3A_55 = tpu.memref_squeeze %dma_start3A_54 : memref<1x128xi32, #tpu.memory_space<vmem>> -> memref<128xi32, #tpu.memory_space<vmem>>
      %dma_start3A_56 = arith.constant 0 : i32
      %dma_start3A_57 = arith.constant 0 : i32
      %dma_start3A_58 = tpu.memref_slice %arg2[%dma_start3A_56, %dma_start3A_57] : memref<10240x128xf32, #tpu.memory_space<hbm>> -> memref<10240x128xf32, #tpu.memory_space<hbm>>
      tpu.enqueue_indirect_dma source(%dma_start3A_58 : memref<10240x128xf32, #tpu.memory_space<hbm>>) target(%arg8 : memref<128x128xf32, #tpu.memory_space<vmem>>) offsets(%dma_start3A_55 : memref<128xi32, #tpu.memory_space<vmem>>) semaphore(%arg11 : memref<!tpu.dma_semaphore, #tpu.memory_space<semaphore_mem>>)
      %dma_start3A_59 = arith.constant 1 : i32
      %dma_start3A_60 = arith.constant 0 : i32
      %dma_start3A_61 = tpu.memref_slice %arg6[%dma_start3A_59, %dma_start3A_60] : memref<16x128xi32, #tpu.memory_space<vmem>> -> memref<1x128xi32, #tpu.memory_space<vmem>>
      %dma_start3A_62 = tpu.memref_squeeze %dma_start3A_61 : memref<1x128xi32, #tpu.memory_space<vmem>> -> memref<128xi32, #tpu.memory_space<vmem>>
      %dma_start3A_63 = arith.constant 0 : i32
      %dma_start3A_64 = arith.constant 0 : i32
      %dma_start3A_65 = tpu.memref_slice %arg2[%dma_start3A_63, %dma_start3A_64] : memref<10240x128xf32, #tpu.memory_space<hbm>> -> memref<10240x128xf32, #tpu.memory_space<hbm>>
      tpu.enqueue_indirect_dma source(%dma_start3A_65 : memref<10240x128xf32, #tpu.memory_space<hbm>>) target(%arg9 : memref<128x128xf32, #tpu.memory_space<vmem>>) offsets(%dma_start3A_62 : memref<128xi32, #tpu.memory_space<vmem>>) semaphore(%arg12 : memref<!tpu.dma_semaphore, #tpu.memory_space<semaphore_mem>>)
      %dma_wait3A = arith.constant 0 : i32
      %dma_wait3A_66 = arith.constant 0 : i32
      %dma_wait3A_67 = tpu.memref_slice %arg6[%dma_wait3A, %dma_wait3A_66] : memref<16x128xi32, #tpu.memory_space<vmem>> -> memref<1x128xi32, #tpu.memory_space<vmem>>
      %dma_wait3A_68 = tpu.memref_squeeze %dma_wait3A_67 : memref<1x128xi32, #tpu.memory_space<vmem>> -> memref<128xi32, #tpu.memory_space<vmem>>
      %dma_wait3A_69 = arith.constant 0 : i32
      %dma_wait3A_70 = arith.constant 0 : i32
      %dma_wait3A_71 = tpu.memref_slice %arg2[%dma_wait3A_69, %dma_wait3A_70] : memref<10240x128xf32, #tpu.memory_space<hbm>> -> memref<10240x128xf32, #tpu.memory_space<hbm>>
      tpu.wait_indirect_dma semaphore(%arg11 : memref<!tpu.dma_semaphore, #tpu.memory_space<semaphore_mem>>) src(%dma_wait3A_71 : memref<10240x128xf32, #tpu.memory_space<hbm>>) dst(%arg8 : memref<128x128xf32, #tpu.memory_space<vmem>>)
      %run_scoped3A = arith.constant 0 : i32
      "tpu.region"() ({
        %run_scoped3A_290 = tpu.sem_alloc : memref<!tpu.dma_semaphore, #tpu.memory_space<semaphore_mem>>
        %dma_start3A_291 = arith.constant 0 : i32
        %dma_start3A_292 = tpu.memref_slice %arg7[%run_scoped3A, %dma_start3A_291] : memref<16x128xi32, #tpu.memory_space<vmem>> -> memref<1x128xi32, #tpu.memory_space<vmem>>
        %dma_start3A_293 = tpu.memref_squeeze %dma_start3A_292 : memref<1x128xi32, #tpu.memory_space<vmem>> -> memref<128xi32, #tpu.memory_space<vmem>>
        %dma_start3A_294 = arith.constant 0 : i32
        %dma_start3A_295 = arith.constant 0 : i32
        %dma_start3A_296 = tpu.memref_slice %arg10[%dma_start3A_294, %dma_start3A_295] : memref<10240x128xf32, #tpu.memory_space<vmem_shared>> -> memref<10240x128xf32, #tpu.memory_space<vmem_shared>>
        tpu.enqueue_indirect_dma source(%arg8 : memref<128x128xf32, #tpu.memory_space<vmem>>) target(%dma_start3A_296 : memref<10240x128xf32, #tpu.memory_space<vmem_shared>>) offsets(%dma_start3A_293 : memref<128xi32, #tpu.memory_space<vmem>>) semaphore(%run_scoped3A_290 : memref<!tpu.dma_semaphore, #tpu.memory_space<semaphore_mem>>) {add = true}
        %dma_wait3A_297 = arith.constant 0 : i32
        %dma_wait3A_298 = tpu.memref_slice %arg7[%run_scoped3A, %dma_wait3A_297] : memref<16x128xi32, #tpu.memory_space<vmem>> -> memref<1x128xi32, #tpu.memory_space<vmem>>
        %dma_wait3A_299 = tpu.memref_squeeze %dma_wait3A_298 : memref<1x128xi32, #tpu.memory_space<vmem>> -> memref<128xi32, #tpu.memory_space<vmem>>
        %dma_wait3A_300 = arith.constant 0 : i32
        %dma_wait3A_301 = arith.constant 0 : i32
        %dma_wait3A_302 = tpu.memref_slice %arg10[%dma_wait3A_300, %dma_wait3A_301] : memref<10240x128xf32, #tpu.memory_space<vmem_shared>> -> memref<10240x128xf32, #tpu.memory_space<vmem_shared>>
        tpu.wait_indirect_dma semaphore(%run_scoped3A_290 : memref<!tpu.dma_semaphore, #tpu.memory_space<semaphore_mem>>) src(%arg8 : memref<128x128xf32, #tpu.memory_space<vmem>>) dst(%dma_wait3A_302 : memref<10240x128xf32, #tpu.memory_space<vmem_shared>>)
        tpu.yield
      }) : () -> ()
      %dma_start3A_72 = arith.constant 2 : i32
      %dma_start3A_73 = arith.constant 0 : i32
      %dma_start3A_74 = tpu.memref_slice %arg6[%dma_start3A_72, %dma_start3A_73] : memref<16x128xi32, #tpu.memory_space<vmem>> -> memref<1x128xi32, #tpu.memory_space<vmem>>
      %dma_start3A_75 = tpu.memref_squeeze %dma_start3A_74 : memref<1x128xi32, #tpu.memory_space<vmem>> -> memref<128xi32, #tpu.memory_space<vmem>>
      %dma_start3A_76 = arith.constant 0 : i32
      %dma_start3A_77 = arith.constant 0 : i32
      %dma_start3A_78 = tpu.memref_slice %arg2[%dma_start3A_76, %dma_start3A_77] : memref<10240x128xf32, #tpu.memory_space<hbm>> -> memref<10240x128xf32, #tpu.memory_space<hbm>>
      tpu.enqueue_indirect_dma source(%dma_start3A_78 : memref<10240x128xf32, #tpu.memory_space<hbm>>) target(%arg8 : memref<128x128xf32, #tpu.memory_space<vmem>>) offsets(%dma_start3A_75 : memref<128xi32, #tpu.memory_space<vmem>>) semaphore(%arg11 : memref<!tpu.dma_semaphore, #tpu.memory_space<semaphore_mem>>)
      %dma_wait3A_79 = arith.constant 1 : i32
      %dma_wait3A_80 = arith.constant 0 : i32
      %dma_wait3A_81 = tpu.memref_slice %arg6[%dma_wait3A_79, %dma_wait3A_80] : memref<16x128xi32, #tpu.memory_space<vmem>> -> memref<1x128xi32, #tpu.memory_space<vmem>>
      %dma_wait3A_82 = tpu.memref_squeeze %dma_wait3A_81 : memref<1x128xi32, #tpu.memory_space<vmem>> -> memref<128xi32, #tpu.memory_space<vmem>>
      %dma_wait3A_83 = arith.constant 0 : i32
      %dma_wait3A_84 = arith.constant 0 : i32
      %dma_wait3A_85 = tpu.memref_slice %arg2[%dma_wait3A_83, %dma_wait3A_84] : memref<10240x128xf32, #tpu.memory_space<hbm>> -> memref<10240x128xf32, #tpu.memory_space<hbm>>
      tpu.wait_indirect_dma semaphore(%arg12 : memref<!tpu.dma_semaphore, #tpu.memory_space<semaphore_mem>>) src(%dma_wait3A_85 : memref<10240x128xf32, #tpu.memory_space<hbm>>) dst(%arg9 : memref<128x128xf32, #tpu.memory_space<vmem>>)
      %run_scoped3A_86 = arith.constant 1 : i32
      "tpu.region"() ({
        %run_scoped3A_290 = tpu.sem_alloc : memref<!tpu.dma_semaphore, #tpu.memory_space<semaphore_mem>>
        %dma_start3A_291 = arith.constant 0 : i32
        %dma_start3A_292 = tpu.memref_slice %arg7[%run_scoped3A_86, %dma_start3A_291] : memref<16x128xi32, #tpu.memory_space<vmem>> -> memref<1x128xi32, #tpu.memory_space<vmem>>
        %dma_start3A_293 = tpu.memref_squeeze %dma_start3A_292 : memref<1x128xi32, #tpu.memory_space<vmem>> -> memref<128xi32, #tpu.memory_space<vmem>>
        %dma_start3A_294 = arith.constant 0 : i32
        %dma_start3A_295 = arith.constant 0 : i32
        %dma_start3A_296 = tpu.memref_slice %arg10[%dma_start3A_294, %dma_start3A_295] : memref<10240x128xf32, #tpu.memory_space<vmem_shared>> -> memref<10240x128xf32, #tpu.memory_space<vmem_shared>>
        tpu.enqueue_indirect_dma source(%arg9 : memref<128x128xf32, #tpu.memory_space<vmem>>) target(%dma_start3A_296 : memref<10240x128xf32, #tpu.memory_space<vmem_shared>>) offsets(%dma_start3A_293 : memref<128xi32, #tpu.memory_space<vmem>>) semaphore(%run_scoped3A_290 : memref<!tpu.dma_semaphore, #tpu.memory_space<semaphore_mem>>) {add = true}
        %dma_wait3A_297 = arith.constant 0 : i32
        %dma_wait3A_298 = tpu.memref_slice %arg7[%run_scoped3A_86, %dma_wait3A_297] : memref<16x128xi32, #tpu.memory_space<vmem>> -> memref<1x128xi32, #tpu.memory_space<vmem>>
        %dma_wait3A_299 = tpu.memref_squeeze %dma_wait3A_298 : memref<1x128xi32, #tpu.memory_space<vmem>> -> memref<128xi32, #tpu.memory_space<vmem>>
        %dma_wait3A_300 = arith.constant 0 : i32
        %dma_wait3A_301 = arith.constant 0 : i32
        %dma_wait3A_302 = tpu.memref_slice %arg10[%dma_wait3A_300, %dma_wait3A_301] : memref<10240x128xf32, #tpu.memory_space<vmem_shared>> -> memref<10240x128xf32, #tpu.memory_space<vmem_shared>>
        tpu.wait_indirect_dma semaphore(%run_scoped3A_290 : memref<!tpu.dma_semaphore, #tpu.memory_space<semaphore_mem>>) src(%arg9 : memref<128x128xf32, #tpu.memory_space<vmem>>) dst(%dma_wait3A_302 : memref<10240x128xf32, #tpu.memory_space<vmem_shared>>)
        tpu.yield
      }) : () -> ()
      %dma_start3A_87 = arith.constant 3 : i32
      %dma_start3A_88 = arith.constant 0 : i32
      %dma_start3A_89 = tpu.memref_slice %arg6[%dma_start3A_87, %dma_start3A_88] : memref<16x128xi32, #tpu.memory_space<vmem>> -> memref<1x128xi32, #tpu.memory_space<vmem>>
      %dma_start3A_90 = tpu.memref_squeeze %dma_start3A_89 : memref<1x128xi32, #tpu.memory_space<vmem>> -> memref<128xi32, #tpu.memory_space<vmem>>
      %dma_start3A_91 = arith.constant 0 : i32
      %dma_start3A_92 = arith.constant 0 : i32
      %dma_start3A_93 = tpu.memref_slice %arg2[%dma_start3A_91, %dma_start3A_92] : memref<10240x128xf32, #tpu.memory_space<hbm>> -> memref<10240x128xf32, #tpu.memory_space<hbm>>
      tpu.enqueue_indirect_dma source(%dma_start3A_93 : memref<10240x128xf32, #tpu.memory_space<hbm>>) target(%arg9 : memref<128x128xf32, #tpu.memory_space<vmem>>) offsets(%dma_start3A_90 : memref<128xi32, #tpu.memory_space<vmem>>) semaphore(%arg12 : memref<!tpu.dma_semaphore, #tpu.memory_space<semaphore_mem>>)
      %dma_wait3A_94 = arith.constant 2 : i32
      %dma_wait3A_95 = arith.constant 0 : i32
      %dma_wait3A_96 = tpu.memref_slice %arg6[%dma_wait3A_94, %dma_wait3A_95] : memref<16x128xi32, #tpu.memory_space<vmem>> -> memref<1x128xi32, #tpu.memory_space<vmem>>
      %dma_wait3A_97 = tpu.memref_squeeze %dma_wait3A_96 : memref<1x128xi32, #tpu.memory_space<vmem>> -> memref<128xi32, #tpu.memory_space<vmem>>
      %dma_wait3A_98 = arith.constant 0 : i32
      %dma_wait3A_99 = arith.constant 0 : i32
      %dma_wait3A_100 = tpu.memref_slice %arg2[%dma_wait3A_98, %dma_wait3A_99] : memref<10240x128xf32, #tpu.memory_space<hbm>> -> memref<10240x128xf32, #tpu.memory_space<hbm>>
      tpu.wait_indirect_dma semaphore(%arg11 : memref<!tpu.dma_semaphore, #tpu.memory_space<semaphore_mem>>) src(%dma_wait3A_100 : memref<10240x128xf32, #tpu.memory_space<hbm>>) dst(%arg8 : memref<128x128xf32, #tpu.memory_space<vmem>>)
      %run_scoped3A_101 = arith.constant 2 : i32
      "tpu.region"() ({
        %run_scoped3A_290 = tpu.sem_alloc : memref<!tpu.dma_semaphore, #tpu.memory_space<semaphore_mem>>
        %dma_start3A_291 = arith.constant 0 : i32
        %dma_start3A_292 = tpu.memref_slice %arg7[%run_scoped3A_101, %dma_start3A_291] : memref<16x128xi32, #tpu.memory_space<vmem>> -> memref<1x128xi32, #tpu.memory_space<vmem>>
        %dma_start3A_293 = tpu.memref_squeeze %dma_start3A_292 : memref<1x128xi32, #tpu.memory_space<vmem>> -> memref<128xi32, #tpu.memory_space<vmem>>
        %dma_start3A_294 = arith.constant 0 : i32
        %dma_start3A_295 = arith.constant 0 : i32
        %dma_start3A_296 = tpu.memref_slice %arg10[%dma_start3A_294, %dma_start3A_295] : memref<10240x128xf32, #tpu.memory_space<vmem_shared>> -> memref<10240x128xf32, #tpu.memory_space<vmem_shared>>
        tpu.enqueue_indirect_dma source(%arg8 : memref<128x128xf32, #tpu.memory_space<vmem>>) target(%dma_start3A_296 : memref<10240x128xf32, #tpu.memory_space<vmem_shared>>) offsets(%dma_start3A_293 : memref<128xi32, #tpu.memory_space<vmem>>) semaphore(%run_scoped3A_290 : memref<!tpu.dma_semaphore, #tpu.memory_space<semaphore_mem>>) {add = true}
        %dma_wait3A_297 = arith.constant 0 : i32
        %dma_wait3A_298 = tpu.memref_slice %arg7[%run_scoped3A_101, %dma_wait3A_297] : memref<16x128xi32, #tpu.memory_space<vmem>> -> memref<1x128xi32, #tpu.memory_space<vmem>>
        %dma_wait3A_299 = tpu.memref_squeeze %dma_wait3A_298 : memref<1x128xi32, #tpu.memory_space<vmem>> -> memref<128xi32, #tpu.memory_space<vmem>>
        %dma_wait3A_300 = arith.constant 0 : i32
        %dma_wait3A_301 = arith.constant 0 : i32
        %dma_wait3A_302 = tpu.memref_slice %arg10[%dma_wait3A_300, %dma_wait3A_301] : memref<10240x128xf32, #tpu.memory_space<vmem_shared>> -> memref<10240x128xf32, #tpu.memory_space<vmem_shared>>
        tpu.wait_indirect_dma semaphore(%run_scoped3A_290 : memref<!tpu.dma_semaphore, #tpu.memory_space<semaphore_mem>>) src(%arg8 : memref<128x128xf32, #tpu.memory_space<vmem>>) dst(%dma_wait3A_302 : memref<10240x128xf32, #tpu.memory_space<vmem_shared>>)
        tpu.yield
      }) : () -> ()
      %dma_start3A_102 = arith.constant 4 : i32
      %dma_start3A_103 = arith.constant 0 : i32
      %dma_start3A_104 = tpu.memref_slice %arg6[%dma_start3A_102, %dma_start3A_103] : memref<16x128xi32, #tpu.memory_space<vmem>> -> memref<1x128xi32, #tpu.memory_space<vmem>>
      %dma_start3A_105 = tpu.memref_squeeze %dma_start3A_104 : memref<1x128xi32, #tpu.memory_space<vmem>> -> memref<128xi32, #tpu.memory_space<vmem>>
      %dma_start3A_106 = arith.constant 0 : i32
      %dma_start3A_107 = arith.constant 0 : i32
      %dma_start3A_108 = tpu.memref_slice %arg2[%dma_start3A_106, %dma_start3A_107] : memref<10240x128xf32, #tpu.memory_space<hbm>> -> memref<10240x128xf32, #tpu.memory_space<hbm>>
      tpu.enqueue_indirect_dma source(%dma_start3A_108 : memref<10240x128xf32, #tpu.memory_space<hbm>>) target(%arg8 : memref<128x128xf32, #tpu.memory_space<vmem>>) offsets(%dma_start3A_105 : memref<128xi32, #tpu.memory_space<vmem>>) semaphore(%arg11 : memref<!tpu.dma_semaphore, #tpu.memory_space<semaphore_mem>>)
      %dma_wait3A_109 = arith.constant 3 : i32
      %dma_wait3A_110 = arith.constant 0 : i32
      %dma_wait3A_111 = tpu.memref_slice %arg6[%dma_wait3A_109, %dma_wait3A_110] : memref<16x128xi32, #tpu.memory_space<vmem>> -> memref<1x128xi32, #tpu.memory_space<vmem>>
      %dma_wait3A_112 = tpu.memref_squeeze %dma_wait3A_111 : memref<1x128xi32, #tpu.memory_space<vmem>> -> memref<128xi32, #tpu.memory_space<vmem>>
      %dma_wait3A_113 = arith.constant 0 : i32
      %dma_wait3A_114 = arith.constant 0 : i32
      %dma_wait3A_115 = tpu.memref_slice %arg2[%dma_wait3A_113, %dma_wait3A_114] : memref<10240x128xf32, #tpu.memory_space<hbm>> -> memref<10240x128xf32, #tpu.memory_space<hbm>>
      tpu.wait_indirect_dma semaphore(%arg12 : memref<!tpu.dma_semaphore, #tpu.memory_space<semaphore_mem>>) src(%dma_wait3A_115 : memref<10240x128xf32, #tpu.memory_space<hbm>>) dst(%arg9 : memref<128x128xf32, #tpu.memory_space<vmem>>)
      %run_scoped3A_116 = arith.constant 3 : i32
      "tpu.region"() ({
        %run_scoped3A_290 = tpu.sem_alloc : memref<!tpu.dma_semaphore, #tpu.memory_space<semaphore_mem>>
        %dma_start3A_291 = arith.constant 0 : i32
        %dma_start3A_292 = tpu.memref_slice %arg7[%run_scoped3A_116, %dma_start3A_291] : memref<16x128xi32, #tpu.memory_space<vmem>> -> memref<1x128xi32, #tpu.memory_space<vmem>>
        %dma_start3A_293 = tpu.memref_squeeze %dma_start3A_292 : memref<1x128xi32, #tpu.memory_space<vmem>> -> memref<128xi32, #tpu.memory_space<vmem>>
        %dma_start3A_294 = arith.constant 0 : i32
        %dma_start3A_295 = arith.constant 0 : i32
        %dma_start3A_296 = tpu.memref_slice %arg10[%dma_start3A_294, %dma_start3A_295] : memref<10240x128xf32, #tpu.memory_space<vmem_shared>> -> memref<10240x128xf32, #tpu.memory_space<vmem_shared>>
        tpu.enqueue_indirect_dma source(%arg9 : memref<128x128xf32, #tpu.memory_space<vmem>>) target(%dma_start3A_296 : memref<10240x128xf32, #tpu.memory_space<vmem_shared>>) offsets(%dma_start3A_293 : memref<128xi32, #tpu.memory_space<vmem>>) semaphore(%run_scoped3A_290 : memref<!tpu.dma_semaphore, #tpu.memory_space<semaphore_mem>>) {add = true}
        %dma_wait3A_297 = arith.constant 0 : i32
        %dma_wait3A_298 = tpu.memref_slice %arg7[%run_scoped3A_116, %dma_wait3A_297] : memref<16x128xi32, #tpu.memory_space<vmem>> -> memref<1x128xi32, #tpu.memory_space<vmem>>
        %dma_wait3A_299 = tpu.memref_squeeze %dma_wait3A_298 : memref<1x128xi32, #tpu.memory_space<vmem>> -> memref<128xi32, #tpu.memory_space<vmem>>
        %dma_wait3A_300 = arith.constant 0 : i32
        %dma_wait3A_301 = arith.constant 0 : i32
        %dma_wait3A_302 = tpu.memref_slice %arg10[%dma_wait3A_300, %dma_wait3A_301] : memref<10240x128xf32, #tpu.memory_space<vmem_shared>> -> memref<10240x128xf32, #tpu.memory_space<vmem_shared>>
        tpu.wait_indirect_dma semaphore(%run_scoped3A_290 : memref<!tpu.dma_semaphore, #tpu.memory_space<semaphore_mem>>) src(%arg9 : memref<128x128xf32, #tpu.memory_space<vmem>>) dst(%dma_wait3A_302 : memref<10240x128xf32, #tpu.memory_space<vmem_shared>>)
        tpu.yield
      }) : () -> ()
      %dma_start3A_117 = arith.constant 5 : i32
      %dma_start3A_118 = arith.constant 0 : i32
      %dma_start3A_119 = tpu.memref_slice %arg6[%dma_start3A_117, %dma_start3A_118] : memref<16x128xi32, #tpu.memory_space<vmem>> -> memref<1x128xi32, #tpu.memory_space<vmem>>
      %dma_start3A_120 = tpu.memref_squeeze %dma_start3A_119 : memref<1x128xi32, #tpu.memory_space<vmem>> -> memref<128xi32, #tpu.memory_space<vmem>>
      %dma_start3A_121 = arith.constant 0 : i32
      %dma_start3A_122 = arith.constant 0 : i32
      %dma_start3A_123 = tpu.memref_slice %arg2[%dma_start3A_121, %dma_start3A_122] : memref<10240x128xf32, #tpu.memory_space<hbm>> -> memref<10240x128xf32, #tpu.memory_space<hbm>>
      tpu.enqueue_indirect_dma source(%dma_start3A_123 : memref<10240x128xf32, #tpu.memory_space<hbm>>) target(%arg9 : memref<128x128xf32, #tpu.memory_space<vmem>>) offsets(%dma_start3A_120 : memref<128xi32, #tpu.memory_space<vmem>>) semaphore(%arg12 : memref<!tpu.dma_semaphore, #tpu.memory_space<semaphore_mem>>)
      %dma_wait3A_124 = arith.constant 4 : i32
      %dma_wait3A_125 = arith.constant 0 : i32
      %dma_wait3A_126 = tpu.memref_slice %arg6[%dma_wait3A_124, %dma_wait3A_125] : memref<16x128xi32, #tpu.memory_space<vmem>> -> memref<1x128xi32, #tpu.memory_space<vmem>>
      %dma_wait3A_127 = tpu.memref_squeeze %dma_wait3A_126 : memref<1x128xi32, #tpu.memory_space<vmem>> -> memref<128xi32, #tpu.memory_space<vmem>>
      %dma_wait3A_128 = arith.constant 0 : i32
      %dma_wait3A_129 = arith.constant 0 : i32
      %dma_wait3A_130 = tpu.memref_slice %arg2[%dma_wait3A_128, %dma_wait3A_129] : memref<10240x128xf32, #tpu.memory_space<hbm>> -> memref<10240x128xf32, #tpu.memory_space<hbm>>
      tpu.wait_indirect_dma semaphore(%arg11 : memref<!tpu.dma_semaphore, #tpu.memory_space<semaphore_mem>>) src(%dma_wait3A_130 : memref<10240x128xf32, #tpu.memory_space<hbm>>) dst(%arg8 : memref<128x128xf32, #tpu.memory_space<vmem>>)
      %run_scoped3A_131 = arith.constant 4 : i32
      "tpu.region"() ({
        %run_scoped3A_290 = tpu.sem_alloc : memref<!tpu.dma_semaphore, #tpu.memory_space<semaphore_mem>>
        %dma_start3A_291 = arith.constant 0 : i32
        %dma_start3A_292 = tpu.memref_slice %arg7[%run_scoped3A_131, %dma_start3A_291] : memref<16x128xi32, #tpu.memory_space<vmem>> -> memref<1x128xi32, #tpu.memory_space<vmem>>
        %dma_start3A_293 = tpu.memref_squeeze %dma_start3A_292 : memref<1x128xi32, #tpu.memory_space<vmem>> -> memref<128xi32, #tpu.memory_space<vmem>>
        %dma_start3A_294 = arith.constant 0 : i32
        %dma_start3A_295 = arith.constant 0 : i32
        %dma_start3A_296 = tpu.memref_slice %arg10[%dma_start3A_294, %dma_start3A_295] : memref<10240x128xf32, #tpu.memory_space<vmem_shared>> -> memref<10240x128xf32, #tpu.memory_space<vmem_shared>>
        tpu.enqueue_indirect_dma source(%arg8 : memref<128x128xf32, #tpu.memory_space<vmem>>) target(%dma_start3A_296 : memref<10240x128xf32, #tpu.memory_space<vmem_shared>>) offsets(%dma_start3A_293 : memref<128xi32, #tpu.memory_space<vmem>>) semaphore(%run_scoped3A_290 : memref<!tpu.dma_semaphore, #tpu.memory_space<semaphore_mem>>) {add = true}
        %dma_wait3A_297 = arith.constant 0 : i32
        %dma_wait3A_298 = tpu.memref_slice %arg7[%run_scoped3A_131, %dma_wait3A_297] : memref<16x128xi32, #tpu.memory_space<vmem>> -> memref<1x128xi32, #tpu.memory_space<vmem>>
        %dma_wait3A_299 = tpu.memref_squeeze %dma_wait3A_298 : memref<1x128xi32, #tpu.memory_space<vmem>> -> memref<128xi32, #tpu.memory_space<vmem>>
        %dma_wait3A_300 = arith.constant 0 : i32
        %dma_wait3A_301 = arith.constant 0 : i32
        %dma_wait3A_302 = tpu.memref_slice %arg10[%dma_wait3A_300, %dma_wait3A_301] : memref<10240x128xf32, #tpu.memory_space<vmem_shared>> -> memref<10240x128xf32, #tpu.memory_space<vmem_shared>>
        tpu.wait_indirect_dma semaphore(%run_scoped3A_290 : memref<!tpu.dma_semaphore, #tpu.memory_space<semaphore_mem>>) src(%arg8 : memref<128x128xf32, #tpu.memory_space<vmem>>) dst(%dma_wait3A_302 : memref<10240x128xf32, #tpu.memory_space<vmem_shared>>)
        tpu.yield
      }) : () -> ()
      %dma_start3A_132 = arith.constant 6 : i32
      %dma_start3A_133 = arith.constant 0 : i32
      %dma_start3A_134 = tpu.memref_slice %arg6[%dma_start3A_132, %dma_start3A_133] : memref<16x128xi32, #tpu.memory_space<vmem>> -> memref<1x128xi32, #tpu.memory_space<vmem>>
      %dma_start3A_135 = tpu.memref_squeeze %dma_start3A_134 : memref<1x128xi32, #tpu.memory_space<vmem>> -> memref<128xi32, #tpu.memory_space<vmem>>
      %dma_start3A_136 = arith.constant 0 : i32
      %dma_start3A_137 = arith.constant 0 : i32
      %dma_start3A_138 = tpu.memref_slice %arg2[%dma_start3A_136, %dma_start3A_137] : memref<10240x128xf32, #tpu.memory_space<hbm>> -> memref<10240x128xf32, #tpu.memory_space<hbm>>
      tpu.enqueue_indirect_dma source(%dma_start3A_138 : memref<10240x128xf32, #tpu.memory_space<hbm>>) target(%arg8 : memref<128x128xf32, #tpu.memory_space<vmem>>) offsets(%dma_start3A_135 : memref<128xi32, #tpu.memory_space<vmem>>) semaphore(%arg11 : memref<!tpu.dma_semaphore, #tpu.memory_space<semaphore_mem>>)
      %dma_wait3A_139 = arith.constant 5 : i32
      %dma_wait3A_140 = arith.constant 0 : i32
      %dma_wait3A_141 = tpu.memref_slice %arg6[%dma_wait3A_139, %dma_wait3A_140] : memref<16x128xi32, #tpu.memory_space<vmem>> -> memref<1x128xi32, #tpu.memory_space<vmem>>
      %dma_wait3A_142 = tpu.memref_squeeze %dma_wait3A_141 : memref<1x128xi32, #tpu.memory_space<vmem>> -> memref<128xi32, #tpu.memory_space<vmem>>
      %dma_wait3A_143 = arith.constant 0 : i32
      %dma_wait3A_144 = arith.constant 0 : i32
      %dma_wait3A_145 = tpu.memref_slice %arg2[%dma_wait3A_143, %dma_wait3A_144] : memref<10240x128xf32, #tpu.memory_space<hbm>> -> memref<10240x128xf32, #tpu.memory_space<hbm>>
      tpu.wait_indirect_dma semaphore(%arg12 : memref<!tpu.dma_semaphore, #tpu.memory_space<semaphore_mem>>) src(%dma_wait3A_145 : memref<10240x128xf32, #tpu.memory_space<hbm>>) dst(%arg9 : memref<128x128xf32, #tpu.memory_space<vmem>>)
      %run_scoped3A_146 = arith.constant 5 : i32
      "tpu.region"() ({
        %run_scoped3A_290 = tpu.sem_alloc : memref<!tpu.dma_semaphore, #tpu.memory_space<semaphore_mem>>
        %dma_start3A_291 = arith.constant 0 : i32
        %dma_start3A_292 = tpu.memref_slice %arg7[%run_scoped3A_146, %dma_start3A_291] : memref<16x128xi32, #tpu.memory_space<vmem>> -> memref<1x128xi32, #tpu.memory_space<vmem>>
        %dma_start3A_293 = tpu.memref_squeeze %dma_start3A_292 : memref<1x128xi32, #tpu.memory_space<vmem>> -> memref<128xi32, #tpu.memory_space<vmem>>
        %dma_start3A_294 = arith.constant 0 : i32
        %dma_start3A_295 = arith.constant 0 : i32
        %dma_start3A_296 = tpu.memref_slice %arg10[%dma_start3A_294, %dma_start3A_295] : memref<10240x128xf32, #tpu.memory_space<vmem_shared>> -> memref<10240x128xf32, #tpu.memory_space<vmem_shared>>
        tpu.enqueue_indirect_dma source(%arg9 : memref<128x128xf32, #tpu.memory_space<vmem>>) target(%dma_start3A_296 : memref<10240x128xf32, #tpu.memory_space<vmem_shared>>) offsets(%dma_start3A_293 : memref<128xi32, #tpu.memory_space<vmem>>) semaphore(%run_scoped3A_290 : memref<!tpu.dma_semaphore, #tpu.memory_space<semaphore_mem>>) {add = true}
        %dma_wait3A_297 = arith.constant 0 : i32
        %dma_wait3A_298 = tpu.memref_slice %arg7[%run_scoped3A_146, %dma_wait3A_297] : memref<16x128xi32, #tpu.memory_space<vmem>> -> memref<1x128xi32, #tpu.memory_space<vmem>>
        %dma_wait3A_299 = tpu.memref_squeeze %dma_wait3A_298 : memref<1x128xi32, #tpu.memory_space<vmem>> -> memref<128xi32, #tpu.memory_space<vmem>>
        %dma_wait3A_300 = arith.constant 0 : i32
        %dma_wait3A_301 = arith.constant 0 : i32
        %dma_wait3A_302 = tpu.memref_slice %arg10[%dma_wait3A_300, %dma_wait3A_301] : memref<10240x128xf32, #tpu.memory_space<vmem_shared>> -> memref<10240x128xf32, #tpu.memory_space<vmem_shared>>
        tpu.wait_indirect_dma semaphore(%run_scoped3A_290 : memref<!tpu.dma_semaphore, #tpu.memory_space<semaphore_mem>>) src(%arg9 : memref<128x128xf32, #tpu.memory_space<vmem>>) dst(%dma_wait3A_302 : memref<10240x128xf32, #tpu.memory_space<vmem_shared>>)
        tpu.yield
      }) : () -> ()
      %dma_start3A_147 = arith.constant 7 : i32
      %dma_start3A_148 = arith.constant 0 : i32
      %dma_start3A_149 = tpu.memref_slice %arg6[%dma_start3A_147, %dma_start3A_148] : memref<16x128xi32, #tpu.memory_space<vmem>> -> memref<1x128xi32, #tpu.memory_space<vmem>>
      %dma_start3A_150 = tpu.memref_squeeze %dma_start3A_149 : memref<1x128xi32, #tpu.memory_space<vmem>> -> memref<128xi32, #tpu.memory_space<vmem>>
      %dma_start3A_151 = arith.constant 0 : i32
      %dma_start3A_152 = arith.constant 0 : i32
      %dma_start3A_153 = tpu.memref_slice %arg2[%dma_start3A_151, %dma_start3A_152] : memref<10240x128xf32, #tpu.memory_space<hbm>> -> memref<10240x128xf32, #tpu.memory_space<hbm>>
      tpu.enqueue_indirect_dma source(%dma_start3A_153 : memref<10240x128xf32, #tpu.memory_space<hbm>>) target(%arg9 : memref<128x128xf32, #tpu.memory_space<vmem>>) offsets(%dma_start3A_150 : memref<128xi32, #tpu.memory_space<vmem>>) semaphore(%arg12 : memref<!tpu.dma_semaphore, #tpu.memory_space<semaphore_mem>>)
      %dma_wait3A_154 = arith.constant 6 : i32
      %dma_wait3A_155 = arith.constant 0 : i32
      %dma_wait3A_156 = tpu.memref_slice %arg6[%dma_wait3A_154, %dma_wait3A_155] : memref<16x128xi32, #tpu.memory_space<vmem>> -> memref<1x128xi32, #tpu.memory_space<vmem>>
      %dma_wait3A_157 = tpu.memref_squeeze %dma_wait3A_156 : memref<1x128xi32, #tpu.memory_space<vmem>> -> memref<128xi32, #tpu.memory_space<vmem>>
      %dma_wait3A_158 = arith.constant 0 : i32
      %dma_wait3A_159 = arith.constant 0 : i32
      %dma_wait3A_160 = tpu.memref_slice %arg2[%dma_wait3A_158, %dma_wait3A_159] : memref<10240x128xf32, #tpu.memory_space<hbm>> -> memref<10240x128xf32, #tpu.memory_space<hbm>>
      tpu.wait_indirect_dma semaphore(%arg11 : memref<!tpu.dma_semaphore, #tpu.memory_space<semaphore_mem>>) src(%dma_wait3A_160 : memref<10240x128xf32, #tpu.memory_space<hbm>>) dst(%arg8 : memref<128x128xf32, #tpu.memory_space<vmem>>)
      %run_scoped3A_161 = arith.constant 6 : i32
      "tpu.region"() ({
        %run_scoped3A_290 = tpu.sem_alloc : memref<!tpu.dma_semaphore, #tpu.memory_space<semaphore_mem>>
        %dma_start3A_291 = arith.constant 0 : i32
        %dma_start3A_292 = tpu.memref_slice %arg7[%run_scoped3A_161, %dma_start3A_291] : memref<16x128xi32, #tpu.memory_space<vmem>> -> memref<1x128xi32, #tpu.memory_space<vmem>>
        %dma_start3A_293 = tpu.memref_squeeze %dma_start3A_292 : memref<1x128xi32, #tpu.memory_space<vmem>> -> memref<128xi32, #tpu.memory_space<vmem>>
        %dma_start3A_294 = arith.constant 0 : i32
        %dma_start3A_295 = arith.constant 0 : i32
        %dma_start3A_296 = tpu.memref_slice %arg10[%dma_start3A_294, %dma_start3A_295] : memref<10240x128xf32, #tpu.memory_space<vmem_shared>> -> memref<10240x128xf32, #tpu.memory_space<vmem_shared>>
        tpu.enqueue_indirect_dma source(%arg8 : memref<128x128xf32, #tpu.memory_space<vmem>>) target(%dma_start3A_296 : memref<10240x128xf32, #tpu.memory_space<vmem_shared>>) offsets(%dma_start3A_293 : memref<128xi32, #tpu.memory_space<vmem>>) semaphore(%run_scoped3A_290 : memref<!tpu.dma_semaphore, #tpu.memory_space<semaphore_mem>>) {add = true}
        %dma_wait3A_297 = arith.constant 0 : i32
        %dma_wait3A_298 = tpu.memref_slice %arg7[%run_scoped3A_161, %dma_wait3A_297] : memref<16x128xi32, #tpu.memory_space<vmem>> -> memref<1x128xi32, #tpu.memory_space<vmem>>
        %dma_wait3A_299 = tpu.memref_squeeze %dma_wait3A_298 : memref<1x128xi32, #tpu.memory_space<vmem>> -> memref<128xi32, #tpu.memory_space<vmem>>
        %dma_wait3A_300 = arith.constant 0 : i32
        %dma_wait3A_301 = arith.constant 0 : i32
        %dma_wait3A_302 = tpu.memref_slice %arg10[%dma_wait3A_300, %dma_wait3A_301] : memref<10240x128xf32, #tpu.memory_space<vmem_shared>> -> memref<10240x128xf32, #tpu.memory_space<vmem_shared>>
        tpu.wait_indirect_dma semaphore(%run_scoped3A_290 : memref<!tpu.dma_semaphore, #tpu.memory_space<semaphore_mem>>) src(%arg8 : memref<128x128xf32, #tpu.memory_space<vmem>>) dst(%dma_wait3A_302 : memref<10240x128xf32, #tpu.memory_space<vmem_shared>>)
        tpu.yield
      }) : () -> ()
      %dma_start3A_162 = arith.constant 8 : i32
      %dma_start3A_163 = arith.constant 0 : i32
      %dma_start3A_164 = tpu.memref_slice %arg6[%dma_start3A_162, %dma_start3A_163] : memref<16x128xi32, #tpu.memory_space<vmem>> -> memref<1x128xi32, #tpu.memory_space<vmem>>
      %dma_start3A_165 = tpu.memref_squeeze %dma_start3A_164 : memref<1x128xi32, #tpu.memory_space<vmem>> -> memref<128xi32, #tpu.memory_space<vmem>>
      %dma_start3A_166 = arith.constant 0 : i32
      %dma_start3A_167 = arith.constant 0 : i32
      %dma_start3A_168 = tpu.memref_slice %arg2[%dma_start3A_166, %dma_start3A_167] : memref<10240x128xf32, #tpu.memory_space<hbm>> -> memref<10240x128xf32, #tpu.memory_space<hbm>>
      tpu.enqueue_indirect_dma source(%dma_start3A_168 : memref<10240x128xf32, #tpu.memory_space<hbm>>) target(%arg8 : memref<128x128xf32, #tpu.memory_space<vmem>>) offsets(%dma_start3A_165 : memref<128xi32, #tpu.memory_space<vmem>>) semaphore(%arg11 : memref<!tpu.dma_semaphore, #tpu.memory_space<semaphore_mem>>)
      %dma_wait3A_169 = arith.constant 7 : i32
      %dma_wait3A_170 = arith.constant 0 : i32
      %dma_wait3A_171 = tpu.memref_slice %arg6[%dma_wait3A_169, %dma_wait3A_170] : memref<16x128xi32, #tpu.memory_space<vmem>> -> memref<1x128xi32, #tpu.memory_space<vmem>>
      %dma_wait3A_172 = tpu.memref_squeeze %dma_wait3A_171 : memref<1x128xi32, #tpu.memory_space<vmem>> -> memref<128xi32, #tpu.memory_space<vmem>>
      %dma_wait3A_173 = arith.constant 0 : i32
      %dma_wait3A_174 = arith.constant 0 : i32
      %dma_wait3A_175 = tpu.memref_slice %arg2[%dma_wait3A_173, %dma_wait3A_174] : memref<10240x128xf32, #tpu.memory_space<hbm>> -> memref<10240x128xf32, #tpu.memory_space<hbm>>
      tpu.wait_indirect_dma semaphore(%arg12 : memref<!tpu.dma_semaphore, #tpu.memory_space<semaphore_mem>>) src(%dma_wait3A_175 : memref<10240x128xf32, #tpu.memory_space<hbm>>) dst(%arg9 : memref<128x128xf32, #tpu.memory_space<vmem>>)
      %run_scoped3A_176 = arith.constant 7 : i32
      "tpu.region"() ({
        %run_scoped3A_290 = tpu.sem_alloc : memref<!tpu.dma_semaphore, #tpu.memory_space<semaphore_mem>>
        %dma_start3A_291 = arith.constant 0 : i32
        %dma_start3A_292 = tpu.memref_slice %arg7[%run_scoped3A_176, %dma_start3A_291] : memref<16x128xi32, #tpu.memory_space<vmem>> -> memref<1x128xi32, #tpu.memory_space<vmem>>
        %dma_start3A_293 = tpu.memref_squeeze %dma_start3A_292 : memref<1x128xi32, #tpu.memory_space<vmem>> -> memref<128xi32, #tpu.memory_space<vmem>>
        %dma_start3A_294 = arith.constant 0 : i32
        %dma_start3A_295 = arith.constant 0 : i32
        %dma_start3A_296 = tpu.memref_slice %arg10[%dma_start3A_294, %dma_start3A_295] : memref<10240x128xf32, #tpu.memory_space<vmem_shared>> -> memref<10240x128xf32, #tpu.memory_space<vmem_shared>>
        tpu.enqueue_indirect_dma source(%arg9 : memref<128x128xf32, #tpu.memory_space<vmem>>) target(%dma_start3A_296 : memref<10240x128xf32, #tpu.memory_space<vmem_shared>>) offsets(%dma_start3A_293 : memref<128xi32, #tpu.memory_space<vmem>>) semaphore(%run_scoped3A_290 : memref<!tpu.dma_semaphore, #tpu.memory_space<semaphore_mem>>) {add = true}
        %dma_wait3A_297 = arith.constant 0 : i32
        %dma_wait3A_298 = tpu.memref_slice %arg7[%run_scoped3A_176, %dma_wait3A_297] : memref<16x128xi32, #tpu.memory_space<vmem>> -> memref<1x128xi32, #tpu.memory_space<vmem>>
        %dma_wait3A_299 = tpu.memref_squeeze %dma_wait3A_298 : memref<1x128xi32, #tpu.memory_space<vmem>> -> memref<128xi32, #tpu.memory_space<vmem>>
        %dma_wait3A_300 = arith.constant 0 : i32
        %dma_wait3A_301 = arith.constant 0 : i32
        %dma_wait3A_302 = tpu.memref_slice %arg10[%dma_wait3A_300, %dma_wait3A_301] : memref<10240x128xf32, #tpu.memory_space<vmem_shared>> -> memref<10240x128xf32, #tpu.memory_space<vmem_shared>>
        tpu.wait_indirect_dma semaphore(%run_scoped3A_290 : memref<!tpu.dma_semaphore, #tpu.memory_space<semaphore_mem>>) src(%arg9 : memref<128x128xf32, #tpu.memory_space<vmem>>) dst(%dma_wait3A_302 : memref<10240x128xf32, #tpu.memory_space<vmem_shared>>)
        tpu.yield
      }) : () -> ()
      %dma_start3A_177 = arith.constant 9 : i32
      %dma_start3A_178 = arith.constant 0 : i32
      %dma_start3A_179 = tpu.memref_slice %arg6[%dma_start3A_177, %dma_start3A_178] : memref<16x128xi32, #tpu.memory_space<vmem>> -> memref<1x128xi32, #tpu.memory_space<vmem>>
      %dma_start3A_180 = tpu.memref_squeeze %dma_start3A_179 : memref<1x128xi32, #tpu.memory_space<vmem>> -> memref<128xi32, #tpu.memory_space<vmem>>
      %dma_start3A_181 = arith.constant 0 : i32
      %dma_start3A_182 = arith.constant 0 : i32
      %dma_start3A_183 = tpu.memref_slice %arg2[%dma_start3A_181, %dma_start3A_182] : memref<10240x128xf32, #tpu.memory_space<hbm>> -> memref<10240x128xf32, #tpu.memory_space<hbm>>
      tpu.enqueue_indirect_dma source(%dma_start3A_183 : memref<10240x128xf32, #tpu.memory_space<hbm>>) target(%arg9 : memref<128x128xf32, #tpu.memory_space<vmem>>) offsets(%dma_start3A_180 : memref<128xi32, #tpu.memory_space<vmem>>) semaphore(%arg12 : memref<!tpu.dma_semaphore, #tpu.memory_space<semaphore_mem>>)
      %dma_wait3A_184 = arith.constant 8 : i32
      %dma_wait3A_185 = arith.constant 0 : i32
      %dma_wait3A_186 = tpu.memref_slice %arg6[%dma_wait3A_184, %dma_wait3A_185] : memref<16x128xi32, #tpu.memory_space<vmem>> -> memref<1x128xi32, #tpu.memory_space<vmem>>
      %dma_wait3A_187 = tpu.memref_squeeze %dma_wait3A_186 : memref<1x128xi32, #tpu.memory_space<vmem>> -> memref<128xi32, #tpu.memory_space<vmem>>
      %dma_wait3A_188 = arith.constant 0 : i32
      %dma_wait3A_189 = arith.constant 0 : i32
      %dma_wait3A_190 = tpu.memref_slice %arg2[%dma_wait3A_188, %dma_wait3A_189] : memref<10240x128xf32, #tpu.memory_space<hbm>> -> memref<10240x128xf32, #tpu.memory_space<hbm>>
      tpu.wait_indirect_dma semaphore(%arg11 : memref<!tpu.dma_semaphore, #tpu.memory_space<semaphore_mem>>) src(%dma_wait3A_190 : memref<10240x128xf32, #tpu.memory_space<hbm>>) dst(%arg8 : memref<128x128xf32, #tpu.memory_space<vmem>>)
      %run_scoped3A_191 = arith.constant 8 : i32
      "tpu.region"() ({
        %run_scoped3A_290 = tpu.sem_alloc : memref<!tpu.dma_semaphore, #tpu.memory_space<semaphore_mem>>
        %dma_start3A_291 = arith.constant 0 : i32
        %dma_start3A_292 = tpu.memref_slice %arg7[%run_scoped3A_191, %dma_start3A_291] : memref<16x128xi32, #tpu.memory_space<vmem>> -> memref<1x128xi32, #tpu.memory_space<vmem>>
        %dma_start3A_293 = tpu.memref_squeeze %dma_start3A_292 : memref<1x128xi32, #tpu.memory_space<vmem>> -> memref<128xi32, #tpu.memory_space<vmem>>
        %dma_start3A_294 = arith.constant 0 : i32
        %dma_start3A_295 = arith.constant 0 : i32
        %dma_start3A_296 = tpu.memref_slice %arg10[%dma_start3A_294, %dma_start3A_295] : memref<10240x128xf32, #tpu.memory_space<vmem_shared>> -> memref<10240x128xf32, #tpu.memory_space<vmem_shared>>
        tpu.enqueue_indirect_dma source(%arg8 : memref<128x128xf32, #tpu.memory_space<vmem>>) target(%dma_start3A_296 : memref<10240x128xf32, #tpu.memory_space<vmem_shared>>) offsets(%dma_start3A_293 : memref<128xi32, #tpu.memory_space<vmem>>) semaphore(%run_scoped3A_290 : memref<!tpu.dma_semaphore, #tpu.memory_space<semaphore_mem>>) {add = true}
        %dma_wait3A_297 = arith.constant 0 : i32
        %dma_wait3A_298 = tpu.memref_slice %arg7[%run_scoped3A_191, %dma_wait3A_297] : memref<16x128xi32, #tpu.memory_space<vmem>> -> memref<1x128xi32, #tpu.memory_space<vmem>>
        %dma_wait3A_299 = tpu.memref_squeeze %dma_wait3A_298 : memref<1x128xi32, #tpu.memory_space<vmem>> -> memref<128xi32, #tpu.memory_space<vmem>>
        %dma_wait3A_300 = arith.constant 0 : i32
        %dma_wait3A_301 = arith.constant 0 : i32
        %dma_wait3A_302 = tpu.memref_slice %arg10[%dma_wait3A_300, %dma_wait3A_301] : memref<10240x128xf32, #tpu.memory_space<vmem_shared>> -> memref<10240x128xf32, #tpu.memory_space<vmem_shared>>
        tpu.wait_indirect_dma semaphore(%run_scoped3A_290 : memref<!tpu.dma_semaphore, #tpu.memory_space<semaphore_mem>>) src(%arg8 : memref<128x128xf32, #tpu.memory_space<vmem>>) dst(%dma_wait3A_302 : memref<10240x128xf32, #tpu.memory_space<vmem_shared>>)
        tpu.yield
      }) : () -> ()
      %dma_start3A_192 = arith.constant 10 : i32
      %dma_start3A_193 = arith.constant 0 : i32
      %dma_start3A_194 = tpu.memref_slice %arg6[%dma_start3A_192, %dma_start3A_193] : memref<16x128xi32, #tpu.memory_space<vmem>> -> memref<1x128xi32, #tpu.memory_space<vmem>>
      %dma_start3A_195 = tpu.memref_squeeze %dma_start3A_194 : memref<1x128xi32, #tpu.memory_space<vmem>> -> memref<128xi32, #tpu.memory_space<vmem>>
      %dma_start3A_196 = arith.constant 0 : i32
      %dma_start3A_197 = arith.constant 0 : i32
      %dma_start3A_198 = tpu.memref_slice %arg2[%dma_start3A_196, %dma_start3A_197] : memref<10240x128xf32, #tpu.memory_space<hbm>> -> memref<10240x128xf32, #tpu.memory_space<hbm>>
      tpu.enqueue_indirect_dma source(%dma_start3A_198 : memref<10240x128xf32, #tpu.memory_space<hbm>>) target(%arg8 : memref<128x128xf32, #tpu.memory_space<vmem>>) offsets(%dma_start3A_195 : memref<128xi32, #tpu.memory_space<vmem>>) semaphore(%arg11 : memref<!tpu.dma_semaphore, #tpu.memory_space<semaphore_mem>>)
      %dma_wait3A_199 = arith.constant 9 : i32
      %dma_wait3A_200 = arith.constant 0 : i32
      %dma_wait3A_201 = tpu.memref_slice %arg6[%dma_wait3A_199, %dma_wait3A_200] : memref<16x128xi32, #tpu.memory_space<vmem>> -> memref<1x128xi32, #tpu.memory_space<vmem>>
      %dma_wait3A_202 = tpu.memref_squeeze %dma_wait3A_201 : memref<1x128xi32, #tpu.memory_space<vmem>> -> memref<128xi32, #tpu.memory_space<vmem>>
      %dma_wait3A_203 = arith.constant 0 : i32
      %dma_wait3A_204 = arith.constant 0 : i32
      %dma_wait3A_205 = tpu.memref_slice %arg2[%dma_wait3A_203, %dma_wait3A_204] : memref<10240x128xf32, #tpu.memory_space<hbm>> -> memref<10240x128xf32, #tpu.memory_space<hbm>>
      tpu.wait_indirect_dma semaphore(%arg12 : memref<!tpu.dma_semaphore, #tpu.memory_space<semaphore_mem>>) src(%dma_wait3A_205 : memref<10240x128xf32, #tpu.memory_space<hbm>>) dst(%arg9 : memref<128x128xf32, #tpu.memory_space<vmem>>)
      %run_scoped3A_206 = arith.constant 9 : i32
      "tpu.region"() ({
        %run_scoped3A_290 = tpu.sem_alloc : memref<!tpu.dma_semaphore, #tpu.memory_space<semaphore_mem>>
        %dma_start3A_291 = arith.constant 0 : i32
        %dma_start3A_292 = tpu.memref_slice %arg7[%run_scoped3A_206, %dma_start3A_291] : memref<16x128xi32, #tpu.memory_space<vmem>> -> memref<1x128xi32, #tpu.memory_space<vmem>>
        %dma_start3A_293 = tpu.memref_squeeze %dma_start3A_292 : memref<1x128xi32, #tpu.memory_space<vmem>> -> memref<128xi32, #tpu.memory_space<vmem>>
        %dma_start3A_294 = arith.constant 0 : i32
        %dma_start3A_295 = arith.constant 0 : i32
        %dma_start3A_296 = tpu.memref_slice %arg10[%dma_start3A_294, %dma_start3A_295] : memref<10240x128xf32, #tpu.memory_space<vmem_shared>> -> memref<10240x128xf32, #tpu.memory_space<vmem_shared>>
        tpu.enqueue_indirect_dma source(%arg9 : memref<128x128xf32, #tpu.memory_space<vmem>>) target(%dma_start3A_296 : memref<10240x128xf32, #tpu.memory_space<vmem_shared>>) offsets(%dma_start3A_293 : memref<128xi32, #tpu.memory_space<vmem>>) semaphore(%run_scoped3A_290 : memref<!tpu.dma_semaphore, #tpu.memory_space<semaphore_mem>>) {add = true}
        %dma_wait3A_297 = arith.constant 0 : i32
        %dma_wait3A_298 = tpu.memref_slice %arg7[%run_scoped3A_206, %dma_wait3A_297] : memref<16x128xi32, #tpu.memory_space<vmem>> -> memref<1x128xi32, #tpu.memory_space<vmem>>
        %dma_wait3A_299 = tpu.memref_squeeze %dma_wait3A_298 : memref<1x128xi32, #tpu.memory_space<vmem>> -> memref<128xi32, #tpu.memory_space<vmem>>
        %dma_wait3A_300 = arith.constant 0 : i32
        %dma_wait3A_301 = arith.constant 0 : i32
        %dma_wait3A_302 = tpu.memref_slice %arg10[%dma_wait3A_300, %dma_wait3A_301] : memref<10240x128xf32, #tpu.memory_space<vmem_shared>> -> memref<10240x128xf32, #tpu.memory_space<vmem_shared>>
        tpu.wait_indirect_dma semaphore(%run_scoped3A_290 : memref<!tpu.dma_semaphore, #tpu.memory_space<semaphore_mem>>) src(%arg9 : memref<128x128xf32, #tpu.memory_space<vmem>>) dst(%dma_wait3A_302 : memref<10240x128xf32, #tpu.memory_space<vmem_shared>>)
        tpu.yield
      }) : () -> ()
      %dma_start3A_207 = arith.constant 11 : i32
      %dma_start3A_208 = arith.constant 0 : i32
      %dma_start3A_209 = tpu.memref_slice %arg6[%dma_start3A_207, %dma_start3A_208] : memref<16x128xi32, #tpu.memory_space<vmem>> -> memref<1x128xi32, #tpu.memory_space<vmem>>
      %dma_start3A_210 = tpu.memref_squeeze %dma_start3A_209 : memref<1x128xi32, #tpu.memory_space<vmem>> -> memref<128xi32, #tpu.memory_space<vmem>>
      %dma_start3A_211 = arith.constant 0 : i32
      %dma_start3A_212 = arith.constant 0 : i32
      %dma_start3A_213 = tpu.memref_slice %arg2[%dma_start3A_211, %dma_start3A_212] : memref<10240x128xf32, #tpu.memory_space<hbm>> -> memref<10240x128xf32, #tpu.memory_space<hbm>>
      tpu.enqueue_indirect_dma source(%dma_start3A_213 : memref<10240x128xf32, #tpu.memory_space<hbm>>) target(%arg9 : memref<128x128xf32, #tpu.memory_space<vmem>>) offsets(%dma_start3A_210 : memref<128xi32, #tpu.memory_space<vmem>>) semaphore(%arg12 : memref<!tpu.dma_semaphore, #tpu.memory_space<semaphore_mem>>)
      %dma_wait3A_214 = arith.constant 10 : i32
      %dma_wait3A_215 = arith.constant 0 : i32
      %dma_wait3A_216 = tpu.memref_slice %arg6[%dma_wait3A_214, %dma_wait3A_215] : memref<16x128xi32, #tpu.memory_space<vmem>> -> memref<1x128xi32, #tpu.memory_space<vmem>>
      %dma_wait3A_217 = tpu.memref_squeeze %dma_wait3A_216 : memref<1x128xi32, #tpu.memory_space<vmem>> -> memref<128xi32, #tpu.memory_space<vmem>>
      %dma_wait3A_218 = arith.constant 0 : i32
      %dma_wait3A_219 = arith.constant 0 : i32
      %dma_wait3A_220 = tpu.memref_slice %arg2[%dma_wait3A_218, %dma_wait3A_219] : memref<10240x128xf32, #tpu.memory_space<hbm>> -> memref<10240x128xf32, #tpu.memory_space<hbm>>
      tpu.wait_indirect_dma semaphore(%arg11 : memref<!tpu.dma_semaphore, #tpu.memory_space<semaphore_mem>>) src(%dma_wait3A_220 : memref<10240x128xf32, #tpu.memory_space<hbm>>) dst(%arg8 : memref<128x128xf32, #tpu.memory_space<vmem>>)
      %run_scoped3A_221 = arith.constant 10 : i32
      "tpu.region"() ({
        %run_scoped3A_290 = tpu.sem_alloc : memref<!tpu.dma_semaphore, #tpu.memory_space<semaphore_mem>>
        %dma_start3A_291 = arith.constant 0 : i32
        %dma_start3A_292 = tpu.memref_slice %arg7[%run_scoped3A_221, %dma_start3A_291] : memref<16x128xi32, #tpu.memory_space<vmem>> -> memref<1x128xi32, #tpu.memory_space<vmem>>
        %dma_start3A_293 = tpu.memref_squeeze %dma_start3A_292 : memref<1x128xi32, #tpu.memory_space<vmem>> -> memref<128xi32, #tpu.memory_space<vmem>>
        %dma_start3A_294 = arith.constant 0 : i32
        %dma_start3A_295 = arith.constant 0 : i32
        %dma_start3A_296 = tpu.memref_slice %arg10[%dma_start3A_294, %dma_start3A_295] : memref<10240x128xf32, #tpu.memory_space<vmem_shared>> -> memref<10240x128xf32, #tpu.memory_space<vmem_shared>>
        tpu.enqueue_indirect_dma source(%arg8 : memref<128x128xf32, #tpu.memory_space<vmem>>) target(%dma_start3A_296 : memref<10240x128xf32, #tpu.memory_space<vmem_shared>>) offsets(%dma_start3A_293 : memref<128xi32, #tpu.memory_space<vmem>>) semaphore(%run_scoped3A_290 : memref<!tpu.dma_semaphore, #tpu.memory_space<semaphore_mem>>) {add = true}
        %dma_wait3A_297 = arith.constant 0 : i32
        %dma_wait3A_298 = tpu.memref_slice %arg7[%run_scoped3A_221, %dma_wait3A_297] : memref<16x128xi32, #tpu.memory_space<vmem>> -> memref<1x128xi32, #tpu.memory_space<vmem>>
        %dma_wait3A_299 = tpu.memref_squeeze %dma_wait3A_298 : memref<1x128xi32, #tpu.memory_space<vmem>> -> memref<128xi32, #tpu.memory_space<vmem>>
        %dma_wait3A_300 = arith.constant 0 : i32
        %dma_wait3A_301 = arith.constant 0 : i32
        %dma_wait3A_302 = tpu.memref_slice %arg10[%dma_wait3A_300, %dma_wait3A_301] : memref<10240x128xf32, #tpu.memory_space<vmem_shared>> -> memref<10240x128xf32, #tpu.memory_space<vmem_shared>>
        tpu.wait_indirect_dma semaphore(%run_scoped3A_290 : memref<!tpu.dma_semaphore, #tpu.memory_space<semaphore_mem>>) src(%arg8 : memref<128x128xf32, #tpu.memory_space<vmem>>) dst(%dma_wait3A_302 : memref<10240x128xf32, #tpu.memory_space<vmem_shared>>)
        tpu.yield
      }) : () -> ()
      %dma_start3A_222 = arith.constant 12 : i32
      %dma_start3A_223 = arith.constant 0 : i32
      %dma_start3A_224 = tpu.memref_slice %arg6[%dma_start3A_222, %dma_start3A_223] : memref<16x128xi32, #tpu.memory_space<vmem>> -> memref<1x128xi32, #tpu.memory_space<vmem>>
      %dma_start3A_225 = tpu.memref_squeeze %dma_start3A_224 : memref<1x128xi32, #tpu.memory_space<vmem>> -> memref<128xi32, #tpu.memory_space<vmem>>
      %dma_start3A_226 = arith.constant 0 : i32
      %dma_start3A_227 = arith.constant 0 : i32
      %dma_start3A_228 = tpu.memref_slice %arg2[%dma_start3A_226, %dma_start3A_227] : memref<10240x128xf32, #tpu.memory_space<hbm>> -> memref<10240x128xf32, #tpu.memory_space<hbm>>
      tpu.enqueue_indirect_dma source(%dma_start3A_228 : memref<10240x128xf32, #tpu.memory_space<hbm>>) target(%arg8 : memref<128x128xf32, #tpu.memory_space<vmem>>) offsets(%dma_start3A_225 : memref<128xi32, #tpu.memory_space<vmem>>) semaphore(%arg11 : memref<!tpu.dma_semaphore, #tpu.memory_space<semaphore_mem>>)
      %dma_wait3A_229 = arith.constant 11 : i32
      %dma_wait3A_230 = arith.constant 0 : i32
      %dma_wait3A_231 = tpu.memref_slice %arg6[%dma_wait3A_229, %dma_wait3A_230] : memref<16x128xi32, #tpu.memory_space<vmem>> -> memref<1x128xi32, #tpu.memory_space<vmem>>
      %dma_wait3A_232 = tpu.memref_squeeze %dma_wait3A_231 : memref<1x128xi32, #tpu.memory_space<vmem>> -> memref<128xi32, #tpu.memory_space<vmem>>
      %dma_wait3A_233 = arith.constant 0 : i32
      %dma_wait3A_234 = arith.constant 0 : i32
      %dma_wait3A_235 = tpu.memref_slice %arg2[%dma_wait3A_233, %dma_wait3A_234] : memref<10240x128xf32, #tpu.memory_space<hbm>> -> memref<10240x128xf32, #tpu.memory_space<hbm>>
      tpu.wait_indirect_dma semaphore(%arg12 : memref<!tpu.dma_semaphore, #tpu.memory_space<semaphore_mem>>) src(%dma_wait3A_235 : memref<10240x128xf32, #tpu.memory_space<hbm>>) dst(%arg9 : memref<128x128xf32, #tpu.memory_space<vmem>>)
      %run_scoped3A_236 = arith.constant 11 : i32
      "tpu.region"() ({
        %run_scoped3A_290 = tpu.sem_alloc : memref<!tpu.dma_semaphore, #tpu.memory_space<semaphore_mem>>
        %dma_start3A_291 = arith.constant 0 : i32
        %dma_start3A_292 = tpu.memref_slice %arg7[%run_scoped3A_236, %dma_start3A_291] : memref<16x128xi32, #tpu.memory_space<vmem>> -> memref<1x128xi32, #tpu.memory_space<vmem>>
        %dma_start3A_293 = tpu.memref_squeeze %dma_start3A_292 : memref<1x128xi32, #tpu.memory_space<vmem>> -> memref<128xi32, #tpu.memory_space<vmem>>
        %dma_start3A_294 = arith.constant 0 : i32
        %dma_start3A_295 = arith.constant 0 : i32
        %dma_start3A_296 = tpu.memref_slice %arg10[%dma_start3A_294, %dma_start3A_295] : memref<10240x128xf32, #tpu.memory_space<vmem_shared>> -> memref<10240x128xf32, #tpu.memory_space<vmem_shared>>
        tpu.enqueue_indirect_dma source(%arg9 : memref<128x128xf32, #tpu.memory_space<vmem>>) target(%dma_start3A_296 : memref<10240x128xf32, #tpu.memory_space<vmem_shared>>) offsets(%dma_start3A_293 : memref<128xi32, #tpu.memory_space<vmem>>) semaphore(%run_scoped3A_290 : memref<!tpu.dma_semaphore, #tpu.memory_space<semaphore_mem>>) {add = true}
        %dma_wait3A_297 = arith.constant 0 : i32
        %dma_wait3A_298 = tpu.memref_slice %arg7[%run_scoped3A_236, %dma_wait3A_297] : memref<16x128xi32, #tpu.memory_space<vmem>> -> memref<1x128xi32, #tpu.memory_space<vmem>>
        %dma_wait3A_299 = tpu.memref_squeeze %dma_wait3A_298 : memref<1x128xi32, #tpu.memory_space<vmem>> -> memref<128xi32, #tpu.memory_space<vmem>>
        %dma_wait3A_300 = arith.constant 0 : i32
        %dma_wait3A_301 = arith.constant 0 : i32
        %dma_wait3A_302 = tpu.memref_slice %arg10[%dma_wait3A_300, %dma_wait3A_301] : memref<10240x128xf32, #tpu.memory_space<vmem_shared>> -> memref<10240x128xf32, #tpu.memory_space<vmem_shared>>
        tpu.wait_indirect_dma semaphore(%run_scoped3A_290 : memref<!tpu.dma_semaphore, #tpu.memory_space<semaphore_mem>>) src(%arg9 : memref<128x128xf32, #tpu.memory_space<vmem>>) dst(%dma_wait3A_302 : memref<10240x128xf32, #tpu.memory_space<vmem_shared>>)
        tpu.yield
      }) : () -> ()
      %dma_start3A_237 = arith.constant 13 : i32
      %dma_start3A_238 = arith.constant 0 : i32
      %dma_start3A_239 = tpu.memref_slice %arg6[%dma_start3A_237, %dma_start3A_238] : memref<16x128xi32, #tpu.memory_space<vmem>> -> memref<1x128xi32, #tpu.memory_space<vmem>>
      %dma_start3A_240 = tpu.memref_squeeze %dma_start3A_239 : memref<1x128xi32, #tpu.memory_space<vmem>> -> memref<128xi32, #tpu.memory_space<vmem>>
      %dma_start3A_241 = arith.constant 0 : i32
      %dma_start3A_242 = arith.constant 0 : i32
      %dma_start3A_243 = tpu.memref_slice %arg2[%dma_start3A_241, %dma_start3A_242] : memref<10240x128xf32, #tpu.memory_space<hbm>> -> memref<10240x128xf32, #tpu.memory_space<hbm>>
      tpu.enqueue_indirect_dma source(%dma_start3A_243 : memref<10240x128xf32, #tpu.memory_space<hbm>>) target(%arg9 : memref<128x128xf32, #tpu.memory_space<vmem>>) offsets(%dma_start3A_240 : memref<128xi32, #tpu.memory_space<vmem>>) semaphore(%arg12 : memref<!tpu.dma_semaphore, #tpu.memory_space<semaphore_mem>>)
      %dma_wait3A_244 = arith.constant 12 : i32
      %dma_wait3A_245 = arith.constant 0 : i32
      %dma_wait3A_246 = tpu.memref_slice %arg6[%dma_wait3A_244, %dma_wait3A_245] : memref<16x128xi32, #tpu.memory_space<vmem>> -> memref<1x128xi32, #tpu.memory_space<vmem>>
      %dma_wait3A_247 = tpu.memref_squeeze %dma_wait3A_246 : memref<1x128xi32, #tpu.memory_space<vmem>> -> memref<128xi32, #tpu.memory_space<vmem>>
      %dma_wait3A_248 = arith.constant 0 : i32
      %dma_wait3A_249 = arith.constant 0 : i32
      %dma_wait3A_250 = tpu.memref_slice %arg2[%dma_wait3A_248, %dma_wait3A_249] : memref<10240x128xf32, #tpu.memory_space<hbm>> -> memref<10240x128xf32, #tpu.memory_space<hbm>>
      tpu.wait_indirect_dma semaphore(%arg11 : memref<!tpu.dma_semaphore, #tpu.memory_space<semaphore_mem>>) src(%dma_wait3A_250 : memref<10240x128xf32, #tpu.memory_space<hbm>>) dst(%arg8 : memref<128x128xf32, #tpu.memory_space<vmem>>)
      %run_scoped3A_251 = arith.constant 12 : i32
      "tpu.region"() ({
        %run_scoped3A_290 = tpu.sem_alloc : memref<!tpu.dma_semaphore, #tpu.memory_space<semaphore_mem>>
        %dma_start3A_291 = arith.constant 0 : i32
        %dma_start3A_292 = tpu.memref_slice %arg7[%run_scoped3A_251, %dma_start3A_291] : memref<16x128xi32, #tpu.memory_space<vmem>> -> memref<1x128xi32, #tpu.memory_space<vmem>>
        %dma_start3A_293 = tpu.memref_squeeze %dma_start3A_292 : memref<1x128xi32, #tpu.memory_space<vmem>> -> memref<128xi32, #tpu.memory_space<vmem>>
        %dma_start3A_294 = arith.constant 0 : i32
        %dma_start3A_295 = arith.constant 0 : i32
        %dma_start3A_296 = tpu.memref_slice %arg10[%dma_start3A_294, %dma_start3A_295] : memref<10240x128xf32, #tpu.memory_space<vmem_shared>> -> memref<10240x128xf32, #tpu.memory_space<vmem_shared>>
        tpu.enqueue_indirect_dma source(%arg8 : memref<128x128xf32, #tpu.memory_space<vmem>>) target(%dma_start3A_296 : memref<10240x128xf32, #tpu.memory_space<vmem_shared>>) offsets(%dma_start3A_293 : memref<128xi32, #tpu.memory_space<vmem>>) semaphore(%run_scoped3A_290 : memref<!tpu.dma_semaphore, #tpu.memory_space<semaphore_mem>>) {add = true}
        %dma_wait3A_297 = arith.constant 0 : i32
        %dma_wait3A_298 = tpu.memref_slice %arg7[%run_scoped3A_251, %dma_wait3A_297] : memref<16x128xi32, #tpu.memory_space<vmem>> -> memref<1x128xi32, #tpu.memory_space<vmem>>
        %dma_wait3A_299 = tpu.memref_squeeze %dma_wait3A_298 : memref<1x128xi32, #tpu.memory_space<vmem>> -> memref<128xi32, #tpu.memory_space<vmem>>
        %dma_wait3A_300 = arith.constant 0 : i32
        %dma_wait3A_301 = arith.constant 0 : i32
        %dma_wait3A_302 = tpu.memref_slice %arg10[%dma_wait3A_300, %dma_wait3A_301] : memref<10240x128xf32, #tpu.memory_space<vmem_shared>> -> memref<10240x128xf32, #tpu.memory_space<vmem_shared>>
        tpu.wait_indirect_dma semaphore(%run_scoped3A_290 : memref<!tpu.dma_semaphore, #tpu.memory_space<semaphore_mem>>) src(%arg8 : memref<128x128xf32, #tpu.memory_space<vmem>>) dst(%dma_wait3A_302 : memref<10240x128xf32, #tpu.memory_space<vmem_shared>>)
        tpu.yield
      }) : () -> ()
      %dma_start3A_252 = arith.constant 14 : i32
      %dma_start3A_253 = arith.constant 0 : i32
      %dma_start3A_254 = tpu.memref_slice %arg6[%dma_start3A_252, %dma_start3A_253] : memref<16x128xi32, #tpu.memory_space<vmem>> -> memref<1x128xi32, #tpu.memory_space<vmem>>
      %dma_start3A_255 = tpu.memref_squeeze %dma_start3A_254 : memref<1x128xi32, #tpu.memory_space<vmem>> -> memref<128xi32, #tpu.memory_space<vmem>>
      %dma_start3A_256 = arith.constant 0 : i32
      %dma_start3A_257 = arith.constant 0 : i32
      %dma_start3A_258 = tpu.memref_slice %arg2[%dma_start3A_256, %dma_start3A_257] : memref<10240x128xf32, #tpu.memory_space<hbm>> -> memref<10240x128xf32, #tpu.memory_space<hbm>>
      tpu.enqueue_indirect_dma source(%dma_start3A_258 : memref<10240x128xf32, #tpu.memory_space<hbm>>) target(%arg8 : memref<128x128xf32, #tpu.memory_space<vmem>>) offsets(%dma_start3A_255 : memref<128xi32, #tpu.memory_space<vmem>>) semaphore(%arg11 : memref<!tpu.dma_semaphore, #tpu.memory_space<semaphore_mem>>)
      %dma_wait3A_259 = arith.constant 13 : i32
      %dma_wait3A_260 = arith.constant 0 : i32
      %dma_wait3A_261 = tpu.memref_slice %arg6[%dma_wait3A_259, %dma_wait3A_260] : memref<16x128xi32, #tpu.memory_space<vmem>> -> memref<1x128xi32, #tpu.memory_space<vmem>>
      %dma_wait3A_262 = tpu.memref_squeeze %dma_wait3A_261 : memref<1x128xi32, #tpu.memory_space<vmem>> -> memref<128xi32, #tpu.memory_space<vmem>>
      %dma_wait3A_263 = arith.constant 0 : i32
      %dma_wait3A_264 = arith.constant 0 : i32
      %dma_wait3A_265 = tpu.memref_slice %arg2[%dma_wait3A_263, %dma_wait3A_264] : memref<10240x128xf32, #tpu.memory_space<hbm>> -> memref<10240x128xf32, #tpu.memory_space<hbm>>
      tpu.wait_indirect_dma semaphore(%arg12 : memref<!tpu.dma_semaphore, #tpu.memory_space<semaphore_mem>>) src(%dma_wait3A_265 : memref<10240x128xf32, #tpu.memory_space<hbm>>) dst(%arg9 : memref<128x128xf32, #tpu.memory_space<vmem>>)
      %run_scoped3A_266 = arith.constant 13 : i32
      "tpu.region"() ({
        %run_scoped3A_290 = tpu.sem_alloc : memref<!tpu.dma_semaphore, #tpu.memory_space<semaphore_mem>>
        %dma_start3A_291 = arith.constant 0 : i32
        %dma_start3A_292 = tpu.memref_slice %arg7[%run_scoped3A_266, %dma_start3A_291] : memref<16x128xi32, #tpu.memory_space<vmem>> -> memref<1x128xi32, #tpu.memory_space<vmem>>
        %dma_start3A_293 = tpu.memref_squeeze %dma_start3A_292 : memref<1x128xi32, #tpu.memory_space<vmem>> -> memref<128xi32, #tpu.memory_space<vmem>>
        %dma_start3A_294 = arith.constant 0 : i32
        %dma_start3A_295 = arith.constant 0 : i32
        %dma_start3A_296 = tpu.memref_slice %arg10[%dma_start3A_294, %dma_start3A_295] : memref<10240x128xf32, #tpu.memory_space<vmem_shared>> -> memref<10240x128xf32, #tpu.memory_space<vmem_shared>>
        tpu.enqueue_indirect_dma source(%arg9 : memref<128x128xf32, #tpu.memory_space<vmem>>) target(%dma_start3A_296 : memref<10240x128xf32, #tpu.memory_space<vmem_shared>>) offsets(%dma_start3A_293 : memref<128xi32, #tpu.memory_space<vmem>>) semaphore(%run_scoped3A_290 : memref<!tpu.dma_semaphore, #tpu.memory_space<semaphore_mem>>) {add = true}
        %dma_wait3A_297 = arith.constant 0 : i32
        %dma_wait3A_298 = tpu.memref_slice %arg7[%run_scoped3A_266, %dma_wait3A_297] : memref<16x128xi32, #tpu.memory_space<vmem>> -> memref<1x128xi32, #tpu.memory_space<vmem>>
        %dma_wait3A_299 = tpu.memref_squeeze %dma_wait3A_298 : memref<1x128xi32, #tpu.memory_space<vmem>> -> memref<128xi32, #tpu.memory_space<vmem>>
        %dma_wait3A_300 = arith.constant 0 : i32
        %dma_wait3A_301 = arith.constant 0 : i32
        %dma_wait3A_302 = tpu.memref_slice %arg10[%dma_wait3A_300, %dma_wait3A_301] : memref<10240x128xf32, #tpu.memory_space<vmem_shared>> -> memref<10240x128xf32, #tpu.memory_space<vmem_shared>>
        tpu.wait_indirect_dma semaphore(%run_scoped3A_290 : memref<!tpu.dma_semaphore, #tpu.memory_space<semaphore_mem>>) src(%arg9 : memref<128x128xf32, #tpu.memory_space<vmem>>) dst(%dma_wait3A_302 : memref<10240x128xf32, #tpu.memory_space<vmem_shared>>)
        tpu.yield
      }) : () -> ()
      %dma_start3A_267 = arith.constant 15 : i32
      %dma_start3A_268 = arith.constant 0 : i32
      %dma_start3A_269 = tpu.memref_slice %arg6[%dma_start3A_267, %dma_start3A_268] : memref<16x128xi32, #tpu.memory_space<vmem>> -> memref<1x128xi32, #tpu.memory_space<vmem>>
      %dma_start3A_270 = tpu.memref_squeeze %dma_start3A_269 : memref<1x128xi32, #tpu.memory_space<vmem>> -> memref<128xi32, #tpu.memory_space<vmem>>
      %dma_start3A_271 = arith.constant 0 : i32
      %dma_start3A_272 = arith.constant 0 : i32
      %dma_start3A_273 = tpu.memref_slice %arg2[%dma_start3A_271, %dma_start3A_272] : memref<10240x128xf32, #tpu.memory_space<hbm>> -> memref<10240x128xf32, #tpu.memory_space<hbm>>
      tpu.enqueue_indirect_dma source(%dma_start3A_273 : memref<10240x128xf32, #tpu.memory_space<hbm>>) target(%arg9 : memref<128x128xf32, #tpu.memory_space<vmem>>) offsets(%dma_start3A_270 : memref<128xi32, #tpu.memory_space<vmem>>) semaphore(%arg12 : memref<!tpu.dma_semaphore, #tpu.memory_space<semaphore_mem>>)
      %dma_wait3A_274 = arith.constant 14 : i32
      %dma_wait3A_275 = arith.constant 0 : i32
      %dma_wait3A_276 = tpu.memref_slice %arg6[%dma_wait3A_274, %dma_wait3A_275] : memref<16x128xi32, #tpu.memory_space<vmem>> -> memref<1x128xi32, #tpu.memory_space<vmem>>
      %dma_wait3A_277 = tpu.memref_squeeze %dma_wait3A_276 : memref<1x128xi32, #tpu.memory_space<vmem>> -> memref<128xi32, #tpu.memory_space<vmem>>
      %dma_wait3A_278 = arith.constant 0 : i32
      %dma_wait3A_279 = arith.constant 0 : i32
      %dma_wait3A_280 = tpu.memref_slice %arg2[%dma_wait3A_278, %dma_wait3A_279] : memref<10240x128xf32, #tpu.memory_space<hbm>> -> memref<10240x128xf32, #tpu.memory_space<hbm>>
      tpu.wait_indirect_dma semaphore(%arg11 : memref<!tpu.dma_semaphore, #tpu.memory_space<semaphore_mem>>) src(%dma_wait3A_280 : memref<10240x128xf32, #tpu.memory_space<hbm>>) dst(%arg8 : memref<128x128xf32, #tpu.memory_space<vmem>>)
      %run_scoped3A_281 = arith.constant 14 : i32
      "tpu.region"() ({
        %run_scoped3A_290 = tpu.sem_alloc : memref<!tpu.dma_semaphore, #tpu.memory_space<semaphore_mem>>
        %dma_start3A_291 = arith.constant 0 : i32
        %dma_start3A_292 = tpu.memref_slice %arg7[%run_scoped3A_281, %dma_start3A_291] : memref<16x128xi32, #tpu.memory_space<vmem>> -> memref<1x128xi32, #tpu.memory_space<vmem>>
        %dma_start3A_293 = tpu.memref_squeeze %dma_start3A_292 : memref<1x128xi32, #tpu.memory_space<vmem>> -> memref<128xi32, #tpu.memory_space<vmem>>
        %dma_start3A_294 = arith.constant 0 : i32
        %dma_start3A_295 = arith.constant 0 : i32
        %dma_start3A_296 = tpu.memref_slice %arg10[%dma_start3A_294, %dma_start3A_295] : memref<10240x128xf32, #tpu.memory_space<vmem_shared>> -> memref<10240x128xf32, #tpu.memory_space<vmem_shared>>
        tpu.enqueue_indirect_dma source(%arg8 : memref<128x128xf32, #tpu.memory_space<vmem>>) target(%dma_start3A_296 : memref<10240x128xf32, #tpu.memory_space<vmem_shared>>) offsets(%dma_start3A_293 : memref<128xi32, #tpu.memory_space<vmem>>) semaphore(%run_scoped3A_290 : memref<!tpu.dma_semaphore, #tpu.memory_space<semaphore_mem>>) {add = true}
        %dma_wait3A_297 = arith.constant 0 : i32
        %dma_wait3A_298 = tpu.memref_slice %arg7[%run_scoped3A_281, %dma_wait3A_297] : memref<16x128xi32, #tpu.memory_space<vmem>> -> memref<1x128xi32, #tpu.memory_space<vmem>>
        %dma_wait3A_299 = tpu.memref_squeeze %dma_wait3A_298 : memref<1x128xi32, #tpu.memory_space<vmem>> -> memref<128xi32, #tpu.memory_space<vmem>>
        %dma_wait3A_300 = arith.constant 0 : i32
        %dma_wait3A_301 = arith.constant 0 : i32
        %dma_wait3A_302 = tpu.memref_slice %arg10[%dma_wait3A_300, %dma_wait3A_301] : memref<10240x128xf32, #tpu.memory_space<vmem_shared>> -> memref<10240x128xf32, #tpu.memory_space<vmem_shared>>
        tpu.wait_indirect_dma semaphore(%run_scoped3A_290 : memref<!tpu.dma_semaphore, #tpu.memory_space<semaphore_mem>>) src(%arg8 : memref<128x128xf32, #tpu.memory_space<vmem>>) dst(%dma_wait3A_302 : memref<10240x128xf32, #tpu.memory_space<vmem_shared>>)
        tpu.yield
      }) : () -> ()
      %dma_wait3A_282 = arith.constant 15 : i32
      %dma_wait3A_283 = arith.constant 0 : i32
      %dma_wait3A_284 = tpu.memref_slice %arg6[%dma_wait3A_282, %dma_wait3A_283] : memref<16x128xi32, #tpu.memory_space<vmem>> -> memref<1x128xi32, #tpu.memory_space<vmem>>
      %dma_wait3A_285 = tpu.memref_squeeze %dma_wait3A_284 : memref<1x128xi32, #tpu.memory_space<vmem>> -> memref<128xi32, #tpu.memory_space<vmem>>
      %dma_wait3A_286 = arith.constant 0 : i32
      %dma_wait3A_287 = arith.constant 0 : i32
      %dma_wait3A_288 = tpu.memref_slice %arg2[%dma_wait3A_286, %dma_wait3A_287] : memref<10240x128xf32, #tpu.memory_space<hbm>> -> memref<10240x128xf32, #tpu.memory_space<hbm>>
      tpu.wait_indirect_dma semaphore(%arg12 : memref<!tpu.dma_semaphore, #tpu.memory_space<semaphore_mem>>) src(%dma_wait3A_288 : memref<10240x128xf32, #tpu.memory_space<hbm>>) dst(%arg9 : memref<128x128xf32, #tpu.memory_space<vmem>>)
      %run_scoped3A_289 = arith.constant 15 : i32
      "tpu.region"() ({
        %run_scoped3A_290 = tpu.sem_alloc : memref<!tpu.dma_semaphore, #tpu.memory_space<semaphore_mem>>
        %dma_start3A_291 = arith.constant 0 : i32
        %dma_start3A_292 = tpu.memref_slice %arg7[%run_scoped3A_289, %dma_start3A_291] : memref<16x128xi32, #tpu.memory_space<vmem>> -> memref<1x128xi32, #tpu.memory_space<vmem>>
        %dma_start3A_293 = tpu.memref_squeeze %dma_start3A_292 : memref<1x128xi32, #tpu.memory_space<vmem>> -> memref<128xi32, #tpu.memory_space<vmem>>
        %dma_start3A_294 = arith.constant 0 : i32
        %dma_start3A_295 = arith.constant 0 : i32
        %dma_start3A_296 = tpu.memref_slice %arg10[%dma_start3A_294, %dma_start3A_295] : memref<10240x128xf32, #tpu.memory_space<vmem_shared>> -> memref<10240x128xf32, #tpu.memory_space<vmem_shared>>
        tpu.enqueue_indirect_dma source(%arg9 : memref<128x128xf32, #tpu.memory_space<vmem>>) target(%dma_start3A_296 : memref<10240x128xf32, #tpu.memory_space<vmem_shared>>) offsets(%dma_start3A_293 : memref<128xi32, #tpu.memory_space<vmem>>) semaphore(%run_scoped3A_290 : memref<!tpu.dma_semaphore, #tpu.memory_space<semaphore_mem>>) {add = true}
        %dma_wait3A_297 = arith.constant 0 : i32
        %dma_wait3A_298 = tpu.memref_slice %arg7[%run_scoped3A_289, %dma_wait3A_297] : memref<16x128xi32, #tpu.memory_space<vmem>> -> memref<1x128xi32, #tpu.memory_space<vmem>>
        %dma_wait3A_299 = tpu.memref_squeeze %dma_wait3A_298 : memref<1x128xi32, #tpu.memory_space<vmem>> -> memref<128xi32, #tpu.memory_space<vmem>>
        %dma_wait3A_300 = arith.constant 0 : i32
        %dma_wait3A_301 = arith.constant 0 : i32
        %dma_wait3A_302 = tpu.memref_slice %arg10[%dma_wait3A_300, %dma_wait3A_301] : memref<10240x128xf32, #tpu.memory_space<vmem_shared>> -> memref<10240x128xf32, #tpu.memory_space<vmem_shared>>
        tpu.wait_indirect_dma semaphore(%run_scoped3A_290 : memref<!tpu.dma_semaphore, #tpu.memory_space<semaphore_mem>>) src(%arg9 : memref<128x128xf32, #tpu.memory_space<vmem>>) dst(%dma_wait3A_302 : memref<10240x128xf32, #tpu.memory_space<vmem_shared>>)
        tpu.yield
      }) : () -> ()
    }
    %barrier3A_44 = arith.constant 0 : index
    tpu.barrier barrier_id(%barrier3A_44)
    %mul3A_45 = arith.constant 640 : i32
    %mul3A_46 = arith.muli %arg1, %mul3A_45 : i32
    %mul3A_47 = arith.constant 640 : i32
    %mul3A_48 = arith.muli %arg1, %mul3A_47 : i32
    "tpu.region"() ({
      %run_scoped3A = tpu.sem_alloc : memref<!tpu.dma_semaphore, #tpu.memory_space<semaphore_mem>>
      %dma_start3A = arith.constant 0 : i32
      %dma_start3A_49 = tpu.memref_slice %arg5[%arg0, %mul3A_48, %dma_start3A] : memref<2x10240x128xf32, #tpu.memory_space<hbm>> -> memref<1x640x128xf32, #tpu.memory_space<hbm>>
      %dma_start3A_50 = tpu.memref_squeeze %dma_start3A_49 : memref<1x640x128xf32, #tpu.memory_space<hbm>> -> memref<640x128xf32, #tpu.memory_space<hbm>>
      %dma_start3A_51 = arith.constant 0 : i32
      %dma_start3A_52 = tpu.memref_slice %arg10[%mul3A_46, %dma_start3A_51] : memref<10240x128xf32, #tpu.memory_space<vmem_shared>> -> memref<640x128xf32, #tpu.memory_space<vmem_shared>>
      tpu.enqueue_dma source(%dma_start3A_52 : memref<640x128xf32, #tpu.memory_space<vmem_shared>>) target(%dma_start3A_50 : memref<640x128xf32, #tpu.memory_space<hbm>>) target_semaphore(%run_scoped3A : memref<!tpu.dma_semaphore, #tpu.memory_space<semaphore_mem>>)
      %dma_wait3A = arith.constant 0 : i32
      %dma_wait3A_53 = tpu.memref_slice %arg5[%arg0, %mul3A_48, %dma_wait3A] : memref<2x10240x128xf32, #tpu.memory_space<hbm>> -> memref<1x640x128xf32, #tpu.memory_space<hbm>>
      %dma_wait3A_54 = tpu.memref_squeeze %dma_wait3A_53 : memref<1x640x128xf32, #tpu.memory_space<hbm>> -> memref<640x128xf32, #tpu.memory_space<hbm>>
      %dma_wait3A_55 = arith.constant 0 : i32
      %dma_wait3A_56 = tpu.memref_slice %arg10[%mul3A_46, %dma_wait3A_55] : memref<10240x128xf32, #tpu.memory_space<vmem_shared>> -> memref<640x128xf32, #tpu.memory_space<vmem_shared>>
      tpu.wait_dma2 semaphore(%run_scoped3A : memref<!tpu.dma_semaphore, #tpu.memory_space<semaphore_mem>>) src(%dma_wait3A_56 : memref<640x128xf32, #tpu.memory_space<vmem_shared>>) dst(%dma_wait3A_54 : memref<640x128xf32, #tpu.memory_space<hbm>>)
      tpu.yield
    }) : () -> ()
    return
  }
}

module attributes {stable_mosaic.version = 14 : i64} {
  func.func @body(%arg0: i32, %arg1: memref<512x128xf32, #tpu.memory_space<vmem>>, %arg2: memref<512x128xf32, #tpu.memory_space<vmem>>, %arg3: memref<512x128xf32, #tpu.memory_space<vmem>>, %arg4: memref<128x128xf32, #tpu.memory_space<vmem>>, %arg5: memref<1x128xf32, #tpu.memory_space<vmem>>, %arg6: memref<128x128xf32, #tpu.memory_space<vmem>>, %arg7: memref<1x128xf32, #tpu.memory_space<vmem>>, %arg8: memref<512x128xf32, #tpu.memory_space<vmem>>) attributes {dimension_semantics = [#tpu.dimension_semantics<arbitrary>], iteration_bounds = array<i64: 20>, scalar_prefetch = 0 : i64, scratch_operands = 0 : i64, tpu.core_type = #tpu.core_type<tc>, window_params = [{transform_indices = @transform_0, window_bounds = array<i64: 512, 128>}, {transform_indices = @transform_1, window_bounds = array<i64: 512, 128>}, {transform_indices = @transform_2, window_bounds = array<i64: 512, 128>}, {pipeline_mode = #tpu.pipeline_mode<synchronous>, transform_indices = @transform_3, window_bounds = array<i64: 128, 128>}, {pipeline_mode = #tpu.pipeline_mode<synchronous>, transform_indices = @transform_4, window_bounds = array<i64: 1, 128>}, {pipeline_mode = #tpu.pipeline_mode<synchronous>, transform_indices = @transform_5, window_bounds = array<i64: 128, 128>}, {pipeline_mode = #tpu.pipeline_mode<synchronous>, transform_indices = @transform_6, window_bounds = array<i64: 1, 128>}, {transform_indices = @transform_7, window_bounds = array<i64: 512, 128>}]} {
    %get3A = arith.constant 0 : index
    %get3A_0 = arith.constant 0 : index
    %get3A_1 = vector.load %arg1[%get3A, %get3A_0] : memref<512x128xf32, #tpu.memory_space<vmem>>, vector<512x128xf32>
    %get3A_2 = arith.constant 0 : index
    %get3A_3 = arith.constant 0 : index
    %get3A_4 = vector.load %arg2[%get3A_2, %get3A_3] : memref<512x128xf32, #tpu.memory_space<vmem>>, vector<512x128xf32>
    %add3A = arith.addf %get3A_1, %get3A_4 : vector<512x128xf32>
    %get3A_5 = arith.constant 0 : index
    %get3A_6 = arith.constant 0 : index
    %get3A_7 = vector.load %arg3[%get3A_5, %get3A_6] : memref<512x128xf32, #tpu.memory_space<vmem>>, vector<512x128xf32>
    %add3A_8 = arith.addf %add3A, %get3A_7 : vector<512x128xf32>
    %get3A_9 = arith.constant 0 : index
    %get3A_10 = arith.constant 0 : index
    %get3A_11 = vector.load %arg4[%get3A_9, %get3A_10] : memref<128x128xf32, #tpu.memory_space<vmem>>, vector<128x128xf32>
    %dot_general3A = arith.constant dense<0.000000e+00> : vector<512x128xf32>
    %dot_general3A_12 = tpu.matmul %add3A_8, %get3A_11, %dot_general3A {dimension_numbers = #tpu.dot_dimension_numbers<[1], [0], [0], [1], [0, 0, 1, 1], [], []>, transpose_lhs_hint = false} : vector<512x128xf32>, vector<128x128xf32>, vector<512x128xf32> -> vector<512x128xf32>
    %get3A_13 = arith.constant 0 : index
    %get3A_14 = arith.constant 0 : index
    %get3A_15 = vector.load %arg5[%get3A_13, %get3A_14] : memref<1x128xf32, #tpu.memory_space<vmem>>, vector<1x128xf32>
    %add3A_16 = vector.broadcast %get3A_15 : vector<1x128xf32> to vector<512x128xf32>
    %add3A_17 = arith.addf %dot_general3A_12, %add3A_16 : vector<512x128xf32>
    %max3A = arith.constant 0.000000e+00 : f32
    %max3A_18 = vector.broadcast %max3A : f32 to vector<512x128xf32>
    %max3A_19 = arith.maximumf %add3A_17, %max3A_18 : vector<512x128xf32>
    %get3A_20 = arith.constant 0 : index
    %get3A_21 = arith.constant 0 : index
    %get3A_22 = vector.load %arg6[%get3A_20, %get3A_21] : memref<128x128xf32, #tpu.memory_space<vmem>>, vector<128x128xf32>
    %dot_general3A_23 = arith.constant dense<0.000000e+00> : vector<512x128xf32>
    %dot_general3A_24 = tpu.matmul %max3A_19, %get3A_22, %dot_general3A_23 {dimension_numbers = #tpu.dot_dimension_numbers<[1], [0], [0], [1], [0, 0, 1, 1], [], []>, transpose_lhs_hint = false} : vector<512x128xf32>, vector<128x128xf32>, vector<512x128xf32> -> vector<512x128xf32>
    %get3A_25 = arith.constant 0 : index
    %get3A_26 = arith.constant 0 : index
    %get3A_27 = vector.load %arg7[%get3A_25, %get3A_26] : memref<1x128xf32, #tpu.memory_space<vmem>>, vector<1x128xf32>
    %add3A_28 = vector.broadcast %get3A_27 : vector<1x128xf32> to vector<512x128xf32>
    %add3A_29 = arith.addf %dot_general3A_24, %add3A_28 : vector<512x128xf32>
    %max3A_30 = arith.constant 0.000000e+00 : f32
    %max3A_31 = vector.broadcast %max3A_30 : f32 to vector<512x128xf32>
    %max3A_32 = arith.maximumf %add3A_29, %max3A_31 : vector<512x128xf32>
    %swap3A = arith.constant 0 : index
    %swap3A_33 = arith.constant 0 : index
    %swap3A_34 = vector.load %arg8[%swap3A, %swap3A_33] : memref<512x128xf32, #tpu.memory_space<vmem>>, vector<512x128xf32>
    tpu.vector_store %arg8[%swap3A, %swap3A_33], %max3A_32 {strides = array<i32>} : memref<512x128xf32, #tpu.memory_space<vmem>>, vector<512x128xf32>,
    return
  }
  func.func @transform_0(%arg0: i32) -> (i32, i32) {
    %c0_i32 = arith.constant 0 : i32
    %c0_i32_0 = arith.constant 0 : i32
    return %arg0, %c0_i32 : i32, i32
  }
  func.func @transform_1(%arg0: i32) -> (i32, i32) {
    %c0_i32 = arith.constant 0 : i32
    %c0_i32_0 = arith.constant 0 : i32
    return %arg0, %c0_i32 : i32, i32
  }
  func.func @transform_2(%arg0: i32) -> (i32, i32) {
    %c0_i32 = arith.constant 0 : i32
    %c0_i32_0 = arith.constant 0 : i32
    return %arg0, %c0_i32 : i32, i32
  }
  func.func @transform_3(%arg0: i32) -> (i32, i32) {
    %c0_i32 = arith.constant 0 : i32
    %c0_i32_0 = arith.constant 0 : i32
    %c0_i32_1 = arith.constant 0 : i32
    return %c0_i32, %c0_i32_0 : i32, i32
  }
  func.func @transform_4(%arg0: i32) -> (i32, i32) {
    %c0_i32 = arith.constant 0 : i32
    %c0_i32_0 = arith.constant 0 : i32
    %c0_i32_1 = arith.constant 0 : i32
    return %c0_i32, %c0_i32_0 : i32, i32
  }
  func.func @transform_5(%arg0: i32) -> (i32, i32) {
    %c0_i32 = arith.constant 0 : i32
    %c0_i32_0 = arith.constant 0 : i32
    %c0_i32_1 = arith.constant 0 : i32
    return %c0_i32, %c0_i32_0 : i32, i32
  }
  func.func @transform_6(%arg0: i32) -> (i32, i32) {
    %c0_i32 = arith.constant 0 : i32
    %c0_i32_0 = arith.constant 0 : i32
    %c0_i32_1 = arith.constant 0 : i32
    return %c0_i32, %c0_i32_0 : i32, i32
  }
  func.func @transform_7(%arg0: i32) -> (i32, i32) {
    %c0_i32 = arith.constant 0 : i32
    %c0_i32_0 = arith.constant 0 : i32
    return %arg0, %c0_i32 : i32, i32
  }
}

</mosaic_0001>

<sc_bundles>
// kernel: kernel.6.cloned.1.call-start
scs
__scs_entry_jumppad:
0x0: {  	(pc) =	sbr.rel $0x88, $3  }
0x1: {  	(tag) =	ssettag $0x0;
	lr =	simm.s32 $0x1  }
0x2: {  	[smem:$0x3F97] =	sst lr;
	_ =	strace $0xD0000000  }
0x3: {  	_ = 	snop  }
0x4: {  	_ = 	snop  }
0x5: {  	_ = 	snop  }
0x6: {  	_ = 	snop  }
0x7: {  	_ = 	snop  }
__scs_overlays_trampoline_lowered:
0x8: {  	[smem:$0x3FA6] =	sst s0  }
0x9: {  	[smem:$0x3FA7] =	sst s1  }
0xa: {  	[smem:$0x3FA8] =	sst s2  }
0xb: {  	[smem:$0x3FA9] =	sst s3  }
0xc: {  	[smem:$0x3FAA] =	sst s4  }
0xd: {  	[smem:$0x3FAB] =	sst s5  }
0xe: {  	[smem:$0x3FAC] =	sst s6  }
0xf: {  	[smem:$0x3FAD] =	sst s7  }
0x10: {  	[smem:$0x3FAE] =	sst s8  }
0x11: {  	[smem:$0x3FAF] =	sst s9;
	s0 =	simm.s32 @!p0 $0x0  }
0x12: {  	s1 =	sld [smem:$0x3F95];
	s0 =	simm.s32 @p0 $0x1  }
0x13: {  	[smem:$0x3FB0] =	sst s0;
	s0 =	simm.s32 @!p1 $0x0  }
0x14: {  	s2 =	sld [smem:$0x3F94];
	s0 =	simm.s32 @p1 $0x1  }
0x15: {  	[smem:$0x3FB1] =	sst s0;
	s0 =	simm.s32 @!p2 $0x0  }
0x16: {  	s3 =	sld [smem:$0x3FDB];
	s0 =	simm.s32 @p2 $0x1  }
0x17: {  	s4 =	simm.s32 $0x1BF5;
	[smem:$0x3FB3] =	sst s0  }
0x18: {  	s0 =	sld [smem:$0x3F96];
	_ =	swait.ge [sflag:s4], $0x0  }
0x19: {  	s7 =	sld [smem:$0x3F97]  }
0x1a: {  	s8 =	sadd.s32 $0xFFFFE003, lr  }
0x1b: {  	s9 =	sadd.s32 $0xFFFFFEF7, lr;
	s5 =	simm.s32 $0xFFFFFFFF;
	p2 =	slt.u32 s8, $0xFFFFF086  }
0x1c: {  	p1 =	slt.u32 s9, $0xF7A;
	s5 =	simm.s32 @!p2 $0x0  }
0x1d: {  	s5 =	simm.s32 @p1 $0x1;
	p0 =	seq.s32 s7, s2  }
0x1e: {  	s7 =	smul.u32 @!p0 $0xF7A, s2;
	p2 =	seq.s32 @!p0 s5, $0x0  }
0x1f: {  	s9 =	smul.u32 $0xF7A, s1;
	s8 =	simm.s32 @!p0 $0x1BF5;
	p2 =	por !p2, p0  }
0x20: {  	[sflag:s8] =	ssyncset.s32 @!p0 $0xFFFFF086;
	s6 =	sadd.s32 @!p0 s3, s7;
	s7 =	simm.s32 @!p0 $0x108  }
0x21: {  	s3 =	sadd.s32 s3, s9;
	s6 =	sadd.s32 @!p0 $0x88, s6;
	s7 =	simm.s32 @p2 $0x1082  }
0x22: {  	[simem:s7], [sflag:s8] =	dma.local @!p0 [hbm:s6], $0xF7A  }
0x23: {  	s9 =	sor.u32 $0xD0000000, s2;
	s6 =	simm.s32 $0x108;
	_ =	swait.ge @!p0 [sflag:s8], $0x0  }
0x24: {  	s3 =	sadd.s32 $0x88, s3;
	s6 =	simm.s32 @!p1 $0x1082;
	[sflag:s4] =	ssyncset.s32 $0xFFFFF086  }
0x25: {  	[simem:s6], [sflag:s4] =	dma.local [hbm:s3], $0xF7A  }
0x26: {  	[smem:$0x3F97] =	sst s1;
	(tag) =	ssettag s2;
	_ =	strace s9  }
0x27: {  	s1 =	sld [smem:$0x3FA7]  }
0x28: {  	s2 =	sld [smem:$0x3FA8]  }
0x29: {  	s4 =	sld [smem:$0x3FAA]  }
0x2a: {  	p0 =	seq.s32 s5, $0x0;
	s5 =	sld [smem:$0x3FAB]  }
0x2b: {  	s6 =	sld [smem:$0x3FAC]  }
0x2c: {  	s7 =	sld [smem:$0x3FAD]  }
0x2d: {  	s3 =	simm.s32 $0x108;
	s8 =	sld [smem:$0x3FAE]  }
0x2e: {  	s3 =	simm.s32 @!p0 $0x1082;
	s9 =	sld [smem:$0x3FAF]  }
0x2f: {  	lr =	sadd.s32 s0, s3;
	s0 =	sld [smem:$0x3FA6]  }
0x30: {  	s3 =	sld [smem:$0x3FA9]  }
0x31: {  	[smem:$0x3FB2] =	sst s10  }
0x32: {  	s10 =	sld [smem:$0x3FB0];
	_ =	sdelay $0x3  }
0x33: {  	p0 =	seq.s32 s10, $0x1;
	s10 =	sld [smem:$0x3FB2];
	_ =	sdelay $0x3  }
0x34: {  	[smem:$0x3FB2] =	sst s10  }
0x35: {  	s10 =	sld [smem:$0x3FB1];
	_ =	sdelay $0x3  }
0x36: {  	p1 =	seq.s32 s10, $0x1;
	s10 =	sld [smem:$0x3FB2];
	_ =	sdelay $0x3  }
0x37: {  	[smem:$0x3FB2] =	sst s10  }
0x38: {  	s10 =	sld [smem:$0x3FB3]  }
0x39: {  	_ = 	snop;
	(pc) =	sbr.ind lr, $3  }
0x3a: {  	_ = 	snop  }
0x3b: {  	_ = 	snop  }
0x3c: {  	p2 =	seq.s32 s10, $0x1;
	s10 =	sld [smem:$0x3FB2]  }
0x3d: {  	_ =	shalt  }
0x3e: {  	_ =	shalt  }
0x3f: {  	_ =	shalt  }
0x40: {  	_ =	shalt  }
0x41: {  	_ =	shalt  }
0x42: {  	_ =	shalt  }
0x43: {  	_ =	shalt  }
0x44: {  	_ =	shalt  }
0x45: {  	_ =	shalt  }
0x46: {  	_ =	shalt  }
0x47: {  	_ =	shalt  }
0x48: {  	_ =	shalt  }
0x49: {  	_ =	shalt  }
0x4a: {  	_ =	shalt  }
0x4b: {  	_ =	shalt  }
0x4c: {  	_ =	shalt  }
0x4d: {  	_ =	shalt  }
0x4e: {  	_ =	shalt  }
0x4f: {  	_ =	shalt  }
0x50: {  	_ =	shalt  }
0x51: {  	_ =	shalt  }
0x52: {  	_ =	shalt  }
0x53: {  	_ =	shalt  }
0x54: {  	_ =	shalt  }
0x55: {  	_ =	shalt  }
0x56: {  	_ =	shalt  }
0x57: {  	_ =	shalt  }
0x58: {  	_ =	shalt  }
0x59: {  	_ =	shalt  }
0x5a: {  	_ =	shalt  }
0x5b: {  	_ =	shalt  }
0x5c: {  	_ =	shalt  }
0x5d: {  	_ =	shalt  }
0x5e: {  	_ =	shalt  }
0x5f: {  	_ =	shalt  }
0x60: {  	_ =	shalt  }
0x61: {  	_ =	shalt  }
0x62: {  	_ =	shalt  }
0x63: {  	_ =	shalt  }
0x64: {  	_ =	shalt  }
0x65: {  	_ =	shalt  }
0x66: {  	_ =	shalt  }
0x67: {  	_ =	shalt  }
0x68: {  	_ =	shalt  }
0x69: {  	_ =	shalt  }
0x6a: {  	_ =	shalt  }
0x6b: {  	_ =	shalt  }
0x6c: {  	_ =	shalt  }
0x6d: {  	_ =	shalt  }
0x6e: {  	_ =	shalt  }
0x6f: {  	_ =	shalt  }
0x70: {  	_ =	shalt  }
0x71: {  	_ =	shalt  }
0x72: {  	_ =	shalt  }
0x73: {  	_ =	shalt  }
0x74: {  	_ =	shalt  }
0x75: {  	_ =	shalt  }
0x76: {  	_ =	shalt  }
0x77: {  	_ =	shalt  }
0x78: {  	_ =	shalt  }
0x79: {  	_ =	shalt  }
0x7a: {  	_ =	shalt  }
0x7b: {  	_ =	shalt  }
0x7c: {  	_ =	shalt  }
0x7d: {  	_ =	shalt  }
0x7e: {  	_ =	shalt  }
0x7f: {  	_ =	shalt  }
0x80: {  	_ =	shalt  }
0x81: {  	_ =	shalt  }
0x82: {  	_ =	shalt  }
0x83: {  	_ =	shalt  }
0x84: {  	_ =	shalt  }
0x85: {  	_ =	shalt  }
0x86: {  	_ =	shalt  }
0x87: {  	_ =	shalt  }
.Lfunc_end0:
.L_simem_size_0:
called_computation_lowered:
.L_overlay_start_0:
0x88: {  	s2 =	sld [smem:$0x3FD9]  }
0x89: {  	s3 =	sld [smem:$0x3FFE];
	_ =	sdelay $0x1  }
0x8a: {  	s1 =	srdreg.scid  }
0x8b: {  	s0 =	sand.u32 $0x1, s1  }
0x8c: {  	s17 =	sshll.u32 s0, $0xA;
	s2 =	sadd.s32 s3, s2  }
0x8d: {  	s2 =	sadd.s32 s2, s17  }
0x8e: {  	[smem:$0x3FBE] =	sst s2  }
0x8f: {  	_ = 	snop  }
0x90: {  	s2 =	sld [smem:$0x3FD0];
	(tm) =	ssettm $0x1  }
0x91: {  	s18 =	sld [smem:$0x3FFB];
	_ =	sdelay $0x3  }
0x92: {  	_ =	strace s18  }
0x93: {  	s3 =	sld [smem:$0x3FFC];
	_ =	sdelay $0x3  }
0x94: {  	_ =	strace s3  }
0x95: {  	s3 =	sld [smem:$0x3FFD];
	_ =	sdelay $0x3  }
0x96: {  	_ =	strace s3  }
0x97: {  	_ =	strace $0x8FFFFFFF  }
0x98: {  	s19 =	sld [smem:$0x3FDB];
	_ =	sdelay $0x1  }
0x99: {  	s4 =	simm.s32 $_scs_section_size  }
0x9a: {  	s5 =	simm.s32 $_size__tile_overlayer_lowered;
	s6 =	simm.s32 $_tile_overlayer_lowered  }
0x9b: {  	s22 =	simm.s32 $0x1BFF;
	s21 =	sshll.u32 s6, $0x1;
	s3 =	sadd.s32 s4, s19  }
0x9c: {  	s7 =	simm.s32 $0x0;
	s20 =	sshll.u32 s5, $0x1;
	s5 =	sadd.s32 s21, s3  }
0x9d: {  	[timem:s7], [sflag:s22] =	dma.local [hbm:s5], s20  }
0x9e: {  	_ =	swait.ge [sflag:s22], s20  }
0x9f: {  	s4 =	ssub.s32 $0x0, s20;
	[sflag:s22] =	ssyncset.done $0x0  }
0xa0: {  	[sflag:s22] =	ssyncadd.s32 s4;
	_ =	sdelay $0x1  }
0xa1: {  	s23 =	simm.s32 $0x1B8B  }
0xa2: {  	_ =	swait.ge [sflag:s23], $0x1  }
0xa3: {  	[sflag:s23] =	ssyncset.done $0x0  }
0xa4: {  	s25 =	simm.s32 $0x1B8E;
	s24 =	sld [smem:$0x3FFE];
	[sflag:s23] =	ssyncadd.s32 $0xFFFFFFFF  }
0xa5: {  	s26 =	simm.s32 $execute0_lowered;
	[smem:$0x3FD2] =	sst s25  }
0xa6: {  	s5 =	sshll.u32 s26, $0x1;
	_ =	strace $0x80000046;
	[dreg:$0x1] =	wrdreg $0xFFFFFFFF  }
0xa7: {  	s28 =	simm.s32 $_size_execute0_lowered;
	s3 =	sadd.s32 s3, s5;
	[dreg:$0x0] =	wrdreg $0x0  }
0xa8: {  	s5 =	sshll.u32 s28, $0x1;
	[dreg:$0x2] =	wrdreg s3  }
0xa9: {  	[dreg:$0x3] =	wrdreg s5  }
0xaa: {  	[dreg:$0x4] =	wrdreg $0xC0  }
0xab: {  	_ =	task [dreg:s7], $0x5FFFF  }
0xac: {  	[dreg:$0x1] =	wrdreg $0xFFFFFFFF  }
0xad: {  	[dreg:$0x0] =	wrdreg $0x60  }
0xae: {  	[dreg:$0x2] =	wrdreg s24  }
0xaf: {  	[dreg:$0x3] =	wrdreg s2  }
0xb0: {  	[dreg:$0x4] =	wrdreg $0x90000  }
0xb1: {  	[dreg:$0x5] =	wrdreg $0x9  }
0xb2: {  	_ =	task.clear_ibuf [dreg:s7], $0x6FFFF;
	_ =	strace $0x90000046  }
0xb3: {  	s29 =	simm.s32 $0x9;
	_ =	strace $0x80000048  }
0xb4: {  	_ =	swait.ge [sflag:s29], $0x1  }
0xb5: {  	[sflag:s29] =	ssyncadd.s32 $0xFFFFFFFF  }
0xb6: {  	_ =	strace $0x90000048  }
0xb7: {  	_ =	sfence  }
0xb8: {  	s30 =	sld [smem:$0x0];
	_ =	sdelay $0x2  }
0xb9: {  	s31 =	sshll.u32 s1, $0xD;
	s1 =	sshrl.u32 s1, $0x2  }
0xba: {  	s3 =	sand.u32 $0x4000, s31;
	s1 =	sadd.s32 s1, s30  }
0xbb: {  	s0 =	sor.u32 s3, s0;
	s1 =	sshll.u32 s1, $0x11  }
0xbc: {  	s0 =	sor.u32 s1, s0  }
0xbd: {  	s0 =	sadd.s32 $0x8F2B, s0  }
0xbe: {  	[sflag:s0] =	ssyncadd.remote.s32 $0x1  }
0xbf: {  	_ =	sfence.sel $0xFFFF  }
0xc0: {  	[dreg:$0x0] =	wrdreg $0xFFFFFFFF;
	(pc) =	sbr.abs _section_cstart, $3  }
0xc1: {  	[dreg:$0x1] =	wrdreg $0xFFFFFFFF  }
0xc2: {  	_ =	task.clear_ibuf [dreg:s7], $0x2FFFF;
	_ =	strace $0x9FFFFFFF  }
0xc3: {  	(tm) =	ssettm $0x7FFFFFFF  }
tec
execute0_lowered:
.L_overlay_start_1:
0x0: {  	(tag) =	ssettag $0x1  }
0x1: {  	s0 =	rddreg [dreg:$0x0]  }
0x2: {  	s1 =	rddreg [dreg:$0x1]  }
0x3: {  	s2 =	rddreg [dreg:$0x2]  }
0x4: {  	s3 =	srdreg.scid;
	s9 =	stileid.u32;
	s14 =	simm.s32 $0x1000  }
0x5: {  	s15 =	simm.s32 $0x3;
	s16 =	simm.s32 $0x800;
	s17 =	simm.s32 $0x80  }
0x6: {  	s18 =	simm.s32 $0x5000;
	s28 =	simm.s32 $0x500;
	s29 =	simm.s32 $0xC80  }
0x7: {  	s12 =	simm.s32 $0xE80;
	s13 =	simm.s32 $0x780;
	s4 =	smul.u32 $0x90, s9  }
0x8: {  	s5 =	sand.u32 $0x1, s3;
	s19 =	sshll.u32 s9, $0x4;
	s8 =	smul.u32 $0x14000, s9  }
0x9: {  	s3 =	simm.s32 $0x0;
	s9 =	smul.u32 $0x50000, s9;
	p0 =	seq.s32 s5, $0x0  }
0xa: {  	s6 =	sor.u32 $0x900, s19;
	s7 =	smul.u32 $0x140000, s5;
	[smem:$0x7FF] =	sst s3  }
0xb: {  	s20 =	ssub.s32 $0x2, s5;
	s19 =	simm.s32 $0x1;
	s6 =	smov.u32 @p0 s4  }
0xc: {  	_ =	strace $0x80000047;
	s4 =	sadd.s32 $0xC400, s0;
	s9 =	sshrl.u32 s9, $0x2  }
0xd: {  	s11 =	sshrl.u32 s20, $0x1;
	p0 =	sne.s32 s5, $0x0;
	s5 =	simm.s32 $0xF00  }
0xe: {  	s6 =	sshll.u32 s6, $0x4;
	s7 =	sadd.s32 s8, s7;
	s9 =	sadd.s32 s9, s2  }
0xf: {  	s21 =	ssub.s32 s20, s11;
	s8 =	simm.s32 $0xD80;
	s11 =	simm.s32 $0x700  }
0x10: {  	s20 =	simm.s32 $0xF80;
	s22 =	sadd.s32 $0x4000, s9;
	[dreg:$0x4] =	wrdreg s9  }
0x11: {  	s10 =	sadd.s32 s6, s0;
	s23 =	sadd.s32 $0x8000, s9;
	[dreg:$0x5] =	wrdreg s22  }
0x12: {  	s7 =	sshrl.u32 s7, $0x3;
	s24 =	sadd.s32 $0xC000, s9;
	[dreg:$0x6] =	wrdreg s23  }
0x13: {  	s25 =	sadd.s32 $0x10000, s9;
	s26 =	smax.u32 s21, $0x1;
	[dreg:$0x7] =	wrdreg s24  }
0x14: {  	s30 =	sadd.s32 s6, s1;
	s21 =	simm.s32 $0x2;
	[dreg:$0x8] =	wrdreg s25  }
0x15: {  	s1 =	simm.s32 $0x0;
	s6 =	simm.s32 $0xD00;
	[dreg:$0xa] =	wrdreg s26  }
0x16: {  	s0 =	sadd.s32 s7, s0;
	[dreg:$0xb] =	wrdreg s30;
	s31 =	sadd.s32 $0x2400, s10  }
0x17: {  	s23 =	simm.s32 $0x400;
	s24 =	simm.s32 $0xB80;
	s25 =	simm.s32 $0x480  }
0x18: {  	s26 =	simm.s32 $0xC00;
	s0 =	sadd.s32 $0x34400, s0;
	[dreg:$0xc] =	wrdreg s31  }
0x19: {  	v0 =	vimm.f32 $0.0e+00;
	s7 =	simm.s32 $0x600;
	s10 =	simm.s32 $0xE00;
	[dreg:$0x9] =	wrdreg s0  }
.LBB2_1:
0x1a: {  	[dreg:$0xd] =	wrdreg s1;
	s0 =	simm.s32 $0x10;
	s30 =	sand.u32 $0x3FF0, s3  }
.LBB2_2:
0x1b: {  	p1 =	sne.s32 s0, $0x3FF0;
	[tilespmem:s30+$0x1000] =	vst v0;
	s30 =	smov.u32 s0;
	s0 =	sadd.s32 $0x10, s0  }
.Ltmp0:
0x1c: {  	(pc) =	sbr.rel @p1 .LBB2_2-.Ltmp0, $2  }
0x1d: {  	_ =	sdelay $0x2  }
0x1e: {  	s30 =	sand.u32 $0x3FF0, s30  }
0x1f: {  	[tilespmem:s30+$0x1000] =	vst v0  }
0x20: {  	[spmem:s9] =	stream.linear.scatter [tilespmem:s14], [sflag:$0x3], $0x4000, $0x38;
	[tilespmem:$0x1D000] =	vst v63  }
0x21: {  	_ =	swait.ge [sflag:s15], $0x4000  }
0x22: {  	[sflag:s15] =	ssyncset.done $0x0  }
0x23: {  	s0 =	rddreg [dreg:$0x5];
	[sflag:s15] =	ssyncadd.s32 $0xFFFFC000  }
0x24: {  	[spmem:s0] =	stream.linear.scatter [tilespmem:s14], [sflag:$0x3], $0x4000, $0x38;
	[tilespmem:$0x1D000] =	vst v63  }
0x25: {  	_ =	swait.ge [sflag:s15], $0x4000  }
0x26: {  	[sflag:s15] =	ssyncset.done $0x0  }
0x27: {  	s1 =	rddreg [dreg:$0x6];
	[sflag:s15] =	ssyncadd.s32 $0xFFFFC000  }
0x28: {  	[spmem:s1] =	stream.linear.scatter [tilespmem:s14], [sflag:$0x3], $0x4000, $0x38;
	[tilespmem:$0x1D000] =	vst v63  }
0x29: {  	_ =	swait.ge [sflag:s15], $0x4000  }
0x2a: {  	[sflag:s15] =	ssyncset.done $0x0  }
0x2b: {  	s9 =	rddreg [dreg:$0x7];
	[sflag:s15] =	ssyncadd.s32 $0xFFFFC000  }
0x2c: {  	[spmem:s9] =	stream.linear.scatter [tilespmem:s14], [sflag:$0x3], $0x4000, $0x38;
	[tilespmem:$0x1D000] =	vst v63  }
0x2d: {  	_ =	swait.ge [sflag:s15], $0x4000  }
0x2e: {  	[sflag:s15] =	ssyncset.done $0x0  }
0x2f: {  	s22 =	rddreg [dreg:$0x8];
	[sflag:s15] =	ssyncadd.s32 $0xFFFFC000  }
0x30: {  	[spmem:s22] =	stream.linear.scatter [tilespmem:s14], [sflag:$0x3], $0x4000, $0x38;
	[tilespmem:$0x1D000] =	vst v63  }
0x31: {  	_ =	swait.ge [sflag:s15], $0x4000  }
0x32: {  	[sflag:s15] =	ssyncset.done $0x0  }
0x33: {  	[sflag:s15] =	ssyncadd.s32 $0xFFFFC000  }
0x34: {  	[bflag:$0x0] =	sbarrier.arrive $0xFFFF  }
0x35: {  	s0 =	simm.s32 $0x0;
	s30 =	rddreg [dreg:$0xc]  }
0x36: {  	s1 =	simm.s32 $0x580;
	s9 =	simm.s32 $0x680;
	s31 =	rddreg [dreg:$0xb]  }
.LBB2_4:
0x37: {  	[tilespmem:s3], [sflag:$0x3] =	stream.linear.gather [hbm4b:s30+s3], $0x800, $0x38;
	[tilespmem:$0x1D000] =	vst v63  }
0x38: {  	_ =	swait.ge [sflag:s15], $0x800  }
0x39: {  	[sflag:s15] =	ssyncset.done $0x0  }
0x3a: {  	[sflag:s15] =	ssyncadd.s32 $0xFFFFF800  }
0x3b: {  	[tilespmem:s16], [sflag:$0x3] =	stream.linear.gather [hbm4b:s31+s3], $0x800, $0x38;
	[tilespmem:$0x1D000] =	vst v63  }
0x3c: {  	_ =	swait.ge [sflag:s15], $0x800  }
0x3d: {  	[sflag:s15] =	ssyncset.done $0x0  }
0x3e: {  	[sflag:s15] =	ssyncadd.s32 $0xFFFFF800  }
0x3f: {  	[tilespmem:s14], [sflag:$0x1] =	stream.indirect.gather [hbm4b:s4+s17], $0x80, s3, s17, $0xb8;
	[tilespmem:$0x1D000] =	vst v63  }
0x40: {  	_ = 	snop  }
0x41: {  	[tilespmem:s18], [sflag:$0x2] =	stream.indirect.gather [hbm4b:s4+s17], $0x80, s17, s17, $0xb8;
	[tilespmem:$0x1D000] =	vst v63  }
0x42: {  	_ =	swait.ge [sflag:s19], $0x4000  }
0x43: {  	[sflag:s19] =	ssyncset.done $0x0  }
0x44: {  	[sflag:s19] =	ssyncadd.s32 $0xFFFFC000  }
0x45: {  	[spmem:s2] =	stream.indirect.scatter.add.f32 [tilespmem:s14], [sflag:$0x3], $0x80, s16, s17, $0xb8;
	[tilespmem:$0x1D000] =	vst v63  }
0x46: {  	_ =	swait.ge [sflag:s15], $0x4000  }
0x47: {  	[sflag:s15] =	ssyncset.done $0x0  }
0x48: {  	s22 =	simm.s32 $0x100;
	[sflag:s15] =	ssyncadd.s32 $0xFFFFC000  }
0x49: {  	[tilespmem:s14], [sflag:$0x1] =	stream.indirect.gather [hbm4b:s4+s17], $0x80, s22, s17, $0xb8;
	[tilespmem:$0x1D000] =	vst v63  }
0x4a: {  	_ =	swait.ge [sflag:s21], $0x4000  }
0x4b: {  	[sflag:s21] =	ssyncset.done $0x0  }
0x4c: {  	s22 =	simm.s32 $0x880;
	[sflag:s21] =	ssyncadd.s32 $0xFFFFC000  }
0x4d: {  	[spmem:s2] =	stream.indirect.scatter.add.f32 [tilespmem:s18], [sflag:$0x3], $0x80, s22, s17, $0xb8;
	[tilespmem:$0x1D000] =	vst v63  }
0x4e: {  	_ =	swait.ge [sflag:s15], $0x4000  }
0x4f: {  	[sflag:s15] =	ssyncset.done $0x0  }
0x50: {  	s22 =	simm.s32 $0x180;
	[sflag:s15] =	ssyncadd.s32 $0xFFFFC000  }
0x51: {  	[tilespmem:s18], [sflag:$0x2] =	stream.indirect.gather [hbm4b:s4+s17], $0x80, s22, s17, $0xb8;
	[tilespmem:$0x1D000] =	vst v63  }
0x52: {  	_ =	swait.ge [sflag:s19], $0x4000  }
0x53: {  	[sflag:s19] =	ssyncset.done $0x0  }
0x54: {  	s22 =	simm.s32 $0x900;
	[sflag:s19] =	ssyncadd.s32 $0xFFFFC000  }
0x55: {  	[spmem:s2] =	stream.indirect.scatter.add.f32 [tilespmem:s14], [sflag:$0x3], $0x80, s22, s17, $0xb8;
	[tilespmem:$0x1D000] =	vst v63  }
0x56: {  	_ =	swait.ge [sflag:s15], $0x4000  }
0x57: {  	[sflag:s15] =	ssyncset.done $0x0  }
0x58: {  	s22 =	simm.s32 $0x200;
	[sflag:s15] =	ssyncadd.s32 $0xFFFFC000  }
0x59: {  	[tilespmem:s14], [sflag:$0x1] =	stream.indirect.gather [hbm4b:s4+s17], $0x80, s22, s17, $0xb8;
	[tilespmem:$0x1D000] =	vst v63  }
0x5a: {  	_ =	swait.ge [sflag:s21], $0x4000  }
0x5b: {  	[sflag:s21] =	ssyncset.done $0x0  }
0x5c: {  	s22 =	simm.s32 $0x980;
	[sflag:s21] =	ssyncadd.s32 $0xFFFFC000  }
0x5d: {  	[spmem:s2] =	stream.indirect.scatter.add.f32 [tilespmem:s18], [sflag:$0x3], $0x80, s22, s17, $0xb8;
	[tilespmem:$0x1D000] =	vst v63  }
0x5e: {  	_ =	swait.ge [sflag:s15], $0x4000  }
0x5f: {  	[sflag:s15] =	ssyncset.done $0x0  }
0x60: {  	s22 =	simm.s32 $0x280;
	[sflag:s15] =	ssyncadd.s32 $0xFFFFC000  }
0x61: {  	[tilespmem:s18], [sflag:$0x2] =	stream.indirect.gather [hbm4b:s4+s17], $0x80, s22, s17, $0xb8;
	[tilespmem:$0x1D000] =	vst v63  }
0x62: {  	_ =	swait.ge [sflag:s19], $0x4000  }
0x63: {  	[sflag:s19] =	ssyncset.done $0x0  }
0x64: {  	s22 =	simm.s32 $0xA00;
	[sflag:s19] =	ssyncadd.s32 $0xFFFFC000  }
0x65: {  	[spmem:s2] =	stream.indirect.scatter.add.f32 [tilespmem:s14], [sflag:$0x3], $0x80, s22, s17, $0xb8;
	[tilespmem:$0x1D000] =	vst v63  }
0x66: {  	_ =	swait.ge [sflag:s15], $0x4000  }
0x67: {  	[sflag:s15] =	ssyncset.done $0x0  }
0x68: {  	s22 =	simm.s32 $0x300;
	[sflag:s15] =	ssyncadd.s32 $0xFFFFC000  }
0x69: {  	[tilespmem:s14], [sflag:$0x1] =	stream.indirect.gather [hbm4b:s4+s17], $0x80, s22, s17, $0xb8;
	[tilespmem:$0x1D000] =	vst v63  }
0x6a: {  	_ =	swait.ge [sflag:s21], $0x4000  }
0x6b: {  	[sflag:s21] =	ssyncset.done $0x0  }
0x6c: {  	s22 =	simm.s32 $0xA80;
	[sflag:s21] =	ssyncadd.s32 $0xFFFFC000  }
0x6d: {  	[spmem:s2] =	stream.indirect.scatter.add.f32 [tilespmem:s18], [sflag:$0x3], $0x80, s22, s17, $0xb8;
	[tilespmem:$0x1D000] =	vst v63  }
0x6e: {  	_ =	swait.ge [sflag:s15], $0x4000  }
0x6f: {  	[sflag:s15] =	ssyncset.done $0x0  }
0x70: {  	s22 =	simm.s32 $0x380;
	[sflag:s15] =	ssyncadd.s32 $0xFFFFC000  }
0x71: {  	[tilespmem:s18], [sflag:$0x2] =	stream.indirect.gather [hbm4b:s4+s17], $0x80, s22, s17, $0xb8;
	[tilespmem:$0x1D000] =	vst v63  }
0x72: {  	_ =	swait.ge [sflag:s19], $0x4000  }
0x73: {  	[sflag:s19] =	ssyncset.done $0x0  }
0x74: {  	s22 =	simm.s32 $0xB00;
	[sflag:s19] =	ssyncadd.s32 $0xFFFFC000  }
0x75: {  	[spmem:s2] =	stream.indirect.scatter.add.f32 [tilespmem:s14], [sflag:$0x3], $0x80, s22, s17, $0xb8;
	[tilespmem:$0x1D000] =	vst v63  }
0x76: {  	_ =	swait.ge [sflag:s15], $0x4000  }
0x77: {  	[sflag:s15] =	ssyncset.done $0x0  }
0x78: {  	[sflag:s15] =	ssyncadd.s32 $0xFFFFC000  }
0x79: {  	[tilespmem:s14], [sflag:$0x1] =	stream.indirect.gather [hbm4b:s4+s17], $0x80, s23, s17, $0xb8;
	[tilespmem:$0x1D000] =	vst v63  }
0x7a: {  	_ =	swait.ge [sflag:s21], $0x4000  }
0x7b: {  	[sflag:s21] =	ssyncset.done $0x0  }
0x7c: {  	[sflag:s21] =	ssyncadd.s32 $0xFFFFC000  }
0x7d: {  	[spmem:s2] =	stream.indirect.scatter.add.f32 [tilespmem:s18], [sflag:$0x3], $0x80, s24, s17, $0xb8;
	[tilespmem:$0x1D000] =	vst v63  }
0x7e: {  	_ =	swait.ge [sflag:s15], $0x4000  }
0x7f: {  	[sflag:s15] =	ssyncset.done $0x0  }
0x80: {  	[sflag:s15] =	ssyncadd.s32 $0xFFFFC000  }
0x81: {  	[tilespmem:s18], [sflag:$0x2] =	stream.indirect.gather [hbm4b:s4+s17], $0x80, s25, s17, $0xb8;
	[tilespmem:$0x1D000] =	vst v63  }
0x82: {  	_ =	swait.ge [sflag:s19], $0x4000  }
0x83: {  	[sflag:s19] =	ssyncset.done $0x0  }
0x84: {  	[sflag:s19] =	ssyncadd.s32 $0xFFFFC000  }
0x85: {  	[spmem:s2] =	stream.indirect.scatter.add.f32 [tilespmem:s14], [sflag:$0x3], $0x80, s26, s17, $0xb8;
	[tilespmem:$0x1D000] =	vst v63  }
0x86: {  	_ =	swait.ge [sflag:s15], $0x4000  }
0x87: {  	[sflag:s15] =	ssyncset.done $0x0  }
0x88: {  	[sflag:s15] =	ssyncadd.s32 $0xFFFFC000  }
0x89: {  	[tilespmem:s14], [sflag:$0x1] =	stream.indirect.gather [hbm4b:s4+s17], $0x80, s28, s17, $0xb8;
	[tilespmem:$0x1D000] =	vst v63  }
0x8a: {  	_ =	swait.ge [sflag:s21], $0x4000  }
0x8b: {  	[sflag:s21] =	ssyncset.done $0x0  }
0x8c: {  	[sflag:s21] =	ssyncadd.s32 $0xFFFFC000  }
0x8d: {  	[spmem:s2] =	stream.indirect.scatter.add.f32 [tilespmem:s18], [sflag:$0x3], $0x80, s29, s17, $0xb8;
	[tilespmem:$0x1D000] =	vst v63  }
0x8e: {  	_ =	swait.ge [sflag:s15], $0x4000  }
0x8f: {  	[sflag:s15] =	ssyncset.done $0x0  }
0x90: {  	[sflag:s15] =	ssyncadd.s32 $0xFFFFC000  }
0x91: {  	[tilespmem:s18], [sflag:$0x2] =	stream.indirect.gather [hbm4b:s4+s17], $0x80, s1, s17, $0xb8;
	[tilespmem:$0x1D000] =	vst v63  }
0x92: {  	_ =	swait.ge [sflag:s19], $0x4000  }
0x93: {  	[sflag:s19] =	ssyncset.done $0x0  }
0x94: {  	[sflag:s19] =	ssyncadd.s32 $0xFFFFC000  }
0x95: {  	[spmem:s2] =	stream.indirect.scatter.add.f32 [tilespmem:s14], [sflag:$0x3], $0x80, s6, s17, $0xb8;
	[tilespmem:$0x1D000] =	vst v63  }
0x96: {  	_ =	swait.ge [sflag:s15], $0x4000  }
0x97: {  	[sflag:s15] =	ssyncset.done $0x0  }
0x98: {  	[sflag:s15] =	ssyncadd.s32 $0xFFFFC000  }
0x99: {  	[tilespmem:s14], [sflag:$0x1] =	stream.indirect.gather [hbm4b:s4+s17], $0x80, s7, s17, $0xb8;
	[tilespmem:$0x1D000] =	vst v63  }
0x9a: {  	_ =	swait.ge [sflag:s21], $0x4000  }
0x9b: {  	[sflag:s21] =	ssyncset.done $0x0  }
0x9c: {  	[sflag:s21] =	ssyncadd.s32 $0xFFFFC000  }
0x9d: {  	[spmem:s2] =	stream.indirect.scatter.add.f32 [tilespmem:s18], [sflag:$0x3], $0x80, s8, s17, $0xb8;
	[tilespmem:$0x1D000] =	vst v63  }
0x9e: {  	_ =	swait.ge [sflag:s15], $0x4000  }
0x9f: {  	[sflag:s15] =	ssyncset.done $0x0  }
0xa0: {  	[sflag:s15] =	ssyncadd.s32 $0xFFFFC000  }
0xa1: {  	[tilespmem:s18], [sflag:$0x2] =	stream.indirect.gather [hbm4b:s4+s17], $0x80, s9, s17, $0xb8;
	[tilespmem:$0x1D000] =	vst v63  }
0xa2: {  	_ =	swait.ge [sflag:s19], $0x4000  }
0xa3: {  	[sflag:s19] =	ssyncset.done $0x0  }
0xa4: {  	[sflag:s19] =	ssyncadd.s32 $0xFFFFC000  }
0xa5: {  	[spmem:s2] =	stream.indirect.scatter.add.f32 [tilespmem:s14], [sflag:$0x3], $0x80, s10, s17, $0xb8;
	[tilespmem:$0x1D000] =	vst v63  }
0xa6: {  	_ =	swait.ge [sflag:s15], $0x4000  }
0xa7: {  	[sflag:s15] =	ssyncset.done $0x0  }
0xa8: {  	[sflag:s15] =	ssyncadd.s32 $0xFFFFC000  }
0xa9: {  	[tilespmem:s14], [sflag:$0x1] =	stream.indirect.gather [hbm4b:s4+s17], $0x80, s11, s17, $0xb8;
	[tilespmem:$0x1D000] =	vst v63  }
0xaa: {  	_ =	swait.ge [sflag:s21], $0x4000  }
0xab: {  	[sflag:s21] =	ssyncset.done $0x0  }
0xac: {  	[sflag:s21] =	ssyncadd.s32 $0xFFFFC000  }
0xad: {  	[spmem:s2] =	stream.indirect.scatter.add.f32 [tilespmem:s18], [sflag:$0x3], $0x80, s12, s17, $0xb8;
	[tilespmem:$0x1D000] =	vst v63  }
0xae: {  	_ =	swait.ge [sflag:s15], $0x4000  }
0xaf: {  	[sflag:s15] =	ssyncset.done $0x0  }
0xb0: {  	[sflag:s15] =	ssyncadd.s32 $0xFFFFC000  }
0xb1: {  	[tilespmem:s18], [sflag:$0x2] =	stream.indirect.gather [hbm4b:s4+s17], $0x80, s13, s17, $0xb8;
	[tilespmem:$0x1D000] =	vst v63  }
0xb2: {  	_ =	swait.ge [sflag:s19], $0x4000  }
0xb3: {  	[sflag:s19] =	ssyncset.done $0x0  }
0xb4: {  	[sflag:s19] =	ssyncadd.s32 $0xFFFFC000  }
0xb5: {  	[spmem:s2] =	stream.indirect.scatter.add.f32 [tilespmem:s14], [sflag:$0x3], $0x80, s5, s17, $0xb8;
	[tilespmem:$0x1D000] =	vst v63  }
0xb6: {  	_ =	swait.ge [sflag:s15], $0x4000  }
0xb7: {  	[sflag:s15] =	ssyncset.done $0x0  }
0xb8: {  	[sflag:s15] =	ssyncadd.s32 $0xFFFFC000  }
0xb9: {  	p1 =	slt.u32 @!p0 s0, $0x8;
	_ =	swait.ge [sflag:s21], $0x4000  }
0xba: {  	p1 =	por p0, !p1;
	[sflag:s21] =	ssyncset.done $0x0  }
.Ltmp1:
0xbb: {  	[sflag:s21] =	ssyncadd.s32 $0xFFFFC000;
	(pc) =	sbr.rel @!p1 .LBB2_4-.Ltmp1, $4  }
0xbc: {  	[spmem:s2] =	stream.indirect.scatter.add.f32 [tilespmem:s18], [sflag:$0x3], $0x80, s20, s17, $0xb8;
	[tilespmem:$0x1D000] =	vst v63  }
0xbd: {  	_ =	swait.ge [sflag:s15], $0x4000  }
0xbe: {  	s0 =	sadd.s32 $0x1, s0;
	[sflag:s15] =	ssyncset.done $0x0  }
0xbf: {  	s30 =	sadd.s32 $0x100, s30;
	s31 =	sadd.s32 $0x100, s31;
	[sflag:s15] =	ssyncadd.s32 $0xFFFFC000  }
0xc0: {  	s0 =	stileid.u32;
	[bflag:$0x0] =	sbarrier.arrive $0xFFFF  }
0xc1: {  	s0 =	sshll.u32 s0, $0x6;
	s9 =	rddreg [dreg:$0x4]  }
0xc2: {  	s31 =	rddreg [dreg:$0x9];
	s0 =	sor.u32 $0x1C03, s0;
	s30 =	sshrl.u32 s9, $0x3  }
0xc3: {  	[hbm:s31], [sflag:s0] =	dma.local [spmem:s30], $0x2800  }
0xc4: {  	_ =	swait.ge [sflag:s15], $0x2800  }
0xc5: {  	s1 =	rddreg [dreg:$0xd]  }
0xc6: {  	s31 =	rddreg [dreg:$0xa];
	s1 =	sadd.s32 $0x1, s1  }
0xc7: {  	p1 =	sne.s32 s1, s31  }
.Ltmp2:
0xc8: {  	_ = 	snop;
	(pc) =	sbr.rel @p1 .LBB2_1-.Ltmp2, $3  }
0xc9: {  	_ =	sdelay $0x1  }
0xca: {  	[sflag:s15] =	ssyncset.done $0x0  }
0xcb: {  	[sflag:s15] =	ssyncadd.s32 $0xFFFFD800  }
0xcc: {  	_ =	sfence.sel $0x180000  }
0xcd: {  	[bflag:$0x0] =	sbarrier.arrive $0xFFFF  }
0xce: {  	_ =	strace $0x90000047  }
0xcf: {  	s0 =	stileid.u32;
	[bflag:$0x2] =	sbarrier.arrive $0xFFFF  }
0xd0: {  	p0 =	sne.s32 s0, $0x0;
	s0 =	rddreg [dreg:$0x3]  }
0xd1: {  	s0 =	sadd.s32 @!p0 $0x100000, s0  }
0xd2: {  	[sflag:s0] =	ssyncadd.tile.s32 @!p0 $0x1;
	_ =	shalt  }
.Lfunc_end2:
_tile_overlayer_lowered:
.L_overlay_start_2:
0xd3: {  	(tag) =	ssettag $0x2  }
0xd4: {  	s0 =	rddreg [dreg:$0x0];
	s2 =	stileid.u32  }
0xd5: {  	s1 =	rddreg [dreg:$0x1];
	p0 =	sne.s32 s2, $0x0  }
0xd6: {  	s3 =	rddreg [dreg:$0x2];
	[bflag:$0x3] =	sbarrier.arrive $0xFFFF;
	s2 =	simm.s32 @!p0 $0x1C03  }
0xd7: {  	[timem:s3], [sflag:s2] =	dma.local @!p0 [hbm:s0], s1  }
0xd8: {  	s0 =	simm.s32 @!p0 $0x3  }
0xd9: {  	_ =	swait.ge @!p0 [sflag:s0], s1  }
0xda: {  	s1 =	ssub.s32 @!p0 $0x0, s1;
	[sflag:s0] =	ssyncset.done @!p0 $0x0  }
0xdb: {  	[sflag:s0] =	ssyncadd.s32 @!p0 s1  }
0xdc: {  	[bflag:$0x3] =	sbarrier.arrive $0xFFFF  }
0xdd: {  	_ =	shalt  }

// kernel: kernel.9.cloned.1.call-start
scs
__scs_entry_jumppad:
0x0: {  	(pc) =	sbr.rel $0x88, $3  }
0x1: {  	(tag) =	ssettag $0x0;
	lr =	simm.s32 $0x1  }
0x2: {  	[smem:$0x3F97] =	sst lr;
	_ =	strace $0xD0000000  }
0x3: {  	_ = 	snop  }
0x4: {  	_ = 	snop  }
0x5: {  	_ = 	snop  }
0x6: {  	_ = 	snop  }
0x7: {  	_ = 	snop  }
__scs_overlays_trampoline_lowered:
0x8: {  	[smem:$0x3FA6] =	sst s0  }
0x9: {  	[smem:$0x3FA7] =	sst s1  }
0xa: {  	[smem:$0x3FA8] =	sst s2  }
0xb: {  	[smem:$0x3FA9] =	sst s3  }
0xc: {  	[smem:$0x3FAA] =	sst s4  }
0xd: {  	[smem:$0x3FAB] =	sst s5  }
0xe: {  	[smem:$0x3FAC] =	sst s6  }
0xf: {  	[smem:$0x3FAD] =	sst s7  }
0x10: {  	[smem:$0x3FAE] =	sst s8  }
0x11: {  	[smem:$0x3FAF] =	sst s9;
	s0 =	simm.s32 @!p0 $0x0  }
0x12: {  	s1 =	sld [smem:$0x3F95];
	s0 =	simm.s32 @p0 $0x1  }
0x13: {  	[smem:$0x3FB0] =	sst s0;
	s0 =	simm.s32 @!p1 $0x0  }
0x14: {  	s2 =	sld [smem:$0x3F94];
	s0 =	simm.s32 @p1 $0x1  }
0x15: {  	[smem:$0x3FB1] =	sst s0;
	s0 =	simm.s32 @!p2 $0x0  }
0x16: {  	s3 =	sld [smem:$0x3FDB];
	s0 =	simm.s32 @p2 $0x1  }
0x17: {  	s4 =	simm.s32 $0x1BF5;
	[smem:$0x3FB3] =	sst s0  }
0x18: {  	s0 =	sld [smem:$0x3F96];
	_ =	swait.ge [sflag:s4], $0x0  }
0x19: {  	s7 =	sld [smem:$0x3F97]  }
0x1a: {  	s8 =	sadd.s32 $0xFFFFE003, lr  }
0x1b: {  	s9 =	sadd.s32 $0xFFFFFEF7, lr;
	s5 =	simm.s32 $0xFFFFFFFF;
	p2 =	slt.u32 s8, $0xFFFFF086  }
0x1c: {  	p1 =	slt.u32 s9, $0xF7A;
	s5 =	simm.s32 @!p2 $0x0  }
0x1d: {  	s5 =	simm.s32 @p1 $0x1;
	p0 =	seq.s32 s7, s2  }
0x1e: {  	s7 =	smul.u32 @!p0 $0xF7A, s2;
	p2 =	seq.s32 @!p0 s5, $0x0  }
0x1f: {  	s9 =	smul.u32 $0xF7A, s1;
	s8 =	simm.s32 @!p0 $0x1BF5;
	p2 =	por !p2, p0  }
0x20: {  	[sflag:s8] =	ssyncset.s32 @!p0 $0xFFFFF086;
	s6 =	sadd.s32 @!p0 s3, s7;
	s7 =	simm.s32 @!p0 $0x108  }
0x21: {  	s3 =	sadd.s32 s3, s9;
	s6 =	sadd.s32 @!p0 $0x88, s6;
	s7 =	simm.s32 @p2 $0x1082  }
0x22: {  	[simem:s7], [sflag:s8] =	dma.local @!p0 [hbm:s6], $0xF7A  }
0x23: {  	s9 =	sor.u32 $0xD0000000, s2;
	s6 =	simm.s32 $0x108;
	_ =	swait.ge @!p0 [sflag:s8], $0x0  }
0x24: {  	s3 =	sadd.s32 $0x88, s3;
	s6 =	simm.s32 @!p1 $0x1082;
	[sflag:s4] =	ssyncset.s32 $0xFFFFF086  }
0x25: {  	[simem:s6], [sflag:s4] =	dma.local [hbm:s3], $0xF7A  }
0x26: {  	[smem:$0x3F97] =	sst s1;
	(tag) =	ssettag s2;
	_ =	strace s9  }
0x27: {  	s1 =	sld [smem:$0x3FA7]  }
0x28: {  	s2 =	sld [smem:$0x3FA8]  }
0x29: {  	s4 =	sld [smem:$0x3FAA]  }
0x2a: {  	p0 =	seq.s32 s5, $0x0;
	s5 =	sld [smem:$0x3FAB]  }
0x2b: {  	s6 =	sld [smem:$0x3FAC]  }
0x2c: {  	s7 =	sld [smem:$0x3FAD]  }
0x2d: {  	s3 =	simm.s32 $0x108;
	s8 =	sld [smem:$0x3FAE]  }
0x2e: {  	s3 =	simm.s32 @!p0 $0x1082;
	s9 =	sld [smem:$0x3FAF]  }
0x2f: {  	lr =	sadd.s32 s0, s3;
	s0 =	sld [smem:$0x3FA6]  }
0x30: {  	s3 =	sld [smem:$0x3FA9]  }
0x31: {  	[smem:$0x3FB2] =	sst s10  }
0x32: {  	s10 =	sld [smem:$0x3FB0];
	_ =	sdelay $0x3  }
0x33: {  	p0 =	seq.s32 s10, $0x1;
	s10 =	sld [smem:$0x3FB2];
	_ =	sdelay $0x3  }
0x34: {  	[smem:$0x3FB2] =	sst s10  }
0x35: {  	s10 =	sld [smem:$0x3FB1];
	_ =	sdelay $0x3  }
0x36: {  	p1 =	seq.s32 s10, $0x1;
	s10 =	sld [smem:$0x3FB2];
	_ =	sdelay $0x3  }
0x37: {  	[smem:$0x3FB2] =	sst s10  }
0x38: {  	s10 =	sld [smem:$0x3FB3]  }
0x39: {  	_ = 	snop;
	(pc) =	sbr.ind lr, $3  }
0x3a: {  	_ = 	snop  }
0x3b: {  	_ = 	snop  }
0x3c: {  	p2 =	seq.s32 s10, $0x1;
	s10 =	sld [smem:$0x3FB2]  }
0x3d: {  	_ =	shalt  }
0x3e: {  	_ =	shalt  }
0x3f: {  	_ =	shalt  }
0x40: {  	_ =	shalt  }
0x41: {  	_ =	shalt  }
0x42: {  	_ =	shalt  }
0x43: {  	_ =	shalt  }
0x44: {  	_ =	shalt  }
0x45: {  	_ =	shalt  }
0x46: {  	_ =	shalt  }
0x47: {  	_ =	shalt  }
0x48: {  	_ =	shalt  }
0x49: {  	_ =	shalt  }
0x4a: {  	_ =	shalt  }
0x4b: {  	_ =	shalt  }
0x4c: {  	_ =	shalt  }
0x4d: {  	_ =	shalt  }
0x4e: {  	_ =	shalt  }
0x4f: {  	_ =	shalt  }
0x50: {  	_ =	shalt  }
0x51: {  	_ =	shalt  }
0x52: {  	_ =	shalt  }
0x53: {  	_ =	shalt  }
0x54: {  	_ =	shalt  }
0x55: {  	_ =	shalt  }
0x56: {  	_ =	shalt  }
0x57: {  	_ =	shalt  }
0x58: {  	_ =	shalt  }
0x59: {  	_ =	shalt  }
0x5a: {  	_ =	shalt  }
0x5b: {  	_ =	shalt  }
0x5c: {  	_ =	shalt  }
0x5d: {  	_ =	shalt  }
0x5e: {  	_ =	shalt  }
0x5f: {  	_ =	shalt  }
0x60: {  	_ =	shalt  }
0x61: {  	_ =	shalt  }
0x62: {  	_ =	shalt  }
0x63: {  	_ =	shalt  }
0x64: {  	_ =	shalt  }
0x65: {  	_ =	shalt  }
0x66: {  	_ =	shalt  }
0x67: {  	_ =	shalt  }
0x68: {  	_ =	shalt  }
0x69: {  	_ =	shalt  }
0x6a: {  	_ =	shalt  }
0x6b: {  	_ =	shalt  }
0x6c: {  	_ =	shalt  }
0x6d: {  	_ =	shalt  }
0x6e: {  	_ =	shalt  }
0x6f: {  	_ =	shalt  }
0x70: {  	_ =	shalt  }
0x71: {  	_ =	shalt  }
0x72: {  	_ =	shalt  }
0x73: {  	_ =	shalt  }
0x74: {  	_ =	shalt  }
0x75: {  	_ =	shalt  }
0x76: {  	_ =	shalt  }
0x77: {  	_ =	shalt  }
0x78: {  	_ =	shalt  }
0x79: {  	_ =	shalt  }
0x7a: {  	_ =	shalt  }
0x7b: {  	_ =	shalt  }
0x7c: {  	_ =	shalt  }
0x7d: {  	_ =	shalt  }
0x7e: {  	_ =	shalt  }
0x7f: {  	_ =	shalt  }
0x80: {  	_ =	shalt  }
0x81: {  	_ =	shalt  }
0x82: {  	_ =	shalt  }
0x83: {  	_ =	shalt  }
0x84: {  	_ =	shalt  }
0x85: {  	_ =	shalt  }
0x86: {  	_ =	shalt  }
0x87: {  	_ =	shalt  }
.Lfunc_end0:
.L_simem_size_0:
called_computation.1_lowered:
.L_overlay_start_0:
0x88: {  	s2 =	sld [smem:$0x3FD9]  }
0x89: {  	s3 =	sld [smem:$0x3FFE];
	_ =	sdelay $0x1  }
0x8a: {  	s1 =	srdreg.scid  }
0x8b: {  	s0 =	sand.u32 $0x1, s1  }
0x8c: {  	s17 =	sshll.u32 s0, $0xA;
	s2 =	sadd.s32 s3, s2  }
0x8d: {  	s2 =	sadd.s32 s2, s17  }
0x8e: {  	[smem:$0x3FBE] =	sst s2  }
0x8f: {  	_ = 	snop  }
0x90: {  	s2 =	sld [smem:$0x3FD0];
	(tm) =	ssettm $0x1  }
0x91: {  	s18 =	sld [smem:$0x3FFB];
	_ =	sdelay $0x3  }
0x92: {  	_ =	strace s18  }
0x93: {  	s3 =	sld [smem:$0x3FFC];
	_ =	sdelay $0x3  }
0x94: {  	_ =	strace s3  }
0x95: {  	s3 =	sld [smem:$0x3FFD];
	_ =	sdelay $0x3  }
0x96: {  	_ =	strace s3  }
0x97: {  	_ =	strace $0x8FFFFFFF  }
0x98: {  	s19 =	sld [smem:$0x3FDB];
	_ =	sdelay $0x1  }
0x99: {  	s4 =	simm.s32 $_scs_section_size  }
0x9a: {  	s5 =	simm.s32 $_size__tile_overlayer_lowered;
	s6 =	simm.s32 $_tile_overlayer_lowered  }
0x9b: {  	s22 =	simm.s32 $0x1BFF;
	s21 =	sshll.u32 s6, $0x1;
	s3 =	sadd.s32 s4, s19  }
0x9c: {  	s7 =	simm.s32 $0x0;
	s20 =	sshll.u32 s5, $0x1;
	s5 =	sadd.s32 s21, s3  }
0x9d: {  	[timem:s7], [sflag:s22] =	dma.local [hbm:s5], s20  }
0x9e: {  	_ =	swait.ge [sflag:s22], s20  }
0x9f: {  	s4 =	ssub.s32 $0x0, s20;
	[sflag:s22] =	ssyncset.done $0x0  }
0xa0: {  	[sflag:s22] =	ssyncadd.s32 s4;
	_ =	sdelay $0x1  }
0xa1: {  	s23 =	simm.s32 $0x1B8B  }
0xa2: {  	_ =	swait.ge [sflag:s23], $0x1  }
0xa3: {  	[sflag:s23] =	ssyncset.done $0x0  }
0xa4: {  	s25 =	simm.s32 $0x1B8E;
	s24 =	sld [smem:$0x3FFE];
	[sflag:s23] =	ssyncadd.s32 $0xFFFFFFFF  }
0xa5: {  	s26 =	simm.s32 $execute0_lowered;
	[smem:$0x3FD2] =	sst s25  }
0xa6: {  	s5 =	sshll.u32 s26, $0x1;
	_ =	strace $0x80000049;
	[dreg:$0x1] =	wrdreg $0xFFFFFFFF  }
0xa7: {  	s28 =	simm.s32 $_size_execute0_lowered;
	s3 =	sadd.s32 s3, s5;
	[dreg:$0x0] =	wrdreg $0x0  }
0xa8: {  	s5 =	sshll.u32 s28, $0x1;
	[dreg:$0x2] =	wrdreg s3  }
0xa9: {  	[dreg:$0x3] =	wrdreg s5  }
0xaa: {  	[dreg:$0x4] =	wrdreg $0xC0  }
0xab: {  	_ =	task [dreg:s7], $0x5FFFF  }
0xac: {  	[dreg:$0x1] =	wrdreg $0xFFFFFFFF  }
0xad: {  	[dreg:$0x0] =	wrdreg $0x60  }
0xae: {  	[dreg:$0x2] =	wrdreg s24  }
0xaf: {  	[dreg:$0x3] =	wrdreg s2  }
0xb0: {  	[dreg:$0x4] =	wrdreg $0x90000  }
0xb1: {  	[dreg:$0x5] =	wrdreg $0x9  }
0xb2: {  	_ =	task.clear_ibuf [dreg:s7], $0x6FFFF;
	_ =	strace $0x90000049  }
0xb3: {  	s29 =	simm.s32 $0x9;
	_ =	strace $0x8000004B  }
0xb4: {  	_ =	swait.ge [sflag:s29], $0x1  }
0xb5: {  	[sflag:s29] =	ssyncadd.s32 $0xFFFFFFFF  }
0xb6: {  	_ =	strace $0x9000004B  }
0xb7: {  	_ =	sfence  }
0xb8: {  	s30 =	sld [smem:$0x0];
	_ =	sdelay $0x2  }
0xb9: {  	s31 =	sshll.u32 s1, $0xD;
	s1 =	sshrl.u32 s1, $0x2  }
0xba: {  	s3 =	sand.u32 $0x4000, s31;
	s1 =	sadd.s32 s1, s30  }
0xbb: {  	s0 =	sor.u32 s3, s0;
	s1 =	sshll.u32 s1, $0x11  }
0xbc: {  	s0 =	sor.u32 s1, s0  }
0xbd: {  	s0 =	sadd.s32 $0x8F2B, s0  }
0xbe: {  	[sflag:s0] =	ssyncadd.remote.s32 $0x1  }
0xbf: {  	_ =	sfence.sel $0xFFFF  }
0xc0: {  	[dreg:$0x0] =	wrdreg $0xFFFFFFFF;
	(pc) =	sbr.abs _section_cstart, $3  }
0xc1: {  	[dreg:$0x1] =	wrdreg $0xFFFFFFFF  }
0xc2: {  	_ =	task.clear_ibuf [dreg:s7], $0x2FFFF;
	_ =	strace $0x9FFFFFFF  }
0xc3: {  	(tm) =	ssettm $0x7FFFFFFF  }
tec
execute0_lowered:
.L_overlay_start_1:
0x0: {  	(tag) =	ssettag $0x1  }
0x1: {  	s0 =	rddreg [dreg:$0x0]  }
0x2: {  	s1 =	rddreg [dreg:$0x1]  }
0x3: {  	s2 =	rddreg [dreg:$0x2]  }
0x4: {  	s3 =	srdreg.scid;
	s9 =	stileid.u32;
	s14 =	simm.s32 $0x1000  }
0x5: {  	s15 =	simm.s32 $0x3;
	s16 =	simm.s32 $0x800;
	s17 =	simm.s32 $0x80  }
0x6: {  	s18 =	simm.s32 $0x5000;
	s28 =	simm.s32 $0x500;
	s29 =	simm.s32 $0xC80  }
0x7: {  	s12 =	simm.s32 $0xE80;
	s13 =	simm.s32 $0x780;
	s4 =	smul.u32 $0x90, s9  }
0x8: {  	s5 =	sand.u32 $0x1, s3;
	s19 =	sshll.u32 s9, $0x4;
	s8 =	smul.u32 $0x14000, s9  }
0x9: {  	s3 =	simm.s32 $0x0;
	s9 =	smul.u32 $0x50000, s9;
	p0 =	seq.s32 s5, $0x0  }
0xa: {  	s6 =	sor.u32 $0x900, s19;
	s7 =	smul.u32 $0x140000, s5;
	[smem:$0x7FF] =	sst s3  }
0xb: {  	s20 =	ssub.s32 $0x2, s5;
	s19 =	simm.s32 $0x1;
	s6 =	smov.u32 @p0 s4  }
0xc: {  	_ =	strace $0x8000004A;
	s4 =	sadd.s32 $0xC400, s0;
	s9 =	sshrl.u32 s9, $0x2  }
0xd: {  	s11 =	sshrl.u32 s20, $0x1;
	p0 =	sne.s32 s5, $0x0;
	s5 =	simm.s32 $0xF00  }
0xe: {  	s6 =	sshll.u32 s6, $0x4;
	s7 =	sadd.s32 s8, s7;
	s9 =	sadd.s32 s9, s2  }
0xf: {  	s21 =	ssub.s32 s20, s11;
	s8 =	simm.s32 $0xD80;
	s11 =	simm.s32 $0x700  }
0x10: {  	s20 =	simm.s32 $0xF80;
	s22 =	sadd.s32 $0x4000, s9;
	[dreg:$0x4] =	wrdreg s9  }
0x11: {  	s10 =	sadd.s32 s6, s0;
	s23 =	sadd.s32 $0x8000, s9;
	[dreg:$0x5] =	wrdreg s22  }
0x12: {  	s7 =	sshrl.u32 s7, $0x3;
	s24 =	sadd.s32 $0xC000, s9;
	[dreg:$0x6] =	wrdreg s23  }
0x13: {  	s25 =	sadd.s32 $0x10000, s9;
	s26 =	smax.u32 s21, $0x1;
	[dreg:$0x7] =	wrdreg s24  }
0x14: {  	s30 =	sadd.s32 s6, s1;
	s21 =	simm.s32 $0x2;
	[dreg:$0x8] =	wrdreg s25  }
0x15: {  	s1 =	simm.s32 $0x0;
	s6 =	simm.s32 $0xD00;
	[dreg:$0xa] =	wrdreg s26  }
0x16: {  	s0 =	sadd.s32 s7, s0;
	[dreg:$0xb] =	wrdreg s30;
	s31 =	sadd.s32 $0x2400, s10  }
0x17: {  	s23 =	simm.s32 $0x400;
	s24 =	simm.s32 $0xB80;
	s25 =	simm.s32 $0x480  }
0x18: {  	s26 =	simm.s32 $0xC00;
	s0 =	sadd.s32 $0x34400, s0;
	[dreg:$0xc] =	wrdreg s31  }
0x19: {  	v0 =	vimm.f32 $0.0e+00;
	s7 =	simm.s32 $0x600;
	s10 =	simm.s32 $0xE00;
	[dreg:$0x9] =	wrdreg s0  }
.LBB2_1:
0x1a: {  	[dreg:$0xd] =	wrdreg s1;
	s0 =	simm.s32 $0x10;
	s30 =	sand.u32 $0x3FF0, s3  }
.LBB2_2:
0x1b: {  	p1 =	sne.s32 s0, $0x3FF0;
	[tilespmem:s30+$0x1000] =	vst v0;
	s30 =	smov.u32 s0;
	s0 =	sadd.s32 $0x10, s0  }
.Ltmp0:
0x1c: {  	(pc) =	sbr.rel @p1 .LBB2_2-.Ltmp0, $2  }
0x1d: {  	_ =	sdelay $0x2  }
0x1e: {  	s30 =	sand.u32 $0x3FF0, s30  }
0x1f: {  	[tilespmem:s30+$0x1000] =	vst v0  }
0x20: {  	[spmem:s9] =	stream.linear.scatter [tilespmem:s14], [sflag:$0x3], $0x4000, $0x38;
	[tilespmem:$0x1D000] =	vst v63  }
0x21: {  	_ =	swait.ge [sflag:s15], $0x4000  }
0x22: {  	[sflag:s15] =	ssyncset.done $0x0  }
0x23: {  	s0 =	rddreg [dreg:$0x5];
	[sflag:s15] =	ssyncadd.s32 $0xFFFFC000  }
0x24: {  	[spmem:s0] =	stream.linear.scatter [tilespmem:s14], [sflag:$0x3], $0x4000, $0x38;
	[tilespmem:$0x1D000] =	vst v63  }
0x25: {  	_ =	swait.ge [sflag:s15], $0x4000  }
0x26: {  	[sflag:s15] =	ssyncset.done $0x0  }
0x27: {  	s1 =	rddreg [dreg:$0x6];
	[sflag:s15] =	ssyncadd.s32 $0xFFFFC000  }
0x28: {  	[spmem:s1] =	stream.linear.scatter [tilespmem:s14], [sflag:$0x3], $0x4000, $0x38;
	[tilespmem:$0x1D000] =	vst v63  }
0x29: {  	_ =	swait.ge [sflag:s15], $0x4000  }
0x2a: {  	[sflag:s15] =	ssyncset.done $0x0  }
0x2b: {  	s9 =	rddreg [dreg:$0x7];
	[sflag:s15] =	ssyncadd.s32 $0xFFFFC000  }
0x2c: {  	[spmem:s9] =	stream.linear.scatter [tilespmem:s14], [sflag:$0x3], $0x4000, $0x38;
	[tilespmem:$0x1D000] =	vst v63  }
0x2d: {  	_ =	swait.ge [sflag:s15], $0x4000  }
0x2e: {  	[sflag:s15] =	ssyncset.done $0x0  }
0x2f: {  	s22 =	rddreg [dreg:$0x8];
	[sflag:s15] =	ssyncadd.s32 $0xFFFFC000  }
0x30: {  	[spmem:s22] =	stream.linear.scatter [tilespmem:s14], [sflag:$0x3], $0x4000, $0x38;
	[tilespmem:$0x1D000] =	vst v63  }
0x31: {  	_ =	swait.ge [sflag:s15], $0x4000  }
0x32: {  	[sflag:s15] =	ssyncset.done $0x0  }
0x33: {  	[sflag:s15] =	ssyncadd.s32 $0xFFFFC000  }
0x34: {  	[bflag:$0x0] =	sbarrier.arrive $0xFFFF  }
0x35: {  	s0 =	simm.s32 $0x0;
	s30 =	rddreg [dreg:$0xc]  }
0x36: {  	s1 =	simm.s32 $0x580;
	s9 =	simm.s32 $0x680;
	s31 =	rddreg [dreg:$0xb]  }
.LBB2_4:
0x37: {  	[tilespmem:s3], [sflag:$0x3] =	stream.linear.gather [hbm4b:s30+s3], $0x800, $0x38;
	[tilespmem:$0x1D000] =	vst v63  }
0x38: {  	_ =	swait.ge [sflag:s15], $0x800  }
0x39: {  	[sflag:s15] =	ssyncset.done $0x0  }
0x3a: {  	[sflag:s15] =	ssyncadd.s32 $0xFFFFF800  }
0x3b: {  	[tilespmem:s16], [sflag:$0x3] =	stream.linear.gather [hbm4b:s31+s3], $0x800, $0x38;
	[tilespmem:$0x1D000] =	vst v63  }
0x3c: {  	_ =	swait.ge [sflag:s15], $0x800  }
0x3d: {  	[sflag:s15] =	ssyncset.done $0x0  }
0x3e: {  	[sflag:s15] =	ssyncadd.s32 $0xFFFFF800  }
0x3f: {  	[tilespmem:s14], [sflag:$0x1] =	stream.indirect.gather [hbm4b:s4+s17], $0x80, s3, s17, $0xb8;
	[tilespmem:$0x1D000] =	vst v63  }
0x40: {  	_ = 	snop  }
0x41: {  	[tilespmem:s18], [sflag:$0x2] =	stream.indirect.gather [hbm4b:s4+s17], $0x80, s17, s17, $0xb8;
	[tilespmem:$0x1D000] =	vst v63  }
0x42: {  	_ =	swait.ge [sflag:s19], $0x4000  }
0x43: {  	[sflag:s19] =	ssyncset.done $0x0  }
0x44: {  	[sflag:s19] =	ssyncadd.s32 $0xFFFFC000  }
0x45: {  	[spmem:s2] =	stream.indirect.scatter.add.f32 [tilespmem:s14], [sflag:$0x3], $0x80, s16, s17, $0xb8;
	[tilespmem:$0x1D000] =	vst v63  }
0x46: {  	_ =	swait.ge [sflag:s15], $0x4000  }
0x47: {  	[sflag:s15] =	ssyncset.done $0x0  }
0x48: {  	s22 =	simm.s32 $0x100;
	[sflag:s15] =	ssyncadd.s32 $0xFFFFC000  }
0x49: {  	[tilespmem:s14], [sflag:$0x1] =	stream.indirect.gather [hbm4b:s4+s17], $0x80, s22, s17, $0xb8;
	[tilespmem:$0x1D000] =	vst v63  }
0x4a: {  	_ =	swait.ge [sflag:s21], $0x4000  }
0x4b: {  	[sflag:s21] =	ssyncset.done $0x0  }
0x4c: {  	s22 =	simm.s32 $0x880;
	[sflag:s21] =	ssyncadd.s32 $0xFFFFC000  }
0x4d: {  	[spmem:s2] =	stream.indirect.scatter.add.f32 [tilespmem:s18], [sflag:$0x3], $0x80, s22, s17, $0xb8;
	[tilespmem:$0x1D000] =	vst v63  }
0x4e: {  	_ =	swait.ge [sflag:s15], $0x4000  }
0x4f: {  	[sflag:s15] =	ssyncset.done $0x0  }
0x50: {  	s22 =	simm.s32 $0x180;
	[sflag:s15] =	ssyncadd.s32 $0xFFFFC000  }
0x51: {  	[tilespmem:s18], [sflag:$0x2] =	stream.indirect.gather [hbm4b:s4+s17], $0x80, s22, s17, $0xb8;
	[tilespmem:$0x1D000] =	vst v63  }
0x52: {  	_ =	swait.ge [sflag:s19], $0x4000  }
0x53: {  	[sflag:s19] =	ssyncset.done $0x0  }
0x54: {  	s22 =	simm.s32 $0x900;
	[sflag:s19] =	ssyncadd.s32 $0xFFFFC000  }
0x55: {  	[spmem:s2] =	stream.indirect.scatter.add.f32 [tilespmem:s14], [sflag:$0x3], $0x80, s22, s17, $0xb8;
	[tilespmem:$0x1D000] =	vst v63  }
0x56: {  	_ =	swait.ge [sflag:s15], $0x4000  }
0x57: {  	[sflag:s15] =	ssyncset.done $0x0  }
0x58: {  	s22 =	simm.s32 $0x200;
	[sflag:s15] =	ssyncadd.s32 $0xFFFFC000  }
0x59: {  	[tilespmem:s14], [sflag:$0x1] =	stream.indirect.gather [hbm4b:s4+s17], $0x80, s22, s17, $0xb8;
	[tilespmem:$0x1D000] =	vst v63  }
0x5a: {  	_ =	swait.ge [sflag:s21], $0x4000  }
0x5b: {  	[sflag:s21] =	ssyncset.done $0x0  }
0x5c: {  	s22 =	simm.s32 $0x980;
	[sflag:s21] =	ssyncadd.s32 $0xFFFFC000  }
0x5d: {  	[spmem:s2] =	stream.indirect.scatter.add.f32 [tilespmem:s18], [sflag:$0x3], $0x80, s22, s17, $0xb8;
	[tilespmem:$0x1D000] =	vst v63  }
0x5e: {  	_ =	swait.ge [sflag:s15], $0x4000  }
0x5f: {  	[sflag:s15] =	ssyncset.done $0x0  }
0x60: {  	s22 =	simm.s32 $0x280;
	[sflag:s15] =	ssyncadd.s32 $0xFFFFC000  }
0x61: {  	[tilespmem:s18], [sflag:$0x2] =	stream.indirect.gather [hbm4b:s4+s17], $0x80, s22, s17, $0xb8;
	[tilespmem:$0x1D000] =	vst v63  }
0x62: {  	_ =	swait.ge [sflag:s19], $0x4000  }
0x63: {  	[sflag:s19] =	ssyncset.done $0x0  }
0x64: {  	s22 =	simm.s32 $0xA00;
	[sflag:s19] =	ssyncadd.s32 $0xFFFFC000  }
0x65: {  	[spmem:s2] =	stream.indirect.scatter.add.f32 [tilespmem:s14], [sflag:$0x3], $0x80, s22, s17, $0xb8;
	[tilespmem:$0x1D000] =	vst v63  }
0x66: {  	_ =	swait.ge [sflag:s15], $0x4000  }
0x67: {  	[sflag:s15] =	ssyncset.done $0x0  }
0x68: {  	s22 =	simm.s32 $0x300;
	[sflag:s15] =	ssyncadd.s32 $0xFFFFC000  }
0x69: {  	[tilespmem:s14], [sflag:$0x1] =	stream.indirect.gather [hbm4b:s4+s17], $0x80, s22, s17, $0xb8;
	[tilespmem:$0x1D000] =	vst v63  }
0x6a: {  	_ =	swait.ge [sflag:s21], $0x4000  }
0x6b: {  	[sflag:s21] =	ssyncset.done $0x0  }
0x6c: {  	s22 =	simm.s32 $0xA80;
	[sflag:s21] =	ssyncadd.s32 $0xFFFFC000  }
0x6d: {  	[spmem:s2] =	stream.indirect.scatter.add.f32 [tilespmem:s18], [sflag:$0x3], $0x80, s22, s17, $0xb8;
	[tilespmem:$0x1D000] =	vst v63  }
0x6e: {  	_ =	swait.ge [sflag:s15], $0x4000  }
0x6f: {  	[sflag:s15] =	ssyncset.done $0x0  }
0x70: {  	s22 =	simm.s32 $0x380;
	[sflag:s15] =	ssyncadd.s32 $0xFFFFC000  }
0x71: {  	[tilespmem:s18], [sflag:$0x2] =	stream.indirect.gather [hbm4b:s4+s17], $0x80, s22, s17, $0xb8;
	[tilespmem:$0x1D000] =	vst v63  }
0x72: {  	_ =	swait.ge [sflag:s19], $0x4000  }
0x73: {  	[sflag:s19] =	ssyncset.done $0x0  }
0x74: {  	s22 =	simm.s32 $0xB00;
	[sflag:s19] =	ssyncadd.s32 $0xFFFFC000  }
0x75: {  	[spmem:s2] =	stream.indirect.scatter.add.f32 [tilespmem:s14], [sflag:$0x3], $0x80, s22, s17, $0xb8;
	[tilespmem:$0x1D000] =	vst v63  }
0x76: {  	_ =	swait.ge [sflag:s15], $0x4000  }
0x77: {  	[sflag:s15] =	ssyncset.done $0x0  }
0x78: {  	[sflag:s15] =	ssyncadd.s32 $0xFFFFC000  }
0x79: {  	[tilespmem:s14], [sflag:$0x1] =	stream.indirect.gather [hbm4b:s4+s17], $0x80, s23, s17, $0xb8;
	[tilespmem:$0x1D000] =	vst v63  }
0x7a: {  	_ =	swait.ge [sflag:s21], $0x4000  }
0x7b: {  	[sflag:s21] =	ssyncset.done $0x0  }
0x7c: {  	[sflag:s21] =	ssyncadd.s32 $0xFFFFC000  }
0x7d: {  	[spmem:s2] =	stream.indirect.scatter.add.f32 [tilespmem:s18], [sflag:$0x3], $0x80, s24, s17, $0xb8;
	[tilespmem:$0x1D000] =	vst v63  }
0x7e: {  	_ =	swait.ge [sflag:s15], $0x4000  }
0x7f: {  	[sflag:s15] =	ssyncset.done $0x0  }
0x80: {  	[sflag:s15] =	ssyncadd.s32 $0xFFFFC000  }
0x81: {  	[tilespmem:s18], [sflag:$0x2] =	stream.indirect.gather [hbm4b:s4+s17], $0x80, s25, s17, $0xb8;
	[tilespmem:$0x1D000] =	vst v63  }
0x82: {  	_ =	swait.ge [sflag:s19], $0x4000  }
0x83: {  	[sflag:s19] =	ssyncset.done $0x0  }
0x84: {  	[sflag:s19] =	ssyncadd.s32 $0xFFFFC000  }
0x85: {  	[spmem:s2] =	stream.indirect.scatter.add.f32 [tilespmem:s14], [sflag:$0x3], $0x80, s26, s17, $0xb8;
	[tilespmem:$0x1D000] =	vst v63  }
0x86: {  	_ =	swait.ge [sflag:s15], $0x4000  }
0x87: {  	[sflag:s15] =	ssyncset.done $0x0  }
0x88: {  	[sflag:s15] =	ssyncadd.s32 $0xFFFFC000  }
0x89: {  	[tilespmem:s14], [sflag:$0x1] =	stream.indirect.gather [hbm4b:s4+s17], $0x80, s28, s17, $0xb8;
	[tilespmem:$0x1D000] =	vst v63  }
0x8a: {  	_ =	swait.ge [sflag:s21], $0x4000  }
0x8b: {  	[sflag:s21] =	ssyncset.done $0x0  }
0x8c: {  	[sflag:s21] =	ssyncadd.s32 $0xFFFFC000  }
0x8d: {  	[spmem:s2] =	stream.indirect.scatter.add.f32 [tilespmem:s18], [sflag:$0x3], $0x80, s29, s17, $0xb8;
	[tilespmem:$0x1D000] =	vst v63  }
0x8e: {  	_ =	swait.ge [sflag:s15], $0x4000  }
0x8f: {  	[sflag:s15] =	ssyncset.done $0x0  }
0x90: {  	[sflag:s15] =	ssyncadd.s32 $0xFFFFC000  }
0x91: {  	[tilespmem:s18], [sflag:$0x2] =	stream.indirect.gather [hbm4b:s4+s17], $0x80, s1, s17, $0xb8;
	[tilespmem:$0x1D000] =	vst v63  }
0x92: {  	_ =	swait.ge [sflag:s19], $0x4000  }
0x93: {  	[sflag:s19] =	ssyncset.done $0x0  }
0x94: {  	[sflag:s19] =	ssyncadd.s32 $0xFFFFC000  }
0x95: {  	[spmem:s2] =	stream.indirect.scatter.add.f32 [tilespmem:s14], [sflag:$0x3], $0x80, s6, s17, $0xb8;
	[tilespmem:$0x1D000] =	vst v63  }
0x96: {  	_ =	swait.ge [sflag:s15], $0x4000  }
0x97: {  	[sflag:s15] =	ssyncset.done $0x0  }
0x98: {  	[sflag:s15] =	ssyncadd.s32 $0xFFFFC000  }
0x99: {  	[tilespmem:s14], [sflag:$0x1] =	stream.indirect.gather [hbm4b:s4+s17], $0x80, s7, s17, $0xb8;
	[tilespmem:$0x1D000] =	vst v63  }
0x9a: {  	_ =	swait.ge [sflag:s21], $0x4000  }
0x9b: {  	[sflag:s21] =	ssyncset.done $0x0  }
0x9c: {  	[sflag:s21] =	ssyncadd.s32 $0xFFFFC000  }
0x9d: {  	[spmem:s2] =	stream.indirect.scatter.add.f32 [tilespmem:s18], [sflag:$0x3], $0x80, s8, s17, $0xb8;
	[tilespmem:$0x1D000] =	vst v63  }
0x9e: {  	_ =	swait.ge [sflag:s15], $0x4000  }
0x9f: {  	[sflag:s15] =	ssyncset.done $0x0  }
0xa0: {  	[sflag:s15] =	ssyncadd.s32 $0xFFFFC000  }
0xa1: {  	[tilespmem:s18], [sflag:$0x2] =	stream.indirect.gather [hbm4b:s4+s17], $0x80, s9, s17, $0xb8;
	[tilespmem:$0x1D000] =	vst v63  }
0xa2: {  	_ =	swait.ge [sflag:s19], $0x4000  }
0xa3: {  	[sflag:s19] =	ssyncset.done $0x0  }
0xa4: {  	[sflag:s19] =	ssyncadd.s32 $0xFFFFC000  }
0xa5: {  	[spmem:s2] =	stream.indirect.scatter.add.f32 [tilespmem:s14], [sflag:$0x3], $0x80, s10, s17, $0xb8;
	[tilespmem:$0x1D000] =	vst v63  }
0xa6: {  	_ =	swait.ge [sflag:s15], $0x4000  }
0xa7: {  	[sflag:s15] =	ssyncset.done $0x0  }
0xa8: {  	[sflag:s15] =	ssyncadd.s32 $0xFFFFC000  }
0xa9: {  	[tilespmem:s14], [sflag:$0x1] =	stream.indirect.gather [hbm4b:s4+s17], $0x80, s11, s17, $0xb8;
	[tilespmem:$0x1D000] =	vst v63  }
0xaa: {  	_ =	swait.ge [sflag:s21], $0x4000  }
0xab: {  	[sflag:s21] =	ssyncset.done $0x0  }
0xac: {  	[sflag:s21] =	ssyncadd.s32 $0xFFFFC000  }
0xad: {  	[spmem:s2] =	stream.indirect.scatter.add.f32 [tilespmem:s18], [sflag:$0x3], $0x80, s12, s17, $0xb8;
	[tilespmem:$0x1D000] =	vst v63  }
0xae: {  	_ =	swait.ge [sflag:s15], $0x4000  }
0xaf: {  	[sflag:s15] =	ssyncset.done $0x0  }
0xb0: {  	[sflag:s15] =	ssyncadd.s32 $0xFFFFC000  }
0xb1: {  	[tilespmem:s18], [sflag:$0x2] =	stream.indirect.gather [hbm4b:s4+s17], $0x80, s13, s17, $0xb8;
	[tilespmem:$0x1D000] =	vst v63  }
0xb2: {  	_ =	swait.ge [sflag:s19], $0x4000  }
0xb3: {  	[sflag:s19] =	ssyncset.done $0x0  }
0xb4: {  	[sflag:s19] =	ssyncadd.s32 $0xFFFFC000  }
0xb5: {  	[spmem:s2] =	stream.indirect.scatter.add.f32 [tilespmem:s14], [sflag:$0x3], $0x80, s5, s17, $0xb8;
	[tilespmem:$0x1D000] =	vst v63  }
0xb6: {  	_ =	swait.ge [sflag:s15], $0x4000  }
0xb7: {  	[sflag:s15] =	ssyncset.done $0x0  }
0xb8: {  	[sflag:s15] =	ssyncadd.s32 $0xFFFFC000  }
0xb9: {  	p1 =	slt.u32 @!p0 s0, $0x8;
	_ =	swait.ge [sflag:s21], $0x4000  }
0xba: {  	p1 =	por p0, !p1;
	[sflag:s21] =	ssyncset.done $0x0  }
.Ltmp1:
0xbb: {  	[sflag:s21] =	ssyncadd.s32 $0xFFFFC000;
	(pc) =	sbr.rel @!p1 .LBB2_4-.Ltmp1, $4  }
0xbc: {  	[spmem:s2] =	stream.indirect.scatter.add.f32 [tilespmem:s18], [sflag:$0x3], $0x80, s20, s17, $0xb8;
	[tilespmem:$0x1D000] =	vst v63  }
0xbd: {  	_ =	swait.ge [sflag:s15], $0x4000  }
0xbe: {  	s0 =	sadd.s32 $0x1, s0;
	[sflag:s15] =	ssyncset.done $0x0  }
0xbf: {  	s30 =	sadd.s32 $0x100, s30;
	s31 =	sadd.s32 $0x100, s31;
	[sflag:s15] =	ssyncadd.s32 $0xFFFFC000  }
0xc0: {  	s0 =	stileid.u32;
	[bflag:$0x0] =	sbarrier.arrive $0xFFFF  }
0xc1: {  	s0 =	sshll.u32 s0, $0x6;
	s9 =	rddreg [dreg:$0x4]  }
0xc2: {  	s31 =	rddreg [dreg:$0x9];
	s0 =	sor.u32 $0x1C03, s0;
	s30 =	sshrl.u32 s9, $0x3  }
0xc3: {  	[hbm:s31], [sflag:s0] =	dma.local [spmem:s30], $0x2800  }
0xc4: {  	_ =	swait.ge [sflag:s15], $0x2800  }
0xc5: {  	s1 =	rddreg [dreg:$0xd]  }
0xc6: {  	s31 =	rddreg [dreg:$0xa];
	s1 =	sadd.s32 $0x1, s1  }
0xc7: {  	p1 =	sne.s32 s1, s31  }
.Ltmp2:
0xc8: {  	_ = 	snop;
	(pc) =	sbr.rel @p1 .LBB2_1-.Ltmp2, $3  }
0xc9: {  	_ =	sdelay $0x1  }
0xca: {  	[sflag:s15] =	ssyncset.done $0x0  }
0xcb: {  	[sflag:s15] =	ssyncadd.s32 $0xFFFFD800  }
0xcc: {  	_ =	sfence.sel $0x180000  }
0xcd: {  	[bflag:$0x0] =	sbarrier.arrive $0xFFFF  }
0xce: {  	_ =	strace $0x9000004A  }
0xcf: {  	s0 =	stileid.u32;
	[bflag:$0x2] =	sbarrier.arrive $0xFFFF  }
0xd0: {  	p0 =	sne.s32 s0, $0x0;
	s0 =	rddreg [dreg:$0x3]  }
0xd1: {  	s0 =	sadd.s32 @!p0 $0x100000, s0  }
0xd2: {  	[sflag:s0] =	ssyncadd.tile.s32 @!p0 $0x1;
	_ =	shalt  }
.Lfunc_end2:
_tile_overlayer_lowered:
.L_overlay_start_2:
0xd3: {  	(tag) =	ssettag $0x2  }
0xd4: {  	s0 =	rddreg [dreg:$0x0];
	s2 =	stileid.u32  }
0xd5: {  	s1 =	rddreg [dreg:$0x1];
	p0 =	sne.s32 s2, $0x0  }
0xd6: {  	s3 =	rddreg [dreg:$0x2];
	[bflag:$0x3] =	sbarrier.arrive $0xFFFF;
	s2 =	simm.s32 @!p0 $0x1C03  }
0xd7: {  	[timem:s3], [sflag:s2] =	dma.local @!p0 [hbm:s0], s1  }
0xd8: {  	s0 =	simm.s32 @!p0 $0x3  }
0xd9: {  	_ =	swait.ge @!p0 [sflag:s0], s1  }
0xda: {  	s1 =	ssub.s32 @!p0 $0x0, s1;
	[sflag:s0] =	ssyncset.done @!p0 $0x0  }
0xdb: {  	[sflag:s0] =	ssyncadd.s32 @!p0 s1  }
0xdc: {  	[bflag:$0x3] =	sbarrier.arrive $0xFFFF  }
0xdd: {  	_ =	shalt  }

</sc_bundles>
